<compile_context>
chip_gen: v7x
topology: tpu7x:2x2x1
jax: 0.10.2.dev20260603
libtpu: 0.0.44.dev20260713+nightly
codegen_flags: <defaults>
</compile_context>

<pallas_src>
import jax
import jax.numpy as jnp
from jax import lax
from jax.experimental import pallas as pl
from jax.experimental.pallas import tpu as pltpu
from jax.experimental.pallas import tpu_sc as plsc

N = 10000
NE = 10000
D = 128
E = 320000

NC = 2
NS = 16
NW = NC * NS
NEP = 10240
SROWS = NEP // NS

_mesh = plsc.VectorSubcoreMesh(core_axis_name="c", subcore_axis_name="s")


CH = 128
NCHUNK = E // CH
NGBASE = NCHUNK // NW
NGREM = NCHUNK % NW


def _agg_body(tab_hbm, gid_hbm, sid_hbm, out_hbm,
              vid, did, rows, accum, isem, gsem, ssem):
    cid = lax.axis_index("c")
    sid_ = lax.axis_index("s")
    wid = sid_ * NC + cid
    ng = NGBASE + jnp.where(wid < NGREM, 1, 0)
    wbase = (wid * NGBASE + jnp.minimum(wid, NGREM)) * CH

    def fire_ids(g):
        b = pl.multiple_of(wbase + g * CH, 8)
        pltpu.async_copy(gid_hbm.at[pl.ds(b, CH)], vid.at[lax.rem(g, 2)],
                         isem.at[lax.rem(g, 2)])
        pltpu.async_copy(sid_hbm.at[pl.ds(b, CH)], did.at[lax.rem(g, 3)],
                         isem.at[lax.rem(g, 2)])

    def drain_ids(g):
        b = pl.multiple_of(wbase + g * CH, 8)
        pltpu.make_async_copy(gid_hbm.at[pl.ds(b, CH)], vid.at[lax.rem(g, 2)],
                              isem.at[lax.rem(g, 2)]).wait()
        pltpu.make_async_copy(sid_hbm.at[pl.ds(b, CH)], did.at[lax.rem(g, 3)],
                              isem.at[lax.rem(g, 2)]).wait()

    def fire_gather(g, slot):
        pltpu.async_copy(tab_hbm.at[vid.at[slot]], rows.at[slot],
                         gsem.at[slot])

    def drain_gather(g, slot):
        pltpu.make_async_copy(tab_hbm.at[vid.at[slot]], rows.at[slot],
                              gsem.at[slot]).wait()

    def fire_scatter(g, slot):
        pltpu.async_copy(rows.at[slot], accum.at[did.at[lax.rem(g, 3)]],
                         ssem, add=True)

    def drain_scatter(g, slot):
        pltpu.make_async_copy(rows.at[slot], accum.at[did.at[lax.rem(g, 3)]],
                              ssem).wait()

    fire_ids(0)
    fire_ids(1)
    zbuf = rows.at[1]

    def zfill(r, carry):
        def zfill_c(c, _):
            zbuf[r, pl.ds(c * 16, 16)] = jnp.zeros((16,), jnp.float32)
            return _
        return lax.fori_loop(0, D // 16, zfill_c, carry)
    lax.fori_loop(0, CH, zfill, 0)
    for k in range(SROWS // CH):
        pltpu.async_copy(zbuf, accum.at[pl.ds(sid_ * SROWS + k * CH, CH)],
                         ssem)
    drain_ids(0)
    fire_gather(0, 0)
    for k in range(SROWS // CH):
        pltpu.make_async_copy(zbuf, accum.at[pl.ds(sid_ * SROWS + k * CH, CH)],
                              ssem).wait()
    plsc.subcore_barrier()

    def piter(g, carry):
        slot = lax.rem(g, 2)

        @pl.when(g > 0)
        def _():
            drain_scatter(g - 1, 1 - slot)

        @pl.when(g + 1 < ng)
        def _():
            drain_ids(g + 1)
            fire_gather(g + 1, 1 - slot)

        drain_gather(g, slot)
        fire_scatter(g, slot)

        @pl.when(g + 2 < ng)
        def _():
            fire_ids(g + 2)
        return carry
    lax.fori_loop(0, ng, piter, 0)
    drain_scatter(ng - 1, lax.rem(ng - 1, 2))

    plsc.subcore_barrier()
    r0 = sid_ * SROWS
    pltpu.sync_copy(accum.at[pl.ds(r0, SROWS)],
                    out_hbm.at[pl.ds(cid * NEP + r0, SROWS)])


_agg = pl.kernel(
    _agg_body,
    out_type=jax.ShapeDtypeStruct((NC * NEP, D), jnp.float32),
    scratch_types=[
        pltpu.VMEM((2, CH), jnp.int32),
        pltpu.VMEM((3, CH), jnp.int32),
        pltpu.VMEM((2, CH, D), jnp.float32),
        pltpu.VMEM_SHARED((NEP, D), jnp.float32),
        pltpu.SemaphoreType.DMA((2,)),
        pltpu.SemaphoreType.DMA((2,)),
        pltpu.SemaphoreType.DMA,
    ],
    mesh=_mesh,
)


def _aggc_body(tab_hbm, gid_hbm, sid_hbm, out_hbm, cnt_hbm,
               vid, did, rows, ones, zb2, accum, accum2, isem, gsem, ssem,
               csem):
    cid = lax.axis_index("c")
    sid_ = lax.axis_index("s")
    wid = sid_ * NC + cid
    ng = NGBASE + jnp.where(wid < NGREM, 1, 0)
    wbase = (wid * NGBASE + jnp.minimum(wid, NGREM)) * CH

    def fire_ids(g):
        b = pl.multiple_of(wbase + g * CH, 8)
        pltpu.async_copy(gid_hbm.at[pl.ds(b, CH)], vid.at[lax.rem(g, 2)],
                         isem.at[lax.rem(g, 2)])
        pltpu.async_copy(sid_hbm.at[pl.ds(b, CH)], did.at[lax.rem(g, 3)],
                         isem.at[lax.rem(g, 2)])

    def drain_ids(g):
        b = pl.multiple_of(wbase + g * CH, 8)
        pltpu.make_async_copy(gid_hbm.at[pl.ds(b, CH)], vid.at[lax.rem(g, 2)],
                              isem.at[lax.rem(g, 2)]).wait()
        pltpu.make_async_copy(sid_hbm.at[pl.ds(b, CH)], did.at[lax.rem(g, 3)],
                              isem.at[lax.rem(g, 2)]).wait()

    def fire_gather(g, slot):
        pltpu.async_copy(tab_hbm.at[vid.at[slot]], rows.at[slot],
                         gsem.at[slot])

    def drain_gather(g, slot):
        pltpu.make_async_copy(tab_hbm.at[vid.at[slot]], rows.at[slot],
                              gsem.at[slot]).wait()

    def fire_scatter(g, slot):
        pltpu.async_copy(rows.at[slot], accum.at[did.at[lax.rem(g, 3)]],
                         ssem, add=True)

    def drain_scatter(g, slot):
        pltpu.make_async_copy(rows.at[slot], accum.at[did.at[lax.rem(g, 3)]],
                              ssem).wait()

    def fire_cscatter(g):
        pltpu.async_copy(ones, accum2.at[did.at[lax.rem(g, 3)]], csem,
                         add=True)

    def drain_cscatter(g):
        pltpu.make_async_copy(ones, accum2.at[did.at[lax.rem(g, 3)]],
                              csem).wait()

    fire_ids(0)
    fire_ids(1)
    zbuf = rows.at[1]

    def zfill(r, carry):
        def zfill_c(c, _):
            zbuf[r, pl.ds(c * 16, 16)] = jnp.zeros((16,), jnp.float32)
            return _
        return lax.fori_loop(0, D // 16, zfill_c, carry)
    lax.fori_loop(0, CH, zfill, 0)
    for k in range(SROWS // CH):
        pltpu.async_copy(zbuf, accum.at[pl.ds(sid_ * SROWS + k * CH, CH)],
                         ssem)

    def ofill(r, carry):
        ones[pl.ds(r * 16, 16)] = jnp.ones((16,), jnp.float32)
        return carry
    lax.fori_loop(0, CH // 16, ofill, 0)

    def z2fill(r, carry):
        zb2[pl.ds(r * 16, 16)] = jnp.zeros((16,), jnp.float32)
        return carry
    lax.fori_loop(0, SROWS // 16, z2fill, 0)
    pltpu.async_copy(zb2, accum2.at[pl.ds(sid_ * SROWS, SROWS)], csem)
    pltpu.make_async_copy(zb2, accum2.at[pl.ds(sid_ * SROWS, SROWS)],
                          csem).wait()
    drain_ids(0)
    fire_gather(0, 0)
    for k in range(SROWS // CH):
        pltpu.make_async_copy(zbuf, accum.at[pl.ds(sid_ * SROWS + k * CH, CH)],
                              ssem).wait()
    plsc.subcore_barrier()

    def piter(g, carry):
        slot = lax.rem(g, 2)

        @pl.when(g > 0)
        def _():
            drain_scatter(g - 1, 1 - slot)
            drain_cscatter(g - 1)

        @pl.when(g + 1 < ng)
        def _():
            drain_ids(g + 1)
            fire_gather(g + 1, 1 - slot)

        drain_gather(g, slot)
        fire_scatter(g, slot)
        fire_cscatter(g)

        @pl.when(g + 2 < ng)
        def _():
            fire_ids(g + 2)
        return carry
    lax.fori_loop(0, ng, piter, 0)
    drain_scatter(ng - 1, lax.rem(ng - 1, 2))
    drain_cscatter(ng - 1)

    plsc.subcore_barrier()
    r0 = sid_ * SROWS
    pltpu.sync_copy(accum.at[pl.ds(r0, SROWS)],
                    out_hbm.at[pl.ds(cid * NEP + r0, SROWS)])
    pltpu.sync_copy(accum2.at[pl.ds(r0, SROWS)],
                    cnt_hbm.at[pl.ds(cid * NEP + r0, SROWS)])


_aggc = pl.kernel(
    _aggc_body,
    out_type=(jax.ShapeDtypeStruct((NC * NEP, D), jnp.float32),
              jax.ShapeDtypeStruct((NC * NEP,), jnp.float32)),
    scratch_types=[
        pltpu.VMEM((2, CH), jnp.int32),
        pltpu.VMEM((3, CH), jnp.int32),
        pltpu.VMEM((2, CH, D), jnp.float32),
        pltpu.VMEM((CH,), jnp.float32),
        pltpu.VMEM((SROWS,), jnp.float32),
        pltpu.VMEM_SHARED((NEP, D), jnp.float32),
        pltpu.VMEM_SHARED((NEP,), jnp.float32),
        pltpu.SemaphoreType.DMA((2,)),
        pltpu.SemaphoreType.DMA((2,)),
        pltpu.SemaphoreType.DMA,
        pltpu.SemaphoreType.DMA,
    ],
    mesh=_mesh,
)






BR = 1000


def _mm_body(x_ref, w_ref, o_ref):
    o_ref[...] = lax.dot_general(
        x_ref[...], w_ref[...], (((1,), (1,)), ((), ())),
        preferred_element_type=jnp.float32)


def _mm(x, w):
    return pl.pallas_call(
        _mm_body,
        grid=(N // BR,),
        in_specs=[
            pl.BlockSpec((BR, D), lambda i: (i, 0)),
            pl.BlockSpec((D, D), lambda i: (0, 0)),
        ],
        out_specs=pl.BlockSpec((BR, D), lambda i: (i, 0)),
        out_shape=jax.ShapeDtypeStruct((N, D), jnp.float32),
    )(x, w)


def _ec_body(p0_ref, p1_ref, c0_ref, c1_ref, o_ref):
    cnt = c0_ref[0] + c1_ref[0]
    rec = 1.0 / jnp.maximum(cnt, 1.0)
    o_ref[...] = (p0_ref[0] + p1_ref[0]) * rec


def _edge_combine(ep, cp):
    ep3 = ep.reshape(NC, NEP, D)
    cp3 = cp.reshape(NC, NEP, 1)
    return pl.pallas_call(
        _ec_body,
        grid=(NE // BR,),
        in_specs=[
            pl.BlockSpec((1, BR, D), lambda i: (0, i, 0)),
            pl.BlockSpec((1, BR, D), lambda i: (1, i, 0)),
            pl.BlockSpec((1, BR, 1), lambda i: (0, i, 0)),
            pl.BlockSpec((1, BR, 1), lambda i: (1, i, 0)),
        ],
        out_specs=pl.BlockSpec((BR, D), lambda i: (i, 0)),
        out_shape=jax.ShapeDtypeStruct((NE, D), jnp.float32),
    )(ep3, ep3, cp3, cp3)


def _vc1_body(eps_ref, y_ref, v0_ref, v1_ref, w_ref, o_ref):
    x = (1.0 + eps_ref[0]) * y_ref[...] + v0_ref[0] + v1_ref[0]
    x = jnp.maximum(x, 0.0)
    o_ref[...] = lax.dot_general(
        x, w_ref[...], (((1,), (1,)), ((), ())),
        preferred_element_type=jnp.float32)


def _vert_combine_relu_mm(y, vp, w2, eps):
    vp3 = vp.reshape(NC, NEP, D)
    return pl.pallas_call(
        _vc1_body,
        grid=(N // BR,),
        in_specs=[
            pl.BlockSpec(memory_space=pltpu.SMEM),
            pl.BlockSpec((BR, D), lambda i: (i, 0)),
            pl.BlockSpec((1, BR, D), lambda i: (0, i, 0)),
            pl.BlockSpec((1, BR, D), lambda i: (1, i, 0)),
            pl.BlockSpec((D, D), lambda i: (0, 0)),
        ],
        out_specs=pl.BlockSpec((BR, D), lambda i: (i, 0)),
        out_shape=jax.ShapeDtypeStruct((N, D), jnp.float32),
    )(eps, y, vp3, vp3, w2)


def _vc2_body(eps_ref, y_ref, v0_ref, v1_ref, o_ref):
    o_ref[...] = (1.0 + eps_ref[0]) * y_ref[...] + v0_ref[0] + v1_ref[0]


def _vert_combine(y, vp, eps):
    vp3 = vp.reshape(NC, NEP, D)
    return pl.pallas_call(
        _vc2_body,
        grid=(N // BR,),
        in_specs=[
            pl.BlockSpec(memory_space=pltpu.SMEM),
            pl.BlockSpec((BR, D), lambda i: (i, 0)),
            pl.BlockSpec((1, BR, D), lambda i: (0, i, 0)),
            pl.BlockSpec((1, BR, D), lambda i: (1, i, 0)),
        ],
        out_specs=pl.BlockSpec((BR, D), lambda i: (i, 0)),
        out_shape=jax.ShapeDtypeStruct((N, D), jnp.float32),
    )(eps, y, vp3, vp3)


def kernel(x, hyperedge_index, W1, eps1, W2, eps2):
    vertex = hyperedge_index[0]
    edges = hyperedge_index[1]

    y1 = _mm(x, W1)
    ep1, cp = _aggc(y1, vertex, edges)
    xe1 = _edge_combine(ep1, cp)
    vp1 = _agg(xe1, edges, vertex)
    y2 = _vert_combine_relu_mm(y1, vp1, W2, eps1)

    ep2 = _agg(y2, vertex, edges)
    xe2 = _edge_combine(ep2, cp)
    vp2 = _agg(xe2, edges, vertex)
    x2 = _vert_combine(y2, vp2, eps2)

    return (x2, xe2)

# --- scband reference (transcript-rebuilt; emitter-appended) ---
"""Pipeline reference for scband-uni-gnn-18081812316776 (READ-ONLY COPY).

The authoritative reference and input builder live on the scoring server;
editing this copy changes nothing except your own understanding.
"""

import jax, jax.numpy as jnp
import numpy as np

N = 10000      # num nodes
NE = 10000     # num hyperedges (segment count for 'edges' ids)
D = 128        # feature dim (num_features = MLP_hidden = num_targets = 128)
E = 320000     # number of (vertex, hyperedge) incidences


def setup_inputs(seed: int = 0) -> dict:
    key = jax.random.key(seed)
    k1, k2, k3, k4 = jax.random.split(key, 4)
    x = jax.random.normal(k1, (N, D), dtype=jnp.float32)
    hyperedge_index = jax.random.randint(k2, (2, E), 0, N, dtype=jnp.int32)
    # Learned params: convs[0] (in=128 -> hidden*heads=128) and conv_out (128 -> 128)
    W1 = jax.random.normal(k3, (D, D), dtype=jnp.float32) * 0.05  # nn.Linear weight [out, in]
    W2 = jax.random.normal(k4, (D, D), dtype=jnp.float32) * 0.05
    eps1 = jnp.zeros((1,), dtype=jnp.float32)
    eps2 = jnp.zeros((1,), dtype=jnp.float32)
    return {"x": x, "hyperedge_index": hyperedge_index, "W1": W1, "eps1": eps1, "W2": W2, "eps2": eps2}


def _unigin_conv(X, W, eps, vertex, edges):
    # X = self.W(X)
    X = X @ W.T
    # Xve = X[vertex]  (gather)
    Xve = jnp.take(X, vertex, axis=0)
    # Xe = scatter(Xve, edges, reduce='mean')  (first_aggregate='mean')
    sums = jax.ops.segment_sum(Xve, edges, num_segments=NE)
    counts = jax.ops.segment_sum(jnp.ones((edges.shape[0], 1), X.dtype), edges, num_segments=NE)
    Xe = sums / jnp.maximum(counts, 1.0)
    # Xev = Xe[edges]  (gather)
    Xev = jnp.take(Xe, edges, axis=0)
    # Xv = scatter(Xev, vertex, reduce='sum', dim_size=N)
    Xv = jax.ops.segment_sum(Xev, vertex, num_segments=N)
    X = (1.0 + eps) * X + Xv
    # use_norm=False -> no l2 normalize
    return X, Xe


def reference(x, hyperedge_index, W1, eps1, W2, eps2):
    vertex = hyperedge_index[0]
    edges = hyperedge_index[1]
    # input_drop / dropout are identity at eval (p=0.0)
    X, _ = _unigin_conv(x, W1, eps1, vertex, edges)
    X = jax.nn.relu(X)
    X, Xe = _unigin_conv(X, W2, eps2, vertex, edges)
    return (X, Xe)

if __name__ == "__main__":
    import jax
    _d = setup_inputs()
    print(jax.jit(kernel)(*tuple(_d.values())))

</pallas_src>

<mosaic_0001>
#map = affine_map<(d0, d1) -> (0, 0)>
#map1 = affine_map<(d0, d1) -> (0)>
module attributes {stable_mosaic.version = 14 : i64} {
  func.func @_aggc_body(%arg0: i32, %arg1: i32, %arg2: memref<10000x128xf32, #tpu.memory_space<hbm>>, %arg3: memref<320000xi32, #tpu.memory_space<hbm>>, %arg4: memref<320000xi32, #tpu.memory_space<hbm>>, %arg5: memref<20480x128xf32, #tpu.memory_space<hbm>>, %arg6: memref<20480xf32, #tpu.memory_space<hbm>>, %arg7: memref<2x128xi32, #tpu.memory_space<vmem>>, %arg8: memref<3x128xi32, #tpu.memory_space<vmem>>, %arg9: memref<2x128x128xf32, #tpu.memory_space<vmem>>, %arg10: memref<128xf32, #tpu.memory_space<vmem>>, %arg11: memref<640xf32, #tpu.memory_space<vmem>>, %arg12: memref<10240x128xf32, #tpu.memory_space<vmem_shared>>, %arg13: memref<10240xf32, #tpu.memory_space<vmem_shared>>, %arg14: memref<2x!tpu.dma_semaphore, #tpu.memory_space<semaphore_mem>>, %arg15: memref<2x!tpu.dma_semaphore, #tpu.memory_space<semaphore_mem>>, %arg16: memref<!tpu.dma_semaphore, #tpu.memory_space<semaphore_mem>>, %arg17: memref<!tpu.dma_semaphore, #tpu.memory_space<semaphore_mem>>) attributes {dimension_semantics = [#tpu.dimension_semantics<core_parallel>, #tpu.dimension_semantics<subcore_parallel>], iteration_bounds = array<i64: 2, 16>, scalar_prefetch = 0 : i64, scratch_operands = 11 : i64, tpu.core_type = #tpu.core_type<sc_vector_subcore>, window_params = [{transform_indices = #map}, {transform_indices = #map1}, {transform_indices = #map1}, {transform_indices = #map}, {transform_indices = #map1}]} {
    %mul3A = arith.constant 2 : i32
    %mul3A_0 = arith.muli %arg1, %mul3A : i32
    %add3A = arith.addi %mul3A_0, %arg0 : i32
    %lt3A = arith.constant 4 : i32
    %lt3A_1 = arith.cmpi slt, %add3A, %lt3A : i32
    %jit3A = arith.constant 1 : i32
    %jit3A_2 = arith.constant 0 : i32
    %select_n3A = arith.select %lt3A_1, %jit3A, %jit3A_2 : i32
    %add3A_3 = arith.constant 78 : i32
    %add3A_4 = arith.addi %add3A_3, %select_n3A : i32
    %mul3A_5 = arith.constant 78 : i32
    %mul3A_6 = arith.muli %add3A, %mul3A_5 : i32
    %min3A = arith.constant 4 : i32
    %min3A_7 = arith.minsi %add3A, %min3A : i32
    %add3A_8 = arith.addi %mul3A_6, %min3A_7 : i32
    %mul3A_9 = arith.constant 128 : i32
    %mul3A_10 = arith.muli %add3A_8, %mul3A_9 : i32
    %add3A_11 = arith.constant 0 : i32
    %add3A_12 = arith.addi %mul3A_10, %add3A_11 : i32
    %multiple_of3A = tpu.assume_multiple %add3A_12, 8 : i32
    %rem3A = arith.constant 0 : i32
    %rem3A_13 = arith.constant 2 : i32
    %rem3A_14 = arith.remsi %rem3A, %rem3A_13 : i32
    %rem3A_15 = arith.constant 0 : i32
    %rem3A_16 = arith.constant 2 : i32
    %rem3A_17 = arith.remsi %rem3A_15, %rem3A_16 : i32
    %dma_start3A = arith.constant 0 : i32
    %dma_start3A_18 = tpu.memref_slice %arg7[%rem3A_14, %dma_start3A] : memref<2x128xi32, #tpu.memory_space<vmem>> -> memref<1x128xi32, #tpu.memory_space<vmem>>
    %dma_start3A_19 = tpu.memref_squeeze %dma_start3A_18 : memref<1x128xi32, #tpu.memory_space<vmem>> -> memref<128xi32, #tpu.memory_space<vmem>>
    %dma_start3A_20 = tpu.memref_slice %arg3[%multiple_of3A] : memref<320000xi32, #tpu.memory_space<hbm>> -> memref<128xi32, #tpu.memory_space<hbm>>
    %dma_start3A_21 = tpu.memref_slice %arg14[%rem3A_17] : memref<2x!tpu.dma_semaphore, #tpu.memory_space<semaphore_mem>> -> memref<1x!tpu.dma_semaphore, #tpu.memory_space<semaphore_mem>>
    %dma_start3A_22 = tpu.memref_squeeze %dma_start3A_21 : memref<1x!tpu.dma_semaphore, #tpu.memory_space<semaphore_mem>> -> memref<!tpu.dma_semaphore, #tpu.memory_space<semaphore_mem>>
    %dma_start3A_23 = arith.constant 0 : i32
    %dma_start3A_24 = tpu.memref_slice %arg7[%rem3A_14, %dma_start3A_23] : memref<2x128xi32, #tpu.memory_space<vmem>> -> memref<1x128xi32, #tpu.memory_space<vmem>>
    %dma_start3A_25 = tpu.memref_squeeze %dma_start3A_24 : memref<1x128xi32, #tpu.memory_space<vmem>> -> memref<128xi32, #tpu.memory_space<vmem>>
    %dma_start3A_26 = tpu.memref_slice %arg3[%multiple_of3A] : memref<320000xi32, #tpu.memory_space<hbm>> -> memref<128xi32, #tpu.memory_space<hbm>>
    tpu.enqueue_dma source(%dma_start3A_26 : memref<128xi32, #tpu.memory_space<hbm>>) target(%dma_start3A_25 : memref<128xi32, #tpu.memory_space<vmem>>) target_semaphore(%dma_start3A_22 : memref<!tpu.dma_semaphore, #tpu.memory_space<semaphore_mem>>)
    %rem3A_27 = arith.constant 0 : i32
    %rem3A_28 = arith.constant 3 : i32
    %rem3A_29 = arith.remsi %rem3A_27, %rem3A_28 : i32
    %rem3A_30 = arith.constant 0 : i32
    %rem3A_31 = arith.constant 2 : i32
    %rem3A_32 = arith.remsi %rem3A_30, %rem3A_31 : i32
    %dma_start3A_33 = arith.constant 0 : i32
    %dma_start3A_34 = tpu.memref_slice %arg8[%rem3A_29, %dma_start3A_33] : memref<3x128xi32, #tpu.memory_space<vmem>> -> memref<1x128xi32, #tpu.memory_space<vmem>>
    %dma_start3A_35 = tpu.memref_squeeze %dma_start3A_34 : memref<1x128xi32, #tpu.memory_space<vmem>> -> memref<128xi32, #tpu.memory_space<vmem>>
    %dma_start3A_36 = tpu.memref_slice %arg4[%multiple_of3A] : memref<320000xi32, #tpu.memory_space<hbm>> -> memref<128xi32, #tpu.memory_space<hbm>>
    %dma_start3A_37 = tpu.memref_slice %arg14[%rem3A_32] : memref<2x!tpu.dma_semaphore, #tpu.memory_space<semaphore_mem>> -> memref<1x!tpu.dma_semaphore, #tpu.memory_space<semaphore_mem>>
    %dma_start3A_38 = tpu.memref_squeeze %dma_start3A_37 : memref<1x!tpu.dma_semaphore, #tpu.memory_space<semaphore_mem>> -> memref<!tpu.dma_semaphore, #tpu.memory_space<semaphore_mem>>
    %dma_start3A_39 = arith.constant 0 : i32
    %dma_start3A_40 = tpu.memref_slice %arg8[%rem3A_29, %dma_start3A_39] : memref<3x128xi32, #tpu.memory_space<vmem>> -> memref<1x128xi32, #tpu.memory_space<vmem>>
    %dma_start3A_41 = tpu.memref_squeeze %dma_start3A_40 : memref<1x128xi32, #tpu.memory_space<vmem>> -> memref<128xi32, #tpu.memory_space<vmem>>
    %dma_start3A_42 = tpu.memref_slice %arg4[%multiple_of3A] : memref<320000xi32, #tpu.memory_space<hbm>> -> memref<128xi32, #tpu.memory_space<hbm>>
    tpu.enqueue_dma source(%dma_start3A_42 : memref<128xi32, #tpu.memory_space<hbm>>) target(%dma_start3A_41 : memref<128xi32, #tpu.memory_space<vmem>>) target_semaphore(%dma_start3A_38 : memref<!tpu.dma_semaphore, #tpu.memory_space<semaphore_mem>>)
    %add3A_43 = arith.constant 128 : i32
    %add3A_44 = arith.addi %mul3A_10, %add3A_43 : i32
    %multiple_of3A_45 = tpu.assume_multiple %add3A_44, 8 : i32
    %rem3A_46 = arith.constant 1 : i32
    %rem3A_47 = arith.constant 2 : i32
    %rem3A_48 = arith.remsi %rem3A_46, %rem3A_47 : i32
    %rem3A_49 = arith.constant 1 : i32
    %rem3A_50 = arith.constant 2 : i32
    %rem3A_51 = arith.remsi %rem3A_49, %rem3A_50 : i32
    %dma_start3A_52 = arith.constant 0 : i32
    %dma_start3A_53 = tpu.memref_slice %arg7[%rem3A_48, %dma_start3A_52] : memref<2x128xi32, #tpu.memory_space<vmem>> -> memref<1x128xi32, #tpu.memory_space<vmem>>
    %dma_start3A_54 = tpu.memref_squeeze %dma_start3A_53 : memref<1x128xi32, #tpu.memory_space<vmem>> -> memref<128xi32, #tpu.memory_space<vmem>>
    %dma_start3A_55 = tpu.memref_slice %arg3[%multiple_of3A_45] : memref<320000xi32, #tpu.memory_space<hbm>> -> memref<128xi32, #tpu.memory_space<hbm>>
    %dma_start3A_56 = tpu.memref_slice %arg14[%rem3A_51] : memref<2x!tpu.dma_semaphore, #tpu.memory_space<semaphore_mem>> -> memref<1x!tpu.dma_semaphore, #tpu.memory_space<semaphore_mem>>
    %dma_start3A_57 = tpu.memref_squeeze %dma_start3A_56 : memref<1x!tpu.dma_semaphore, #tpu.memory_space<semaphore_mem>> -> memref<!tpu.dma_semaphore, #tpu.memory_space<semaphore_mem>>
    %dma_start3A_58 = arith.constant 0 : i32
    %dma_start3A_59 = tpu.memref_slice %arg7[%rem3A_48, %dma_start3A_58] : memref<2x128xi32, #tpu.memory_space<vmem>> -> memref<1x128xi32, #tpu.memory_space<vmem>>
    %dma_start3A_60 = tpu.memref_squeeze %dma_start3A_59 : memref<1x128xi32, #tpu.memory_space<vmem>> -> memref<128xi32, #tpu.memory_space<vmem>>
    %dma_start3A_61 = tpu.memref_slice %arg3[%multiple_of3A_45] : memref<320000xi32, #tpu.memory_space<hbm>> -> memref<128xi32, #tpu.memory_space<hbm>>
    tpu.enqueue_dma source(%dma_start3A_61 : memref<128xi32, #tpu.memory_space<hbm>>) target(%dma_start3A_60 : memref<128xi32, #tpu.memory_space<vmem>>) target_semaphore(%dma_start3A_57 : memref<!tpu.dma_semaphore, #tpu.memory_space<semaphore_mem>>)
    %rem3A_62 = arith.constant 1 : i32
    %rem3A_63 = arith.constant 3 : i32
    %rem3A_64 = arith.remsi %rem3A_62, %rem3A_63 : i32
    %rem3A_65 = arith.constant 1 : i32
    %rem3A_66 = arith.constant 2 : i32
    %rem3A_67 = arith.remsi %rem3A_65, %rem3A_66 : i32
    %dma_start3A_68 = arith.constant 0 : i32
    %dma_start3A_69 = tpu.memref_slice %arg8[%rem3A_64, %dma_start3A_68] : memref<3x128xi32, #tpu.memory_space<vmem>> -> memref<1x128xi32, #tpu.memory_space<vmem>>
    %dma_start3A_70 = tpu.memref_squeeze %dma_start3A_69 : memref<1x128xi32, #tpu.memory_space<vmem>> -> memref<128xi32, #tpu.memory_space<vmem>>
    %dma_start3A_71 = tpu.memref_slice %arg4[%multiple_of3A_45] : memref<320000xi32, #tpu.memory_space<hbm>> -> memref<128xi32, #tpu.memory_space<hbm>>
    %dma_start3A_72 = tpu.memref_slice %arg14[%rem3A_67] : memref<2x!tpu.dma_semaphore, #tpu.memory_space<semaphore_mem>> -> memref<1x!tpu.dma_semaphore, #tpu.memory_space<semaphore_mem>>
    %dma_start3A_73 = tpu.memref_squeeze %dma_start3A_72 : memref<1x!tpu.dma_semaphore, #tpu.memory_space<semaphore_mem>> -> memref<!tpu.dma_semaphore, #tpu.memory_space<semaphore_mem>>
    %dma_start3A_74 = arith.constant 0 : i32
    %dma_start3A_75 = tpu.memref_slice %arg8[%rem3A_64, %dma_start3A_74] : memref<3x128xi32, #tpu.memory_space<vmem>> -> memref<1x128xi32, #tpu.memory_space<vmem>>
    %dma_start3A_76 = tpu.memref_squeeze %dma_start3A_75 : memref<1x128xi32, #tpu.memory_space<vmem>> -> memref<128xi32, #tpu.memory_space<vmem>>
    %dma_start3A_77 = tpu.memref_slice %arg4[%multiple_of3A_45] : memref<320000xi32, #tpu.memory_space<hbm>> -> memref<128xi32, #tpu.memory_space<hbm>>
    tpu.enqueue_dma source(%dma_start3A_77 : memref<128xi32, #tpu.memory_space<hbm>>) target(%dma_start3A_76 : memref<128xi32, #tpu.memory_space<vmem>>) target_semaphore(%dma_start3A_73 : memref<!tpu.dma_semaphore, #tpu.memory_space<semaphore_mem>>)
    %scan3A = arith.constant 0 : i32
    %scan3A_78 = arith.constant 1 : i32
    %scan3A_79 = arith.constant 0 : i32
    %scan3A_80 = arith.constant 128 : i32
    %scan3A_81 = arith.addi %scan3A_79, %scan3A_80 : i32
    %scan3A_82 = arith.constant 1 : i32
    scf.for %scan3A_367 = %scan3A_79 to %scan3A_81 step %scan3A_82  : i32 {
      %scan3A_368 = arith.constant 0 : i32
      %scan3A_369 = arith.constant 8 : i32
      %scan3A_370 = arith.addi %scan3A_368, %scan3A_369 : i32
      %scan3A_371 = arith.constant 1 : i32
      scf.for %scan3A_373 = %scan3A_368 to %scan3A_370 step %scan3A_371  : i32 {
        %broadcast_in_dim3A = arith.constant 0.000000e+00 : f32
        %broadcast_in_dim3A_374 = vector.broadcast %broadcast_in_dim3A : f32 to vector<16xf32>
        %mul3A_375 = arith.constant 16 : i32
        %mul3A_376 = arith.muli %scan3A_373, %mul3A_375 : i32
        %swap3A = arith.constant 0 : i32
        %swap3A_377 = arith.constant 0 : i32
        %swap3A_378 = tpu.memref_slice %arg9[%scan3A_78, %swap3A, %swap3A_377] : memref<2x128x128xf32, #tpu.memory_space<vmem>> -> memref<1x128x128xf32, #tpu.memory_space<vmem>>
        %swap3A_379 = tpu.memref_squeeze %swap3A_378 : memref<1x128x128xf32, #tpu.memory_space<vmem>> -> memref<128x128xf32, #tpu.memory_space<vmem>>
        %swap3A_380 = arith.index_cast %scan3A_367 : i32 to index
        %swap3A_381 = arith.index_cast %mul3A_376 : i32 to index
        %swap3A_382 = tpu.vector_load %swap3A_379[%swap3A_380, %swap3A_381] {strides = array<i32>} : memref<128x128xf32, #tpu.memory_space<vmem>>, vector<1x16xf32>,
        %swap3A_383 = vector.shape_cast %swap3A_382 : vector<1x16xf32> to vector<16xf32>
        %swap3A_384 = vector.shape_cast %broadcast_in_dim3A_374 : vector<16xf32> to vector<1x16xf32>
        tpu.vector_store %swap3A_379[%swap3A_380, %swap3A_381], %swap3A_384 {strides = array<i32>} : memref<128x128xf32, #tpu.memory_space<vmem>>, vector<1x16xf32>,
      }
      %scan3A_372 = arith.constant 8 : i32
    }
    %scan3A_83 = arith.constant 128 : i32
    %mul3A_84 = arith.constant 640 : i32
    %mul3A_85 = arith.muli %arg1, %mul3A_84 : i32
    %add3A_86 = arith.constant 0 : i32
    %add3A_87 = arith.addi %mul3A_85, %add3A_86 : i32
    %dma_start3A_88 = arith.constant 1 : i32
    %dma_start3A_89 = arith.constant 0 : i32
    %dma_start3A_90 = arith.constant 0 : i32
    %dma_start3A_91 = tpu.memref_slice %arg9[%dma_start3A_88, %dma_start3A_89, %dma_start3A_90] : memref<2x128x128xf32, #tpu.memory_space<vmem>> -> memref<1x128x128xf32, #tpu.memory_space<vmem>>
    %dma_start3A_92 = tpu.memref_squeeze %dma_start3A_91 : memref<1x128x128xf32, #tpu.memory_space<vmem>> -> memref<128x128xf32, #tpu.memory_space<vmem>>
    %dma_start3A_93 = arith.constant 0 : i32
    %dma_start3A_94 = tpu.memref_slice %arg12[%add3A_87, %dma_start3A_93] : memref<10240x128xf32, #tpu.memory_space<vmem_shared>> -> memref<128x128xf32, #tpu.memory_space<vmem_shared>>
    %dma_start3A_95 = arith.constant 0 : i32
    %dma_start3A_96 = tpu.memref_slice %arg12[%add3A_87, %dma_start3A_95] : memref<10240x128xf32, #tpu.memory_space<vmem_shared>> -> memref<128x128xf32, #tpu.memory_space<vmem_shared>>
    %dma_start3A_97 = arith.constant 0 : i32
    %dma_start3A_98 = arith.constant 0 : i32
    %dma_start3A_99 = tpu.memref_slice %arg9[%dma_start3A_88, %dma_start3A_97, %dma_start3A_98] : memref<2x128x128xf32, #tpu.memory_space<vmem>> -> memref<1x128x128xf32, #tpu.memory_space<vmem>>
    %dma_start3A_100 = tpu.memref_squeeze %dma_start3A_99 : memref<1x128x128xf32, #tpu.memory_space<vmem>> -> memref<128x128xf32, #tpu.memory_space<vmem>>
    tpu.enqueue_dma source(%dma_start3A_100 : memref<128x128xf32, #tpu.memory_space<vmem>>) target(%dma_start3A_96 : memref<128x128xf32, #tpu.memory_space<vmem_shared>>) target_semaphore(%arg16 : memref<!tpu.dma_semaphore, #tpu.memory_space<semaphore_mem>>)
    %mul3A_101 = arith.constant 640 : i32
    %mul3A_102 = arith.muli %arg1, %mul3A_101 : i32
    %add3A_103 = arith.constant 128 : i32
    %add3A_104 = arith.addi %mul3A_102, %add3A_103 : i32
    %dma_start3A_105 = arith.constant 1 : i32
    %dma_start3A_106 = arith.constant 0 : i32
    %dma_start3A_107 = arith.constant 0 : i32
    %dma_start3A_108 = tpu.memref_slice %arg9[%dma_start3A_105, %dma_start3A_106, %dma_start3A_107] : memref<2x128x128xf32, #tpu.memory_space<vmem>> -> memref<1x128x128xf32, #tpu.memory_space<vmem>>
    %dma_start3A_109 = tpu.memref_squeeze %dma_start3A_108 : memref<1x128x128xf32, #tpu.memory_space<vmem>> -> memref<128x128xf32, #tpu.memory_space<vmem>>
    %dma_start3A_110 = arith.constant 0 : i32
    %dma_start3A_111 = tpu.memref_slice %arg12[%add3A_104, %dma_start3A_110] : memref<10240x128xf32, #tpu.memory_space<vmem_shared>> -> memref<128x128xf32, #tpu.memory_space<vmem_shared>>
    %dma_start3A_112 = arith.constant 0 : i32
    %dma_start3A_113 = tpu.memref_slice %arg12[%add3A_104, %dma_start3A_112] : memref<10240x128xf32, #tpu.memory_space<vmem_shared>> -> memref<128x128xf32, #tpu.memory_space<vmem_shared>>
    %dma_start3A_114 = arith.constant 0 : i32
    %dma_start3A_115 = arith.constant 0 : i32
    %dma_start3A_116 = tpu.memref_slice %arg9[%dma_start3A_105, %dma_start3A_114, %dma_start3A_115] : memref<2x128x128xf32, #tpu.memory_space<vmem>> -> memref<1x128x128xf32, #tpu.memory_space<vmem>>
    %dma_start3A_117 = tpu.memref_squeeze %dma_start3A_116 : memref<1x128x128xf32, #tpu.memory_space<vmem>> -> memref<128x128xf32, #tpu.memory_space<vmem>>
    tpu.enqueue_dma source(%dma_start3A_117 : memref<128x128xf32, #tpu.memory_space<vmem>>) target(%dma_start3A_113 : memref<128x128xf32, #tpu.memory_space<vmem_shared>>) target_semaphore(%arg16 : memref<!tpu.dma_semaphore, #tpu.memory_space<semaphore_mem>>)
    %mul3A_118 = arith.constant 640 : i32
    %mul3A_119 = arith.muli %arg1, %mul3A_118 : i32
    %add3A_120 = arith.constant 256 : i32
    %add3A_121 = arith.addi %mul3A_119, %add3A_120 : i32
    %dma_start3A_122 = arith.constant 1 : i32
    %dma_start3A_123 = arith.constant 0 : i32
    %dma_start3A_124 = arith.constant 0 : i32
    %dma_start3A_125 = tpu.memref_slice %arg9[%dma_start3A_122, %dma_start3A_123, %dma_start3A_124] : memref<2x128x128xf32, #tpu.memory_space<vmem>> -> memref<1x128x128xf32, #tpu.memory_space<vmem>>
    %dma_start3A_126 = tpu.memref_squeeze %dma_start3A_125 : memref<1x128x128xf32, #tpu.memory_space<vmem>> -> memref<128x128xf32, #tpu.memory_space<vmem>>
    %dma_start3A_127 = arith.constant 0 : i32
    %dma_start3A_128 = tpu.memref_slice %arg12[%add3A_121, %dma_start3A_127] : memref<10240x128xf32, #tpu.memory_space<vmem_shared>> -> memref<128x128xf32, #tpu.memory_space<vmem_shared>>
    %dma_start3A_129 = arith.constant 0 : i32
    %dma_start3A_130 = tpu.memref_slice %arg12[%add3A_121, %dma_start3A_129] : memref<10240x128xf32, #tpu.memory_space<vmem_shared>> -> memref<128x128xf32, #tpu.memory_space<vmem_shared>>
    %dma_start3A_131 = arith.constant 0 : i32
    %dma_start3A_132 = arith.constant 0 : i32
    %dma_start3A_133 = tpu.memref_slice %arg9[%dma_start3A_122, %dma_start3A_131, %dma_start3A_132] : memref<2x128x128xf32, #tpu.memory_space<vmem>> -> memref<1x128x128xf32, #tpu.memory_space<vmem>>
    %dma_start3A_134 = tpu.memref_squeeze %dma_start3A_133 : memref<1x128x128xf32, #tpu.memory_space<vmem>> -> memref<128x128xf32, #tpu.memory_space<vmem>>
    tpu.enqueue_dma source(%dma_start3A_134 : memref<128x128xf32, #tpu.memory_space<vmem>>) target(%dma_start3A_130 : memref<128x128xf32, #tpu.memory_space<vmem_shared>>) target_semaphore(%arg16 : memref<!tpu.dma_semaphore, #tpu.memory_space<semaphore_mem>>)
    %mul3A_135 = arith.constant 640 : i32
    %mul3A_136 = arith.muli %arg1, %mul3A_135 : i32
    %add3A_137 = arith.constant 384 : i32
    %add3A_138 = arith.addi %mul3A_136, %add3A_137 : i32
    %dma_start3A_139 = arith.constant 1 : i32
    %dma_start3A_140 = arith.constant 0 : i32
    %dma_start3A_141 = arith.constant 0 : i32
    %dma_start3A_142 = tpu.memref_slice %arg9[%dma_start3A_139, %dma_start3A_140, %dma_start3A_141] : memref<2x128x128xf32, #tpu.memory_space<vmem>> -> memref<1x128x128xf32, #tpu.memory_space<vmem>>
    %dma_start3A_143 = tpu.memref_squeeze %dma_start3A_142 : memref<1x128x128xf32, #tpu.memory_space<vmem>> -> memref<128x128xf32, #tpu.memory_space<vmem>>
    %dma_start3A_144 = arith.constant 0 : i32
    %dma_start3A_145 = tpu.memref_slice %arg12[%add3A_138, %dma_start3A_144] : memref<10240x128xf32, #tpu.memory_space<vmem_shared>> -> memref<128x128xf32, #tpu.memory_space<vmem_shared>>
    %dma_start3A_146 = arith.constant 0 : i32
    %dma_start3A_147 = tpu.memref_slice %arg12[%add3A_138, %dma_start3A_146] : memref<10240x128xf32, #tpu.memory_space<vmem_shared>> -> memref<128x128xf32, #tpu.memory_space<vmem_shared>>
    %dma_start3A_148 = arith.constant 0 : i32
    %dma_start3A_149 = arith.constant 0 : i32
    %dma_start3A_150 = tpu.memref_slice %arg9[%dma_start3A_139, %dma_start3A_148, %dma_start3A_149] : memref<2x128x128xf32, #tpu.memory_space<vmem>> -> memref<1x128x128xf32, #tpu.memory_space<vmem>>
    %dma_start3A_151 = tpu.memref_squeeze %dma_start3A_150 : memref<1x128x128xf32, #tpu.memory_space<vmem>> -> memref<128x128xf32, #tpu.memory_space<vmem>>
    tpu.enqueue_dma source(%dma_start3A_151 : memref<128x128xf32, #tpu.memory_space<vmem>>) target(%dma_start3A_147 : memref<128x128xf32, #tpu.memory_space<vmem_shared>>) target_semaphore(%arg16 : memref<!tpu.dma_semaphore, #tpu.memory_space<semaphore_mem>>)
    %mul3A_152 = arith.constant 640 : i32
    %mul3A_153 = arith.muli %arg1, %mul3A_152 : i32
    %add3A_154 = arith.constant 512 : i32
    %add3A_155 = arith.addi %mul3A_153, %add3A_154 : i32
    %dma_start3A_156 = arith.constant 1 : i32
    %dma_start3A_157 = arith.constant 0 : i32
    %dma_start3A_158 = arith.constant 0 : i32
    %dma_start3A_159 = tpu.memref_slice %arg9[%dma_start3A_156, %dma_start3A_157, %dma_start3A_158] : memref<2x128x128xf32, #tpu.memory_space<vmem>> -> memref<1x128x128xf32, #tpu.memory_space<vmem>>
    %dma_start3A_160 = tpu.memref_squeeze %dma_start3A_159 : memref<1x128x128xf32, #tpu.memory_space<vmem>> -> memref<128x128xf32, #tpu.memory_space<vmem>>
    %dma_start3A_161 = arith.constant 0 : i32
    %dma_start3A_162 = tpu.memref_slice %arg12[%add3A_155, %dma_start3A_161] : memref<10240x128xf32, #tpu.memory_space<vmem_shared>> -> memref<128x128xf32, #tpu.memory_space<vmem_shared>>
    %dma_start3A_163 = arith.constant 0 : i32
    %dma_start3A_164 = tpu.memref_slice %arg12[%add3A_155, %dma_start3A_163] : memref<10240x128xf32, #tpu.memory_space<vmem_shared>> -> memref<128x128xf32, #tpu.memory_space<vmem_shared>>
    %dma_start3A_165 = arith.constant 0 : i32
    %dma_start3A_166 = arith.constant 0 : i32
    %dma_start3A_167 = tpu.memref_slice %arg9[%dma_start3A_156, %dma_start3A_165, %dma_start3A_166] : memref<2x128x128xf32, #tpu.memory_space<vmem>> -> memref<1x128x128xf32, #tpu.memory_space<vmem>>
    %dma_start3A_168 = tpu.memref_squeeze %dma_start3A_167 : memref<1x128x128xf32, #tpu.memory_space<vmem>> -> memref<128x128xf32, #tpu.memory_space<vmem>>
    tpu.enqueue_dma source(%dma_start3A_168 : memref<128x128xf32, #tpu.memory_space<vmem>>) target(%dma_start3A_164 : memref<128x128xf32, #tpu.memory_space<vmem_shared>>) target_semaphore(%arg16 : memref<!tpu.dma_semaphore, #tpu.memory_space<semaphore_mem>>)
    %scan3A_169 = arith.constant 0 : i32
    %scan3A_170 = arith.constant 0 : i32
    %scan3A_171 = arith.constant 8 : i32
    %scan3A_172 = arith.addi %scan3A_170, %scan3A_171 : i32
    %scan3A_173 = arith.constant 1 : i32
    scf.for %scan3A_367 = %scan3A_170 to %scan3A_172 step %scan3A_173  : i32 {
      %broadcast_in_dim3A = arith.constant 1.000000e+00 : f32
      %broadcast_in_dim3A_368 = vector.broadcast %broadcast_in_dim3A : f32 to vector<16xf32>
      %mul3A_369 = arith.constant 16 : i32
      %mul3A_370 = arith.muli %scan3A_367, %mul3A_369 : i32
      %swap3A = arith.index_cast %mul3A_370 : i32 to index
      %swap3A_371 = tpu.vector_load %arg10[%swap3A] {strides = array<i32>} : memref<128xf32, #tpu.memory_space<vmem>>, vector<16xf32>,
      %swap3A_372 = vector.shape_cast %swap3A_371 : vector<16xf32> to vector<16xf32>
      %swap3A_373 = vector.shape_cast %broadcast_in_dim3A_368 : vector<16xf32> to vector<16xf32>
      tpu.vector_store %arg10[%swap3A], %swap3A_373 {strides = array<i32>} : memref<128xf32, #tpu.memory_space<vmem>>, vector<16xf32>,
    }
    %scan3A_174 = arith.constant 8 : i32
    %scan3A_175 = arith.constant 0 : i32
    %scan3A_176 = arith.constant 0 : i32
    %scan3A_177 = arith.constant 40 : i32
    %scan3A_178 = arith.addi %scan3A_176, %scan3A_177 : i32
    %scan3A_179 = arith.constant 1 : i32
    scf.for %scan3A_367 = %scan3A_176 to %scan3A_178 step %scan3A_179  : i32 {
      %broadcast_in_dim3A = arith.constant 0.000000e+00 : f32
      %broadcast_in_dim3A_368 = vector.broadcast %broadcast_in_dim3A : f32 to vector<16xf32>
      %mul3A_369 = arith.constant 16 : i32
      %mul3A_370 = arith.muli %scan3A_367, %mul3A_369 : i32
      %swap3A = arith.index_cast %mul3A_370 : i32 to index
      %swap3A_371 = tpu.vector_load %arg11[%swap3A] {strides = array<i32>} : memref<640xf32, #tpu.memory_space<vmem>>, vector<16xf32>,
      %swap3A_372 = vector.shape_cast %swap3A_371 : vector<16xf32> to vector<16xf32>
      %swap3A_373 = vector.shape_cast %broadcast_in_dim3A_368 : vector<16xf32> to vector<16xf32>
      tpu.vector_store %arg11[%swap3A], %swap3A_373 {strides = array<i32>} : memref<640xf32, #tpu.memory_space<vmem>>, vector<16xf32>,
    }
    %scan3A_180 = arith.constant 40 : i32
    %mul3A_181 = arith.constant 640 : i32
    %mul3A_182 = arith.muli %arg1, %mul3A_181 : i32
    %dma_start3A_183 = tpu.memref_slice %arg13[%mul3A_182] : memref<10240xf32, #tpu.memory_space<vmem_shared>> -> memref<640xf32, #tpu.memory_space<vmem_shared>>
    %dma_start3A_184 = tpu.memref_slice %arg13[%mul3A_182] : memref<10240xf32, #tpu.memory_space<vmem_shared>> -> memref<640xf32, #tpu.memory_space<vmem_shared>>
    tpu.enqueue_dma source(%arg11 : memref<640xf32, #tpu.memory_space<vmem>>) target(%dma_start3A_184 : memref<640xf32, #tpu.memory_space<vmem_shared>>) target_semaphore(%arg17 : memref<!tpu.dma_semaphore, #tpu.memory_space<semaphore_mem>>)
    %mul3A_185 = arith.constant 640 : i32
    %mul3A_186 = arith.muli %arg1, %mul3A_185 : i32
    %dma_wait3A = tpu.memref_slice %arg13[%mul3A_186] : memref<10240xf32, #tpu.memory_space<vmem_shared>> -> memref<640xf32, #tpu.memory_space<vmem_shared>>
    %dma_wait3A_187 = tpu.memref_slice %arg13[%mul3A_186] : memref<10240xf32, #tpu.memory_space<vmem_shared>> -> memref<640xf32, #tpu.memory_space<vmem_shared>>
    tpu.wait_dma2 semaphore(%arg17 : memref<!tpu.dma_semaphore, #tpu.memory_space<semaphore_mem>>) src(%arg11 : memref<640xf32, #tpu.memory_space<vmem>>) dst(%dma_wait3A_187 : memref<640xf32, #tpu.memory_space<vmem_shared>>)
    %add3A_188 = arith.constant 0 : i32
    %add3A_189 = arith.addi %mul3A_10, %add3A_188 : i32
    %multiple_of3A_190 = tpu.assume_multiple %add3A_189, 8 : i32
    %rem3A_191 = arith.constant 0 : i32
    %rem3A_192 = arith.constant 2 : i32
    %rem3A_193 = arith.remsi %rem3A_191, %rem3A_192 : i32
    %rem3A_194 = arith.constant 0 : i32
    %rem3A_195 = arith.constant 2 : i32
    %rem3A_196 = arith.remsi %rem3A_194, %rem3A_195 : i32
    %dma_wait3A_197 = arith.constant 0 : i32
    %dma_wait3A_198 = tpu.memref_slice %arg7[%rem3A_193, %dma_wait3A_197] : memref<2x128xi32, #tpu.memory_space<vmem>> -> memref<1x128xi32, #tpu.memory_space<vmem>>
    %dma_wait3A_199 = tpu.memref_squeeze %dma_wait3A_198 : memref<1x128xi32, #tpu.memory_space<vmem>> -> memref<128xi32, #tpu.memory_space<vmem>>
    %dma_wait3A_200 = tpu.memref_slice %arg3[%multiple_of3A_190] : memref<320000xi32, #tpu.memory_space<hbm>> -> memref<128xi32, #tpu.memory_space<hbm>>
    %dma_wait3A_201 = tpu.memref_slice %arg14[%rem3A_196] : memref<2x!tpu.dma_semaphore, #tpu.memory_space<semaphore_mem>> -> memref<1x!tpu.dma_semaphore, #tpu.memory_space<semaphore_mem>>
    %dma_wait3A_202 = tpu.memref_squeeze %dma_wait3A_201 : memref<1x!tpu.dma_semaphore, #tpu.memory_space<semaphore_mem>> -> memref<!tpu.dma_semaphore, #tpu.memory_space<semaphore_mem>>
    %dma_wait3A_203 = arith.constant 0 : i32
    %dma_wait3A_204 = tpu.memref_slice %arg7[%rem3A_193, %dma_wait3A_203] : memref<2x128xi32, #tpu.memory_space<vmem>> -> memref<1x128xi32, #tpu.memory_space<vmem>>
    %dma_wait3A_205 = tpu.memref_squeeze %dma_wait3A_204 : memref<1x128xi32, #tpu.memory_space<vmem>> -> memref<128xi32, #tpu.memory_space<vmem>>
    %dma_wait3A_206 = tpu.memref_slice %arg3[%multiple_of3A_190] : memref<320000xi32, #tpu.memory_space<hbm>> -> memref<128xi32, #tpu.memory_space<hbm>>
    tpu.wait_dma2 semaphore(%dma_wait3A_202 : memref<!tpu.dma_semaphore, #tpu.memory_space<semaphore_mem>>) src(%dma_wait3A_206 : memref<128xi32, #tpu.memory_space<hbm>>) dst(%dma_wait3A_205 : memref<128xi32, #tpu.memory_space<vmem>>)
    %rem3A_207 = arith.constant 0 : i32
    %rem3A_208 = arith.constant 3 : i32
    %rem3A_209 = arith.remsi %rem3A_207, %rem3A_208 : i32
    %rem3A_210 = arith.constant 0 : i32
    %rem3A_211 = arith.constant 2 : i32
    %rem3A_212 = arith.remsi %rem3A_210, %rem3A_211 : i32
    %dma_wait3A_213 = arith.constant 0 : i32
    %dma_wait3A_214 = tpu.memref_slice %arg8[%rem3A_209, %dma_wait3A_213] : memref<3x128xi32, #tpu.memory_space<vmem>> -> memref<1x128xi32, #tpu.memory_space<vmem>>
    %dma_wait3A_215 = tpu.memref_squeeze %dma_wait3A_214 : memref<1x128xi32, #tpu.memory_space<vmem>> -> memref<128xi32, #tpu.memory_space<vmem>>
    %dma_wait3A_216 = tpu.memref_slice %arg4[%multiple_of3A_190] : memref<320000xi32, #tpu.memory_space<hbm>> -> memref<128xi32, #tpu.memory_space<hbm>>
    %dma_wait3A_217 = tpu.memref_slice %arg14[%rem3A_212] : memref<2x!tpu.dma_semaphore, #tpu.memory_space<semaphore_mem>> -> memref<1x!tpu.dma_semaphore, #tpu.memory_space<semaphore_mem>>
    %dma_wait3A_218 = tpu.memref_squeeze %dma_wait3A_217 : memref<1x!tpu.dma_semaphore, #tpu.memory_space<semaphore_mem>> -> memref<!tpu.dma_semaphore, #tpu.memory_space<semaphore_mem>>
    %dma_wait3A_219 = arith.constant 0 : i32
    %dma_wait3A_220 = tpu.memref_slice %arg8[%rem3A_209, %dma_wait3A_219] : memref<3x128xi32, #tpu.memory_space<vmem>> -> memref<1x128xi32, #tpu.memory_space<vmem>>
    %dma_wait3A_221 = tpu.memref_squeeze %dma_wait3A_220 : memref<1x128xi32, #tpu.memory_space<vmem>> -> memref<128xi32, #tpu.memory_space<vmem>>
    %dma_wait3A_222 = tpu.memref_slice %arg4[%multiple_of3A_190] : memref<320000xi32, #tpu.memory_space<hbm>> -> memref<128xi32, #tpu.memory_space<hbm>>
    tpu.wait_dma2 semaphore(%dma_wait3A_218 : memref<!tpu.dma_semaphore, #tpu.memory_space<semaphore_mem>>) src(%dma_wait3A_222 : memref<128xi32, #tpu.memory_space<hbm>>) dst(%dma_wait3A_221 : memref<128xi32, #tpu.memory_space<vmem>>)
    %dma_start3A_223 = arith.constant 0 : i32
    %dma_start3A_224 = arith.constant 0 : i32
    %dma_start3A_225 = arith.constant 0 : i32
    %dma_start3A_226 = arith.constant 0 : i32
    %dma_start3A_227 = arith.constant 0 : i32
    %dma_start3A_228 = tpu.memref_slice %arg9[%dma_start3A_224, %dma_start3A_226, %dma_start3A_227] : memref<2x128x128xf32, #tpu.memory_space<vmem>> -> memref<1x128x128xf32, #tpu.memory_space<vmem>>
    %dma_start3A_229 = tpu.memref_squeeze %dma_start3A_228 : memref<1x128x128xf32, #tpu.memory_space<vmem>> -> memref<128x128xf32, #tpu.memory_space<vmem>>
    %dma_start3A_230 = arith.constant 0 : i32
    %dma_start3A_231 = tpu.memref_slice %arg7[%dma_start3A_223, %dma_start3A_230] : memref<2x128xi32, #tpu.memory_space<vmem>> -> memref<1x128xi32, #tpu.memory_space<vmem>>
    %dma_start3A_232 = tpu.memref_squeeze %dma_start3A_231 : memref<1x128xi32, #tpu.memory_space<vmem>> -> memref<128xi32, #tpu.memory_space<vmem>>
    %dma_start3A_233 = arith.constant 0 : i32
    %dma_start3A_234 = arith.constant 0 : i32
    %dma_start3A_235 = tpu.memref_slice %arg2[%dma_start3A_233, %dma_start3A_234] : memref<10000x128xf32, #tpu.memory_space<hbm>> -> memref<10000x128xf32, #tpu.memory_space<hbm>>
    %dma_start3A_236 = tpu.memref_slice %arg15[%dma_start3A_225] : memref<2x!tpu.dma_semaphore, #tpu.memory_space<semaphore_mem>> -> memref<1x!tpu.dma_semaphore, #tpu.memory_space<semaphore_mem>>
    %dma_start3A_237 = tpu.memref_squeeze %dma_start3A_236 : memref<1x!tpu.dma_semaphore, #tpu.memory_space<semaphore_mem>> -> memref<!tpu.dma_semaphore, #tpu.memory_space<semaphore_mem>>
    tpu.enqueue_indirect_dma source(%dma_start3A_235 : memref<10000x128xf32, #tpu.memory_space<hbm>>) target(%dma_start3A_229 : memref<128x128xf32, #tpu.memory_space<vmem>>) offsets(%dma_start3A_232 : memref<128xi32, #tpu.memory_space<vmem>>) semaphore(%dma_start3A_237 : memref<!tpu.dma_semaphore, #tpu.memory_space<semaphore_mem>>)
    %mul3A_238 = arith.constant 640 : i32
    %mul3A_239 = arith.muli %arg1, %mul3A_238 : i32
    %add3A_240 = arith.constant 0 : i32
    %add3A_241 = arith.addi %mul3A_239, %add3A_240 : i32
    %dma_wait3A_242 = arith.constant 1 : i32
    %dma_wait3A_243 = arith.constant 0 : i32
    %dma_wait3A_244 = arith.constant 0 : i32
    %dma_wait3A_245 = tpu.memref_slice %arg9[%dma_wait3A_242, %dma_wait3A_243, %dma_wait3A_244] : memref<2x128x128xf32, #tpu.memory_space<vmem>> -> memref<1x128x128xf32, #tpu.memory_space<vmem>>
    %dma_wait3A_246 = tpu.memref_squeeze %dma_wait3A_245 : memref<1x128x128xf32, #tpu.memory_space<vmem>> -> memref<128x128xf32, #tpu.memory_space<vmem>>
    %dma_wait3A_247 = arith.constant 0 : i32
    %dma_wait3A_248 = tpu.memref_slice %arg12[%add3A_241, %dma_wait3A_247] : memref<10240x128xf32, #tpu.memory_space<vmem_shared>> -> memref<128x128xf32, #tpu.memory_space<vmem_shared>>
    %dma_wait3A_249 = arith.constant 0 : i32
    %dma_wait3A_250 = tpu.memref_slice %arg12[%add3A_241, %dma_wait3A_249] : memref<10240x128xf32, #tpu.memory_space<vmem_shared>> -> memref<128x128xf32, #tpu.memory_space<vmem_shared>>
    %dma_wait3A_251 = arith.constant 0 : i32
    %dma_wait3A_252 = arith.constant 0 : i32
    %dma_wait3A_253 = tpu.memref_slice %arg9[%dma_wait3A_242, %dma_wait3A_251, %dma_wait3A_252] : memref<2x128x128xf32, #tpu.memory_space<vmem>> -> memref<1x128x128xf32, #tpu.memory_space<vmem>>
    %dma_wait3A_254 = tpu.memref_squeeze %dma_wait3A_253 : memref<1x128x128xf32, #tpu.memory_space<vmem>> -> memref<128x128xf32, #tpu.memory_space<vmem>>
    tpu.wait_dma2 semaphore(%arg16 : memref<!tpu.dma_semaphore, #tpu.memory_space<semaphore_mem>>) src(%dma_wait3A_254 : memref<128x128xf32, #tpu.memory_space<vmem>>) dst(%dma_wait3A_250 : memref<128x128xf32, #tpu.memory_space<vmem_shared>>)
    %mul3A_255 = arith.constant 640 : i32
    %mul3A_256 = arith.muli %arg1, %mul3A_255 : i32
    %add3A_257 = arith.constant 128 : i32
    %add3A_258 = arith.addi %mul3A_256, %add3A_257 : i32
    %dma_wait3A_259 = arith.constant 1 : i32
    %dma_wait3A_260 = arith.constant 0 : i32
    %dma_wait3A_261 = arith.constant 0 : i32
    %dma_wait3A_262 = tpu.memref_slice %arg9[%dma_wait3A_259, %dma_wait3A_260, %dma_wait3A_261] : memref<2x128x128xf32, #tpu.memory_space<vmem>> -> memref<1x128x128xf32, #tpu.memory_space<vmem>>
    %dma_wait3A_263 = tpu.memref_squeeze %dma_wait3A_262 : memref<1x128x128xf32, #tpu.memory_space<vmem>> -> memref<128x128xf32, #tpu.memory_space<vmem>>
    %dma_wait3A_264 = arith.constant 0 : i32
    %dma_wait3A_265 = tpu.memref_slice %arg12[%add3A_258, %dma_wait3A_264] : memref<10240x128xf32, #tpu.memory_space<vmem_shared>> -> memref<128x128xf32, #tpu.memory_space<vmem_shared>>
    %dma_wait3A_266 = arith.constant 0 : i32
    %dma_wait3A_267 = tpu.memref_slice %arg12[%add3A_258, %dma_wait3A_266] : memref<10240x128xf32, #tpu.memory_space<vmem_shared>> -> memref<128x128xf32, #tpu.memory_space<vmem_shared>>
    %dma_wait3A_268 = arith.constant 0 : i32
    %dma_wait3A_269 = arith.constant 0 : i32
    %dma_wait3A_270 = tpu.memref_slice %arg9[%dma_wait3A_259, %dma_wait3A_268, %dma_wait3A_269] : memref<2x128x128xf32, #tpu.memory_space<vmem>> -> memref<1x128x128xf32, #tpu.memory_space<vmem>>
    %dma_wait3A_271 = tpu.memref_squeeze %dma_wait3A_270 : memref<1x128x128xf32, #tpu.memory_space<vmem>> -> memref<128x128xf32, #tpu.memory_space<vmem>>
    tpu.wait_dma2 semaphore(%arg16 : memref<!tpu.dma_semaphore, #tpu.memory_space<semaphore_mem>>) src(%dma_wait3A_271 : memref<128x128xf32, #tpu.memory_space<vmem>>) dst(%dma_wait3A_267 : memref<128x128xf32, #tpu.memory_space<vmem_shared>>)
    %mul3A_272 = arith.constant 640 : i32
    %mul3A_273 = arith.muli %arg1, %mul3A_272 : i32
    %add3A_274 = arith.constant 256 : i32
    %add3A_275 = arith.addi %mul3A_273, %add3A_274 : i32
    %dma_wait3A_276 = arith.constant 1 : i32
    %dma_wait3A_277 = arith.constant 0 : i32
    %dma_wait3A_278 = arith.constant 0 : i32
    %dma_wait3A_279 = tpu.memref_slice %arg9[%dma_wait3A_276, %dma_wait3A_277, %dma_wait3A_278] : memref<2x128x128xf32, #tpu.memory_space<vmem>> -> memref<1x128x128xf32, #tpu.memory_space<vmem>>
    %dma_wait3A_280 = tpu.memref_squeeze %dma_wait3A_279 : memref<1x128x128xf32, #tpu.memory_space<vmem>> -> memref<128x128xf32, #tpu.memory_space<vmem>>
    %dma_wait3A_281 = arith.constant 0 : i32
    %dma_wait3A_282 = tpu.memref_slice %arg12[%add3A_275, %dma_wait3A_281] : memref<10240x128xf32, #tpu.memory_space<vmem_shared>> -> memref<128x128xf32, #tpu.memory_space<vmem_shared>>
    %dma_wait3A_283 = arith.constant 0 : i32
    %dma_wait3A_284 = tpu.memref_slice %arg12[%add3A_275, %dma_wait3A_283] : memref<10240x128xf32, #tpu.memory_space<vmem_shared>> -> memref<128x128xf32, #tpu.memory_space<vmem_shared>>
    %dma_wait3A_285 = arith.constant 0 : i32
    %dma_wait3A_286 = arith.constant 0 : i32
    %dma_wait3A_287 = tpu.memref_slice %arg9[%dma_wait3A_276, %dma_wait3A_285, %dma_wait3A_286] : memref<2x128x128xf32, #tpu.memory_space<vmem>> -> memref<1x128x128xf32, #tpu.memory_space<vmem>>
    %dma_wait3A_288 = tpu.memref_squeeze %dma_wait3A_287 : memref<1x128x128xf32, #tpu.memory_space<vmem>> -> memref<128x128xf32, #tpu.memory_space<vmem>>
    tpu.wait_dma2 semaphore(%arg16 : memref<!tpu.dma_semaphore, #tpu.memory_space<semaphore_mem>>) src(%dma_wait3A_288 : memref<128x128xf32, #tpu.memory_space<vmem>>) dst(%dma_wait3A_284 : memref<128x128xf32, #tpu.memory_space<vmem_shared>>)
    %mul3A_289 = arith.constant 640 : i32
    %mul3A_290 = arith.muli %arg1, %mul3A_289 : i32
    %add3A_291 = arith.constant 384 : i32
    %add3A_292 = arith.addi %mul3A_290, %add3A_291 : i32
    %dma_wait3A_293 = arith.constant 1 : i32
    %dma_wait3A_294 = arith.constant 0 : i32
    %dma_wait3A_295 = arith.constant 0 : i32
    %dma_wait3A_296 = tpu.memref_slice %arg9[%dma_wait3A_293, %dma_wait3A_294, %dma_wait3A_295] : memref<2x128x128xf32, #tpu.memory_space<vmem>> -> memref<1x128x128xf32, #tpu.memory_space<vmem>>
    %dma_wait3A_297 = tpu.memref_squeeze %dma_wait3A_296 : memref<1x128x128xf32, #tpu.memory_space<vmem>> -> memref<128x128xf32, #tpu.memory_space<vmem>>
    %dma_wait3A_298 = arith.constant 0 : i32
    %dma_wait3A_299 = tpu.memref_slice %arg12[%add3A_292, %dma_wait3A_298] : memref<10240x128xf32, #tpu.memory_space<vmem_shared>> -> memref<128x128xf32, #tpu.memory_space<vmem_shared>>
    %dma_wait3A_300 = arith.constant 0 : i32
    %dma_wait3A_301 = tpu.memref_slice %arg12[%add3A_292, %dma_wait3A_300] : memref<10240x128xf32, #tpu.memory_space<vmem_shared>> -> memref<128x128xf32, #tpu.memory_space<vmem_shared>>
    %dma_wait3A_302 = arith.constant 0 : i32
    %dma_wait3A_303 = arith.constant 0 : i32
    %dma_wait3A_304 = tpu.memref_slice %arg9[%dma_wait3A_293, %dma_wait3A_302, %dma_wait3A_303] : memref<2x128x128xf32, #tpu.memory_space<vmem>> -> memref<1x128x128xf32, #tpu.memory_space<vmem>>
    %dma_wait3A_305 = tpu.memref_squeeze %dma_wait3A_304 : memref<1x128x128xf32, #tpu.memory_space<vmem>> -> memref<128x128xf32, #tpu.memory_space<vmem>>
    tpu.wait_dma2 semaphore(%arg16 : memref<!tpu.dma_semaphore, #tpu.memory_space<semaphore_mem>>) src(%dma_wait3A_305 : memref<128x128xf32, #tpu.memory_space<vmem>>) dst(%dma_wait3A_301 : memref<128x128xf32, #tpu.memory_space<vmem_shared>>)
    %mul3A_306 = arith.constant 640 : i32
    %mul3A_307 = arith.muli %arg1, %mul3A_306 : i32
    %add3A_308 = arith.constant 512 : i32
    %add3A_309 = arith.addi %mul3A_307, %add3A_308 : i32
    %dma_wait3A_310 = arith.constant 1 : i32
    %dma_wait3A_311 = arith.constant 0 : i32
    %dma_wait3A_312 = arith.constant 0 : i32
    %dma_wait3A_313 = tpu.memref_slice %arg9[%dma_wait3A_310, %dma_wait3A_311, %dma_wait3A_312] : memref<2x128x128xf32, #tpu.memory_space<vmem>> -> memref<1x128x128xf32, #tpu.memory_space<vmem>>
    %dma_wait3A_314 = tpu.memref_squeeze %dma_wait3A_313 : memref<1x128x128xf32, #tpu.memory_space<vmem>> -> memref<128x128xf32, #tpu.memory_space<vmem>>
    %dma_wait3A_315 = arith.constant 0 : i32
    %dma_wait3A_316 = tpu.memref_slice %arg12[%add3A_309, %dma_wait3A_315] : memref<10240x128xf32, #tpu.memory_space<vmem_shared>> -> memref<128x128xf32, #tpu.memory_space<vmem_shared>>
    %dma_wait3A_317 = arith.constant 0 : i32
    %dma_wait3A_318 = tpu.memref_slice %arg12[%add3A_309, %dma_wait3A_317] : memref<10240x128xf32, #tpu.memory_space<vmem_shared>> -> memref<128x128xf32, #tpu.memory_space<vmem_shared>>
    %dma_wait3A_319 = arith.constant 0 : i32
    %dma_wait3A_320 = arith.constant 0 : i32
    %dma_wait3A_321 = tpu.memref_slice %arg9[%dma_wait3A_310, %dma_wait3A_319, %dma_wait3A_320] : memref<2x128x128xf32, #tpu.memory_space<vmem>> -> memref<1x128x128xf32, #tpu.memory_space<vmem>>
    %dma_wait3A_322 = tpu.memref_squeeze %dma_wait3A_321 : memref<1x128x128xf32, #tpu.memory_space<vmem>> -> memref<128x128xf32, #tpu.memory_space<vmem>>
    tpu.wait_dma2 semaphore(%arg16 : memref<!tpu.dma_semaphore, #tpu.memory_space<semaphore_mem>>) src(%dma_wait3A_322 : memref<128x128xf32, #tpu.memory_space<vmem>>) dst(%dma_wait3A_318 : memref<128x128xf32, #tpu.memory_space<vmem_shared>>)
    %barrier3A = arith.constant 0 : index
    tpu.barrier barrier_id(%barrier3A)
    %while3A = arith.constant 0 : i32
    %while3A_323 = arith.constant 0 : i32
    %while3A_324 = arith.subi %add3A_4, %while3A_323 : i32
    %while3A_325 = arith.addi %while3A_323, %while3A_324 : i32
    %while3A_326 = arith.constant 1 : i32
    %while3A_327 = arith.divsi %while3A_324, %while3A_326 : i32
    %while3A_328 = arith.muli %while3A_327, %while3A_326 : i32
    %while3A_329 = arith.addi %while3A_323, %while3A_328 : i32
    %while3A_330 = arith.constant 1 : i32
    scf.for %while3A_367 = %while3A_323 to %while3A_329 step %while3A_330  : i32 {
      %rem3A_368 = arith.constant 2 : i32
      %rem3A_369 = arith.remsi %while3A_367, %rem3A_368 : i32
      %gt3A = arith.constant 0 : i32
      %gt3A_370 = arith.cmpi sgt, %while3A_367, %gt3A : i32
      %convert_element_type3A = arith.extui %gt3A_370 : i1 to i32
      %cond3A = arith.constant 0 : i32
      %cond3A_371 = arith.cmpi ne, %convert_element_type3A, %cond3A : i32
      scf.if %cond3A_371 {
        %sub3A_415 = arith.constant 1 : i32
        %sub3A_416 = arith.subi %while3A_367, %sub3A_415 : i32
        %sub3A_417 = arith.constant 1 : i32
        %sub3A_418 = arith.subi %sub3A_417, %rem3A_369 : i32
        %rem3A_419 = arith.constant 3 : i32
        %rem3A_420 = arith.remsi %sub3A_416, %rem3A_419 : i32
        %dma_wait3A_421 = arith.constant 0 : i32
        %dma_wait3A_422 = arith.constant 0 : i32
        %dma_wait3A_423 = tpu.memref_slice %arg9[%sub3A_418, %dma_wait3A_421, %dma_wait3A_422] : memref<2x128x128xf32, #tpu.memory_space<vmem>> -> memref<1x128x128xf32, #tpu.memory_space<vmem>>
        %dma_wait3A_424 = tpu.memref_squeeze %dma_wait3A_423 : memref<1x128x128xf32, #tpu.memory_space<vmem>> -> memref<128x128xf32, #tpu.memory_space<vmem>>
        %dma_wait3A_425 = arith.constant 0 : i32
        %dma_wait3A_426 = tpu.memref_slice %arg8[%rem3A_420, %dma_wait3A_425] : memref<3x128xi32, #tpu.memory_space<vmem>> -> memref<1x128xi32, #tpu.memory_space<vmem>>
        %dma_wait3A_427 = tpu.memref_squeeze %dma_wait3A_426 : memref<1x128xi32, #tpu.memory_space<vmem>> -> memref<128xi32, #tpu.memory_space<vmem>>
        %dma_wait3A_428 = arith.constant 0 : i32
        %dma_wait3A_429 = arith.constant 0 : i32
        %dma_wait3A_430 = tpu.memref_slice %arg12[%dma_wait3A_428, %dma_wait3A_429] : memref<10240x128xf32, #tpu.memory_space<vmem_shared>> -> memref<10240x128xf32, #tpu.memory_space<vmem_shared>>
        tpu.wait_indirect_dma semaphore(%arg16 : memref<!tpu.dma_semaphore, #tpu.memory_space<semaphore_mem>>) src(%dma_wait3A_424 : memref<128x128xf32, #tpu.memory_space<vmem>>) dst(%dma_wait3A_430 : memref<10240x128xf32, #tpu.memory_space<vmem_shared>>)
        %sub3A_431 = arith.constant 1 : i32
        %sub3A_432 = arith.subi %while3A_367, %sub3A_431 : i32
        %rem3A_433 = arith.constant 3 : i32
        %rem3A_434 = arith.remsi %sub3A_432, %rem3A_433 : i32
        %dma_wait3A_435 = arith.constant 0 : i32
        %dma_wait3A_436 = tpu.memref_slice %arg8[%rem3A_434, %dma_wait3A_435] : memref<3x128xi32, #tpu.memory_space<vmem>> -> memref<1x128xi32, #tpu.memory_space<vmem>>
        %dma_wait3A_437 = tpu.memref_squeeze %dma_wait3A_436 : memref<1x128xi32, #tpu.memory_space<vmem>> -> memref<128xi32, #tpu.memory_space<vmem>>
        %dma_wait3A_438 = arith.constant 0 : i32
        %dma_wait3A_439 = tpu.memref_slice %arg13[%dma_wait3A_438] : memref<10240xf32, #tpu.memory_space<vmem_shared>> -> memref<10240xf32, #tpu.memory_space<vmem_shared>>
        tpu.wait_indirect_dma semaphore(%arg17 : memref<!tpu.dma_semaphore, #tpu.memory_space<semaphore_mem>>) src(%arg10 : memref<128xf32, #tpu.memory_space<vmem>>) dst(%dma_wait3A_439 : memref<10240xf32, #tpu.memory_space<vmem_shared>>)
      } else {
      }
      %add3A_372 = arith.constant 1 : i32
      %add3A_373 = arith.addi %while3A_367, %add3A_372 : i32
      %lt3A_374 = arith.cmpi slt, %add3A_373, %add3A_4 : i32
      %convert_element_type3A_375 = arith.extui %lt3A_374 : i1 to i32
      %cond3A_376 = arith.constant 0 : i32
      %cond3A_377 = arith.cmpi ne, %convert_element_type3A_375, %cond3A_376 : i32
      scf.if %cond3A_377 {
        %add3A_415 = arith.constant 1 : i32
        %add3A_416 = arith.addi %while3A_367, %add3A_415 : i32
        %mul3A_417 = arith.constant 128 : i32
        %mul3A_418 = arith.muli %add3A_416, %mul3A_417 : i32
        %add3A_419 = arith.addi %mul3A_10, %mul3A_418 : i32
        %multiple_of3A_420 = tpu.assume_multiple %add3A_419, 8 : i32
        %rem3A_421 = arith.constant 2 : i32
        %rem3A_422 = arith.remsi %add3A_416, %rem3A_421 : i32
        %rem3A_423 = arith.constant 2 : i32
        %rem3A_424 = arith.remsi %add3A_416, %rem3A_423 : i32
        %dma_wait3A_425 = arith.constant 0 : i32
        %dma_wait3A_426 = tpu.memref_slice %arg7[%rem3A_422, %dma_wait3A_425] : memref<2x128xi32, #tpu.memory_space<vmem>> -> memref<1x128xi32, #tpu.memory_space<vmem>>
        %dma_wait3A_427 = tpu.memref_squeeze %dma_wait3A_426 : memref<1x128xi32, #tpu.memory_space<vmem>> -> memref<128xi32, #tpu.memory_space<vmem>>
        %dma_wait3A_428 = tpu.memref_slice %arg3[%multiple_of3A_420] : memref<320000xi32, #tpu.memory_space<hbm>> -> memref<128xi32, #tpu.memory_space<hbm>>
        %dma_wait3A_429 = tpu.memref_slice %arg14[%rem3A_424] : memref<2x!tpu.dma_semaphore, #tpu.memory_space<semaphore_mem>> -> memref<1x!tpu.dma_semaphore, #tpu.memory_space<semaphore_mem>>
        %dma_wait3A_430 = tpu.memref_squeeze %dma_wait3A_429 : memref<1x!tpu.dma_semaphore, #tpu.memory_space<semaphore_mem>> -> memref<!tpu.dma_semaphore, #tpu.memory_space<semaphore_mem>>
        %dma_wait3A_431 = arith.constant 0 : i32
        %dma_wait3A_432 = tpu.memref_slice %arg7[%rem3A_422, %dma_wait3A_431] : memref<2x128xi32, #tpu.memory_space<vmem>> -> memref<1x128xi32, #tpu.memory_space<vmem>>
        %dma_wait3A_433 = tpu.memref_squeeze %dma_wait3A_432 : memref<1x128xi32, #tpu.memory_space<vmem>> -> memref<128xi32, #tpu.memory_space<vmem>>
        %dma_wait3A_434 = tpu.memref_slice %arg3[%multiple_of3A_420] : memref<320000xi32, #tpu.memory_space<hbm>> -> memref<128xi32, #tpu.memory_space<hbm>>
        tpu.wait_dma2 semaphore(%dma_wait3A_430 : memref<!tpu.dma_semaphore, #tpu.memory_space<semaphore_mem>>) src(%dma_wait3A_434 : memref<128xi32, #tpu.memory_space<hbm>>) dst(%dma_wait3A_433 : memref<128xi32, #tpu.memory_space<vmem>>)
        %rem3A_435 = arith.constant 3 : i32
        %rem3A_436 = arith.remsi %add3A_416, %rem3A_435 : i32
        %rem3A_437 = arith.constant 2 : i32
        %rem3A_438 = arith.remsi %add3A_416, %rem3A_437 : i32
        %dma_wait3A_439 = arith.constant 0 : i32
        %dma_wait3A_440 = tpu.memref_slice %arg8[%rem3A_436, %dma_wait3A_439] : memref<3x128xi32, #tpu.memory_space<vmem>> -> memref<1x128xi32, #tpu.memory_space<vmem>>
        %dma_wait3A_441 = tpu.memref_squeeze %dma_wait3A_440 : memref<1x128xi32, #tpu.memory_space<vmem>> -> memref<128xi32, #tpu.memory_space<vmem>>
        %dma_wait3A_442 = tpu.memref_slice %arg4[%multiple_of3A_420] : memref<320000xi32, #tpu.memory_space<hbm>> -> memref<128xi32, #tpu.memory_space<hbm>>
        %dma_wait3A_443 = tpu.memref_slice %arg14[%rem3A_438] : memref<2x!tpu.dma_semaphore, #tpu.memory_space<semaphore_mem>> -> memref<1x!tpu.dma_semaphore, #tpu.memory_space<semaphore_mem>>
        %dma_wait3A_444 = tpu.memref_squeeze %dma_wait3A_443 : memref<1x!tpu.dma_semaphore, #tpu.memory_space<semaphore_mem>> -> memref<!tpu.dma_semaphore, #tpu.memory_space<semaphore_mem>>
        %dma_wait3A_445 = arith.constant 0 : i32
        %dma_wait3A_446 = tpu.memref_slice %arg8[%rem3A_436, %dma_wait3A_445] : memref<3x128xi32, #tpu.memory_space<vmem>> -> memref<1x128xi32, #tpu.memory_space<vmem>>
        %dma_wait3A_447 = tpu.memref_squeeze %dma_wait3A_446 : memref<1x128xi32, #tpu.memory_space<vmem>> -> memref<128xi32, #tpu.memory_space<vmem>>
        %dma_wait3A_448 = tpu.memref_slice %arg4[%multiple_of3A_420] : memref<320000xi32, #tpu.memory_space<hbm>> -> memref<128xi32, #tpu.memory_space<hbm>>
        tpu.wait_dma2 semaphore(%dma_wait3A_444 : memref<!tpu.dma_semaphore, #tpu.memory_space<semaphore_mem>>) src(%dma_wait3A_448 : memref<128xi32, #tpu.memory_space<hbm>>) dst(%dma_wait3A_447 : memref<128xi32, #tpu.memory_space<vmem>>)
        %add3A_449 = arith.constant 1 : i32
        %add3A_450 = arith.addi %while3A_367, %add3A_449 : i32
        %sub3A_451 = arith.constant 1 : i32
        %sub3A_452 = arith.subi %sub3A_451, %rem3A_369 : i32
        %dma_start3A_453 = arith.constant 0 : i32
        %dma_start3A_454 = arith.constant 0 : i32
        %dma_start3A_455 = tpu.memref_slice %arg9[%sub3A_452, %dma_start3A_453, %dma_start3A_454] : memref<2x128x128xf32, #tpu.memory_space<vmem>> -> memref<1x128x128xf32, #tpu.memory_space<vmem>>
        %dma_start3A_456 = tpu.memref_squeeze %dma_start3A_455 : memref<1x128x128xf32, #tpu.memory_space<vmem>> -> memref<128x128xf32, #tpu.memory_space<vmem>>
        %dma_start3A_457 = arith.constant 0 : i32
        %dma_start3A_458 = tpu.memref_slice %arg7[%sub3A_452, %dma_start3A_457] : memref<2x128xi32, #tpu.memory_space<vmem>> -> memref<1x128xi32, #tpu.memory_space<vmem>>
        %dma_start3A_459 = tpu.memref_squeeze %dma_start3A_458 : memref<1x128xi32, #tpu.memory_space<vmem>> -> memref<128xi32, #tpu.memory_space<vmem>>
        %dma_start3A_460 = arith.constant 0 : i32
        %dma_start3A_461 = arith.constant 0 : i32
        %dma_start3A_462 = tpu.memref_slice %arg2[%dma_start3A_460, %dma_start3A_461] : memref<10000x128xf32, #tpu.memory_space<hbm>> -> memref<10000x128xf32, #tpu.memory_space<hbm>>
        %dma_start3A_463 = tpu.memref_slice %arg15[%sub3A_452] : memref<2x!tpu.dma_semaphore, #tpu.memory_space<semaphore_mem>> -> memref<1x!tpu.dma_semaphore, #tpu.memory_space<semaphore_mem>>
        %dma_start3A_464 = tpu.memref_squeeze %dma_start3A_463 : memref<1x!tpu.dma_semaphore, #tpu.memory_space<semaphore_mem>> -> memref<!tpu.dma_semaphore, #tpu.memory_space<semaphore_mem>>
        tpu.enqueue_indirect_dma source(%dma_start3A_462 : memref<10000x128xf32, #tpu.memory_space<hbm>>) target(%dma_start3A_456 : memref<128x128xf32, #tpu.memory_space<vmem>>) offsets(%dma_start3A_459 : memref<128xi32, #tpu.memory_space<vmem>>) semaphore(%dma_start3A_464 : memref<!tpu.dma_semaphore, #tpu.memory_space<semaphore_mem>>)
      } else {
      }
      %dma_wait3A_378 = arith.constant 0 : i32
      %dma_wait3A_379 = arith.constant 0 : i32
      %dma_wait3A_380 = tpu.memref_slice %arg9[%rem3A_369, %dma_wait3A_378, %dma_wait3A_379] : memref<2x128x128xf32, #tpu.memory_space<vmem>> -> memref<1x128x128xf32, #tpu.memory_space<vmem>>
      %dma_wait3A_381 = tpu.memref_squeeze %dma_wait3A_380 : memref<1x128x128xf32, #tpu.memory_space<vmem>> -> memref<128x128xf32, #tpu.memory_space<vmem>>
      %dma_wait3A_382 = arith.constant 0 : i32
      %dma_wait3A_383 = tpu.memref_slice %arg7[%rem3A_369, %dma_wait3A_382] : memref<2x128xi32, #tpu.memory_space<vmem>> -> memref<1x128xi32, #tpu.memory_space<vmem>>
      %dma_wait3A_384 = tpu.memref_squeeze %dma_wait3A_383 : memref<1x128xi32, #tpu.memory_space<vmem>> -> memref<128xi32, #tpu.memory_space<vmem>>
      %dma_wait3A_385 = arith.constant 0 : i32
      %dma_wait3A_386 = arith.constant 0 : i32
      %dma_wait3A_387 = tpu.memref_slice %arg2[%dma_wait3A_385, %dma_wait3A_386] : memref<10000x128xf32, #tpu.memory_space<hbm>> -> memref<10000x128xf32, #tpu.memory_space<hbm>>
      %dma_wait3A_388 = tpu.memref_slice %arg15[%rem3A_369] : memref<2x!tpu.dma_semaphore, #tpu.memory_space<semaphore_mem>> -> memref<1x!tpu.dma_semaphore, #tpu.memory_space<semaphore_mem>>
      %dma_wait3A_389 = tpu.memref_squeeze %dma_wait3A_388 : memref<1x!tpu.dma_semaphore, #tpu.memory_space<semaphore_mem>> -> memref<!tpu.dma_semaphore, #tpu.memory_space<semaphore_mem>>
      tpu.wait_indirect_dma semaphore(%dma_wait3A_389 : memref<!tpu.dma_semaphore, #tpu.memory_space<semaphore_mem>>) src(%dma_wait3A_387 : memref<10000x128xf32, #tpu.memory_space<hbm>>) dst(%dma_wait3A_381 : memref<128x128xf32, #tpu.memory_space<vmem>>)
      %rem3A_390 = arith.constant 3 : i32
      %rem3A_391 = arith.remsi %while3A_367, %rem3A_390 : i32
      %dma_start3A_392 = arith.constant 0 : i32
      %dma_start3A_393 = arith.constant 0 : i32
      %dma_start3A_394 = tpu.memref_slice %arg9[%rem3A_369, %dma_start3A_392, %dma_start3A_393] : memref<2x128x128xf32, #tpu.memory_space<vmem>> -> memref<1x128x128xf32, #tpu.memory_space<vmem>>
      %dma_start3A_395 = tpu.memref_squeeze %dma_start3A_394 : memref<1x128x128xf32, #tpu.memory_space<vmem>> -> memref<128x128xf32, #tpu.memory_space<vmem>>
      %dma_start3A_396 = arith.constant 0 : i32
      %dma_start3A_397 = tpu.memref_slice %arg8[%rem3A_391, %dma_start3A_396] : memref<3x128xi32, #tpu.memory_space<vmem>> -> memref<1x128xi32, #tpu.memory_space<vmem>>
      %dma_start3A_398 = tpu.memref_squeeze %dma_start3A_397 : memref<1x128xi32, #tpu.memory_space<vmem>> -> memref<128xi32, #tpu.memory_space<vmem>>
      %dma_start3A_399 = arith.constant 0 : i32
      %dma_start3A_400 = arith.constant 0 : i32
      %dma_start3A_401 = tpu.memref_slice %arg12[%dma_start3A_399, %dma_start3A_400] : memref<10240x128xf32, #tpu.memory_space<vmem_shared>> -> memref<10240x128xf32, #tpu.memory_space<vmem_shared>>
      tpu.enqueue_indirect_dma source(%dma_start3A_395 : memref<128x128xf32, #tpu.memory_space<vmem>>) target(%dma_start3A_401 : memref<10240x128xf32, #tpu.memory_space<vmem_shared>>) offsets(%dma_start3A_398 : memref<128xi32, #tpu.memory_space<vmem>>) semaphore(%arg16 : memref<!tpu.dma_semaphore, #tpu.memory_space<semaphore_mem>>) {add = true}
      %rem3A_402 = arith.constant 3 : i32
      %rem3A_403 = arith.remsi %while3A_367, %rem3A_402 : i32
      %dma_start3A_404 = arith.constant 0 : i32
      %dma_start3A_405 = tpu.memref_slice %arg8[%rem3A_403, %dma_start3A_404] : memref<3x128xi32, #tpu.memory_space<vmem>> -> memref<1x128xi32, #tpu.memory_space<vmem>>
      %dma_start3A_406 = tpu.memref_squeeze %dma_start3A_405 : memref<1x128xi32, #tpu.memory_space<vmem>> -> memref<128xi32, #tpu.memory_space<vmem>>
      %dma_start3A_407 = arith.constant 0 : i32
      %dma_start3A_408 = tpu.memref_slice %arg13[%dma_start3A_407] : memref<10240xf32, #tpu.memory_space<vmem_shared>> -> memref<10240xf32, #tpu.memory_space<vmem_shared>>
      tpu.enqueue_indirect_dma source(%arg10 : memref<128xf32, #tpu.memory_space<vmem>>) target(%dma_start3A_408 : memref<10240xf32, #tpu.memory_space<vmem_shared>>) offsets(%dma_start3A_406 : memref<128xi32, #tpu.memory_space<vmem>>) semaphore(%arg17 : memref<!tpu.dma_semaphore, #tpu.memory_space<semaphore_mem>>) {add = true}
      %add3A_409 = arith.constant 2 : i32
      %add3A_410 = arith.addi %while3A_367, %add3A_409 : i32
      %lt3A_411 = arith.cmpi slt, %add3A_410, %add3A_4 : i32
      %convert_element_type3A_412 = arith.extui %lt3A_411 : i1 to i32
      %cond3A_413 = arith.constant 0 : i32
      %cond3A_414 = arith.cmpi ne, %convert_element_type3A_412, %cond3A_413 : i32
      scf.if %cond3A_414 {
        %add3A_415 = arith.constant 2 : i32
        %add3A_416 = arith.addi %while3A_367, %add3A_415 : i32
        %mul3A_417 = arith.constant 128 : i32
        %mul3A_418 = arith.muli %add3A_416, %mul3A_417 : i32
        %add3A_419 = arith.addi %mul3A_10, %mul3A_418 : i32
        %multiple_of3A_420 = tpu.assume_multiple %add3A_419, 8 : i32
        %rem3A_421 = arith.constant 2 : i32
        %rem3A_422 = arith.remsi %add3A_416, %rem3A_421 : i32
        %rem3A_423 = arith.constant 2 : i32
        %rem3A_424 = arith.remsi %add3A_416, %rem3A_423 : i32
        %dma_start3A_425 = arith.constant 0 : i32
        %dma_start3A_426 = tpu.memref_slice %arg7[%rem3A_422, %dma_start3A_425] : memref<2x128xi32, #tpu.memory_space<vmem>> -> memref<1x128xi32, #tpu.memory_space<vmem>>
        %dma_start3A_427 = tpu.memref_squeeze %dma_start3A_426 : memref<1x128xi32, #tpu.memory_space<vmem>> -> memref<128xi32, #tpu.memory_space<vmem>>
        %dma_start3A_428 = tpu.memref_slice %arg3[%multiple_of3A_420] : memref<320000xi32, #tpu.memory_space<hbm>> -> memref<128xi32, #tpu.memory_space<hbm>>
        %dma_start3A_429 = tpu.memref_slice %arg14[%rem3A_424] : memref<2x!tpu.dma_semaphore, #tpu.memory_space<semaphore_mem>> -> memref<1x!tpu.dma_semaphore, #tpu.memory_space<semaphore_mem>>
        %dma_start3A_430 = tpu.memref_squeeze %dma_start3A_429 : memref<1x!tpu.dma_semaphore, #tpu.memory_space<semaphore_mem>> -> memref<!tpu.dma_semaphore, #tpu.memory_space<semaphore_mem>>
        %dma_start3A_431 = arith.constant 0 : i32
        %dma_start3A_432 = tpu.memref_slice %arg7[%rem3A_422, %dma_start3A_431] : memref<2x128xi32, #tpu.memory_space<vmem>> -> memref<1x128xi32, #tpu.memory_space<vmem>>
        %dma_start3A_433 = tpu.memref_squeeze %dma_start3A_432 : memref<1x128xi32, #tpu.memory_space<vmem>> -> memref<128xi32, #tpu.memory_space<vmem>>
        %dma_start3A_434 = tpu.memref_slice %arg3[%multiple_of3A_420] : memref<320000xi32, #tpu.memory_space<hbm>> -> memref<128xi32, #tpu.memory_space<hbm>>
        tpu.enqueue_dma source(%dma_start3A_434 : memref<128xi32, #tpu.memory_space<hbm>>) target(%dma_start3A_433 : memref<128xi32, #tpu.memory_space<vmem>>) target_semaphore(%dma_start3A_430 : memref<!tpu.dma_semaphore, #tpu.memory_space<semaphore_mem>>)
        %rem3A_435 = arith.constant 3 : i32
        %rem3A_436 = arith.remsi %add3A_416, %rem3A_435 : i32
        %rem3A_437 = arith.constant 2 : i32
        %rem3A_438 = arith.remsi %add3A_416, %rem3A_437 : i32
        %dma_start3A_439 = arith.constant 0 : i32
        %dma_start3A_440 = tpu.memref_slice %arg8[%rem3A_436, %dma_start3A_439] : memref<3x128xi32, #tpu.memory_space<vmem>> -> memref<1x128xi32, #tpu.memory_space<vmem>>
        %dma_start3A_441 = tpu.memref_squeeze %dma_start3A_440 : memref<1x128xi32, #tpu.memory_space<vmem>> -> memref<128xi32, #tpu.memory_space<vmem>>
        %dma_start3A_442 = tpu.memref_slice %arg4[%multiple_of3A_420] : memref<320000xi32, #tpu.memory_space<hbm>> -> memref<128xi32, #tpu.memory_space<hbm>>
        %dma_start3A_443 = tpu.memref_slice %arg14[%rem3A_438] : memref<2x!tpu.dma_semaphore, #tpu.memory_space<semaphore_mem>> -> memref<1x!tpu.dma_semaphore, #tpu.memory_space<semaphore_mem>>
        %dma_start3A_444 = tpu.memref_squeeze %dma_start3A_443 : memref<1x!tpu.dma_semaphore, #tpu.memory_space<semaphore_mem>> -> memref<!tpu.dma_semaphore, #tpu.memory_space<semaphore_mem>>
        %dma_start3A_445 = arith.constant 0 : i32
        %dma_start3A_446 = tpu.memref_slice %arg8[%rem3A_436, %dma_start3A_445] : memref<3x128xi32, #tpu.memory_space<vmem>> -> memref<1x128xi32, #tpu.memory_space<vmem>>
        %dma_start3A_447 = tpu.memref_squeeze %dma_start3A_446 : memref<1x128xi32, #tpu.memory_space<vmem>> -> memref<128xi32, #tpu.memory_space<vmem>>
        %dma_start3A_448 = tpu.memref_slice %arg4[%multiple_of3A_420] : memref<320000xi32, #tpu.memory_space<hbm>> -> memref<128xi32, #tpu.memory_space<hbm>>
        tpu.enqueue_dma source(%dma_start3A_448 : memref<128xi32, #tpu.memory_space<hbm>>) target(%dma_start3A_447 : memref<128xi32, #tpu.memory_space<vmem>>) target_semaphore(%dma_start3A_444 : memref<!tpu.dma_semaphore, #tpu.memory_space<semaphore_mem>>)
      } else {
      }
    }
    %while3A_331 = arith.constant 1 : i32
    scf.for %while3A_367 = %while3A_329 to %while3A_325 step %while3A_331  : i32 {
      %rem3A_368 = arith.constant 2 : i32
      %rem3A_369 = arith.remsi %while3A_367, %rem3A_368 : i32
      %gt3A = arith.constant 0 : i32
      %gt3A_370 = arith.cmpi sgt, %while3A_367, %gt3A : i32
      %convert_element_type3A = arith.extui %gt3A_370 : i1 to i32
      %cond3A = arith.constant 0 : i32
      %cond3A_371 = arith.cmpi ne, %convert_element_type3A, %cond3A : i32
      scf.if %cond3A_371 {
        %sub3A_415 = arith.constant 1 : i32
        %sub3A_416 = arith.subi %while3A_367, %sub3A_415 : i32
        %sub3A_417 = arith.constant 1 : i32
        %sub3A_418 = arith.subi %sub3A_417, %rem3A_369 : i32
        %rem3A_419 = arith.constant 3 : i32
        %rem3A_420 = arith.remsi %sub3A_416, %rem3A_419 : i32
        %dma_wait3A_421 = arith.constant 0 : i32
        %dma_wait3A_422 = arith.constant 0 : i32
        %dma_wait3A_423 = tpu.memref_slice %arg9[%sub3A_418, %dma_wait3A_421, %dma_wait3A_422] : memref<2x128x128xf32, #tpu.memory_space<vmem>> -> memref<1x128x128xf32, #tpu.memory_space<vmem>>
        %dma_wait3A_424 = tpu.memref_squeeze %dma_wait3A_423 : memref<1x128x128xf32, #tpu.memory_space<vmem>> -> memref<128x128xf32, #tpu.memory_space<vmem>>
        %dma_wait3A_425 = arith.constant 0 : i32
        %dma_wait3A_426 = tpu.memref_slice %arg8[%rem3A_420, %dma_wait3A_425] : memref<3x128xi32, #tpu.memory_space<vmem>> -> memref<1x128xi32, #tpu.memory_space<vmem>>
        %dma_wait3A_427 = tpu.memref_squeeze %dma_wait3A_426 : memref<1x128xi32, #tpu.memory_space<vmem>> -> memref<128xi32, #tpu.memory_space<vmem>>
        %dma_wait3A_428 = arith.constant 0 : i32
        %dma_wait3A_429 = arith.constant 0 : i32
        %dma_wait3A_430 = tpu.memref_slice %arg12[%dma_wait3A_428, %dma_wait3A_429] : memref<10240x128xf32, #tpu.memory_space<vmem_shared>> -> memref<10240x128xf32, #tpu.memory_space<vmem_shared>>
        tpu.wait_indirect_dma semaphore(%arg16 : memref<!tpu.dma_semaphore, #tpu.memory_space<semaphore_mem>>) src(%dma_wait3A_424 : memref<128x128xf32, #tpu.memory_space<vmem>>) dst(%dma_wait3A_430 : memref<10240x128xf32, #tpu.memory_space<vmem_shared>>)
        %sub3A_431 = arith.constant 1 : i32
        %sub3A_432 = arith.subi %while3A_367, %sub3A_431 : i32
        %rem3A_433 = arith.constant 3 : i32
        %rem3A_434 = arith.remsi %sub3A_432, %rem3A_433 : i32
        %dma_wait3A_435 = arith.constant 0 : i32
        %dma_wait3A_436 = tpu.memref_slice %arg8[%rem3A_434, %dma_wait3A_435] : memref<3x128xi32, #tpu.memory_space<vmem>> -> memref<1x128xi32, #tpu.memory_space<vmem>>
        %dma_wait3A_437 = tpu.memref_squeeze %dma_wait3A_436 : memref<1x128xi32, #tpu.memory_space<vmem>> -> memref<128xi32, #tpu.memory_space<vmem>>
        %dma_wait3A_438 = arith.constant 0 : i32
        %dma_wait3A_439 = tpu.memref_slice %arg13[%dma_wait3A_438] : memref<10240xf32, #tpu.memory_space<vmem_shared>> -> memref<10240xf32, #tpu.memory_space<vmem_shared>>
        tpu.wait_indirect_dma semaphore(%arg17 : memref<!tpu.dma_semaphore, #tpu.memory_space<semaphore_mem>>) src(%arg10 : memref<128xf32, #tpu.memory_space<vmem>>) dst(%dma_wait3A_439 : memref<10240xf32, #tpu.memory_space<vmem_shared>>)
      } else {
      }
      %add3A_372 = arith.constant 1 : i32
      %add3A_373 = arith.addi %while3A_367, %add3A_372 : i32
      %lt3A_374 = arith.cmpi slt, %add3A_373, %add3A_4 : i32
      %convert_element_type3A_375 = arith.extui %lt3A_374 : i1 to i32
      %cond3A_376 = arith.constant 0 : i32
      %cond3A_377 = arith.cmpi ne, %convert_element_type3A_375, %cond3A_376 : i32
      scf.if %cond3A_377 {
        %add3A_415 = arith.constant 1 : i32
        %add3A_416 = arith.addi %while3A_367, %add3A_415 : i32
        %mul3A_417 = arith.constant 128 : i32
        %mul3A_418 = arith.muli %add3A_416, %mul3A_417 : i32
        %add3A_419 = arith.addi %mul3A_10, %mul3A_418 : i32
        %multiple_of3A_420 = tpu.assume_multiple %add3A_419, 8 : i32
        %rem3A_421 = arith.constant 2 : i32
        %rem3A_422 = arith.remsi %add3A_416, %rem3A_421 : i32
        %rem3A_423 = arith.constant 2 : i32
        %rem3A_424 = arith.remsi %add3A_416, %rem3A_423 : i32
        %dma_wait3A_425 = arith.constant 0 : i32
        %dma_wait3A_426 = tpu.memref_slice %arg7[%rem3A_422, %dma_wait3A_425] : memref<2x128xi32, #tpu.memory_space<vmem>> -> memref<1x128xi32, #tpu.memory_space<vmem>>
        %dma_wait3A_427 = tpu.memref_squeeze %dma_wait3A_426 : memref<1x128xi32, #tpu.memory_space<vmem>> -> memref<128xi32, #tpu.memory_space<vmem>>
        %dma_wait3A_428 = tpu.memref_slice %arg3[%multiple_of3A_420] : memref<320000xi32, #tpu.memory_space<hbm>> -> memref<128xi32, #tpu.memory_space<hbm>>
        %dma_wait3A_429 = tpu.memref_slice %arg14[%rem3A_424] : memref<2x!tpu.dma_semaphore, #tpu.memory_space<semaphore_mem>> -> memref<1x!tpu.dma_semaphore, #tpu.memory_space<semaphore_mem>>
        %dma_wait3A_430 = tpu.memref_squeeze %dma_wait3A_429 : memref<1x!tpu.dma_semaphore, #tpu.memory_space<semaphore_mem>> -> memref<!tpu.dma_semaphore, #tpu.memory_space<semaphore_mem>>
        %dma_wait3A_431 = arith.constant 0 : i32
        %dma_wait3A_432 = tpu.memref_slice %arg7[%rem3A_422, %dma_wait3A_431] : memref<2x128xi32, #tpu.memory_space<vmem>> -> memref<1x128xi32, #tpu.memory_space<vmem>>
        %dma_wait3A_433 = tpu.memref_squeeze %dma_wait3A_432 : memref<1x128xi32, #tpu.memory_space<vmem>> -> memref<128xi32, #tpu.memory_space<vmem>>
        %dma_wait3A_434 = tpu.memref_slice %arg3[%multiple_of3A_420] : memref<320000xi32, #tpu.memory_space<hbm>> -> memref<128xi32, #tpu.memory_space<hbm>>
        tpu.wait_dma2 semaphore(%dma_wait3A_430 : memref<!tpu.dma_semaphore, #tpu.memory_space<semaphore_mem>>) src(%dma_wait3A_434 : memref<128xi32, #tpu.memory_space<hbm>>) dst(%dma_wait3A_433 : memref<128xi32, #tpu.memory_space<vmem>>)
        %rem3A_435 = arith.constant 3 : i32
        %rem3A_436 = arith.remsi %add3A_416, %rem3A_435 : i32
        %rem3A_437 = arith.constant 2 : i32
        %rem3A_438 = arith.remsi %add3A_416, %rem3A_437 : i32
        %dma_wait3A_439 = arith.constant 0 : i32
        %dma_wait3A_440 = tpu.memref_slice %arg8[%rem3A_436, %dma_wait3A_439] : memref<3x128xi32, #tpu.memory_space<vmem>> -> memref<1x128xi32, #tpu.memory_space<vmem>>
        %dma_wait3A_441 = tpu.memref_squeeze %dma_wait3A_440 : memref<1x128xi32, #tpu.memory_space<vmem>> -> memref<128xi32, #tpu.memory_space<vmem>>
        %dma_wait3A_442 = tpu.memref_slice %arg4[%multiple_of3A_420] : memref<320000xi32, #tpu.memory_space<hbm>> -> memref<128xi32, #tpu.memory_space<hbm>>
        %dma_wait3A_443 = tpu.memref_slice %arg14[%rem3A_438] : memref<2x!tpu.dma_semaphore, #tpu.memory_space<semaphore_mem>> -> memref<1x!tpu.dma_semaphore, #tpu.memory_space<semaphore_mem>>
        %dma_wait3A_444 = tpu.memref_squeeze %dma_wait3A_443 : memref<1x!tpu.dma_semaphore, #tpu.memory_space<semaphore_mem>> -> memref<!tpu.dma_semaphore, #tpu.memory_space<semaphore_mem>>
        %dma_wait3A_445 = arith.constant 0 : i32
        %dma_wait3A_446 = tpu.memref_slice %arg8[%rem3A_436, %dma_wait3A_445] : memref<3x128xi32, #tpu.memory_space<vmem>> -> memref<1x128xi32, #tpu.memory_space<vmem>>
        %dma_wait3A_447 = tpu.memref_squeeze %dma_wait3A_446 : memref<1x128xi32, #tpu.memory_space<vmem>> -> memref<128xi32, #tpu.memory_space<vmem>>
        %dma_wait3A_448 = tpu.memref_slice %arg4[%multiple_of3A_420] : memref<320000xi32, #tpu.memory_space<hbm>> -> memref<128xi32, #tpu.memory_space<hbm>>
        tpu.wait_dma2 semaphore(%dma_wait3A_444 : memref<!tpu.dma_semaphore, #tpu.memory_space<semaphore_mem>>) src(%dma_wait3A_448 : memref<128xi32, #tpu.memory_space<hbm>>) dst(%dma_wait3A_447 : memref<128xi32, #tpu.memory_space<vmem>>)
        %add3A_449 = arith.constant 1 : i32
        %add3A_450 = arith.addi %while3A_367, %add3A_449 : i32
        %sub3A_451 = arith.constant 1 : i32
        %sub3A_452 = arith.subi %sub3A_451, %rem3A_369 : i32
        %dma_start3A_453 = arith.constant 0 : i32
        %dma_start3A_454 = arith.constant 0 : i32
        %dma_start3A_455 = tpu.memref_slice %arg9[%sub3A_452, %dma_start3A_453, %dma_start3A_454] : memref<2x128x128xf32, #tpu.memory_space<vmem>> -> memref<1x128x128xf32, #tpu.memory_space<vmem>>
        %dma_start3A_456 = tpu.memref_squeeze %dma_start3A_455 : memref<1x128x128xf32, #tpu.memory_space<vmem>> -> memref<128x128xf32, #tpu.memory_space<vmem>>
        %dma_start3A_457 = arith.constant 0 : i32
        %dma_start3A_458 = tpu.memref_slice %arg7[%sub3A_452, %dma_start3A_457] : memref<2x128xi32, #tpu.memory_space<vmem>> -> memref<1x128xi32, #tpu.memory_space<vmem>>
        %dma_start3A_459 = tpu.memref_squeeze %dma_start3A_458 : memref<1x128xi32, #tpu.memory_space<vmem>> -> memref<128xi32, #tpu.memory_space<vmem>>
        %dma_start3A_460 = arith.constant 0 : i32
        %dma_start3A_461 = arith.constant 0 : i32
        %dma_start3A_462 = tpu.memref_slice %arg2[%dma_start3A_460, %dma_start3A_461] : memref<10000x128xf32, #tpu.memory_space<hbm>> -> memref<10000x128xf32, #tpu.memory_space<hbm>>
        %dma_start3A_463 = tpu.memref_slice %arg15[%sub3A_452] : memref<2x!tpu.dma_semaphore, #tpu.memory_space<semaphore_mem>> -> memref<1x!tpu.dma_semaphore, #tpu.memory_space<semaphore_mem>>
        %dma_start3A_464 = tpu.memref_squeeze %dma_start3A_463 : memref<1x!tpu.dma_semaphore, #tpu.memory_space<semaphore_mem>> -> memref<!tpu.dma_semaphore, #tpu.memory_space<semaphore_mem>>
        tpu.enqueue_indirect_dma source(%dma_start3A_462 : memref<10000x128xf32, #tpu.memory_space<hbm>>) target(%dma_start3A_456 : memref<128x128xf32, #tpu.memory_space<vmem>>) offsets(%dma_start3A_459 : memref<128xi32, #tpu.memory_space<vmem>>) semaphore(%dma_start3A_464 : memref<!tpu.dma_semaphore, #tpu.memory_space<semaphore_mem>>)
      } else {
      }
      %dma_wait3A_378 = arith.constant 0 : i32
      %dma_wait3A_379 = arith.constant 0 : i32
      %dma_wait3A_380 = tpu.memref_slice %arg9[%rem3A_369, %dma_wait3A_378, %dma_wait3A_379] : memref<2x128x128xf32, #tpu.memory_space<vmem>> -> memref<1x128x128xf32, #tpu.memory_space<vmem>>
      %dma_wait3A_381 = tpu.memref_squeeze %dma_wait3A_380 : memref<1x128x128xf32, #tpu.memory_space<vmem>> -> memref<128x128xf32, #tpu.memory_space<vmem>>
      %dma_wait3A_382 = arith.constant 0 : i32
      %dma_wait3A_383 = tpu.memref_slice %arg7[%rem3A_369, %dma_wait3A_382] : memref<2x128xi32, #tpu.memory_space<vmem>> -> memref<1x128xi32, #tpu.memory_space<vmem>>
      %dma_wait3A_384 = tpu.memref_squeeze %dma_wait3A_383 : memref<1x128xi32, #tpu.memory_space<vmem>> -> memref<128xi32, #tpu.memory_space<vmem>>
      %dma_wait3A_385 = arith.constant 0 : i32
      %dma_wait3A_386 = arith.constant 0 : i32
      %dma_wait3A_387 = tpu.memref_slice %arg2[%dma_wait3A_385, %dma_wait3A_386] : memref<10000x128xf32, #tpu.memory_space<hbm>> -> memref<10000x128xf32, #tpu.memory_space<hbm>>
      %dma_wait3A_388 = tpu.memref_slice %arg15[%rem3A_369] : memref<2x!tpu.dma_semaphore, #tpu.memory_space<semaphore_mem>> -> memref<1x!tpu.dma_semaphore, #tpu.memory_space<semaphore_mem>>
      %dma_wait3A_389 = tpu.memref_squeeze %dma_wait3A_388 : memref<1x!tpu.dma_semaphore, #tpu.memory_space<semaphore_mem>> -> memref<!tpu.dma_semaphore, #tpu.memory_space<semaphore_mem>>
      tpu.wait_indirect_dma semaphore(%dma_wait3A_389 : memref<!tpu.dma_semaphore, #tpu.memory_space<semaphore_mem>>) src(%dma_wait3A_387 : memref<10000x128xf32, #tpu.memory_space<hbm>>) dst(%dma_wait3A_381 : memref<128x128xf32, #tpu.memory_space<vmem>>)
      %rem3A_390 = arith.constant 3 : i32
      %rem3A_391 = arith.remsi %while3A_367, %rem3A_390 : i32
      %dma_start3A_392 = arith.constant 0 : i32
      %dma_start3A_393 = arith.constant 0 : i32
      %dma_start3A_394 = tpu.memref_slice %arg9[%rem3A_369, %dma_start3A_392, %dma_start3A_393] : memref<2x128x128xf32, #tpu.memory_space<vmem>> -> memref<1x128x128xf32, #tpu.memory_space<vmem>>
      %dma_start3A_395 = tpu.memref_squeeze %dma_start3A_394 : memref<1x128x128xf32, #tpu.memory_space<vmem>> -> memref<128x128xf32, #tpu.memory_space<vmem>>
      %dma_start3A_396 = arith.constant 0 : i32
      %dma_start3A_397 = tpu.memref_slice %arg8[%rem3A_391, %dma_start3A_396] : memref<3x128xi32, #tpu.memory_space<vmem>> -> memref<1x128xi32, #tpu.memory_space<vmem>>
      %dma_start3A_398 = tpu.memref_squeeze %dma_start3A_397 : memref<1x128xi32, #tpu.memory_space<vmem>> -> memref<128xi32, #tpu.memory_space<vmem>>
      %dma_start3A_399 = arith.constant 0 : i32
      %dma_start3A_400 = arith.constant 0 : i32
      %dma_start3A_401 = tpu.memref_slice %arg12[%dma_start3A_399, %dma_start3A_400] : memref<10240x128xf32, #tpu.memory_space<vmem_shared>> -> memref<10240x128xf32, #tpu.memory_space<vmem_shared>>
      tpu.enqueue_indirect_dma source(%dma_start3A_395 : memref<128x128xf32, #tpu.memory_space<vmem>>) target(%dma_start3A_401 : memref<10240x128xf32, #tpu.memory_space<vmem_shared>>) offsets(%dma_start3A_398 : memref<128xi32, #tpu.memory_space<vmem>>) semaphore(%arg16 : memref<!tpu.dma_semaphore, #tpu.memory_space<semaphore_mem>>) {add = true}
      %rem3A_402 = arith.constant 3 : i32
      %rem3A_403 = arith.remsi %while3A_367, %rem3A_402 : i32
      %dma_start3A_404 = arith.constant 0 : i32
      %dma_start3A_405 = tpu.memref_slice %arg8[%rem3A_403, %dma_start3A_404] : memref<3x128xi32, #tpu.memory_space<vmem>> -> memref<1x128xi32, #tpu.memory_space<vmem>>
      %dma_start3A_406 = tpu.memref_squeeze %dma_start3A_405 : memref<1x128xi32, #tpu.memory_space<vmem>> -> memref<128xi32, #tpu.memory_space<vmem>>
      %dma_start3A_407 = arith.constant 0 : i32
      %dma_start3A_408 = tpu.memref_slice %arg13[%dma_start3A_407] : memref<10240xf32, #tpu.memory_space<vmem_shared>> -> memref<10240xf32, #tpu.memory_space<vmem_shared>>
      tpu.enqueue_indirect_dma source(%arg10 : memref<128xf32, #tpu.memory_space<vmem>>) target(%dma_start3A_408 : memref<10240xf32, #tpu.memory_space<vmem_shared>>) offsets(%dma_start3A_406 : memref<128xi32, #tpu.memory_space<vmem>>) semaphore(%arg17 : memref<!tpu.dma_semaphore, #tpu.memory_space<semaphore_mem>>) {add = true}
      %add3A_409 = arith.constant 2 : i32
      %add3A_410 = arith.addi %while3A_367, %add3A_409 : i32
      %lt3A_411 = arith.cmpi slt, %add3A_410, %add3A_4 : i32
      %convert_element_type3A_412 = arith.extui %lt3A_411 : i1 to i32
      %cond3A_413 = arith.constant 0 : i32
      %cond3A_414 = arith.cmpi ne, %convert_element_type3A_412, %cond3A_413 : i32
      scf.if %cond3A_414 {
        %add3A_415 = arith.constant 2 : i32
        %add3A_416 = arith.addi %while3A_367, %add3A_415 : i32
        %mul3A_417 = arith.constant 128 : i32
        %mul3A_418 = arith.muli %add3A_416, %mul3A_417 : i32
        %add3A_419 = arith.addi %mul3A_10, %mul3A_418 : i32
        %multiple_of3A_420 = tpu.assume_multiple %add3A_419, 8 : i32
        %rem3A_421 = arith.constant 2 : i32
        %rem3A_422 = arith.remsi %add3A_416, %rem3A_421 : i32
        %rem3A_423 = arith.constant 2 : i32
        %rem3A_424 = arith.remsi %add3A_416, %rem3A_423 : i32
        %dma_start3A_425 = arith.constant 0 : i32
        %dma_start3A_426 = tpu.memref_slice %arg7[%rem3A_422, %dma_start3A_425] : memref<2x128xi32, #tpu.memory_space<vmem>> -> memref<1x128xi32, #tpu.memory_space<vmem>>
        %dma_start3A_427 = tpu.memref_squeeze %dma_start3A_426 : memref<1x128xi32, #tpu.memory_space<vmem>> -> memref<128xi32, #tpu.memory_space<vmem>>
        %dma_start3A_428 = tpu.memref_slice %arg3[%multiple_of3A_420] : memref<320000xi32, #tpu.memory_space<hbm>> -> memref<128xi32, #tpu.memory_space<hbm>>
        %dma_start3A_429 = tpu.memref_slice %arg14[%rem3A_424] : memref<2x!tpu.dma_semaphore, #tpu.memory_space<semaphore_mem>> -> memref<1x!tpu.dma_semaphore, #tpu.memory_space<semaphore_mem>>
        %dma_start3A_430 = tpu.memref_squeeze %dma_start3A_429 : memref<1x!tpu.dma_semaphore, #tpu.memory_space<semaphore_mem>> -> memref<!tpu.dma_semaphore, #tpu.memory_space<semaphore_mem>>
        %dma_start3A_431 = arith.constant 0 : i32
        %dma_start3A_432 = tpu.memref_slice %arg7[%rem3A_422, %dma_start3A_431] : memref<2x128xi32, #tpu.memory_space<vmem>> -> memref<1x128xi32, #tpu.memory_space<vmem>>
        %dma_start3A_433 = tpu.memref_squeeze %dma_start3A_432 : memref<1x128xi32, #tpu.memory_space<vmem>> -> memref<128xi32, #tpu.memory_space<vmem>>
        %dma_start3A_434 = tpu.memref_slice %arg3[%multiple_of3A_420] : memref<320000xi32, #tpu.memory_space<hbm>> -> memref<128xi32, #tpu.memory_space<hbm>>
        tpu.enqueue_dma source(%dma_start3A_434 : memref<128xi32, #tpu.memory_space<hbm>>) target(%dma_start3A_433 : memref<128xi32, #tpu.memory_space<vmem>>) target_semaphore(%dma_start3A_430 : memref<!tpu.dma_semaphore, #tpu.memory_space<semaphore_mem>>)
        %rem3A_435 = arith.constant 3 : i32
        %rem3A_436 = arith.remsi %add3A_416, %rem3A_435 : i32
        %rem3A_437 = arith.constant 2 : i32
        %rem3A_438 = arith.remsi %add3A_416, %rem3A_437 : i32
        %dma_start3A_439 = arith.constant 0 : i32
        %dma_start3A_440 = tpu.memref_slice %arg8[%rem3A_436, %dma_start3A_439] : memref<3x128xi32, #tpu.memory_space<vmem>> -> memref<1x128xi32, #tpu.memory_space<vmem>>
        %dma_start3A_441 = tpu.memref_squeeze %dma_start3A_440 : memref<1x128xi32, #tpu.memory_space<vmem>> -> memref<128xi32, #tpu.memory_space<vmem>>
        %dma_start3A_442 = tpu.memref_slice %arg4[%multiple_of3A_420] : memref<320000xi32, #tpu.memory_space<hbm>> -> memref<128xi32, #tpu.memory_space<hbm>>
        %dma_start3A_443 = tpu.memref_slice %arg14[%rem3A_438] : memref<2x!tpu.dma_semaphore, #tpu.memory_space<semaphore_mem>> -> memref<1x!tpu.dma_semaphore, #tpu.memory_space<semaphore_mem>>
        %dma_start3A_444 = tpu.memref_squeeze %dma_start3A_443 : memref<1x!tpu.dma_semaphore, #tpu.memory_space<semaphore_mem>> -> memref<!tpu.dma_semaphore, #tpu.memory_space<semaphore_mem>>
        %dma_start3A_445 = arith.constant 0 : i32
        %dma_start3A_446 = tpu.memref_slice %arg8[%rem3A_436, %dma_start3A_445] : memref<3x128xi32, #tpu.memory_space<vmem>> -> memref<1x128xi32, #tpu.memory_space<vmem>>
        %dma_start3A_447 = tpu.memref_squeeze %dma_start3A_446 : memref<1x128xi32, #tpu.memory_space<vmem>> -> memref<128xi32, #tpu.memory_space<vmem>>
        %dma_start3A_448 = tpu.memref_slice %arg4[%multiple_of3A_420] : memref<320000xi32, #tpu.memory_space<hbm>> -> memref<128xi32, #tpu.memory_space<hbm>>
        tpu.enqueue_dma source(%dma_start3A_448 : memref<128xi32, #tpu.memory_space<hbm>>) target(%dma_start3A_447 : memref<128xi32, #tpu.memory_space<vmem>>) target_semaphore(%dma_start3A_444 : memref<!tpu.dma_semaphore, #tpu.memory_space<semaphore_mem>>)
      } else {
      }
    }
    %sub3A = arith.constant 1 : i32
    %sub3A_332 = arith.subi %add3A_4, %sub3A : i32
    %sub3A_333 = arith.constant 1 : i32
    %sub3A_334 = arith.subi %add3A_4, %sub3A_333 : i32
    %rem3A_335 = arith.constant 2 : i32
    %rem3A_336 = arith.remsi %sub3A_334, %rem3A_335 : i32
    %rem3A_337 = arith.constant 3 : i32
    %rem3A_338 = arith.remsi %sub3A_332, %rem3A_337 : i32
    %dma_wait3A_339 = arith.constant 0 : i32
    %dma_wait3A_340 = arith.constant 0 : i32
    %dma_wait3A_341 = tpu.memref_slice %arg9[%rem3A_336, %dma_wait3A_339, %dma_wait3A_340] : memref<2x128x128xf32, #tpu.memory_space<vmem>> -> memref<1x128x128xf32, #tpu.memory_space<vmem>>
    %dma_wait3A_342 = tpu.memref_squeeze %dma_wait3A_341 : memref<1x128x128xf32, #tpu.memory_space<vmem>> -> memref<128x128xf32, #tpu.memory_space<vmem>>
    %dma_wait3A_343 = arith.constant 0 : i32
    %dma_wait3A_344 = tpu.memref_slice %arg8[%rem3A_338, %dma_wait3A_343] : memref<3x128xi32, #tpu.memory_space<vmem>> -> memref<1x128xi32, #tpu.memory_space<vmem>>
    %dma_wait3A_345 = tpu.memref_squeeze %dma_wait3A_344 : memref<1x128xi32, #tpu.memory_space<vmem>> -> memref<128xi32, #tpu.memory_space<vmem>>
    %dma_wait3A_346 = arith.constant 0 : i32
    %dma_wait3A_347 = arith.constant 0 : i32
    %dma_wait3A_348 = tpu.memref_slice %arg12[%dma_wait3A_346, %dma_wait3A_347] : memref<10240x128xf32, #tpu.memory_space<vmem_shared>> -> memref<10240x128xf32, #tpu.memory_space<vmem_shared>>
    tpu.wait_indirect_dma semaphore(%arg16 : memref<!tpu.dma_semaphore, #tpu.memory_space<semaphore_mem>>) src(%dma_wait3A_342 : memref<128x128xf32, #tpu.memory_space<vmem>>) dst(%dma_wait3A_348 : memref<10240x128xf32, #tpu.memory_space<vmem_shared>>)
    %sub3A_349 = arith.constant 1 : i32
    %sub3A_350 = arith.subi %add3A_4, %sub3A_349 : i32
    %rem3A_351 = arith.constant 3 : i32
    %rem3A_352 = arith.remsi %sub3A_350, %rem3A_351 : i32
    %dma_wait3A_353 = arith.constant 0 : i32
    %dma_wait3A_354 = tpu.memref_slice %arg8[%rem3A_352, %dma_wait3A_353] : memref<3x128xi32, #tpu.memory_space<vmem>> -> memref<1x128xi32, #tpu.memory_space<vmem>>
    %dma_wait3A_355 = tpu.memref_squeeze %dma_wait3A_354 : memref<1x128xi32, #tpu.memory_space<vmem>> -> memref<128xi32, #tpu.memory_space<vmem>>
    %dma_wait3A_356 = arith.constant 0 : i32
    %dma_wait3A_357 = tpu.memref_slice %arg13[%dma_wait3A_356] : memref<10240xf32, #tpu.memory_space<vmem_shared>> -> memref<10240xf32, #tpu.memory_space<vmem_shared>>
    tpu.wait_indirect_dma semaphore(%arg17 : memref<!tpu.dma_semaphore, #tpu.memory_space<semaphore_mem>>) src(%arg10 : memref<128xf32, #tpu.memory_space<vmem>>) dst(%dma_wait3A_357 : memref<10240xf32, #tpu.memory_space<vmem_shared>>)
    %barrier3A_358 = arith.constant 0 : index
    tpu.barrier barrier_id(%barrier3A_358)
    %mul3A_359 = arith.constant 640 : i32
    %mul3A_360 = arith.muli %arg1, %mul3A_359 : i32
    %mul3A_361 = arith.constant 10240 : i32
    %mul3A_362 = arith.muli %arg0, %mul3A_361 : i32
    %add3A_363 = arith.addi %mul3A_362, %mul3A_360 : i32
    "tpu.region"() ({
      %run_scoped3A = tpu.sem_alloc : memref<!tpu.dma_semaphore, #tpu.memory_space<semaphore_mem>>
      %dma_start3A_367 = arith.constant 0 : i32
      %dma_start3A_368 = tpu.memref_slice %arg5[%add3A_363, %dma_start3A_367] : memref<20480x128xf32, #tpu.memory_space<hbm>> -> memref<640x128xf32, #tpu.memory_space<hbm>>
      %dma_start3A_369 = arith.constant 0 : i32
      %dma_start3A_370 = tpu.memref_slice %arg12[%mul3A_360, %dma_start3A_369] : memref<10240x128xf32, #tpu.memory_space<vmem_shared>> -> memref<640x128xf32, #tpu.memory_space<vmem_shared>>
      tpu.enqueue_dma source(%dma_start3A_370 : memref<640x128xf32, #tpu.memory_space<vmem_shared>>) target(%dma_start3A_368 : memref<640x128xf32, #tpu.memory_space<hbm>>) target_semaphore(%run_scoped3A : memref<!tpu.dma_semaphore, #tpu.memory_space<semaphore_mem>>)
      %dma_wait3A_371 = arith.constant 0 : i32
      %dma_wait3A_372 = tpu.memref_slice %arg5[%add3A_363, %dma_wait3A_371] : memref<20480x128xf32, #tpu.memory_space<hbm>> -> memref<640x128xf32, #tpu.memory_space<hbm>>
      %dma_wait3A_373 = arith.constant 0 : i32
      %dma_wait3A_374 = tpu.memref_slice %arg12[%mul3A_360, %dma_wait3A_373] : memref<10240x128xf32, #tpu.memory_space<vmem_shared>> -> memref<640x128xf32, #tpu.memory_space<vmem_shared>>
      tpu.wait_dma2 semaphore(%run_scoped3A : memref<!tpu.dma_semaphore, #tpu.memory_space<semaphore_mem>>) src(%dma_wait3A_374 : memref<640x128xf32, #tpu.memory_space<vmem_shared>>) dst(%dma_wait3A_372 : memref<640x128xf32, #tpu.memory_space<hbm>>)
      tpu.yield
    }) : () -> ()
    %mul3A_364 = arith.constant 10240 : i32
    %mul3A_365 = arith.muli %arg0, %mul3A_364 : i32
    %add3A_366 = arith.addi %mul3A_365, %mul3A_360 : i32
    "tpu.region"() ({
      %run_scoped3A = tpu.sem_alloc : memref<!tpu.dma_semaphore, #tpu.memory_space<semaphore_mem>>
      %dma_start3A_367 = tpu.memref_slice %arg6[%add3A_366] : memref<20480xf32, #tpu.memory_space<hbm>> -> memref<640xf32, #tpu.memory_space<hbm>>
      %dma_start3A_368 = tpu.memref_slice %arg13[%mul3A_360] : memref<10240xf32, #tpu.memory_space<vmem_shared>> -> memref<640xf32, #tpu.memory_space<vmem_shared>>
      tpu.enqueue_dma source(%dma_start3A_368 : memref<640xf32, #tpu.memory_space<vmem_shared>>) target(%dma_start3A_367 : memref<640xf32, #tpu.memory_space<hbm>>) target_semaphore(%run_scoped3A : memref<!tpu.dma_semaphore, #tpu.memory_space<semaphore_mem>>)
      %dma_wait3A_369 = tpu.memref_slice %arg6[%add3A_366] : memref<20480xf32, #tpu.memory_space<hbm>> -> memref<640xf32, #tpu.memory_space<hbm>>
      %dma_wait3A_370 = tpu.memref_slice %arg13[%mul3A_360] : memref<10240xf32, #tpu.memory_space<vmem_shared>> -> memref<640xf32, #tpu.memory_space<vmem_shared>>
      tpu.wait_dma2 semaphore(%run_scoped3A : memref<!tpu.dma_semaphore, #tpu.memory_space<semaphore_mem>>) src(%dma_wait3A_370 : memref<640xf32, #tpu.memory_space<vmem_shared>>) dst(%dma_wait3A_369 : memref<640xf32, #tpu.memory_space<hbm>>)
      tpu.yield
    }) : () -> ()
    return
  }
}

#map = affine_map<(d0, d1) -> (0, 0)>
#map1 = affine_map<(d0, d1) -> (0)>
module attributes {stable_mosaic.version = 14 : i64} {
  func.func @_agg_body(%arg0: i32, %arg1: i32, %arg2: memref<10000x128xf32, #tpu.memory_space<hbm>>, %arg3: memref<320000xi32, #tpu.memory_space<hbm>>, %arg4: memref<320000xi32, #tpu.memory_space<hbm>>, %arg5: memref<20480x128xf32, #tpu.memory_space<hbm>>, %arg6: memref<2x128xi32, #tpu.memory_space<vmem>>, %arg7: memref<3x128xi32, #tpu.memory_space<vmem>>, %arg8: memref<2x128x128xf32, #tpu.memory_space<vmem>>, %arg9: memref<10240x128xf32, #tpu.memory_space<vmem_shared>>, %arg10: memref<2x!tpu.dma_semaphore, #tpu.memory_space<semaphore_mem>>, %arg11: memref<2x!tpu.dma_semaphore, #tpu.memory_space<semaphore_mem>>, %arg12: memref<!tpu.dma_semaphore, #tpu.memory_space<semaphore_mem>>) attributes {dimension_semantics = [#tpu.dimension_semantics<core_parallel>, #tpu.dimension_semantics<subcore_parallel>], iteration_bounds = array<i64: 2, 16>, scalar_prefetch = 0 : i64, scratch_operands = 7 : i64, tpu.core_type = #tpu.core_type<sc_vector_subcore>, window_params = [{transform_indices = #map}, {transform_indices = #map1}, {transform_indices = #map1}, {transform_indices = #map}]} {
    %mul3A = arith.constant 2 : i32
    %mul3A_0 = arith.muli %arg1, %mul3A : i32
    %add3A = arith.addi %mul3A_0, %arg0 : i32
    %lt3A = arith.constant 4 : i32
    %lt3A_1 = arith.cmpi slt, %add3A, %lt3A : i32
    %jit3A = arith.constant 1 : i32
    %jit3A_2 = arith.constant 0 : i32
    %select_n3A = arith.select %lt3A_1, %jit3A, %jit3A_2 : i32
    %add3A_3 = arith.constant 78 : i32
    %add3A_4 = arith.addi %add3A_3, %select_n3A : i32
    %mul3A_5 = arith.constant 78 : i32
    %mul3A_6 = arith.muli %add3A, %mul3A_5 : i32
    %min3A = arith.constant 4 : i32
    %min3A_7 = arith.minsi %add3A, %min3A : i32
    %add3A_8 = arith.addi %mul3A_6, %min3A_7 : i32
    %mul3A_9 = arith.constant 128 : i32
    %mul3A_10 = arith.muli %add3A_8, %mul3A_9 : i32
    %add3A_11 = arith.constant 0 : i32
    %add3A_12 = arith.addi %mul3A_10, %add3A_11 : i32
    %multiple_of3A = tpu.assume_multiple %add3A_12, 8 : i32
    %rem3A = arith.constant 0 : i32
    %rem3A_13 = arith.constant 2 : i32
    %rem3A_14 = arith.remsi %rem3A, %rem3A_13 : i32
    %rem3A_15 = arith.constant 0 : i32
    %rem3A_16 = arith.constant 2 : i32
    %rem3A_17 = arith.remsi %rem3A_15, %rem3A_16 : i32
    %dma_start3A = arith.constant 0 : i32
    %dma_start3A_18 = tpu.memref_slice %arg6[%rem3A_14, %dma_start3A] : memref<2x128xi32, #tpu.memory_space<vmem>> -> memref<1x128xi32, #tpu.memory_space<vmem>>
    %dma_start3A_19 = tpu.memref_squeeze %dma_start3A_18 : memref<1x128xi32, #tpu.memory_space<vmem>> -> memref<128xi32, #tpu.memory_space<vmem>>
    %dma_start3A_20 = tpu.memref_slice %arg3[%multiple_of3A] : memref<320000xi32, #tpu.memory_space<hbm>> -> memref<128xi32, #tpu.memory_space<hbm>>
    %dma_start3A_21 = tpu.memref_slice %arg10[%rem3A_17] : memref<2x!tpu.dma_semaphore, #tpu.memory_space<semaphore_mem>> -> memref<1x!tpu.dma_semaphore, #tpu.memory_space<semaphore_mem>>
    %dma_start3A_22 = tpu.memref_squeeze %dma_start3A_21 : memref<1x!tpu.dma_semaphore, #tpu.memory_space<semaphore_mem>> -> memref<!tpu.dma_semaphore, #tpu.memory_space<semaphore_mem>>
    %dma_start3A_23 = arith.constant 0 : i32
    %dma_start3A_24 = tpu.memref_slice %arg6[%rem3A_14, %dma_start3A_23] : memref<2x128xi32, #tpu.memory_space<vmem>> -> memref<1x128xi32, #tpu.memory_space<vmem>>
    %dma_start3A_25 = tpu.memref_squeeze %dma_start3A_24 : memref<1x128xi32, #tpu.memory_space<vmem>> -> memref<128xi32, #tpu.memory_space<vmem>>
    %dma_start3A_26 = tpu.memref_slice %arg3[%multiple_of3A] : memref<320000xi32, #tpu.memory_space<hbm>> -> memref<128xi32, #tpu.memory_space<hbm>>
    tpu.enqueue_dma source(%dma_start3A_26 : memref<128xi32, #tpu.memory_space<hbm>>) target(%dma_start3A_25 : memref<128xi32, #tpu.memory_space<vmem>>) target_semaphore(%dma_start3A_22 : memref<!tpu.dma_semaphore, #tpu.memory_space<semaphore_mem>>)
    %rem3A_27 = arith.constant 0 : i32
    %rem3A_28 = arith.constant 3 : i32
    %rem3A_29 = arith.remsi %rem3A_27, %rem3A_28 : i32
    %rem3A_30 = arith.constant 0 : i32
    %rem3A_31 = arith.constant 2 : i32
    %rem3A_32 = arith.remsi %rem3A_30, %rem3A_31 : i32
    %dma_start3A_33 = arith.constant 0 : i32
    %dma_start3A_34 = tpu.memref_slice %arg7[%rem3A_29, %dma_start3A_33] : memref<3x128xi32, #tpu.memory_space<vmem>> -> memref<1x128xi32, #tpu.memory_space<vmem>>
    %dma_start3A_35 = tpu.memref_squeeze %dma_start3A_34 : memref<1x128xi32, #tpu.memory_space<vmem>> -> memref<128xi32, #tpu.memory_space<vmem>>
    %dma_start3A_36 = tpu.memref_slice %arg4[%multiple_of3A] : memref<320000xi32, #tpu.memory_space<hbm>> -> memref<128xi32, #tpu.memory_space<hbm>>
    %dma_start3A_37 = tpu.memref_slice %arg10[%rem3A_32] : memref<2x!tpu.dma_semaphore, #tpu.memory_space<semaphore_mem>> -> memref<1x!tpu.dma_semaphore, #tpu.memory_space<semaphore_mem>>
    %dma_start3A_38 = tpu.memref_squeeze %dma_start3A_37 : memref<1x!tpu.dma_semaphore, #tpu.memory_space<semaphore_mem>> -> memref<!tpu.dma_semaphore, #tpu.memory_space<semaphore_mem>>
    %dma_start3A_39 = arith.constant 0 : i32
    %dma_start3A_40 = tpu.memref_slice %arg7[%rem3A_29, %dma_start3A_39] : memref<3x128xi32, #tpu.memory_space<vmem>> -> memref<1x128xi32, #tpu.memory_space<vmem>>
    %dma_start3A_41 = tpu.memref_squeeze %dma_start3A_40 : memref<1x128xi32, #tpu.memory_space<vmem>> -> memref<128xi32, #tpu.memory_space<vmem>>
    %dma_start3A_42 = tpu.memref_slice %arg4[%multiple_of3A] : memref<320000xi32, #tpu.memory_space<hbm>> -> memref<128xi32, #tpu.memory_space<hbm>>
    tpu.enqueue_dma source(%dma_start3A_42 : memref<128xi32, #tpu.memory_space<hbm>>) target(%dma_start3A_41 : memref<128xi32, #tpu.memory_space<vmem>>) target_semaphore(%dma_start3A_38 : memref<!tpu.dma_semaphore, #tpu.memory_space<semaphore_mem>>)
    %add3A_43 = arith.constant 128 : i32
    %add3A_44 = arith.addi %mul3A_10, %add3A_43 : i32
    %multiple_of3A_45 = tpu.assume_multiple %add3A_44, 8 : i32
    %rem3A_46 = arith.constant 1 : i32
    %rem3A_47 = arith.constant 2 : i32
    %rem3A_48 = arith.remsi %rem3A_46, %rem3A_47 : i32
    %rem3A_49 = arith.constant 1 : i32
    %rem3A_50 = arith.constant 2 : i32
    %rem3A_51 = arith.remsi %rem3A_49, %rem3A_50 : i32
    %dma_start3A_52 = arith.constant 0 : i32
    %dma_start3A_53 = tpu.memref_slice %arg6[%rem3A_48, %dma_start3A_52] : memref<2x128xi32, #tpu.memory_space<vmem>> -> memref<1x128xi32, #tpu.memory_space<vmem>>
    %dma_start3A_54 = tpu.memref_squeeze %dma_start3A_53 : memref<1x128xi32, #tpu.memory_space<vmem>> -> memref<128xi32, #tpu.memory_space<vmem>>
    %dma_start3A_55 = tpu.memref_slice %arg3[%multiple_of3A_45] : memref<320000xi32, #tpu.memory_space<hbm>> -> memref<128xi32, #tpu.memory_space<hbm>>
    %dma_start3A_56 = tpu.memref_slice %arg10[%rem3A_51] : memref<2x!tpu.dma_semaphore, #tpu.memory_space<semaphore_mem>> -> memref<1x!tpu.dma_semaphore, #tpu.memory_space<semaphore_mem>>
    %dma_start3A_57 = tpu.memref_squeeze %dma_start3A_56 : memref<1x!tpu.dma_semaphore, #tpu.memory_space<semaphore_mem>> -> memref<!tpu.dma_semaphore, #tpu.memory_space<semaphore_mem>>
    %dma_start3A_58 = arith.constant 0 : i32
    %dma_start3A_59 = tpu.memref_slice %arg6[%rem3A_48, %dma_start3A_58] : memref<2x128xi32, #tpu.memory_space<vmem>> -> memref<1x128xi32, #tpu.memory_space<vmem>>
    %dma_start3A_60 = tpu.memref_squeeze %dma_start3A_59 : memref<1x128xi32, #tpu.memory_space<vmem>> -> memref<128xi32, #tpu.memory_space<vmem>>
    %dma_start3A_61 = tpu.memref_slice %arg3[%multiple_of3A_45] : memref<320000xi32, #tpu.memory_space<hbm>> -> memref<128xi32, #tpu.memory_space<hbm>>
    tpu.enqueue_dma source(%dma_start3A_61 : memref<128xi32, #tpu.memory_space<hbm>>) target(%dma_start3A_60 : memref<128xi32, #tpu.memory_space<vmem>>) target_semaphore(%dma_start3A_57 : memref<!tpu.dma_semaphore, #tpu.memory_space<semaphore_mem>>)
    %rem3A_62 = arith.constant 1 : i32
    %rem3A_63 = arith.constant 3 : i32
    %rem3A_64 = arith.remsi %rem3A_62, %rem3A_63 : i32
    %rem3A_65 = arith.constant 1 : i32
    %rem3A_66 = arith.constant 2 : i32
    %rem3A_67 = arith.remsi %rem3A_65, %rem3A_66 : i32
    %dma_start3A_68 = arith.constant 0 : i32
    %dma_start3A_69 = tpu.memref_slice %arg7[%rem3A_64, %dma_start3A_68] : memref<3x128xi32, #tpu.memory_space<vmem>> -> memref<1x128xi32, #tpu.memory_space<vmem>>
    %dma_start3A_70 = tpu.memref_squeeze %dma_start3A_69 : memref<1x128xi32, #tpu.memory_space<vmem>> -> memref<128xi32, #tpu.memory_space<vmem>>
    %dma_start3A_71 = tpu.memref_slice %arg4[%multiple_of3A_45] : memref<320000xi32, #tpu.memory_space<hbm>> -> memref<128xi32, #tpu.memory_space<hbm>>
    %dma_start3A_72 = tpu.memref_slice %arg10[%rem3A_67] : memref<2x!tpu.dma_semaphore, #tpu.memory_space<semaphore_mem>> -> memref<1x!tpu.dma_semaphore, #tpu.memory_space<semaphore_mem>>
    %dma_start3A_73 = tpu.memref_squeeze %dma_start3A_72 : memref<1x!tpu.dma_semaphore, #tpu.memory_space<semaphore_mem>> -> memref<!tpu.dma_semaphore, #tpu.memory_space<semaphore_mem>>
    %dma_start3A_74 = arith.constant 0 : i32
    %dma_start3A_75 = tpu.memref_slice %arg7[%rem3A_64, %dma_start3A_74] : memref<3x128xi32, #tpu.memory_space<vmem>> -> memref<1x128xi32, #tpu.memory_space<vmem>>
    %dma_start3A_76 = tpu.memref_squeeze %dma_start3A_75 : memref<1x128xi32, #tpu.memory_space<vmem>> -> memref<128xi32, #tpu.memory_space<vmem>>
    %dma_start3A_77 = tpu.memref_slice %arg4[%multiple_of3A_45] : memref<320000xi32, #tpu.memory_space<hbm>> -> memref<128xi32, #tpu.memory_space<hbm>>
    tpu.enqueue_dma source(%dma_start3A_77 : memref<128xi32, #tpu.memory_space<hbm>>) target(%dma_start3A_76 : memref<128xi32, #tpu.memory_space<vmem>>) target_semaphore(%dma_start3A_73 : memref<!tpu.dma_semaphore, #tpu.memory_space<semaphore_mem>>)
    %scan3A = arith.constant 0 : i32
    %scan3A_78 = arith.constant 1 : i32
    %scan3A_79 = arith.constant 0 : i32
    %scan3A_80 = arith.constant 128 : i32
    %scan3A_81 = arith.addi %scan3A_79, %scan3A_80 : i32
    %scan3A_82 = arith.constant 1 : i32
    scf.for %scan3A_335 = %scan3A_79 to %scan3A_81 step %scan3A_82  : i32 {
      %scan3A_336 = arith.constant 0 : i32
      %scan3A_337 = arith.constant 8 : i32
      %scan3A_338 = arith.addi %scan3A_336, %scan3A_337 : i32
      %scan3A_339 = arith.constant 1 : i32
      scf.for %scan3A_341 = %scan3A_336 to %scan3A_338 step %scan3A_339  : i32 {
        %broadcast_in_dim3A = arith.constant 0.000000e+00 : f32
        %broadcast_in_dim3A_342 = vector.broadcast %broadcast_in_dim3A : f32 to vector<16xf32>
        %mul3A_343 = arith.constant 16 : i32
        %mul3A_344 = arith.muli %scan3A_341, %mul3A_343 : i32
        %swap3A = arith.constant 0 : i32
        %swap3A_345 = arith.constant 0 : i32
        %swap3A_346 = tpu.memref_slice %arg8[%scan3A_78, %swap3A, %swap3A_345] : memref<2x128x128xf32, #tpu.memory_space<vmem>> -> memref<1x128x128xf32, #tpu.memory_space<vmem>>
        %swap3A_347 = tpu.memref_squeeze %swap3A_346 : memref<1x128x128xf32, #tpu.memory_space<vmem>> -> memref<128x128xf32, #tpu.memory_space<vmem>>
        %swap3A_348 = arith.index_cast %scan3A_335 : i32 to index
        %swap3A_349 = arith.index_cast %mul3A_344 : i32 to index
        %swap3A_350 = tpu.vector_load %swap3A_347[%swap3A_348, %swap3A_349] {strides = array<i32>} : memref<128x128xf32, #tpu.memory_space<vmem>>, vector<1x16xf32>,
        %swap3A_351 = vector.shape_cast %swap3A_350 : vector<1x16xf32> to vector<16xf32>
        %swap3A_352 = vector.shape_cast %broadcast_in_dim3A_342 : vector<16xf32> to vector<1x16xf32>
        tpu.vector_store %swap3A_347[%swap3A_348, %swap3A_349], %swap3A_352 {strides = array<i32>} : memref<128x128xf32, #tpu.memory_space<vmem>>, vector<1x16xf32>,
      }
      %scan3A_340 = arith.constant 8 : i32
    }
    %scan3A_83 = arith.constant 128 : i32
    %mul3A_84 = arith.constant 640 : i32
    %mul3A_85 = arith.muli %arg1, %mul3A_84 : i32
    %add3A_86 = arith.constant 0 : i32
    %add3A_87 = arith.addi %mul3A_85, %add3A_86 : i32
    %dma_start3A_88 = arith.constant 1 : i32
    %dma_start3A_89 = arith.constant 0 : i32
    %dma_start3A_90 = arith.constant 0 : i32
    %dma_start3A_91 = tpu.memref_slice %arg8[%dma_start3A_88, %dma_start3A_89, %dma_start3A_90] : memref<2x128x128xf32, #tpu.memory_space<vmem>> -> memref<1x128x128xf32, #tpu.memory_space<vmem>>
    %dma_start3A_92 = tpu.memref_squeeze %dma_start3A_91 : memref<1x128x128xf32, #tpu.memory_space<vmem>> -> memref<128x128xf32, #tpu.memory_space<vmem>>
    %dma_start3A_93 = arith.constant 0 : i32
    %dma_start3A_94 = tpu.memref_slice %arg9[%add3A_87, %dma_start3A_93] : memref<10240x128xf32, #tpu.memory_space<vmem_shared>> -> memref<128x128xf32, #tpu.memory_space<vmem_shared>>
    %dma_start3A_95 = arith.constant 0 : i32
    %dma_start3A_96 = tpu.memref_slice %arg9[%add3A_87, %dma_start3A_95] : memref<10240x128xf32, #tpu.memory_space<vmem_shared>> -> memref<128x128xf32, #tpu.memory_space<vmem_shared>>
    %dma_start3A_97 = arith.constant 0 : i32
    %dma_start3A_98 = arith.constant 0 : i32
    %dma_start3A_99 = tpu.memref_slice %arg8[%dma_start3A_88, %dma_start3A_97, %dma_start3A_98] : memref<2x128x128xf32, #tpu.memory_space<vmem>> -> memref<1x128x128xf32, #tpu.memory_space<vmem>>
    %dma_start3A_100 = tpu.memref_squeeze %dma_start3A_99 : memref<1x128x128xf32, #tpu.memory_space<vmem>> -> memref<128x128xf32, #tpu.memory_space<vmem>>
    tpu.enqueue_dma source(%dma_start3A_100 : memref<128x128xf32, #tpu.memory_space<vmem>>) target(%dma_start3A_96 : memref<128x128xf32, #tpu.memory_space<vmem_shared>>) target_semaphore(%arg12 : memref<!tpu.dma_semaphore, #tpu.memory_space<semaphore_mem>>)
    %mul3A_101 = arith.constant 640 : i32
    %mul3A_102 = arith.muli %arg1, %mul3A_101 : i32
    %add3A_103 = arith.constant 128 : i32
    %add3A_104 = arith.addi %mul3A_102, %add3A_103 : i32
    %dma_start3A_105 = arith.constant 1 : i32
    %dma_start3A_106 = arith.constant 0 : i32
    %dma_start3A_107 = arith.constant 0 : i32
    %dma_start3A_108 = tpu.memref_slice %arg8[%dma_start3A_105, %dma_start3A_106, %dma_start3A_107] : memref<2x128x128xf32, #tpu.memory_space<vmem>> -> memref<1x128x128xf32, #tpu.memory_space<vmem>>
    %dma_start3A_109 = tpu.memref_squeeze %dma_start3A_108 : memref<1x128x128xf32, #tpu.memory_space<vmem>> -> memref<128x128xf32, #tpu.memory_space<vmem>>
    %dma_start3A_110 = arith.constant 0 : i32
    %dma_start3A_111 = tpu.memref_slice %arg9[%add3A_104, %dma_start3A_110] : memref<10240x128xf32, #tpu.memory_space<vmem_shared>> -> memref<128x128xf32, #tpu.memory_space<vmem_shared>>
    %dma_start3A_112 = arith.constant 0 : i32
    %dma_start3A_113 = tpu.memref_slice %arg9[%add3A_104, %dma_start3A_112] : memref<10240x128xf32, #tpu.memory_space<vmem_shared>> -> memref<128x128xf32, #tpu.memory_space<vmem_shared>>
    %dma_start3A_114 = arith.constant 0 : i32
    %dma_start3A_115 = arith.constant 0 : i32
    %dma_start3A_116 = tpu.memref_slice %arg8[%dma_start3A_105, %dma_start3A_114, %dma_start3A_115] : memref<2x128x128xf32, #tpu.memory_space<vmem>> -> memref<1x128x128xf32, #tpu.memory_space<vmem>>
    %dma_start3A_117 = tpu.memref_squeeze %dma_start3A_116 : memref<1x128x128xf32, #tpu.memory_space<vmem>> -> memref<128x128xf32, #tpu.memory_space<vmem>>
    tpu.enqueue_dma source(%dma_start3A_117 : memref<128x128xf32, #tpu.memory_space<vmem>>) target(%dma_start3A_113 : memref<128x128xf32, #tpu.memory_space<vmem_shared>>) target_semaphore(%arg12 : memref<!tpu.dma_semaphore, #tpu.memory_space<semaphore_mem>>)
    %mul3A_118 = arith.constant 640 : i32
    %mul3A_119 = arith.muli %arg1, %mul3A_118 : i32
    %add3A_120 = arith.constant 256 : i32
    %add3A_121 = arith.addi %mul3A_119, %add3A_120 : i32
    %dma_start3A_122 = arith.constant 1 : i32
    %dma_start3A_123 = arith.constant 0 : i32
    %dma_start3A_124 = arith.constant 0 : i32
    %dma_start3A_125 = tpu.memref_slice %arg8[%dma_start3A_122, %dma_start3A_123, %dma_start3A_124] : memref<2x128x128xf32, #tpu.memory_space<vmem>> -> memref<1x128x128xf32, #tpu.memory_space<vmem>>
    %dma_start3A_126 = tpu.memref_squeeze %dma_start3A_125 : memref<1x128x128xf32, #tpu.memory_space<vmem>> -> memref<128x128xf32, #tpu.memory_space<vmem>>
    %dma_start3A_127 = arith.constant 0 : i32
    %dma_start3A_128 = tpu.memref_slice %arg9[%add3A_121, %dma_start3A_127] : memref<10240x128xf32, #tpu.memory_space<vmem_shared>> -> memref<128x128xf32, #tpu.memory_space<vmem_shared>>
    %dma_start3A_129 = arith.constant 0 : i32
    %dma_start3A_130 = tpu.memref_slice %arg9[%add3A_121, %dma_start3A_129] : memref<10240x128xf32, #tpu.memory_space<vmem_shared>> -> memref<128x128xf32, #tpu.memory_space<vmem_shared>>
    %dma_start3A_131 = arith.constant 0 : i32
    %dma_start3A_132 = arith.constant 0 : i32
    %dma_start3A_133 = tpu.memref_slice %arg8[%dma_start3A_122, %dma_start3A_131, %dma_start3A_132] : memref<2x128x128xf32, #tpu.memory_space<vmem>> -> memref<1x128x128xf32, #tpu.memory_space<vmem>>
    %dma_start3A_134 = tpu.memref_squeeze %dma_start3A_133 : memref<1x128x128xf32, #tpu.memory_space<vmem>> -> memref<128x128xf32, #tpu.memory_space<vmem>>
    tpu.enqueue_dma source(%dma_start3A_134 : memref<128x128xf32, #tpu.memory_space<vmem>>) target(%dma_start3A_130 : memref<128x128xf32, #tpu.memory_space<vmem_shared>>) target_semaphore(%arg12 : memref<!tpu.dma_semaphore, #tpu.memory_space<semaphore_mem>>)
    %mul3A_135 = arith.constant 640 : i32
    %mul3A_136 = arith.muli %arg1, %mul3A_135 : i32
    %add3A_137 = arith.constant 384 : i32
    %add3A_138 = arith.addi %mul3A_136, %add3A_137 : i32
    %dma_start3A_139 = arith.constant 1 : i32
    %dma_start3A_140 = arith.constant 0 : i32
    %dma_start3A_141 = arith.constant 0 : i32
    %dma_start3A_142 = tpu.memref_slice %arg8[%dma_start3A_139, %dma_start3A_140, %dma_start3A_141] : memref<2x128x128xf32, #tpu.memory_space<vmem>> -> memref<1x128x128xf32, #tpu.memory_space<vmem>>
    %dma_start3A_143 = tpu.memref_squeeze %dma_start3A_142 : memref<1x128x128xf32, #tpu.memory_space<vmem>> -> memref<128x128xf32, #tpu.memory_space<vmem>>
    %dma_start3A_144 = arith.constant 0 : i32
    %dma_start3A_145 = tpu.memref_slice %arg9[%add3A_138, %dma_start3A_144] : memref<10240x128xf32, #tpu.memory_space<vmem_shared>> -> memref<128x128xf32, #tpu.memory_space<vmem_shared>>
    %dma_start3A_146 = arith.constant 0 : i32
    %dma_start3A_147 = tpu.memref_slice %arg9[%add3A_138, %dma_start3A_146] : memref<10240x128xf32, #tpu.memory_space<vmem_shared>> -> memref<128x128xf32, #tpu.memory_space<vmem_shared>>
    %dma_start3A_148 = arith.constant 0 : i32
    %dma_start3A_149 = arith.constant 0 : i32
    %dma_start3A_150 = tpu.memref_slice %arg8[%dma_start3A_139, %dma_start3A_148, %dma_start3A_149] : memref<2x128x128xf32, #tpu.memory_space<vmem>> -> memref<1x128x128xf32, #tpu.memory_space<vmem>>
    %dma_start3A_151 = tpu.memref_squeeze %dma_start3A_150 : memref<1x128x128xf32, #tpu.memory_space<vmem>> -> memref<128x128xf32, #tpu.memory_space<vmem>>
    tpu.enqueue_dma source(%dma_start3A_151 : memref<128x128xf32, #tpu.memory_space<vmem>>) target(%dma_start3A_147 : memref<128x128xf32, #tpu.memory_space<vmem_shared>>) target_semaphore(%arg12 : memref<!tpu.dma_semaphore, #tpu.memory_space<semaphore_mem>>)
    %mul3A_152 = arith.constant 640 : i32
    %mul3A_153 = arith.muli %arg1, %mul3A_152 : i32
    %add3A_154 = arith.constant 512 : i32
    %add3A_155 = arith.addi %mul3A_153, %add3A_154 : i32
    %dma_start3A_156 = arith.constant 1 : i32
    %dma_start3A_157 = arith.constant 0 : i32
    %dma_start3A_158 = arith.constant 0 : i32
    %dma_start3A_159 = tpu.memref_slice %arg8[%dma_start3A_156, %dma_start3A_157, %dma_start3A_158] : memref<2x128x128xf32, #tpu.memory_space<vmem>> -> memref<1x128x128xf32, #tpu.memory_space<vmem>>
    %dma_start3A_160 = tpu.memref_squeeze %dma_start3A_159 : memref<1x128x128xf32, #tpu.memory_space<vmem>> -> memref<128x128xf32, #tpu.memory_space<vmem>>
    %dma_start3A_161 = arith.constant 0 : i32
    %dma_start3A_162 = tpu.memref_slice %arg9[%add3A_155, %dma_start3A_161] : memref<10240x128xf32, #tpu.memory_space<vmem_shared>> -> memref<128x128xf32, #tpu.memory_space<vmem_shared>>
    %dma_start3A_163 = arith.constant 0 : i32
    %dma_start3A_164 = tpu.memref_slice %arg9[%add3A_155, %dma_start3A_163] : memref<10240x128xf32, #tpu.memory_space<vmem_shared>> -> memref<128x128xf32, #tpu.memory_space<vmem_shared>>
    %dma_start3A_165 = arith.constant 0 : i32
    %dma_start3A_166 = arith.constant 0 : i32
    %dma_start3A_167 = tpu.memref_slice %arg8[%dma_start3A_156, %dma_start3A_165, %dma_start3A_166] : memref<2x128x128xf32, #tpu.memory_space<vmem>> -> memref<1x128x128xf32, #tpu.memory_space<vmem>>
    %dma_start3A_168 = tpu.memref_squeeze %dma_start3A_167 : memref<1x128x128xf32, #tpu.memory_space<vmem>> -> memref<128x128xf32, #tpu.memory_space<vmem>>
    tpu.enqueue_dma source(%dma_start3A_168 : memref<128x128xf32, #tpu.memory_space<vmem>>) target(%dma_start3A_164 : memref<128x128xf32, #tpu.memory_space<vmem_shared>>) target_semaphore(%arg12 : memref<!tpu.dma_semaphore, #tpu.memory_space<semaphore_mem>>)
    %add3A_169 = arith.constant 0 : i32
    %add3A_170 = arith.addi %mul3A_10, %add3A_169 : i32
    %multiple_of3A_171 = tpu.assume_multiple %add3A_170, 8 : i32
    %rem3A_172 = arith.constant 0 : i32
    %rem3A_173 = arith.constant 2 : i32
    %rem3A_174 = arith.remsi %rem3A_172, %rem3A_173 : i32
    %rem3A_175 = arith.constant 0 : i32
    %rem3A_176 = arith.constant 2 : i32
    %rem3A_177 = arith.remsi %rem3A_175, %rem3A_176 : i32
    %dma_wait3A = arith.constant 0 : i32
    %dma_wait3A_178 = tpu.memref_slice %arg6[%rem3A_174, %dma_wait3A] : memref<2x128xi32, #tpu.memory_space<vmem>> -> memref<1x128xi32, #tpu.memory_space<vmem>>
    %dma_wait3A_179 = tpu.memref_squeeze %dma_wait3A_178 : memref<1x128xi32, #tpu.memory_space<vmem>> -> memref<128xi32, #tpu.memory_space<vmem>>
    %dma_wait3A_180 = tpu.memref_slice %arg3[%multiple_of3A_171] : memref<320000xi32, #tpu.memory_space<hbm>> -> memref<128xi32, #tpu.memory_space<hbm>>
    %dma_wait3A_181 = tpu.memref_slice %arg10[%rem3A_177] : memref<2x!tpu.dma_semaphore, #tpu.memory_space<semaphore_mem>> -> memref<1x!tpu.dma_semaphore, #tpu.memory_space<semaphore_mem>>
    %dma_wait3A_182 = tpu.memref_squeeze %dma_wait3A_181 : memref<1x!tpu.dma_semaphore, #tpu.memory_space<semaphore_mem>> -> memref<!tpu.dma_semaphore, #tpu.memory_space<semaphore_mem>>
    %dma_wait3A_183 = arith.constant 0 : i32
    %dma_wait3A_184 = tpu.memref_slice %arg6[%rem3A_174, %dma_wait3A_183] : memref<2x128xi32, #tpu.memory_space<vmem>> -> memref<1x128xi32, #tpu.memory_space<vmem>>
    %dma_wait3A_185 = tpu.memref_squeeze %dma_wait3A_184 : memref<1x128xi32, #tpu.memory_space<vmem>> -> memref<128xi32, #tpu.memory_space<vmem>>
    %dma_wait3A_186 = tpu.memref_slice %arg3[%multiple_of3A_171] : memref<320000xi32, #tpu.memory_space<hbm>> -> memref<128xi32, #tpu.memory_space<hbm>>
    tpu.wait_dma2 semaphore(%dma_wait3A_182 : memref<!tpu.dma_semaphore, #tpu.memory_space<semaphore_mem>>) src(%dma_wait3A_186 : memref<128xi32, #tpu.memory_space<hbm>>) dst(%dma_wait3A_185 : memref<128xi32, #tpu.memory_space<vmem>>)
    %rem3A_187 = arith.constant 0 : i32
    %rem3A_188 = arith.constant 3 : i32
    %rem3A_189 = arith.remsi %rem3A_187, %rem3A_188 : i32
    %rem3A_190 = arith.constant 0 : i32
    %rem3A_191 = arith.constant 2 : i32
    %rem3A_192 = arith.remsi %rem3A_190, %rem3A_191 : i32
    %dma_wait3A_193 = arith.constant 0 : i32
    %dma_wait3A_194 = tpu.memref_slice %arg7[%rem3A_189, %dma_wait3A_193] : memref<3x128xi32, #tpu.memory_space<vmem>> -> memref<1x128xi32, #tpu.memory_space<vmem>>
    %dma_wait3A_195 = tpu.memref_squeeze %dma_wait3A_194 : memref<1x128xi32, #tpu.memory_space<vmem>> -> memref<128xi32, #tpu.memory_space<vmem>>
    %dma_wait3A_196 = tpu.memref_slice %arg4[%multiple_of3A_171] : memref<320000xi32, #tpu.memory_space<hbm>> -> memref<128xi32, #tpu.memory_space<hbm>>
    %dma_wait3A_197 = tpu.memref_slice %arg10[%rem3A_192] : memref<2x!tpu.dma_semaphore, #tpu.memory_space<semaphore_mem>> -> memref<1x!tpu.dma_semaphore, #tpu.memory_space<semaphore_mem>>
    %dma_wait3A_198 = tpu.memref_squeeze %dma_wait3A_197 : memref<1x!tpu.dma_semaphore, #tpu.memory_space<semaphore_mem>> -> memref<!tpu.dma_semaphore, #tpu.memory_space<semaphore_mem>>
    %dma_wait3A_199 = arith.constant 0 : i32
    %dma_wait3A_200 = tpu.memref_slice %arg7[%rem3A_189, %dma_wait3A_199] : memref<3x128xi32, #tpu.memory_space<vmem>> -> memref<1x128xi32, #tpu.memory_space<vmem>>
    %dma_wait3A_201 = tpu.memref_squeeze %dma_wait3A_200 : memref<1x128xi32, #tpu.memory_space<vmem>> -> memref<128xi32, #tpu.memory_space<vmem>>
    %dma_wait3A_202 = tpu.memref_slice %arg4[%multiple_of3A_171] : memref<320000xi32, #tpu.memory_space<hbm>> -> memref<128xi32, #tpu.memory_space<hbm>>
    tpu.wait_dma2 semaphore(%dma_wait3A_198 : memref<!tpu.dma_semaphore, #tpu.memory_space<semaphore_mem>>) src(%dma_wait3A_202 : memref<128xi32, #tpu.memory_space<hbm>>) dst(%dma_wait3A_201 : memref<128xi32, #tpu.memory_space<vmem>>)
    %dma_start3A_203 = arith.constant 0 : i32
    %dma_start3A_204 = arith.constant 0 : i32
    %dma_start3A_205 = arith.constant 0 : i32
    %dma_start3A_206 = arith.constant 0 : i32
    %dma_start3A_207 = arith.constant 0 : i32
    %dma_start3A_208 = tpu.memref_slice %arg8[%dma_start3A_204, %dma_start3A_206, %dma_start3A_207] : memref<2x128x128xf32, #tpu.memory_space<vmem>> -> memref<1x128x128xf32, #tpu.memory_space<vmem>>
    %dma_start3A_209 = tpu.memref_squeeze %dma_start3A_208 : memref<1x128x128xf32, #tpu.memory_space<vmem>> -> memref<128x128xf32, #tpu.memory_space<vmem>>
    %dma_start3A_210 = arith.constant 0 : i32
    %dma_start3A_211 = tpu.memref_slice %arg6[%dma_start3A_203, %dma_start3A_210] : memref<2x128xi32, #tpu.memory_space<vmem>> -> memref<1x128xi32, #tpu.memory_space<vmem>>
    %dma_start3A_212 = tpu.memref_squeeze %dma_start3A_211 : memref<1x128xi32, #tpu.memory_space<vmem>> -> memref<128xi32, #tpu.memory_space<vmem>>
    %dma_start3A_213 = arith.constant 0 : i32
    %dma_start3A_214 = arith.constant 0 : i32
    %dma_start3A_215 = tpu.memref_slice %arg2[%dma_start3A_213, %dma_start3A_214] : memref<10000x128xf32, #tpu.memory_space<hbm>> -> memref<10000x128xf32, #tpu.memory_space<hbm>>
    %dma_start3A_216 = tpu.memref_slice %arg11[%dma_start3A_205] : memref<2x!tpu.dma_semaphore, #tpu.memory_space<semaphore_mem>> -> memref<1x!tpu.dma_semaphore, #tpu.memory_space<semaphore_mem>>
    %dma_start3A_217 = tpu.memref_squeeze %dma_start3A_216 : memref<1x!tpu.dma_semaphore, #tpu.memory_space<semaphore_mem>> -> memref<!tpu.dma_semaphore, #tpu.memory_space<semaphore_mem>>
    tpu.enqueue_indirect_dma source(%dma_start3A_215 : memref<10000x128xf32, #tpu.memory_space<hbm>>) target(%dma_start3A_209 : memref<128x128xf32, #tpu.memory_space<vmem>>) offsets(%dma_start3A_212 : memref<128xi32, #tpu.memory_space<vmem>>) semaphore(%dma_start3A_217 : memref<!tpu.dma_semaphore, #tpu.memory_space<semaphore_mem>>)
    %mul3A_218 = arith.constant 640 : i32
    %mul3A_219 = arith.muli %arg1, %mul3A_218 : i32
    %add3A_220 = arith.constant 0 : i32
    %add3A_221 = arith.addi %mul3A_219, %add3A_220 : i32
    %dma_wait3A_222 = arith.constant 1 : i32
    %dma_wait3A_223 = arith.constant 0 : i32
    %dma_wait3A_224 = arith.constant 0 : i32
    %dma_wait3A_225 = tpu.memref_slice %arg8[%dma_wait3A_222, %dma_wait3A_223, %dma_wait3A_224] : memref<2x128x128xf32, #tpu.memory_space<vmem>> -> memref<1x128x128xf32, #tpu.memory_space<vmem>>
    %dma_wait3A_226 = tpu.memref_squeeze %dma_wait3A_225 : memref<1x128x128xf32, #tpu.memory_space<vmem>> -> memref<128x128xf32, #tpu.memory_space<vmem>>
    %dma_wait3A_227 = arith.constant 0 : i32
    %dma_wait3A_228 = tpu.memref_slice %arg9[%add3A_221, %dma_wait3A_227] : memref<10240x128xf32, #tpu.memory_space<vmem_shared>> -> memref<128x128xf32, #tpu.memory_space<vmem_shared>>
    %dma_wait3A_229 = arith.constant 0 : i32
    %dma_wait3A_230 = tpu.memref_slice %arg9[%add3A_221, %dma_wait3A_229] : memref<10240x128xf32, #tpu.memory_space<vmem_shared>> -> memref<128x128xf32, #tpu.memory_space<vmem_shared>>
    %dma_wait3A_231 = arith.constant 0 : i32
    %dma_wait3A_232 = arith.constant 0 : i32
    %dma_wait3A_233 = tpu.memref_slice %arg8[%dma_wait3A_222, %dma_wait3A_231, %dma_wait3A_232] : memref<2x128x128xf32, #tpu.memory_space<vmem>> -> memref<1x128x128xf32, #tpu.memory_space<vmem>>
    %dma_wait3A_234 = tpu.memref_squeeze %dma_wait3A_233 : memref<1x128x128xf32, #tpu.memory_space<vmem>> -> memref<128x128xf32, #tpu.memory_space<vmem>>
    tpu.wait_dma2 semaphore(%arg12 : memref<!tpu.dma_semaphore, #tpu.memory_space<semaphore_mem>>) src(%dma_wait3A_234 : memref<128x128xf32, #tpu.memory_space<vmem>>) dst(%dma_wait3A_230 : memref<128x128xf32, #tpu.memory_space<vmem_shared>>)
    %mul3A_235 = arith.constant 640 : i32
    %mul3A_236 = arith.muli %arg1, %mul3A_235 : i32
    %add3A_237 = arith.constant 128 : i32
    %add3A_238 = arith.addi %mul3A_236, %add3A_237 : i32
    %dma_wait3A_239 = arith.constant 1 : i32
    %dma_wait3A_240 = arith.constant 0 : i32
    %dma_wait3A_241 = arith.constant 0 : i32
    %dma_wait3A_242 = tpu.memref_slice %arg8[%dma_wait3A_239, %dma_wait3A_240, %dma_wait3A_241] : memref<2x128x128xf32, #tpu.memory_space<vmem>> -> memref<1x128x128xf32, #tpu.memory_space<vmem>>
    %dma_wait3A_243 = tpu.memref_squeeze %dma_wait3A_242 : memref<1x128x128xf32, #tpu.memory_space<vmem>> -> memref<128x128xf32, #tpu.memory_space<vmem>>
    %dma_wait3A_244 = arith.constant 0 : i32
    %dma_wait3A_245 = tpu.memref_slice %arg9[%add3A_238, %dma_wait3A_244] : memref<10240x128xf32, #tpu.memory_space<vmem_shared>> -> memref<128x128xf32, #tpu.memory_space<vmem_shared>>
    %dma_wait3A_246 = arith.constant 0 : i32
    %dma_wait3A_247 = tpu.memref_slice %arg9[%add3A_238, %dma_wait3A_246] : memref<10240x128xf32, #tpu.memory_space<vmem_shared>> -> memref<128x128xf32, #tpu.memory_space<vmem_shared>>
    %dma_wait3A_248 = arith.constant 0 : i32
    %dma_wait3A_249 = arith.constant 0 : i32
    %dma_wait3A_250 = tpu.memref_slice %arg8[%dma_wait3A_239, %dma_wait3A_248, %dma_wait3A_249] : memref<2x128x128xf32, #tpu.memory_space<vmem>> -> memref<1x128x128xf32, #tpu.memory_space<vmem>>
    %dma_wait3A_251 = tpu.memref_squeeze %dma_wait3A_250 : memref<1x128x128xf32, #tpu.memory_space<vmem>> -> memref<128x128xf32, #tpu.memory_space<vmem>>
    tpu.wait_dma2 semaphore(%arg12 : memref<!tpu.dma_semaphore, #tpu.memory_space<semaphore_mem>>) src(%dma_wait3A_251 : memref<128x128xf32, #tpu.memory_space<vmem>>) dst(%dma_wait3A_247 : memref<128x128xf32, #tpu.memory_space<vmem_shared>>)
    %mul3A_252 = arith.constant 640 : i32
    %mul3A_253 = arith.muli %arg1, %mul3A_252 : i32
    %add3A_254 = arith.constant 256 : i32
    %add3A_255 = arith.addi %mul3A_253, %add3A_254 : i32
    %dma_wait3A_256 = arith.constant 1 : i32
    %dma_wait3A_257 = arith.constant 0 : i32
    %dma_wait3A_258 = arith.constant 0 : i32
    %dma_wait3A_259 = tpu.memref_slice %arg8[%dma_wait3A_256, %dma_wait3A_257, %dma_wait3A_258] : memref<2x128x128xf32, #tpu.memory_space<vmem>> -> memref<1x128x128xf32, #tpu.memory_space<vmem>>
    %dma_wait3A_260 = tpu.memref_squeeze %dma_wait3A_259 : memref<1x128x128xf32, #tpu.memory_space<vmem>> -> memref<128x128xf32, #tpu.memory_space<vmem>>
    %dma_wait3A_261 = arith.constant 0 : i32
    %dma_wait3A_262 = tpu.memref_slice %arg9[%add3A_255, %dma_wait3A_261] : memref<10240x128xf32, #tpu.memory_space<vmem_shared>> -> memref<128x128xf32, #tpu.memory_space<vmem_shared>>
    %dma_wait3A_263 = arith.constant 0 : i32
    %dma_wait3A_264 = tpu.memref_slice %arg9[%add3A_255, %dma_wait3A_263] : memref<10240x128xf32, #tpu.memory_space<vmem_shared>> -> memref<128x128xf32, #tpu.memory_space<vmem_shared>>
    %dma_wait3A_265 = arith.constant 0 : i32
    %dma_wait3A_266 = arith.constant 0 : i32
    %dma_wait3A_267 = tpu.memref_slice %arg8[%dma_wait3A_256, %dma_wait3A_265, %dma_wait3A_266] : memref<2x128x128xf32, #tpu.memory_space<vmem>> -> memref<1x128x128xf32, #tpu.memory_space<vmem>>
    %dma_wait3A_268 = tpu.memref_squeeze %dma_wait3A_267 : memref<1x128x128xf32, #tpu.memory_space<vmem>> -> memref<128x128xf32, #tpu.memory_space<vmem>>
    tpu.wait_dma2 semaphore(%arg12 : memref<!tpu.dma_semaphore, #tpu.memory_space<semaphore_mem>>) src(%dma_wait3A_268 : memref<128x128xf32, #tpu.memory_space<vmem>>) dst(%dma_wait3A_264 : memref<128x128xf32, #tpu.memory_space<vmem_shared>>)
    %mul3A_269 = arith.constant 640 : i32
    %mul3A_270 = arith.muli %arg1, %mul3A_269 : i32
    %add3A_271 = arith.constant 384 : i32
    %add3A_272 = arith.addi %mul3A_270, %add3A_271 : i32
    %dma_wait3A_273 = arith.constant 1 : i32
    %dma_wait3A_274 = arith.constant 0 : i32
    %dma_wait3A_275 = arith.constant 0 : i32
    %dma_wait3A_276 = tpu.memref_slice %arg8[%dma_wait3A_273, %dma_wait3A_274, %dma_wait3A_275] : memref<2x128x128xf32, #tpu.memory_space<vmem>> -> memref<1x128x128xf32, #tpu.memory_space<vmem>>
    %dma_wait3A_277 = tpu.memref_squeeze %dma_wait3A_276 : memref<1x128x128xf32, #tpu.memory_space<vmem>> -> memref<128x128xf32, #tpu.memory_space<vmem>>
    %dma_wait3A_278 = arith.constant 0 : i32
    %dma_wait3A_279 = tpu.memref_slice %arg9[%add3A_272, %dma_wait3A_278] : memref<10240x128xf32, #tpu.memory_space<vmem_shared>> -> memref<128x128xf32, #tpu.memory_space<vmem_shared>>
    %dma_wait3A_280 = arith.constant 0 : i32
    %dma_wait3A_281 = tpu.memref_slice %arg9[%add3A_272, %dma_wait3A_280] : memref<10240x128xf32, #tpu.memory_space<vmem_shared>> -> memref<128x128xf32, #tpu.memory_space<vmem_shared>>
    %dma_wait3A_282 = arith.constant 0 : i32
    %dma_wait3A_283 = arith.constant 0 : i32
    %dma_wait3A_284 = tpu.memref_slice %arg8[%dma_wait3A_273, %dma_wait3A_282, %dma_wait3A_283] : memref<2x128x128xf32, #tpu.memory_space<vmem>> -> memref<1x128x128xf32, #tpu.memory_space<vmem>>
    %dma_wait3A_285 = tpu.memref_squeeze %dma_wait3A_284 : memref<1x128x128xf32, #tpu.memory_space<vmem>> -> memref<128x128xf32, #tpu.memory_space<vmem>>
    tpu.wait_dma2 semaphore(%arg12 : memref<!tpu.dma_semaphore, #tpu.memory_space<semaphore_mem>>) src(%dma_wait3A_285 : memref<128x128xf32, #tpu.memory_space<vmem>>) dst(%dma_wait3A_281 : memref<128x128xf32, #tpu.memory_space<vmem_shared>>)
    %mul3A_286 = arith.constant 640 : i32
    %mul3A_287 = arith.muli %arg1, %mul3A_286 : i32
    %add3A_288 = arith.constant 512 : i32
    %add3A_289 = arith.addi %mul3A_287, %add3A_288 : i32
    %dma_wait3A_290 = arith.constant 1 : i32
    %dma_wait3A_291 = arith.constant 0 : i32
    %dma_wait3A_292 = arith.constant 0 : i32
    %dma_wait3A_293 = tpu.memref_slice %arg8[%dma_wait3A_290, %dma_wait3A_291, %dma_wait3A_292] : memref<2x128x128xf32, #tpu.memory_space<vmem>> -> memref<1x128x128xf32, #tpu.memory_space<vmem>>
    %dma_wait3A_294 = tpu.memref_squeeze %dma_wait3A_293 : memref<1x128x128xf32, #tpu.memory_space<vmem>> -> memref<128x128xf32, #tpu.memory_space<vmem>>
    %dma_wait3A_295 = arith.constant 0 : i32
    %dma_wait3A_296 = tpu.memref_slice %arg9[%add3A_289, %dma_wait3A_295] : memref<10240x128xf32, #tpu.memory_space<vmem_shared>> -> memref<128x128xf32, #tpu.memory_space<vmem_shared>>
    %dma_wait3A_297 = arith.constant 0 : i32
    %dma_wait3A_298 = tpu.memref_slice %arg9[%add3A_289, %dma_wait3A_297] : memref<10240x128xf32, #tpu.memory_space<vmem_shared>> -> memref<128x128xf32, #tpu.memory_space<vmem_shared>>
    %dma_wait3A_299 = arith.constant 0 : i32
    %dma_wait3A_300 = arith.constant 0 : i32
    %dma_wait3A_301 = tpu.memref_slice %arg8[%dma_wait3A_290, %dma_wait3A_299, %dma_wait3A_300] : memref<2x128x128xf32, #tpu.memory_space<vmem>> -> memref<1x128x128xf32, #tpu.memory_space<vmem>>
    %dma_wait3A_302 = tpu.memref_squeeze %dma_wait3A_301 : memref<1x128x128xf32, #tpu.memory_space<vmem>> -> memref<128x128xf32, #tpu.memory_space<vmem>>
    tpu.wait_dma2 semaphore(%arg12 : memref<!tpu.dma_semaphore, #tpu.memory_space<semaphore_mem>>) src(%dma_wait3A_302 : memref<128x128xf32, #tpu.memory_space<vmem>>) dst(%dma_wait3A_298 : memref<128x128xf32, #tpu.memory_space<vmem_shared>>)
    %barrier3A = arith.constant 0 : index
    tpu.barrier barrier_id(%barrier3A)
    %while3A = arith.constant 0 : i32
    %while3A_303 = arith.constant 0 : i32
    %while3A_304 = arith.subi %add3A_4, %while3A_303 : i32
    %while3A_305 = arith.addi %while3A_303, %while3A_304 : i32
    %while3A_306 = arith.constant 1 : i32
    %while3A_307 = arith.divsi %while3A_304, %while3A_306 : i32
    %while3A_308 = arith.muli %while3A_307, %while3A_306 : i32
    %while3A_309 = arith.addi %while3A_303, %while3A_308 : i32
    %while3A_310 = arith.constant 1 : i32
    scf.for %while3A_335 = %while3A_303 to %while3A_309 step %while3A_310  : i32 {
      %rem3A_336 = arith.constant 2 : i32
      %rem3A_337 = arith.remsi %while3A_335, %rem3A_336 : i32
      %gt3A = arith.constant 0 : i32
      %gt3A_338 = arith.cmpi sgt, %while3A_335, %gt3A : i32
      %convert_element_type3A = arith.extui %gt3A_338 : i1 to i32
      %cond3A = arith.constant 0 : i32
      %cond3A_339 = arith.cmpi ne, %convert_element_type3A, %cond3A : i32
      scf.if %cond3A_339 {
        %sub3A_376 = arith.constant 1 : i32
        %sub3A_377 = arith.subi %while3A_335, %sub3A_376 : i32
        %sub3A_378 = arith.constant 1 : i32
        %sub3A_379 = arith.subi %sub3A_378, %rem3A_337 : i32
        %rem3A_380 = arith.constant 3 : i32
        %rem3A_381 = arith.remsi %sub3A_377, %rem3A_380 : i32
        %dma_wait3A_382 = arith.constant 0 : i32
        %dma_wait3A_383 = arith.constant 0 : i32
        %dma_wait3A_384 = tpu.memref_slice %arg8[%sub3A_379, %dma_wait3A_382, %dma_wait3A_383] : memref<2x128x128xf32, #tpu.memory_space<vmem>> -> memref<1x128x128xf32, #tpu.memory_space<vmem>>
        %dma_wait3A_385 = tpu.memref_squeeze %dma_wait3A_384 : memref<1x128x128xf32, #tpu.memory_space<vmem>> -> memref<128x128xf32, #tpu.memory_space<vmem>>
        %dma_wait3A_386 = arith.constant 0 : i32
        %dma_wait3A_387 = tpu.memref_slice %arg7[%rem3A_381, %dma_wait3A_386] : memref<3x128xi32, #tpu.memory_space<vmem>> -> memref<1x128xi32, #tpu.memory_space<vmem>>
        %dma_wait3A_388 = tpu.memref_squeeze %dma_wait3A_387 : memref<1x128xi32, #tpu.memory_space<vmem>> -> memref<128xi32, #tpu.memory_space<vmem>>
        %dma_wait3A_389 = arith.constant 0 : i32
        %dma_wait3A_390 = arith.constant 0 : i32
        %dma_wait3A_391 = tpu.memref_slice %arg9[%dma_wait3A_389, %dma_wait3A_390] : memref<10240x128xf32, #tpu.memory_space<vmem_shared>> -> memref<10240x128xf32, #tpu.memory_space<vmem_shared>>
        tpu.wait_indirect_dma semaphore(%arg12 : memref<!tpu.dma_semaphore, #tpu.memory_space<semaphore_mem>>) src(%dma_wait3A_385 : memref<128x128xf32, #tpu.memory_space<vmem>>) dst(%dma_wait3A_391 : memref<10240x128xf32, #tpu.memory_space<vmem_shared>>)
      } else {
      }
      %add3A_340 = arith.constant 1 : i32
      %add3A_341 = arith.addi %while3A_335, %add3A_340 : i32
      %lt3A_342 = arith.cmpi slt, %add3A_341, %add3A_4 : i32
      %convert_element_type3A_343 = arith.extui %lt3A_342 : i1 to i32
      %cond3A_344 = arith.constant 0 : i32
      %cond3A_345 = arith.cmpi ne, %convert_element_type3A_343, %cond3A_344 : i32
      scf.if %cond3A_345 {
        %add3A_376 = arith.constant 1 : i32
        %add3A_377 = arith.addi %while3A_335, %add3A_376 : i32
        %mul3A_378 = arith.constant 128 : i32
        %mul3A_379 = arith.muli %add3A_377, %mul3A_378 : i32
        %add3A_380 = arith.addi %mul3A_10, %mul3A_379 : i32
        %multiple_of3A_381 = tpu.assume_multiple %add3A_380, 8 : i32
        %rem3A_382 = arith.constant 2 : i32
        %rem3A_383 = arith.remsi %add3A_377, %rem3A_382 : i32
        %rem3A_384 = arith.constant 2 : i32
        %rem3A_385 = arith.remsi %add3A_377, %rem3A_384 : i32
        %dma_wait3A_386 = arith.constant 0 : i32
        %dma_wait3A_387 = tpu.memref_slice %arg6[%rem3A_383, %dma_wait3A_386] : memref<2x128xi32, #tpu.memory_space<vmem>> -> memref<1x128xi32, #tpu.memory_space<vmem>>
        %dma_wait3A_388 = tpu.memref_squeeze %dma_wait3A_387 : memref<1x128xi32, #tpu.memory_space<vmem>> -> memref<128xi32, #tpu.memory_space<vmem>>
        %dma_wait3A_389 = tpu.memref_slice %arg3[%multiple_of3A_381] : memref<320000xi32, #tpu.memory_space<hbm>> -> memref<128xi32, #tpu.memory_space<hbm>>
        %dma_wait3A_390 = tpu.memref_slice %arg10[%rem3A_385] : memref<2x!tpu.dma_semaphore, #tpu.memory_space<semaphore_mem>> -> memref<1x!tpu.dma_semaphore, #tpu.memory_space<semaphore_mem>>
        %dma_wait3A_391 = tpu.memref_squeeze %dma_wait3A_390 : memref<1x!tpu.dma_semaphore, #tpu.memory_space<semaphore_mem>> -> memref<!tpu.dma_semaphore, #tpu.memory_space<semaphore_mem>>
        %dma_wait3A_392 = arith.constant 0 : i32
        %dma_wait3A_393 = tpu.memref_slice %arg6[%rem3A_383, %dma_wait3A_392] : memref<2x128xi32, #tpu.memory_space<vmem>> -> memref<1x128xi32, #tpu.memory_space<vmem>>
        %dma_wait3A_394 = tpu.memref_squeeze %dma_wait3A_393 : memref<1x128xi32, #tpu.memory_space<vmem>> -> memref<128xi32, #tpu.memory_space<vmem>>
        %dma_wait3A_395 = tpu.memref_slice %arg3[%multiple_of3A_381] : memref<320000xi32, #tpu.memory_space<hbm>> -> memref<128xi32, #tpu.memory_space<hbm>>
        tpu.wait_dma2 semaphore(%dma_wait3A_391 : memref<!tpu.dma_semaphore, #tpu.memory_space<semaphore_mem>>) src(%dma_wait3A_395 : memref<128xi32, #tpu.memory_space<hbm>>) dst(%dma_wait3A_394 : memref<128xi32, #tpu.memory_space<vmem>>)
        %rem3A_396 = arith.constant 3 : i32
        %rem3A_397 = arith.remsi %add3A_377, %rem3A_396 : i32
        %rem3A_398 = arith.constant 2 : i32
        %rem3A_399 = arith.remsi %add3A_377, %rem3A_398 : i32
        %dma_wait3A_400 = arith.constant 0 : i32
        %dma_wait3A_401 = tpu.memref_slice %arg7[%rem3A_397, %dma_wait3A_400] : memref<3x128xi32, #tpu.memory_space<vmem>> -> memref<1x128xi32, #tpu.memory_space<vmem>>
        %dma_wait3A_402 = tpu.memref_squeeze %dma_wait3A_401 : memref<1x128xi32, #tpu.memory_space<vmem>> -> memref<128xi32, #tpu.memory_space<vmem>>
        %dma_wait3A_403 = tpu.memref_slice %arg4[%multiple_of3A_381] : memref<320000xi32, #tpu.memory_space<hbm>> -> memref<128xi32, #tpu.memory_space<hbm>>
        %dma_wait3A_404 = tpu.memref_slice %arg10[%rem3A_399] : memref<2x!tpu.dma_semaphore, #tpu.memory_space<semaphore_mem>> -> memref<1x!tpu.dma_semaphore, #tpu.memory_space<semaphore_mem>>
        %dma_wait3A_405 = tpu.memref_squeeze %dma_wait3A_404 : memref<1x!tpu.dma_semaphore, #tpu.memory_space<semaphore_mem>> -> memref<!tpu.dma_semaphore, #tpu.memory_space<semaphore_mem>>
        %dma_wait3A_406 = arith.constant 0 : i32
        %dma_wait3A_407 = tpu.memref_slice %arg7[%rem3A_397, %dma_wait3A_406] : memref<3x128xi32, #tpu.memory_space<vmem>> -> memref<1x128xi32, #tpu.memory_space<vmem>>
        %dma_wait3A_408 = tpu.memref_squeeze %dma_wait3A_407 : memref<1x128xi32, #tpu.memory_space<vmem>> -> memref<128xi32, #tpu.memory_space<vmem>>
        %dma_wait3A_409 = tpu.memref_slice %arg4[%multiple_of3A_381] : memref<320000xi32, #tpu.memory_space<hbm>> -> memref<128xi32, #tpu.memory_space<hbm>>
        tpu.wait_dma2 semaphore(%dma_wait3A_405 : memref<!tpu.dma_semaphore, #tpu.memory_space<semaphore_mem>>) src(%dma_wait3A_409 : memref<128xi32, #tpu.memory_space<hbm>>) dst(%dma_wait3A_408 : memref<128xi32, #tpu.memory_space<vmem>>)
        %add3A_410 = arith.constant 1 : i32
        %add3A_411 = arith.addi %while3A_335, %add3A_410 : i32
        %sub3A_412 = arith.constant 1 : i32
        %sub3A_413 = arith.subi %sub3A_412, %rem3A_337 : i32
        %dma_start3A_414 = arith.constant 0 : i32
        %dma_start3A_415 = arith.constant 0 : i32
        %dma_start3A_416 = tpu.memref_slice %arg8[%sub3A_413, %dma_start3A_414, %dma_start3A_415] : memref<2x128x128xf32, #tpu.memory_space<vmem>> -> memref<1x128x128xf32, #tpu.memory_space<vmem>>
        %dma_start3A_417 = tpu.memref_squeeze %dma_start3A_416 : memref<1x128x128xf32, #tpu.memory_space<vmem>> -> memref<128x128xf32, #tpu.memory_space<vmem>>
        %dma_start3A_418 = arith.constant 0 : i32
        %dma_start3A_419 = tpu.memref_slice %arg6[%sub3A_413, %dma_start3A_418] : memref<2x128xi32, #tpu.memory_space<vmem>> -> memref<1x128xi32, #tpu.memory_space<vmem>>
        %dma_start3A_420 = tpu.memref_squeeze %dma_start3A_419 : memref<1x128xi32, #tpu.memory_space<vmem>> -> memref<128xi32, #tpu.memory_space<vmem>>
        %dma_start3A_421 = arith.constant 0 : i32
        %dma_start3A_422 = arith.constant 0 : i32
        %dma_start3A_423 = tpu.memref_slice %arg2[%dma_start3A_421, %dma_start3A_422] : memref<10000x128xf32, #tpu.memory_space<hbm>> -> memref<10000x128xf32, #tpu.memory_space<hbm>>
        %dma_start3A_424 = tpu.memref_slice %arg11[%sub3A_413] : memref<2x!tpu.dma_semaphore, #tpu.memory_space<semaphore_mem>> -> memref<1x!tpu.dma_semaphore, #tpu.memory_space<semaphore_mem>>
        %dma_start3A_425 = tpu.memref_squeeze %dma_start3A_424 : memref<1x!tpu.dma_semaphore, #tpu.memory_space<semaphore_mem>> -> memref<!tpu.dma_semaphore, #tpu.memory_space<semaphore_mem>>
        tpu.enqueue_indirect_dma source(%dma_start3A_423 : memref<10000x128xf32, #tpu.memory_space<hbm>>) target(%dma_start3A_417 : memref<128x128xf32, #tpu.memory_space<vmem>>) offsets(%dma_start3A_420 : memref<128xi32, #tpu.memory_space<vmem>>) semaphore(%dma_start3A_425 : memref<!tpu.dma_semaphore, #tpu.memory_space<semaphore_mem>>)
      } else {
      }
      %dma_wait3A_346 = arith.constant 0 : i32
      %dma_wait3A_347 = arith.constant 0 : i32
      %dma_wait3A_348 = tpu.memref_slice %arg8[%rem3A_337, %dma_wait3A_346, %dma_wait3A_347] : memref<2x128x128xf32, #tpu.memory_space<vmem>> -> memref<1x128x128xf32, #tpu.memory_space<vmem>>
      %dma_wait3A_349 = tpu.memref_squeeze %dma_wait3A_348 : memref<1x128x128xf32, #tpu.memory_space<vmem>> -> memref<128x128xf32, #tpu.memory_space<vmem>>
      %dma_wait3A_350 = arith.constant 0 : i32
      %dma_wait3A_351 = tpu.memref_slice %arg6[%rem3A_337, %dma_wait3A_350] : memref<2x128xi32, #tpu.memory_space<vmem>> -> memref<1x128xi32, #tpu.memory_space<vmem>>
      %dma_wait3A_352 = tpu.memref_squeeze %dma_wait3A_351 : memref<1x128xi32, #tpu.memory_space<vmem>> -> memref<128xi32, #tpu.memory_space<vmem>>
      %dma_wait3A_353 = arith.constant 0 : i32
      %dma_wait3A_354 = arith.constant 0 : i32
      %dma_wait3A_355 = tpu.memref_slice %arg2[%dma_wait3A_353, %dma_wait3A_354] : memref<10000x128xf32, #tpu.memory_space<hbm>> -> memref<10000x128xf32, #tpu.memory_space<hbm>>
      %dma_wait3A_356 = tpu.memref_slice %arg11[%rem3A_337] : memref<2x!tpu.dma_semaphore, #tpu.memory_space<semaphore_mem>> -> memref<1x!tpu.dma_semaphore, #tpu.memory_space<semaphore_mem>>
      %dma_wait3A_357 = tpu.memref_squeeze %dma_wait3A_356 : memref<1x!tpu.dma_semaphore, #tpu.memory_space<semaphore_mem>> -> memref<!tpu.dma_semaphore, #tpu.memory_space<semaphore_mem>>
      tpu.wait_indirect_dma semaphore(%dma_wait3A_357 : memref<!tpu.dma_semaphore, #tpu.memory_space<semaphore_mem>>) src(%dma_wait3A_355 : memref<10000x128xf32, #tpu.memory_space<hbm>>) dst(%dma_wait3A_349 : memref<128x128xf32, #tpu.memory_space<vmem>>)
      %rem3A_358 = arith.constant 3 : i32
      %rem3A_359 = arith.remsi %while3A_335, %rem3A_358 : i32
      %dma_start3A_360 = arith.constant 0 : i32
      %dma_start3A_361 = arith.constant 0 : i32
      %dma_start3A_362 = tpu.memref_slice %arg8[%rem3A_337, %dma_start3A_360, %dma_start3A_361] : memref<2x128x128xf32, #tpu.memory_space<vmem>> -> memref<1x128x128xf32, #tpu.memory_space<vmem>>
      %dma_start3A_363 = tpu.memref_squeeze %dma_start3A_362 : memref<1x128x128xf32, #tpu.memory_space<vmem>> -> memref<128x128xf32, #tpu.memory_space<vmem>>
      %dma_start3A_364 = arith.constant 0 : i32
      %dma_start3A_365 = tpu.memref_slice %arg7[%rem3A_359, %dma_start3A_364] : memref<3x128xi32, #tpu.memory_space<vmem>> -> memref<1x128xi32, #tpu.memory_space<vmem>>
      %dma_start3A_366 = tpu.memref_squeeze %dma_start3A_365 : memref<1x128xi32, #tpu.memory_space<vmem>> -> memref<128xi32, #tpu.memory_space<vmem>>
      %dma_start3A_367 = arith.constant 0 : i32
      %dma_start3A_368 = arith.constant 0 : i32
      %dma_start3A_369 = tpu.memref_slice %arg9[%dma_start3A_367, %dma_start3A_368] : memref<10240x128xf32, #tpu.memory_space<vmem_shared>> -> memref<10240x128xf32, #tpu.memory_space<vmem_shared>>
      tpu.enqueue_indirect_dma source(%dma_start3A_363 : memref<128x128xf32, #tpu.memory_space<vmem>>) target(%dma_start3A_369 : memref<10240x128xf32, #tpu.memory_space<vmem_shared>>) offsets(%dma_start3A_366 : memref<128xi32, #tpu.memory_space<vmem>>) semaphore(%arg12 : memref<!tpu.dma_semaphore, #tpu.memory_space<semaphore_mem>>) {add = true}
      %add3A_370 = arith.constant 2 : i32
      %add3A_371 = arith.addi %while3A_335, %add3A_370 : i32
      %lt3A_372 = arith.cmpi slt, %add3A_371, %add3A_4 : i32
      %convert_element_type3A_373 = arith.extui %lt3A_372 : i1 to i32
      %cond3A_374 = arith.constant 0 : i32
      %cond3A_375 = arith.cmpi ne, %convert_element_type3A_373, %cond3A_374 : i32
      scf.if %cond3A_375 {
        %add3A_376 = arith.constant 2 : i32
        %add3A_377 = arith.addi %while3A_335, %add3A_376 : i32
        %mul3A_378 = arith.constant 128 : i32
        %mul3A_379 = arith.muli %add3A_377, %mul3A_378 : i32
        %add3A_380 = arith.addi %mul3A_10, %mul3A_379 : i32
        %multiple_of3A_381 = tpu.assume_multiple %add3A_380, 8 : i32
        %rem3A_382 = arith.constant 2 : i32
        %rem3A_383 = arith.remsi %add3A_377, %rem3A_382 : i32
        %rem3A_384 = arith.constant 2 : i32
        %rem3A_385 = arith.remsi %add3A_377, %rem3A_384 : i32
        %dma_start3A_386 = arith.constant 0 : i32
        %dma_start3A_387 = tpu.memref_slice %arg6[%rem3A_383, %dma_start3A_386] : memref<2x128xi32, #tpu.memory_space<vmem>> -> memref<1x128xi32, #tpu.memory_space<vmem>>
        %dma_start3A_388 = tpu.memref_squeeze %dma_start3A_387 : memref<1x128xi32, #tpu.memory_space<vmem>> -> memref<128xi32, #tpu.memory_space<vmem>>
        %dma_start3A_389 = tpu.memref_slice %arg3[%multiple_of3A_381] : memref<320000xi32, #tpu.memory_space<hbm>> -> memref<128xi32, #tpu.memory_space<hbm>>
        %dma_start3A_390 = tpu.memref_slice %arg10[%rem3A_385] : memref<2x!tpu.dma_semaphore, #tpu.memory_space<semaphore_mem>> -> memref<1x!tpu.dma_semaphore, #tpu.memory_space<semaphore_mem>>
        %dma_start3A_391 = tpu.memref_squeeze %dma_start3A_390 : memref<1x!tpu.dma_semaphore, #tpu.memory_space<semaphore_mem>> -> memref<!tpu.dma_semaphore, #tpu.memory_space<semaphore_mem>>
        %dma_start3A_392 = arith.constant 0 : i32
        %dma_start3A_393 = tpu.memref_slice %arg6[%rem3A_383, %dma_start3A_392] : memref<2x128xi32, #tpu.memory_space<vmem>> -> memref<1x128xi32, #tpu.memory_space<vmem>>
        %dma_start3A_394 = tpu.memref_squeeze %dma_start3A_393 : memref<1x128xi32, #tpu.memory_space<vmem>> -> memref<128xi32, #tpu.memory_space<vmem>>
        %dma_start3A_395 = tpu.memref_slice %arg3[%multiple_of3A_381] : memref<320000xi32, #tpu.memory_space<hbm>> -> memref<128xi32, #tpu.memory_space<hbm>>
        tpu.enqueue_dma source(%dma_start3A_395 : memref<128xi32, #tpu.memory_space<hbm>>) target(%dma_start3A_394 : memref<128xi32, #tpu.memory_space<vmem>>) target_semaphore(%dma_start3A_391 : memref<!tpu.dma_semaphore, #tpu.memory_space<semaphore_mem>>)
        %rem3A_396 = arith.constant 3 : i32
        %rem3A_397 = arith.remsi %add3A_377, %rem3A_396 : i32
        %rem3A_398 = arith.constant 2 : i32
        %rem3A_399 = arith.remsi %add3A_377, %rem3A_398 : i32
        %dma_start3A_400 = arith.constant 0 : i32
        %dma_start3A_401 = tpu.memref_slice %arg7[%rem3A_397, %dma_start3A_400] : memref<3x128xi32, #tpu.memory_space<vmem>> -> memref<1x128xi32, #tpu.memory_space<vmem>>
        %dma_start3A_402 = tpu.memref_squeeze %dma_start3A_401 : memref<1x128xi32, #tpu.memory_space<vmem>> -> memref<128xi32, #tpu.memory_space<vmem>>
        %dma_start3A_403 = tpu.memref_slice %arg4[%multiple_of3A_381] : memref<320000xi32, #tpu.memory_space<hbm>> -> memref<128xi32, #tpu.memory_space<hbm>>
        %dma_start3A_404 = tpu.memref_slice %arg10[%rem3A_399] : memref<2x!tpu.dma_semaphore, #tpu.memory_space<semaphore_mem>> -> memref<1x!tpu.dma_semaphore, #tpu.memory_space<semaphore_mem>>
        %dma_start3A_405 = tpu.memref_squeeze %dma_start3A_404 : memref<1x!tpu.dma_semaphore, #tpu.memory_space<semaphore_mem>> -> memref<!tpu.dma_semaphore, #tpu.memory_space<semaphore_mem>>
        %dma_start3A_406 = arith.constant 0 : i32
        %dma_start3A_407 = tpu.memref_slice %arg7[%rem3A_397, %dma_start3A_406] : memref<3x128xi32, #tpu.memory_space<vmem>> -> memref<1x128xi32, #tpu.memory_space<vmem>>
        %dma_start3A_408 = tpu.memref_squeeze %dma_start3A_407 : memref<1x128xi32, #tpu.memory_space<vmem>> -> memref<128xi32, #tpu.memory_space<vmem>>
        %dma_start3A_409 = tpu.memref_slice %arg4[%multiple_of3A_381] : memref<320000xi32, #tpu.memory_space<hbm>> -> memref<128xi32, #tpu.memory_space<hbm>>
        tpu.enqueue_dma source(%dma_start3A_409 : memref<128xi32, #tpu.memory_space<hbm>>) target(%dma_start3A_408 : memref<128xi32, #tpu.memory_space<vmem>>) target_semaphore(%dma_start3A_405 : memref<!tpu.dma_semaphore, #tpu.memory_space<semaphore_mem>>)
      } else {
      }
    }
    %while3A_311 = arith.constant 1 : i32
    scf.for %while3A_335 = %while3A_309 to %while3A_305 step %while3A_311  : i32 {
      %rem3A_336 = arith.constant 2 : i32
      %rem3A_337 = arith.remsi %while3A_335, %rem3A_336 : i32
      %gt3A = arith.constant 0 : i32
      %gt3A_338 = arith.cmpi sgt, %while3A_335, %gt3A : i32
      %convert_element_type3A = arith.extui %gt3A_338 : i1 to i32
      %cond3A = arith.constant 0 : i32
      %cond3A_339 = arith.cmpi ne, %convert_element_type3A, %cond3A : i32
      scf.if %cond3A_339 {
        %sub3A_376 = arith.constant 1 : i32
        %sub3A_377 = arith.subi %while3A_335, %sub3A_376 : i32
        %sub3A_378 = arith.constant 1 : i32
        %sub3A_379 = arith.subi %sub3A_378, %rem3A_337 : i32
        %rem3A_380 = arith.constant 3 : i32
        %rem3A_381 = arith.remsi %sub3A_377, %rem3A_380 : i32
        %dma_wait3A_382 = arith.constant 0 : i32
        %dma_wait3A_383 = arith.constant 0 : i32
        %dma_wait3A_384 = tpu.memref_slice %arg8[%sub3A_379, %dma_wait3A_382, %dma_wait3A_383] : memref<2x128x128xf32, #tpu.memory_space<vmem>> -> memref<1x128x128xf32, #tpu.memory_space<vmem>>
        %dma_wait3A_385 = tpu.memref_squeeze %dma_wait3A_384 : memref<1x128x128xf32, #tpu.memory_space<vmem>> -> memref<128x128xf32, #tpu.memory_space<vmem>>
        %dma_wait3A_386 = arith.constant 0 : i32
        %dma_wait3A_387 = tpu.memref_slice %arg7[%rem3A_381, %dma_wait3A_386] : memref<3x128xi32, #tpu.memory_space<vmem>> -> memref<1x128xi32, #tpu.memory_space<vmem>>
        %dma_wait3A_388 = tpu.memref_squeeze %dma_wait3A_387 : memref<1x128xi32, #tpu.memory_space<vmem>> -> memref<128xi32, #tpu.memory_space<vmem>>
        %dma_wait3A_389 = arith.constant 0 : i32
        %dma_wait3A_390 = arith.constant 0 : i32
        %dma_wait3A_391 = tpu.memref_slice %arg9[%dma_wait3A_389, %dma_wait3A_390] : memref<10240x128xf32, #tpu.memory_space<vmem_shared>> -> memref<10240x128xf32, #tpu.memory_space<vmem_shared>>
        tpu.wait_indirect_dma semaphore(%arg12 : memref<!tpu.dma_semaphore, #tpu.memory_space<semaphore_mem>>) src(%dma_wait3A_385 : memref<128x128xf32, #tpu.memory_space<vmem>>) dst(%dma_wait3A_391 : memref<10240x128xf32, #tpu.memory_space<vmem_shared>>)
      } else {
      }
      %add3A_340 = arith.constant 1 : i32
      %add3A_341 = arith.addi %while3A_335, %add3A_340 : i32
      %lt3A_342 = arith.cmpi slt, %add3A_341, %add3A_4 : i32
      %convert_element_type3A_343 = arith.extui %lt3A_342 : i1 to i32
      %cond3A_344 = arith.constant 0 : i32
      %cond3A_345 = arith.cmpi ne, %convert_element_type3A_343, %cond3A_344 : i32
      scf.if %cond3A_345 {
        %add3A_376 = arith.constant 1 : i32
        %add3A_377 = arith.addi %while3A_335, %add3A_376 : i32
        %mul3A_378 = arith.constant 128 : i32
        %mul3A_379 = arith.muli %add3A_377, %mul3A_378 : i32
        %add3A_380 = arith.addi %mul3A_10, %mul3A_379 : i32
        %multiple_of3A_381 = tpu.assume_multiple %add3A_380, 8 : i32
        %rem3A_382 = arith.constant 2 : i32
        %rem3A_383 = arith.remsi %add3A_377, %rem3A_382 : i32
        %rem3A_384 = arith.constant 2 : i32
        %rem3A_385 = arith.remsi %add3A_377, %rem3A_384 : i32
        %dma_wait3A_386 = arith.constant 0 : i32
        %dma_wait3A_387 = tpu.memref_slice %arg6[%rem3A_383, %dma_wait3A_386] : memref<2x128xi32, #tpu.memory_space<vmem>> -> memref<1x128xi32, #tpu.memory_space<vmem>>
        %dma_wait3A_388 = tpu.memref_squeeze %dma_wait3A_387 : memref<1x128xi32, #tpu.memory_space<vmem>> -> memref<128xi32, #tpu.memory_space<vmem>>
        %dma_wait3A_389 = tpu.memref_slice %arg3[%multiple_of3A_381] : memref<320000xi32, #tpu.memory_space<hbm>> -> memref<128xi32, #tpu.memory_space<hbm>>
        %dma_wait3A_390 = tpu.memref_slice %arg10[%rem3A_385] : memref<2x!tpu.dma_semaphore, #tpu.memory_space<semaphore_mem>> -> memref<1x!tpu.dma_semaphore, #tpu.memory_space<semaphore_mem>>
        %dma_wait3A_391 = tpu.memref_squeeze %dma_wait3A_390 : memref<1x!tpu.dma_semaphore, #tpu.memory_space<semaphore_mem>> -> memref<!tpu.dma_semaphore, #tpu.memory_space<semaphore_mem>>
        %dma_wait3A_392 = arith.constant 0 : i32
        %dma_wait3A_393 = tpu.memref_slice %arg6[%rem3A_383, %dma_wait3A_392] : memref<2x128xi32, #tpu.memory_space<vmem>> -> memref<1x128xi32, #tpu.memory_space<vmem>>
        %dma_wait3A_394 = tpu.memref_squeeze %dma_wait3A_393 : memref<1x128xi32, #tpu.memory_space<vmem>> -> memref<128xi32, #tpu.memory_space<vmem>>
        %dma_wait3A_395 = tpu.memref_slice %arg3[%multiple_of3A_381] : memref<320000xi32, #tpu.memory_space<hbm>> -> memref<128xi32, #tpu.memory_space<hbm>>
        tpu.wait_dma2 semaphore(%dma_wait3A_391 : memref<!tpu.dma_semaphore, #tpu.memory_space<semaphore_mem>>) src(%dma_wait3A_395 : memref<128xi32, #tpu.memory_space<hbm>>) dst(%dma_wait3A_394 : memref<128xi32, #tpu.memory_space<vmem>>)
        %rem3A_396 = arith.constant 3 : i32
        %rem3A_397 = arith.remsi %add3A_377, %rem3A_396 : i32
        %rem3A_398 = arith.constant 2 : i32
        %rem3A_399 = arith.remsi %add3A_377, %rem3A_398 : i32
        %dma_wait3A_400 = arith.constant 0 : i32
        %dma_wait3A_401 = tpu.memref_slice %arg7[%rem3A_397, %dma_wait3A_400] : memref<3x128xi32, #tpu.memory_space<vmem>> -> memref<1x128xi32, #tpu.memory_space<vmem>>
        %dma_wait3A_402 = tpu.memref_squeeze %dma_wait3A_401 : memref<1x128xi32, #tpu.memory_space<vmem>> -> memref<128xi32, #tpu.memory_space<vmem>>
        %dma_wait3A_403 = tpu.memref_slice %arg4[%multiple_of3A_381] : memref<320000xi32, #tpu.memory_space<hbm>> -> memref<128xi32, #tpu.memory_space<hbm>>
        %dma_wait3A_404 = tpu.memref_slice %arg10[%rem3A_399] : memref<2x!tpu.dma_semaphore, #tpu.memory_space<semaphore_mem>> -> memref<1x!tpu.dma_semaphore, #tpu.memory_space<semaphore_mem>>
        %dma_wait3A_405 = tpu.memref_squeeze %dma_wait3A_404 : memref<1x!tpu.dma_semaphore, #tpu.memory_space<semaphore_mem>> -> memref<!tpu.dma_semaphore, #tpu.memory_space<semaphore_mem>>
        %dma_wait3A_406 = arith.constant 0 : i32
        %dma_wait3A_407 = tpu.memref_slice %arg7[%rem3A_397, %dma_wait3A_406] : memref<3x128xi32, #tpu.memory_space<vmem>> -> memref<1x128xi32, #tpu.memory_space<vmem>>
        %dma_wait3A_408 = tpu.memref_squeeze %dma_wait3A_407 : memref<1x128xi32, #tpu.memory_space<vmem>> -> memref<128xi32, #tpu.memory_space<vmem>>
        %dma_wait3A_409 = tpu.memref_slice %arg4[%multiple_of3A_381] : memref<320000xi32, #tpu.memory_space<hbm>> -> memref<128xi32, #tpu.memory_space<hbm>>
        tpu.wait_dma2 semaphore(%dma_wait3A_405 : memref<!tpu.dma_semaphore, #tpu.memory_space<semaphore_mem>>) src(%dma_wait3A_409 : memref<128xi32, #tpu.memory_space<hbm>>) dst(%dma_wait3A_408 : memref<128xi32, #tpu.memory_space<vmem>>)
        %add3A_410 = arith.constant 1 : i32
        %add3A_411 = arith.addi %while3A_335, %add3A_410 : i32
        %sub3A_412 = arith.constant 1 : i32
        %sub3A_413 = arith.subi %sub3A_412, %rem3A_337 : i32
        %dma_start3A_414 = arith.constant 0 : i32
        %dma_start3A_415 = arith.constant 0 : i32
        %dma_start3A_416 = tpu.memref_slice %arg8[%sub3A_413, %dma_start3A_414, %dma_start3A_415] : memref<2x128x128xf32, #tpu.memory_space<vmem>> -> memref<1x128x128xf32, #tpu.memory_space<vmem>>
        %dma_start3A_417 = tpu.memref_squeeze %dma_start3A_416 : memref<1x128x128xf32, #tpu.memory_space<vmem>> -> memref<128x128xf32, #tpu.memory_space<vmem>>
        %dma_start3A_418 = arith.constant 0 : i32
        %dma_start3A_419 = tpu.memref_slice %arg6[%sub3A_413, %dma_start3A_418] : memref<2x128xi32, #tpu.memory_space<vmem>> -> memref<1x128xi32, #tpu.memory_space<vmem>>
        %dma_start3A_420 = tpu.memref_squeeze %dma_start3A_419 : memref<1x128xi32, #tpu.memory_space<vmem>> -> memref<128xi32, #tpu.memory_space<vmem>>
        %dma_start3A_421 = arith.constant 0 : i32
        %dma_start3A_422 = arith.constant 0 : i32
        %dma_start3A_423 = tpu.memref_slice %arg2[%dma_start3A_421, %dma_start3A_422] : memref<10000x128xf32, #tpu.memory_space<hbm>> -> memref<10000x128xf32, #tpu.memory_space<hbm>>
        %dma_start3A_424 = tpu.memref_slice %arg11[%sub3A_413] : memref<2x!tpu.dma_semaphore, #tpu.memory_space<semaphore_mem>> -> memref<1x!tpu.dma_semaphore, #tpu.memory_space<semaphore_mem>>
        %dma_start3A_425 = tpu.memref_squeeze %dma_start3A_424 : memref<1x!tpu.dma_semaphore, #tpu.memory_space<semaphore_mem>> -> memref<!tpu.dma_semaphore, #tpu.memory_space<semaphore_mem>>
        tpu.enqueue_indirect_dma source(%dma_start3A_423 : memref<10000x128xf32, #tpu.memory_space<hbm>>) target(%dma_start3A_417 : memref<128x128xf32, #tpu.memory_space<vmem>>) offsets(%dma_start3A_420 : memref<128xi32, #tpu.memory_space<vmem>>) semaphore(%dma_start3A_425 : memref<!tpu.dma_semaphore, #tpu.memory_space<semaphore_mem>>)
      } else {
      }
      %dma_wait3A_346 = arith.constant 0 : i32
      %dma_wait3A_347 = arith.constant 0 : i32
      %dma_wait3A_348 = tpu.memref_slice %arg8[%rem3A_337, %dma_wait3A_346, %dma_wait3A_347] : memref<2x128x128xf32, #tpu.memory_space<vmem>> -> memref<1x128x128xf32, #tpu.memory_space<vmem>>
      %dma_wait3A_349 = tpu.memref_squeeze %dma_wait3A_348 : memref<1x128x128xf32, #tpu.memory_space<vmem>> -> memref<128x128xf32, #tpu.memory_space<vmem>>
      %dma_wait3A_350 = arith.constant 0 : i32
      %dma_wait3A_351 = tpu.memref_slice %arg6[%rem3A_337, %dma_wait3A_350] : memref<2x128xi32, #tpu.memory_space<vmem>> -> memref<1x128xi32, #tpu.memory_space<vmem>>
      %dma_wait3A_352 = tpu.memref_squeeze %dma_wait3A_351 : memref<1x128xi32, #tpu.memory_space<vmem>> -> memref<128xi32, #tpu.memory_space<vmem>>
      %dma_wait3A_353 = arith.constant 0 : i32
      %dma_wait3A_354 = arith.constant 0 : i32
      %dma_wait3A_355 = tpu.memref_slice %arg2[%dma_wait3A_353, %dma_wait3A_354] : memref<10000x128xf32, #tpu.memory_space<hbm>> -> memref<10000x128xf32, #tpu.memory_space<hbm>>
      %dma_wait3A_356 = tpu.memref_slice %arg11[%rem3A_337] : memref<2x!tpu.dma_semaphore, #tpu.memory_space<semaphore_mem>> -> memref<1x!tpu.dma_semaphore, #tpu.memory_space<semaphore_mem>>
      %dma_wait3A_357 = tpu.memref_squeeze %dma_wait3A_356 : memref<1x!tpu.dma_semaphore, #tpu.memory_space<semaphore_mem>> -> memref<!tpu.dma_semaphore, #tpu.memory_space<semaphore_mem>>
      tpu.wait_indirect_dma semaphore(%dma_wait3A_357 : memref<!tpu.dma_semaphore, #tpu.memory_space<semaphore_mem>>) src(%dma_wait3A_355 : memref<10000x128xf32, #tpu.memory_space<hbm>>) dst(%dma_wait3A_349 : memref<128x128xf32, #tpu.memory_space<vmem>>)
      %rem3A_358 = arith.constant 3 : i32
      %rem3A_359 = arith.remsi %while3A_335, %rem3A_358 : i32
      %dma_start3A_360 = arith.constant 0 : i32
      %dma_start3A_361 = arith.constant 0 : i32
      %dma_start3A_362 = tpu.memref_slice %arg8[%rem3A_337, %dma_start3A_360, %dma_start3A_361] : memref<2x128x128xf32, #tpu.memory_space<vmem>> -> memref<1x128x128xf32, #tpu.memory_space<vmem>>
      %dma_start3A_363 = tpu.memref_squeeze %dma_start3A_362 : memref<1x128x128xf32, #tpu.memory_space<vmem>> -> memref<128x128xf32, #tpu.memory_space<vmem>>
      %dma_start3A_364 = arith.constant 0 : i32
      %dma_start3A_365 = tpu.memref_slice %arg7[%rem3A_359, %dma_start3A_364] : memref<3x128xi32, #tpu.memory_space<vmem>> -> memref<1x128xi32, #tpu.memory_space<vmem>>
      %dma_start3A_366 = tpu.memref_squeeze %dma_start3A_365 : memref<1x128xi32, #tpu.memory_space<vmem>> -> memref<128xi32, #tpu.memory_space<vmem>>
      %dma_start3A_367 = arith.constant 0 : i32
      %dma_start3A_368 = arith.constant 0 : i32
      %dma_start3A_369 = tpu.memref_slice %arg9[%dma_start3A_367, %dma_start3A_368] : memref<10240x128xf32, #tpu.memory_space<vmem_shared>> -> memref<10240x128xf32, #tpu.memory_space<vmem_shared>>
      tpu.enqueue_indirect_dma source(%dma_start3A_363 : memref<128x128xf32, #tpu.memory_space<vmem>>) target(%dma_start3A_369 : memref<10240x128xf32, #tpu.memory_space<vmem_shared>>) offsets(%dma_start3A_366 : memref<128xi32, #tpu.memory_space<vmem>>) semaphore(%arg12 : memref<!tpu.dma_semaphore, #tpu.memory_space<semaphore_mem>>) {add = true}
      %add3A_370 = arith.constant 2 : i32
      %add3A_371 = arith.addi %while3A_335, %add3A_370 : i32
      %lt3A_372 = arith.cmpi slt, %add3A_371, %add3A_4 : i32
      %convert_element_type3A_373 = arith.extui %lt3A_372 : i1 to i32
      %cond3A_374 = arith.constant 0 : i32
      %cond3A_375 = arith.cmpi ne, %convert_element_type3A_373, %cond3A_374 : i32
      scf.if %cond3A_375 {
        %add3A_376 = arith.constant 2 : i32
        %add3A_377 = arith.addi %while3A_335, %add3A_376 : i32
        %mul3A_378 = arith.constant 128 : i32
        %mul3A_379 = arith.muli %add3A_377, %mul3A_378 : i32
        %add3A_380 = arith.addi %mul3A_10, %mul3A_379 : i32
        %multiple_of3A_381 = tpu.assume_multiple %add3A_380, 8 : i32
        %rem3A_382 = arith.constant 2 : i32
        %rem3A_383 = arith.remsi %add3A_377, %rem3A_382 : i32
        %rem3A_384 = arith.constant 2 : i32
        %rem3A_385 = arith.remsi %add3A_377, %rem3A_384 : i32
        %dma_start3A_386 = arith.constant 0 : i32
        %dma_start3A_387 = tpu.memref_slice %arg6[%rem3A_383, %dma_start3A_386] : memref<2x128xi32, #tpu.memory_space<vmem>> -> memref<1x128xi32, #tpu.memory_space<vmem>>
        %dma_start3A_388 = tpu.memref_squeeze %dma_start3A_387 : memref<1x128xi32, #tpu.memory_space<vmem>> -> memref<128xi32, #tpu.memory_space<vmem>>
        %dma_start3A_389 = tpu.memref_slice %arg3[%multiple_of3A_381] : memref<320000xi32, #tpu.memory_space<hbm>> -> memref<128xi32, #tpu.memory_space<hbm>>
        %dma_start3A_390 = tpu.memref_slice %arg10[%rem3A_385] : memref<2x!tpu.dma_semaphore, #tpu.memory_space<semaphore_mem>> -> memref<1x!tpu.dma_semaphore, #tpu.memory_space<semaphore_mem>>
        %dma_start3A_391 = tpu.memref_squeeze %dma_start3A_390 : memref<1x!tpu.dma_semaphore, #tpu.memory_space<semaphore_mem>> -> memref<!tpu.dma_semaphore, #tpu.memory_space<semaphore_mem>>
        %dma_start3A_392 = arith.constant 0 : i32
        %dma_start3A_393 = tpu.memref_slice %arg6[%rem3A_383, %dma_start3A_392] : memref<2x128xi32, #tpu.memory_space<vmem>> -> memref<1x128xi32, #tpu.memory_space<vmem>>
        %dma_start3A_394 = tpu.memref_squeeze %dma_start3A_393 : memref<1x128xi32, #tpu.memory_space<vmem>> -> memref<128xi32, #tpu.memory_space<vmem>>
        %dma_start3A_395 = tpu.memref_slice %arg3[%multiple_of3A_381] : memref<320000xi32, #tpu.memory_space<hbm>> -> memref<128xi32, #tpu.memory_space<hbm>>
        tpu.enqueue_dma source(%dma_start3A_395 : memref<128xi32, #tpu.memory_space<hbm>>) target(%dma_start3A_394 : memref<128xi32, #tpu.memory_space<vmem>>) target_semaphore(%dma_start3A_391 : memref<!tpu.dma_semaphore, #tpu.memory_space<semaphore_mem>>)
        %rem3A_396 = arith.constant 3 : i32
        %rem3A_397 = arith.remsi %add3A_377, %rem3A_396 : i32
        %rem3A_398 = arith.constant 2 : i32
        %rem3A_399 = arith.remsi %add3A_377, %rem3A_398 : i32
        %dma_start3A_400 = arith.constant 0 : i32
        %dma_start3A_401 = tpu.memref_slice %arg7[%rem3A_397, %dma_start3A_400] : memref<3x128xi32, #tpu.memory_space<vmem>> -> memref<1x128xi32, #tpu.memory_space<vmem>>
        %dma_start3A_402 = tpu.memref_squeeze %dma_start3A_401 : memref<1x128xi32, #tpu.memory_space<vmem>> -> memref<128xi32, #tpu.memory_space<vmem>>
        %dma_start3A_403 = tpu.memref_slice %arg4[%multiple_of3A_381] : memref<320000xi32, #tpu.memory_space<hbm>> -> memref<128xi32, #tpu.memory_space<hbm>>
        %dma_start3A_404 = tpu.memref_slice %arg10[%rem3A_399] : memref<2x!tpu.dma_semaphore, #tpu.memory_space<semaphore_mem>> -> memref<1x!tpu.dma_semaphore, #tpu.memory_space<semaphore_mem>>
        %dma_start3A_405 = tpu.memref_squeeze %dma_start3A_404 : memref<1x!tpu.dma_semaphore, #tpu.memory_space<semaphore_mem>> -> memref<!tpu.dma_semaphore, #tpu.memory_space<semaphore_mem>>
        %dma_start3A_406 = arith.constant 0 : i32
        %dma_start3A_407 = tpu.memref_slice %arg7[%rem3A_397, %dma_start3A_406] : memref<3x128xi32, #tpu.memory_space<vmem>> -> memref<1x128xi32, #tpu.memory_space<vmem>>
        %dma_start3A_408 = tpu.memref_squeeze %dma_start3A_407 : memref<1x128xi32, #tpu.memory_space<vmem>> -> memref<128xi32, #tpu.memory_space<vmem>>
        %dma_start3A_409 = tpu.memref_slice %arg4[%multiple_of3A_381] : memref<320000xi32, #tpu.memory_space<hbm>> -> memref<128xi32, #tpu.memory_space<hbm>>
        tpu.enqueue_dma source(%dma_start3A_409 : memref<128xi32, #tpu.memory_space<hbm>>) target(%dma_start3A_408 : memref<128xi32, #tpu.memory_space<vmem>>) target_semaphore(%dma_start3A_405 : memref<!tpu.dma_semaphore, #tpu.memory_space<semaphore_mem>>)
      } else {
      }
    }
    %sub3A = arith.constant 1 : i32
    %sub3A_312 = arith.subi %add3A_4, %sub3A : i32
    %sub3A_313 = arith.constant 1 : i32
    %sub3A_314 = arith.subi %add3A_4, %sub3A_313 : i32
    %rem3A_315 = arith.constant 2 : i32
    %rem3A_316 = arith.remsi %sub3A_314, %rem3A_315 : i32
    %rem3A_317 = arith.constant 3 : i32
    %rem3A_318 = arith.remsi %sub3A_312, %rem3A_317 : i32
    %dma_wait3A_319 = arith.constant 0 : i32
    %dma_wait3A_320 = arith.constant 0 : i32
    %dma_wait3A_321 = tpu.memref_slice %arg8[%rem3A_316, %dma_wait3A_319, %dma_wait3A_320] : memref<2x128x128xf32, #tpu.memory_space<vmem>> -> memref<1x128x128xf32, #tpu.memory_space<vmem>>
    %dma_wait3A_322 = tpu.memref_squeeze %dma_wait3A_321 : memref<1x128x128xf32, #tpu.memory_space<vmem>> -> memref<128x128xf32, #tpu.memory_space<vmem>>
    %dma_wait3A_323 = arith.constant 0 : i32
    %dma_wait3A_324 = tpu.memref_slice %arg7[%rem3A_318, %dma_wait3A_323] : memref<3x128xi32, #tpu.memory_space<vmem>> -> memref<1x128xi32, #tpu.memory_space<vmem>>
    %dma_wait3A_325 = tpu.memref_squeeze %dma_wait3A_324 : memref<1x128xi32, #tpu.memory_space<vmem>> -> memref<128xi32, #tpu.memory_space<vmem>>
    %dma_wait3A_326 = arith.constant 0 : i32
    %dma_wait3A_327 = arith.constant 0 : i32
    %dma_wait3A_328 = tpu.memref_slice %arg9[%dma_wait3A_326, %dma_wait3A_327] : memref<10240x128xf32, #tpu.memory_space<vmem_shared>> -> memref<10240x128xf32, #tpu.memory_space<vmem_shared>>
    tpu.wait_indirect_dma semaphore(%arg12 : memref<!tpu.dma_semaphore, #tpu.memory_space<semaphore_mem>>) src(%dma_wait3A_322 : memref<128x128xf32, #tpu.memory_space<vmem>>) dst(%dma_wait3A_328 : memref<10240x128xf32, #tpu.memory_space<vmem_shared>>)
    %barrier3A_329 = arith.constant 0 : index
    tpu.barrier barrier_id(%barrier3A_329)
    %mul3A_330 = arith.constant 640 : i32
    %mul3A_331 = arith.muli %arg1, %mul3A_330 : i32
    %mul3A_332 = arith.constant 10240 : i32
    %mul3A_333 = arith.muli %arg0, %mul3A_332 : i32
    %add3A_334 = arith.addi %mul3A_333, %mul3A_331 : i32
    "tpu.region"() ({
      %run_scoped3A = tpu.sem_alloc : memref<!tpu.dma_semaphore, #tpu.memory_space<semaphore_mem>>
      %dma_start3A_335 = arith.constant 0 : i32
      %dma_start3A_336 = tpu.memref_slice %arg5[%add3A_334, %dma_start3A_335] : memref<20480x128xf32, #tpu.memory_space<hbm>> -> memref<640x128xf32, #tpu.memory_space<hbm>>
      %dma_start3A_337 = arith.constant 0 : i32
      %dma_start3A_338 = tpu.memref_slice %arg9[%mul3A_331, %dma_start3A_337] : memref<10240x128xf32, #tpu.memory_space<vmem_shared>> -> memref<640x128xf32, #tpu.memory_space<vmem_shared>>
      tpu.enqueue_dma source(%dma_start3A_338 : memref<640x128xf32, #tpu.memory_space<vmem_shared>>) target(%dma_start3A_336 : memref<640x128xf32, #tpu.memory_space<hbm>>) target_semaphore(%run_scoped3A : memref<!tpu.dma_semaphore, #tpu.memory_space<semaphore_mem>>)
      %dma_wait3A_339 = arith.constant 0 : i32
      %dma_wait3A_340 = tpu.memref_slice %arg5[%add3A_334, %dma_wait3A_339] : memref<20480x128xf32, #tpu.memory_space<hbm>> -> memref<640x128xf32, #tpu.memory_space<hbm>>
      %dma_wait3A_341 = arith.constant 0 : i32
      %dma_wait3A_342 = tpu.memref_slice %arg9[%mul3A_331, %dma_wait3A_341] : memref<10240x128xf32, #tpu.memory_space<vmem_shared>> -> memref<640x128xf32, #tpu.memory_space<vmem_shared>>
      tpu.wait_dma2 semaphore(%run_scoped3A : memref<!tpu.dma_semaphore, #tpu.memory_space<semaphore_mem>>) src(%dma_wait3A_342 : memref<640x128xf32, #tpu.memory_space<vmem_shared>>) dst(%dma_wait3A_340 : memref<640x128xf32, #tpu.memory_space<hbm>>)
      tpu.yield
    }) : () -> ()
    return
  }
}

#map = affine_map<(d0, d1) -> (0, 0)>
#map1 = affine_map<(d0, d1) -> (0)>
module attributes {stable_mosaic.version = 14 : i64} {
  func.func @_agg_body(%arg0: i32, %arg1: i32, %arg2: memref<10000x128xf32, #tpu.memory_space<hbm>>, %arg3: memref<320000xi32, #tpu.memory_space<hbm>>, %arg4: memref<320000xi32, #tpu.memory_space<hbm>>, %arg5: memref<20480x128xf32, #tpu.memory_space<hbm>>, %arg6: memref<2x128xi32, #tpu.memory_space<vmem>>, %arg7: memref<3x128xi32, #tpu.memory_space<vmem>>, %arg8: memref<2x128x128xf32, #tpu.memory_space<vmem>>, %arg9: memref<10240x128xf32, #tpu.memory_space<vmem_shared>>, %arg10: memref<2x!tpu.dma_semaphore, #tpu.memory_space<semaphore_mem>>, %arg11: memref<2x!tpu.dma_semaphore, #tpu.memory_space<semaphore_mem>>, %arg12: memref<!tpu.dma_semaphore, #tpu.memory_space<semaphore_mem>>) attributes {dimension_semantics = [#tpu.dimension_semantics<core_parallel>, #tpu.dimension_semantics<subcore_parallel>], iteration_bounds = array<i64: 2, 16>, scalar_prefetch = 0 : i64, scratch_operands = 7 : i64, tpu.core_type = #tpu.core_type<sc_vector_subcore>, window_params = [{transform_indices = #map}, {transform_indices = #map1}, {transform_indices = #map1}, {transform_indices = #map}]} {
    %mul3A = arith.constant 2 : i32
    %mul3A_0 = arith.muli %arg1, %mul3A : i32
    %add3A = arith.addi %mul3A_0, %arg0 : i32
    %lt3A = arith.constant 4 : i32
    %lt3A_1 = arith.cmpi slt, %add3A, %lt3A : i32
    %jit3A = arith.constant 1 : i32
    %jit3A_2 = arith.constant 0 : i32
    %select_n3A = arith.select %lt3A_1, %jit3A, %jit3A_2 : i32
    %add3A_3 = arith.constant 78 : i32
    %add3A_4 = arith.addi %add3A_3, %select_n3A : i32
    %mul3A_5 = arith.constant 78 : i32
    %mul3A_6 = arith.muli %add3A, %mul3A_5 : i32
    %min3A = arith.constant 4 : i32
    %min3A_7 = arith.minsi %add3A, %min3A : i32
    %add3A_8 = arith.addi %mul3A_6, %min3A_7 : i32
    %mul3A_9 = arith.constant 128 : i32
    %mul3A_10 = arith.muli %add3A_8, %mul3A_9 : i32
    %add3A_11 = arith.constant 0 : i32
    %add3A_12 = arith.addi %mul3A_10, %add3A_11 : i32
    %multiple_of3A = tpu.assume_multiple %add3A_12, 8 : i32
    %rem3A = arith.constant 0 : i32
    %rem3A_13 = arith.constant 2 : i32
    %rem3A_14 = arith.remsi %rem3A, %rem3A_13 : i32
    %rem3A_15 = arith.constant 0 : i32
    %rem3A_16 = arith.constant 2 : i32
    %rem3A_17 = arith.remsi %rem3A_15, %rem3A_16 : i32
    %dma_start3A = arith.constant 0 : i32
    %dma_start3A_18 = tpu.memref_slice %arg6[%rem3A_14, %dma_start3A] : memref<2x128xi32, #tpu.memory_space<vmem>> -> memref<1x128xi32, #tpu.memory_space<vmem>>
    %dma_start3A_19 = tpu.memref_squeeze %dma_start3A_18 : memref<1x128xi32, #tpu.memory_space<vmem>> -> memref<128xi32, #tpu.memory_space<vmem>>
    %dma_start3A_20 = tpu.memref_slice %arg3[%multiple_of3A] : memref<320000xi32, #tpu.memory_space<hbm>> -> memref<128xi32, #tpu.memory_space<hbm>>
    %dma_start3A_21 = tpu.memref_slice %arg10[%rem3A_17] : memref<2x!tpu.dma_semaphore, #tpu.memory_space<semaphore_mem>> -> memref<1x!tpu.dma_semaphore, #tpu.memory_space<semaphore_mem>>
    %dma_start3A_22 = tpu.memref_squeeze %dma_start3A_21 : memref<1x!tpu.dma_semaphore, #tpu.memory_space<semaphore_mem>> -> memref<!tpu.dma_semaphore, #tpu.memory_space<semaphore_mem>>
    %dma_start3A_23 = arith.constant 0 : i32
    %dma_start3A_24 = tpu.memref_slice %arg6[%rem3A_14, %dma_start3A_23] : memref<2x128xi32, #tpu.memory_space<vmem>> -> memref<1x128xi32, #tpu.memory_space<vmem>>
    %dma_start3A_25 = tpu.memref_squeeze %dma_start3A_24 : memref<1x128xi32, #tpu.memory_space<vmem>> -> memref<128xi32, #tpu.memory_space<vmem>>
    %dma_start3A_26 = tpu.memref_slice %arg3[%multiple_of3A] : memref<320000xi32, #tpu.memory_space<hbm>> -> memref<128xi32, #tpu.memory_space<hbm>>
    tpu.enqueue_dma source(%dma_start3A_26 : memref<128xi32, #tpu.memory_space<hbm>>) target(%dma_start3A_25 : memref<128xi32, #tpu.memory_space<vmem>>) target_semaphore(%dma_start3A_22 : memref<!tpu.dma_semaphore, #tpu.memory_space<semaphore_mem>>)
    %rem3A_27 = arith.constant 0 : i32
    %rem3A_28 = arith.constant 3 : i32
    %rem3A_29 = arith.remsi %rem3A_27, %rem3A_28 : i32
    %rem3A_30 = arith.constant 0 : i32
    %rem3A_31 = arith.constant 2 : i32
    %rem3A_32 = arith.remsi %rem3A_30, %rem3A_31 : i32
    %dma_start3A_33 = arith.constant 0 : i32
    %dma_start3A_34 = tpu.memref_slice %arg7[%rem3A_29, %dma_start3A_33] : memref<3x128xi32, #tpu.memory_space<vmem>> -> memref<1x128xi32, #tpu.memory_space<vmem>>
    %dma_start3A_35 = tpu.memref_squeeze %dma_start3A_34 : memref<1x128xi32, #tpu.memory_space<vmem>> -> memref<128xi32, #tpu.memory_space<vmem>>
    %dma_start3A_36 = tpu.memref_slice %arg4[%multiple_of3A] : memref<320000xi32, #tpu.memory_space<hbm>> -> memref<128xi32, #tpu.memory_space<hbm>>
    %dma_start3A_37 = tpu.memref_slice %arg10[%rem3A_32] : memref<2x!tpu.dma_semaphore, #tpu.memory_space<semaphore_mem>> -> memref<1x!tpu.dma_semaphore, #tpu.memory_space<semaphore_mem>>
    %dma_start3A_38 = tpu.memref_squeeze %dma_start3A_37 : memref<1x!tpu.dma_semaphore, #tpu.memory_space<semaphore_mem>> -> memref<!tpu.dma_semaphore, #tpu.memory_space<semaphore_mem>>
    %dma_start3A_39 = arith.constant 0 : i32
    %dma_start3A_40 = tpu.memref_slice %arg7[%rem3A_29, %dma_start3A_39] : memref<3x128xi32, #tpu.memory_space<vmem>> -> memref<1x128xi32, #tpu.memory_space<vmem>>
    %dma_start3A_41 = tpu.memref_squeeze %dma_start3A_40 : memref<1x128xi32, #tpu.memory_space<vmem>> -> memref<128xi32, #tpu.memory_space<vmem>>
    %dma_start3A_42 = tpu.memref_slice %arg4[%multiple_of3A] : memref<320000xi32, #tpu.memory_space<hbm>> -> memref<128xi32, #tpu.memory_space<hbm>>
    tpu.enqueue_dma source(%dma_start3A_42 : memref<128xi32, #tpu.memory_space<hbm>>) target(%dma_start3A_41 : memref<128xi32, #tpu.memory_space<vmem>>) target_semaphore(%dma_start3A_38 : memref<!tpu.dma_semaphore, #tpu.memory_space<semaphore_mem>>)
    %add3A_43 = arith.constant 128 : i32
    %add3A_44 = arith.addi %mul3A_10, %add3A_43 : i32
    %multiple_of3A_45 = tpu.assume_multiple %add3A_44, 8 : i32
    %rem3A_46 = arith.constant 1 : i32
    %rem3A_47 = arith.constant 2 : i32
    %rem3A_48 = arith.remsi %rem3A_46, %rem3A_47 : i32
    %rem3A_49 = arith.constant 1 : i32
    %rem3A_50 = arith.constant 2 : i32
    %rem3A_51 = arith.remsi %rem3A_49, %rem3A_50 : i32
    %dma_start3A_52 = arith.constant 0 : i32
    %dma_start3A_53 = tpu.memref_slice %arg6[%rem3A_48, %dma_start3A_52] : memref<2x128xi32, #tpu.memory_space<vmem>> -> memref<1x128xi32, #tpu.memory_space<vmem>>
    %dma_start3A_54 = tpu.memref_squeeze %dma_start3A_53 : memref<1x128xi32, #tpu.memory_space<vmem>> -> memref<128xi32, #tpu.memory_space<vmem>>
    %dma_start3A_55 = tpu.memref_slice %arg3[%multiple_of3A_45] : memref<320000xi32, #tpu.memory_space<hbm>> -> memref<128xi32, #tpu.memory_space<hbm>>
    %dma_start3A_56 = tpu.memref_slice %arg10[%rem3A_51] : memref<2x!tpu.dma_semaphore, #tpu.memory_space<semaphore_mem>> -> memref<1x!tpu.dma_semaphore, #tpu.memory_space<semaphore_mem>>
    %dma_start3A_57 = tpu.memref_squeeze %dma_start3A_56 : memref<1x!tpu.dma_semaphore, #tpu.memory_space<semaphore_mem>> -> memref<!tpu.dma_semaphore, #tpu.memory_space<semaphore_mem>>
    %dma_start3A_58 = arith.constant 0 : i32
    %dma_start3A_59 = tpu.memref_slice %arg6[%rem3A_48, %dma_start3A_58] : memref<2x128xi32, #tpu.memory_space<vmem>> -> memref<1x128xi32, #tpu.memory_space<vmem>>
    %dma_start3A_60 = tpu.memref_squeeze %dma_start3A_59 : memref<1x128xi32, #tpu.memory_space<vmem>> -> memref<128xi32, #tpu.memory_space<vmem>>
    %dma_start3A_61 = tpu.memref_slice %arg3[%multiple_of3A_45] : memref<320000xi32, #tpu.memory_space<hbm>> -> memref<128xi32, #tpu.memory_space<hbm>>
    tpu.enqueue_dma source(%dma_start3A_61 : memref<128xi32, #tpu.memory_space<hbm>>) target(%dma_start3A_60 : memref<128xi32, #tpu.memory_space<vmem>>) target_semaphore(%dma_start3A_57 : memref<!tpu.dma_semaphore, #tpu.memory_space<semaphore_mem>>)
    %rem3A_62 = arith.constant 1 : i32
    %rem3A_63 = arith.constant 3 : i32
    %rem3A_64 = arith.remsi %rem3A_62, %rem3A_63 : i32
    %rem3A_65 = arith.constant 1 : i32
    %rem3A_66 = arith.constant 2 : i32
    %rem3A_67 = arith.remsi %rem3A_65, %rem3A_66 : i32
    %dma_start3A_68 = arith.constant 0 : i32
    %dma_start3A_69 = tpu.memref_slice %arg7[%rem3A_64, %dma_start3A_68] : memref<3x128xi32, #tpu.memory_space<vmem>> -> memref<1x128xi32, #tpu.memory_space<vmem>>
    %dma_start3A_70 = tpu.memref_squeeze %dma_start3A_69 : memref<1x128xi32, #tpu.memory_space<vmem>> -> memref<128xi32, #tpu.memory_space<vmem>>
    %dma_start3A_71 = tpu.memref_slice %arg4[%multiple_of3A_45] : memref<320000xi32, #tpu.memory_space<hbm>> -> memref<128xi32, #tpu.memory_space<hbm>>
    %dma_start3A_72 = tpu.memref_slice %arg10[%rem3A_67] : memref<2x!tpu.dma_semaphore, #tpu.memory_space<semaphore_mem>> -> memref<1x!tpu.dma_semaphore, #tpu.memory_space<semaphore_mem>>
    %dma_start3A_73 = tpu.memref_squeeze %dma_start3A_72 : memref<1x!tpu.dma_semaphore, #tpu.memory_space<semaphore_mem>> -> memref<!tpu.dma_semaphore, #tpu.memory_space<semaphore_mem>>
    %dma_start3A_74 = arith.constant 0 : i32
    %dma_start3A_75 = tpu.memref_slice %arg7[%rem3A_64, %dma_start3A_74] : memref<3x128xi32, #tpu.memory_space<vmem>> -> memref<1x128xi32, #tpu.memory_space<vmem>>
    %dma_start3A_76 = tpu.memref_squeeze %dma_start3A_75 : memref<1x128xi32, #tpu.memory_space<vmem>> -> memref<128xi32, #tpu.memory_space<vmem>>
    %dma_start3A_77 = tpu.memref_slice %arg4[%multiple_of3A_45] : memref<320000xi32, #tpu.memory_space<hbm>> -> memref<128xi32, #tpu.memory_space<hbm>>
    tpu.enqueue_dma source(%dma_start3A_77 : memref<128xi32, #tpu.memory_space<hbm>>) target(%dma_start3A_76 : memref<128xi32, #tpu.memory_space<vmem>>) target_semaphore(%dma_start3A_73 : memref<!tpu.dma_semaphore, #tpu.memory_space<semaphore_mem>>)
    %scan3A = arith.constant 0 : i32
    %scan3A_78 = arith.constant 1 : i32
    %scan3A_79 = arith.constant 0 : i32
    %scan3A_80 = arith.constant 128 : i32
    %scan3A_81 = arith.addi %scan3A_79, %scan3A_80 : i32
    %scan3A_82 = arith.constant 1 : i32
    scf.for %scan3A_335 = %scan3A_79 to %scan3A_81 step %scan3A_82  : i32 {
      %scan3A_336 = arith.constant 0 : i32
      %scan3A_337 = arith.constant 8 : i32
      %scan3A_338 = arith.addi %scan3A_336, %scan3A_337 : i32
      %scan3A_339 = arith.constant 1 : i32
      scf.for %scan3A_341 = %scan3A_336 to %scan3A_338 step %scan3A_339  : i32 {
        %broadcast_in_dim3A = arith.constant 0.000000e+00 : f32
        %broadcast_in_dim3A_342 = vector.broadcast %broadcast_in_dim3A : f32 to vector<16xf32>
        %mul3A_343 = arith.constant 16 : i32
        %mul3A_344 = arith.muli %scan3A_341, %mul3A_343 : i32
        %swap3A = arith.constant 0 : i32
        %swap3A_345 = arith.constant 0 : i32
        %swap3A_346 = tpu.memref_slice %arg8[%scan3A_78, %swap3A, %swap3A_345] : memref<2x128x128xf32, #tpu.memory_space<vmem>> -> memref<1x128x128xf32, #tpu.memory_space<vmem>>
        %swap3A_347 = tpu.memref_squeeze %swap3A_346 : memref<1x128x128xf32, #tpu.memory_space<vmem>> -> memref<128x128xf32, #tpu.memory_space<vmem>>
        %swap3A_348 = arith.index_cast %scan3A_335 : i32 to index
        %swap3A_349 = arith.index_cast %mul3A_344 : i32 to index
        %swap3A_350 = tpu.vector_load %swap3A_347[%swap3A_348, %swap3A_349] {strides = array<i32>} : memref<128x128xf32, #tpu.memory_space<vmem>>, vector<1x16xf32>,
        %swap3A_351 = vector.shape_cast %swap3A_350 : vector<1x16xf32> to vector<16xf32>
        %swap3A_352 = vector.shape_cast %broadcast_in_dim3A_342 : vector<16xf32> to vector<1x16xf32>
        tpu.vector_store %swap3A_347[%swap3A_348, %swap3A_349], %swap3A_352 {strides = array<i32>} : memref<128x128xf32, #tpu.memory_space<vmem>>, vector<1x16xf32>,
      }
      %scan3A_340 = arith.constant 8 : i32
    }
    %scan3A_83 = arith.constant 128 : i32
    %mul3A_84 = arith.constant 640 : i32
    %mul3A_85 = arith.muli %arg1, %mul3A_84 : i32
    %add3A_86 = arith.constant 0 : i32
    %add3A_87 = arith.addi %mul3A_85, %add3A_86 : i32
    %dma_start3A_88 = arith.constant 1 : i32
    %dma_start3A_89 = arith.constant 0 : i32
    %dma_start3A_90 = arith.constant 0 : i32
    %dma_start3A_91 = tpu.memref_slice %arg8[%dma_start3A_88, %dma_start3A_89, %dma_start3A_90] : memref<2x128x128xf32, #tpu.memory_space<vmem>> -> memref<1x128x128xf32, #tpu.memory_space<vmem>>
    %dma_start3A_92 = tpu.memref_squeeze %dma_start3A_91 : memref<1x128x128xf32, #tpu.memory_space<vmem>> -> memref<128x128xf32, #tpu.memory_space<vmem>>
    %dma_start3A_93 = arith.constant 0 : i32
    %dma_start3A_94 = tpu.memref_slice %arg9[%add3A_87, %dma_start3A_93] : memref<10240x128xf32, #tpu.memory_space<vmem_shared>> -> memref<128x128xf32, #tpu.memory_space<vmem_shared>>
    %dma_start3A_95 = arith.constant 0 : i32
    %dma_start3A_96 = tpu.memref_slice %arg9[%add3A_87, %dma_start3A_95] : memref<10240x128xf32, #tpu.memory_space<vmem_shared>> -> memref<128x128xf32, #tpu.memory_space<vmem_shared>>
    %dma_start3A_97 = arith.constant 0 : i32
    %dma_start3A_98 = arith.constant 0 : i32
    %dma_start3A_99 = tpu.memref_slice %arg8[%dma_start3A_88, %dma_start3A_97, %dma_start3A_98] : memref<2x128x128xf32, #tpu.memory_space<vmem>> -> memref<1x128x128xf32, #tpu.memory_space<vmem>>
    %dma_start3A_100 = tpu.memref_squeeze %dma_start3A_99 : memref<1x128x128xf32, #tpu.memory_space<vmem>> -> memref<128x128xf32, #tpu.memory_space<vmem>>
    tpu.enqueue_dma source(%dma_start3A_100 : memref<128x128xf32, #tpu.memory_space<vmem>>) target(%dma_start3A_96 : memref<128x128xf32, #tpu.memory_space<vmem_shared>>) target_semaphore(%arg12 : memref<!tpu.dma_semaphore, #tpu.memory_space<semaphore_mem>>)
    %mul3A_101 = arith.constant 640 : i32
    %mul3A_102 = arith.muli %arg1, %mul3A_101 : i32
    %add3A_103 = arith.constant 128 : i32
    %add3A_104 = arith.addi %mul3A_102, %add3A_103 : i32
    %dma_start3A_105 = arith.constant 1 : i32
    %dma_start3A_106 = arith.constant 0 : i32
    %dma_start3A_107 = arith.constant 0 : i32
    %dma_start3A_108 = tpu.memref_slice %arg8[%dma_start3A_105, %dma_start3A_106, %dma_start3A_107] : memref<2x128x128xf32, #tpu.memory_space<vmem>> -> memref<1x128x128xf32, #tpu.memory_space<vmem>>
    %dma_start3A_109 = tpu.memref_squeeze %dma_start3A_108 : memref<1x128x128xf32, #tpu.memory_space<vmem>> -> memref<128x128xf32, #tpu.memory_space<vmem>>
    %dma_start3A_110 = arith.constant 0 : i32
    %dma_start3A_111 = tpu.memref_slice %arg9[%add3A_104, %dma_start3A_110] : memref<10240x128xf32, #tpu.memory_space<vmem_shared>> -> memref<128x128xf32, #tpu.memory_space<vmem_shared>>
    %dma_start3A_112 = arith.constant 0 : i32
    %dma_start3A_113 = tpu.memref_slice %arg9[%add3A_104, %dma_start3A_112] : memref<10240x128xf32, #tpu.memory_space<vmem_shared>> -> memref<128x128xf32, #tpu.memory_space<vmem_shared>>
    %dma_start3A_114 = arith.constant 0 : i32
    %dma_start3A_115 = arith.constant 0 : i32
    %dma_start3A_116 = tpu.memref_slice %arg8[%dma_start3A_105, %dma_start3A_114, %dma_start3A_115] : memref<2x128x128xf32, #tpu.memory_space<vmem>> -> memref<1x128x128xf32, #tpu.memory_space<vmem>>
    %dma_start3A_117 = tpu.memref_squeeze %dma_start3A_116 : memref<1x128x128xf32, #tpu.memory_space<vmem>> -> memref<128x128xf32, #tpu.memory_space<vmem>>
    tpu.enqueue_dma source(%dma_start3A_117 : memref<128x128xf32, #tpu.memory_space<vmem>>) target(%dma_start3A_113 : memref<128x128xf32, #tpu.memory_space<vmem_shared>>) target_semaphore(%arg12 : memref<!tpu.dma_semaphore, #tpu.memory_space<semaphore_mem>>)
    %mul3A_118 = arith.constant 640 : i32
    %mul3A_119 = arith.muli %arg1, %mul3A_118 : i32
    %add3A_120 = arith.constant 256 : i32
    %add3A_121 = arith.addi %mul3A_119, %add3A_120 : i32
    %dma_start3A_122 = arith.constant 1 : i32
    %dma_start3A_123 = arith.constant 0 : i32
    %dma_start3A_124 = arith.constant 0 : i32
    %dma_start3A_125 = tpu.memref_slice %arg8[%dma_start3A_122, %dma_start3A_123, %dma_start3A_124] : memref<2x128x128xf32, #tpu.memory_space<vmem>> -> memref<1x128x128xf32, #tpu.memory_space<vmem>>
    %dma_start3A_126 = tpu.memref_squeeze %dma_start3A_125 : memref<1x128x128xf32, #tpu.memory_space<vmem>> -> memref<128x128xf32, #tpu.memory_space<vmem>>
    %dma_start3A_127 = arith.constant 0 : i32
    %dma_start3A_128 = tpu.memref_slice %arg9[%add3A_121, %dma_start3A_127] : memref<10240x128xf32, #tpu.memory_space<vmem_shared>> -> memref<128x128xf32, #tpu.memory_space<vmem_shared>>
    %dma_start3A_129 = arith.constant 0 : i32
    %dma_start3A_130 = tpu.memref_slice %arg9[%add3A_121, %dma_start3A_129] : memref<10240x128xf32, #tpu.memory_space<vmem_shared>> -> memref<128x128xf32, #tpu.memory_space<vmem_shared>>
    %dma_start3A_131 = arith.constant 0 : i32
    %dma_start3A_132 = arith.constant 0 : i32
    %dma_start3A_133 = tpu.memref_slice %arg8[%dma_start3A_122, %dma_start3A_131, %dma_start3A_132] : memref<2x128x128xf32, #tpu.memory_space<vmem>> -> memref<1x128x128xf32, #tpu.memory_space<vmem>>
    %dma_start3A_134 = tpu.memref_squeeze %dma_start3A_133 : memref<1x128x128xf32, #tpu.memory_space<vmem>> -> memref<128x128xf32, #tpu.memory_space<vmem>>
    tpu.enqueue_dma source(%dma_start3A_134 : memref<128x128xf32, #tpu.memory_space<vmem>>) target(%dma_start3A_130 : memref<128x128xf32, #tpu.memory_space<vmem_shared>>) target_semaphore(%arg12 : memref<!tpu.dma_semaphore, #tpu.memory_space<semaphore_mem>>)
    %mul3A_135 = arith.constant 640 : i32
    %mul3A_136 = arith.muli %arg1, %mul3A_135 : i32
    %add3A_137 = arith.constant 384 : i32
    %add3A_138 = arith.addi %mul3A_136, %add3A_137 : i32
    %dma_start3A_139 = arith.constant 1 : i32
    %dma_start3A_140 = arith.constant 0 : i32
    %dma_start3A_141 = arith.constant 0 : i32
    %dma_start3A_142 = tpu.memref_slice %arg8[%dma_start3A_139, %dma_start3A_140, %dma_start3A_141] : memref<2x128x128xf32, #tpu.memory_space<vmem>> -> memref<1x128x128xf32, #tpu.memory_space<vmem>>
    %dma_start3A_143 = tpu.memref_squeeze %dma_start3A_142 : memref<1x128x128xf32, #tpu.memory_space<vmem>> -> memref<128x128xf32, #tpu.memory_space<vmem>>
    %dma_start3A_144 = arith.constant 0 : i32
    %dma_start3A_145 = tpu.memref_slice %arg9[%add3A_138, %dma_start3A_144] : memref<10240x128xf32, #tpu.memory_space<vmem_shared>> -> memref<128x128xf32, #tpu.memory_space<vmem_shared>>
    %dma_start3A_146 = arith.constant 0 : i32
    %dma_start3A_147 = tpu.memref_slice %arg9[%add3A_138, %dma_start3A_146] : memref<10240x128xf32, #tpu.memory_space<vmem_shared>> -> memref<128x128xf32, #tpu.memory_space<vmem_shared>>
    %dma_start3A_148 = arith.constant 0 : i32
    %dma_start3A_149 = arith.constant 0 : i32
    %dma_start3A_150 = tpu.memref_slice %arg8[%dma_start3A_139, %dma_start3A_148, %dma_start3A_149] : memref<2x128x128xf32, #tpu.memory_space<vmem>> -> memref<1x128x128xf32, #tpu.memory_space<vmem>>
    %dma_start3A_151 = tpu.memref_squeeze %dma_start3A_150 : memref<1x128x128xf32, #tpu.memory_space<vmem>> -> memref<128x128xf32, #tpu.memory_space<vmem>>
    tpu.enqueue_dma source(%dma_start3A_151 : memref<128x128xf32, #tpu.memory_space<vmem>>) target(%dma_start3A_147 : memref<128x128xf32, #tpu.memory_space<vmem_shared>>) target_semaphore(%arg12 : memref<!tpu.dma_semaphore, #tpu.memory_space<semaphore_mem>>)
    %mul3A_152 = arith.constant 640 : i32
    %mul3A_153 = arith.muli %arg1, %mul3A_152 : i32
    %add3A_154 = arith.constant 512 : i32
    %add3A_155 = arith.addi %mul3A_153, %add3A_154 : i32
    %dma_start3A_156 = arith.constant 1 : i32
    %dma_start3A_157 = arith.constant 0 : i32
    %dma_start3A_158 = arith.constant 0 : i32
    %dma_start3A_159 = tpu.memref_slice %arg8[%dma_start3A_156, %dma_start3A_157, %dma_start3A_158] : memref<2x128x128xf32, #tpu.memory_space<vmem>> -> memref<1x128x128xf32, #tpu.memory_space<vmem>>
    %dma_start3A_160 = tpu.memref_squeeze %dma_start3A_159 : memref<1x128x128xf32, #tpu.memory_space<vmem>> -> memref<128x128xf32, #tpu.memory_space<vmem>>
    %dma_start3A_161 = arith.constant 0 : i32
    %dma_start3A_162 = tpu.memref_slice %arg9[%add3A_155, %dma_start3A_161] : memref<10240x128xf32, #tpu.memory_space<vmem_shared>> -> memref<128x128xf32, #tpu.memory_space<vmem_shared>>
    %dma_start3A_163 = arith.constant 0 : i32
    %dma_start3A_164 = tpu.memref_slice %arg9[%add3A_155, %dma_start3A_163] : memref<10240x128xf32, #tpu.memory_space<vmem_shared>> -> memref<128x128xf32, #tpu.memory_space<vmem_shared>>
    %dma_start3A_165 = arith.constant 0 : i32
    %dma_start3A_166 = arith.constant 0 : i32
    %dma_start3A_167 = tpu.memref_slice %arg8[%dma_start3A_156, %dma_start3A_165, %dma_start3A_166] : memref<2x128x128xf32, #tpu.memory_space<vmem>> -> memref<1x128x128xf32, #tpu.memory_space<vmem>>
    %dma_start3A_168 = tpu.memref_squeeze %dma_start3A_167 : memref<1x128x128xf32, #tpu.memory_space<vmem>> -> memref<128x128xf32, #tpu.memory_space<vmem>>
    tpu.enqueue_dma source(%dma_start3A_168 : memref<128x128xf32, #tpu.memory_space<vmem>>) target(%dma_start3A_164 : memref<128x128xf32, #tpu.memory_space<vmem_shared>>) target_semaphore(%arg12 : memref<!tpu.dma_semaphore, #tpu.memory_space<semaphore_mem>>)
    %add3A_169 = arith.constant 0 : i32
    %add3A_170 = arith.addi %mul3A_10, %add3A_169 : i32
    %multiple_of3A_171 = tpu.assume_multiple %add3A_170, 8 : i32
    %rem3A_172 = arith.constant 0 : i32
    %rem3A_173 = arith.constant 2 : i32
    %rem3A_174 = arith.remsi %rem3A_172, %rem3A_173 : i32
    %rem3A_175 = arith.constant 0 : i32
    %rem3A_176 = arith.constant 2 : i32
    %rem3A_177 = arith.remsi %rem3A_175, %rem3A_176 : i32
    %dma_wait3A = arith.constant 0 : i32
    %dma_wait3A_178 = tpu.memref_slice %arg6[%rem3A_174, %dma_wait3A] : memref<2x128xi32, #tpu.memory_space<vmem>> -> memref<1x128xi32, #tpu.memory_space<vmem>>
    %dma_wait3A_179 = tpu.memref_squeeze %dma_wait3A_178 : memref<1x128xi32, #tpu.memory_space<vmem>> -> memref<128xi32, #tpu.memory_space<vmem>>
    %dma_wait3A_180 = tpu.memref_slice %arg3[%multiple_of3A_171] : memref<320000xi32, #tpu.memory_space<hbm>> -> memref<128xi32, #tpu.memory_space<hbm>>
    %dma_wait3A_181 = tpu.memref_slice %arg10[%rem3A_177] : memref<2x!tpu.dma_semaphore, #tpu.memory_space<semaphore_mem>> -> memref<1x!tpu.dma_semaphore, #tpu.memory_space<semaphore_mem>>
    %dma_wait3A_182 = tpu.memref_squeeze %dma_wait3A_181 : memref<1x!tpu.dma_semaphore, #tpu.memory_space<semaphore_mem>> -> memref<!tpu.dma_semaphore, #tpu.memory_space<semaphore_mem>>
    %dma_wait3A_183 = arith.constant 0 : i32
    %dma_wait3A_184 = tpu.memref_slice %arg6[%rem3A_174, %dma_wait3A_183] : memref<2x128xi32, #tpu.memory_space<vmem>> -> memref<1x128xi32, #tpu.memory_space<vmem>>
    %dma_wait3A_185 = tpu.memref_squeeze %dma_wait3A_184 : memref<1x128xi32, #tpu.memory_space<vmem>> -> memref<128xi32, #tpu.memory_space<vmem>>
    %dma_wait3A_186 = tpu.memref_slice %arg3[%multiple_of3A_171] : memref<320000xi32, #tpu.memory_space<hbm>> -> memref<128xi32, #tpu.memory_space<hbm>>
    tpu.wait_dma2 semaphore(%dma_wait3A_182 : memref<!tpu.dma_semaphore, #tpu.memory_space<semaphore_mem>>) src(%dma_wait3A_186 : memref<128xi32, #tpu.memory_space<hbm>>) dst(%dma_wait3A_185 : memref<128xi32, #tpu.memory_space<vmem>>)
    %rem3A_187 = arith.constant 0 : i32
    %rem3A_188 = arith.constant 3 : i32
    %rem3A_189 = arith.remsi %rem3A_187, %rem3A_188 : i32
    %rem3A_190 = arith.constant 0 : i32
    %rem3A_191 = arith.constant 2 : i32
    %rem3A_192 = arith.remsi %rem3A_190, %rem3A_191 : i32
    %dma_wait3A_193 = arith.constant 0 : i32
    %dma_wait3A_194 = tpu.memref_slice %arg7[%rem3A_189, %dma_wait3A_193] : memref<3x128xi32, #tpu.memory_space<vmem>> -> memref<1x128xi32, #tpu.memory_space<vmem>>
    %dma_wait3A_195 = tpu.memref_squeeze %dma_wait3A_194 : memref<1x128xi32, #tpu.memory_space<vmem>> -> memref<128xi32, #tpu.memory_space<vmem>>
    %dma_wait3A_196 = tpu.memref_slice %arg4[%multiple_of3A_171] : memref<320000xi32, #tpu.memory_space<hbm>> -> memref<128xi32, #tpu.memory_space<hbm>>
    %dma_wait3A_197 = tpu.memref_slice %arg10[%rem3A_192] : memref<2x!tpu.dma_semaphore, #tpu.memory_space<semaphore_mem>> -> memref<1x!tpu.dma_semaphore, #tpu.memory_space<semaphore_mem>>
    %dma_wait3A_198 = tpu.memref_squeeze %dma_wait3A_197 : memref<1x!tpu.dma_semaphore, #tpu.memory_space<semaphore_mem>> -> memref<!tpu.dma_semaphore, #tpu.memory_space<semaphore_mem>>
    %dma_wait3A_199 = arith.constant 0 : i32
    %dma_wait3A_200 = tpu.memref_slice %arg7[%rem3A_189, %dma_wait3A_199] : memref<3x128xi32, #tpu.memory_space<vmem>> -> memref<1x128xi32, #tpu.memory_space<vmem>>
    %dma_wait3A_201 = tpu.memref_squeeze %dma_wait3A_200 : memref<1x128xi32, #tpu.memory_space<vmem>> -> memref<128xi32, #tpu.memory_space<vmem>>
    %dma_wait3A_202 = tpu.memref_slice %arg4[%multiple_of3A_171] : memref<320000xi32, #tpu.memory_space<hbm>> -> memref<128xi32, #tpu.memory_space<hbm>>
    tpu.wait_dma2 semaphore(%dma_wait3A_198 : memref<!tpu.dma_semaphore, #tpu.memory_space<semaphore_mem>>) src(%dma_wait3A_202 : memref<128xi32, #tpu.memory_space<hbm>>) dst(%dma_wait3A_201 : memref<128xi32, #tpu.memory_space<vmem>>)
    %dma_start3A_203 = arith.constant 0 : i32
    %dma_start3A_204 = arith.constant 0 : i32
    %dma_start3A_205 = arith.constant 0 : i32
    %dma_start3A_206 = arith.constant 0 : i32
    %dma_start3A_207 = arith.constant 0 : i32
    %dma_start3A_208 = tpu.memref_slice %arg8[%dma_start3A_204, %dma_start3A_206, %dma_start3A_207] : memref<2x128x128xf32, #tpu.memory_space<vmem>> -> memref<1x128x128xf32, #tpu.memory_space<vmem>>
    %dma_start3A_209 = tpu.memref_squeeze %dma_start3A_208 : memref<1x128x128xf32, #tpu.memory_space<vmem>> -> memref<128x128xf32, #tpu.memory_space<vmem>>
    %dma_start3A_210 = arith.constant 0 : i32
    %dma_start3A_211 = tpu.memref_slice %arg6[%dma_start3A_203, %dma_start3A_210] : memref<2x128xi32, #tpu.memory_space<vmem>> -> memref<1x128xi32, #tpu.memory_space<vmem>>
    %dma_start3A_212 = tpu.memref_squeeze %dma_start3A_211 : memref<1x128xi32, #tpu.memory_space<vmem>> -> memref<128xi32, #tpu.memory_space<vmem>>
    %dma_start3A_213 = arith.constant 0 : i32
    %dma_start3A_214 = arith.constant 0 : i32
    %dma_start3A_215 = tpu.memref_slice %arg2[%dma_start3A_213, %dma_start3A_214] : memref<10000x128xf32, #tpu.memory_space<hbm>> -> memref<10000x128xf32, #tpu.memory_space<hbm>>
    %dma_start3A_216 = tpu.memref_slice %arg11[%dma_start3A_205] : memref<2x!tpu.dma_semaphore, #tpu.memory_space<semaphore_mem>> -> memref<1x!tpu.dma_semaphore, #tpu.memory_space<semaphore_mem>>
    %dma_start3A_217 = tpu.memref_squeeze %dma_start3A_216 : memref<1x!tpu.dma_semaphore, #tpu.memory_space<semaphore_mem>> -> memref<!tpu.dma_semaphore, #tpu.memory_space<semaphore_mem>>
    tpu.enqueue_indirect_dma source(%dma_start3A_215 : memref<10000x128xf32, #tpu.memory_space<hbm>>) target(%dma_start3A_209 : memref<128x128xf32, #tpu.memory_space<vmem>>) offsets(%dma_start3A_212 : memref<128xi32, #tpu.memory_space<vmem>>) semaphore(%dma_start3A_217 : memref<!tpu.dma_semaphore, #tpu.memory_space<semaphore_mem>>)
    %mul3A_218 = arith.constant 640 : i32
    %mul3A_219 = arith.muli %arg1, %mul3A_218 : i32
    %add3A_220 = arith.constant 0 : i32
    %add3A_221 = arith.addi %mul3A_219, %add3A_220 : i32
    %dma_wait3A_222 = arith.constant 1 : i32
    %dma_wait3A_223 = arith.constant 0 : i32
    %dma_wait3A_224 = arith.constant 0 : i32
    %dma_wait3A_225 = tpu.memref_slice %arg8[%dma_wait3A_222, %dma_wait3A_223, %dma_wait3A_224] : memref<2x128x128xf32, #tpu.memory_space<vmem>> -> memref<1x128x128xf32, #tpu.memory_space<vmem>>
    %dma_wait3A_226 = tpu.memref_squeeze %dma_wait3A_225 : memref<1x128x128xf32, #tpu.memory_space<vmem>> -> memref<128x128xf32, #tpu.memory_space<vmem>>
    %dma_wait3A_227 = arith.constant 0 : i32
    %dma_wait3A_228 = tpu.memref_slice %arg9[%add3A_221, %dma_wait3A_227] : memref<10240x128xf32, #tpu.memory_space<vmem_shared>> -> memref<128x128xf32, #tpu.memory_space<vmem_shared>>
    %dma_wait3A_229 = arith.constant 0 : i32
    %dma_wait3A_230 = tpu.memref_slice %arg9[%add3A_221, %dma_wait3A_229] : memref<10240x128xf32, #tpu.memory_space<vmem_shared>> -> memref<128x128xf32, #tpu.memory_space<vmem_shared>>
    %dma_wait3A_231 = arith.constant 0 : i32
    %dma_wait3A_232 = arith.constant 0 : i32
    %dma_wait3A_233 = tpu.memref_slice %arg8[%dma_wait3A_222, %dma_wait3A_231, %dma_wait3A_232] : memref<2x128x128xf32, #tpu.memory_space<vmem>> -> memref<1x128x128xf32, #tpu.memory_space<vmem>>
    %dma_wait3A_234 = tpu.memref_squeeze %dma_wait3A_233 : memref<1x128x128xf32, #tpu.memory_space<vmem>> -> memref<128x128xf32, #tpu.memory_space<vmem>>
    tpu.wait_dma2 semaphore(%arg12 : memref<!tpu.dma_semaphore, #tpu.memory_space<semaphore_mem>>) src(%dma_wait3A_234 : memref<128x128xf32, #tpu.memory_space<vmem>>) dst(%dma_wait3A_230 : memref<128x128xf32, #tpu.memory_space<vmem_shared>>)
    %mul3A_235 = arith.constant 640 : i32
    %mul3A_236 = arith.muli %arg1, %mul3A_235 : i32
    %add3A_237 = arith.constant 128 : i32
    %add3A_238 = arith.addi %mul3A_236, %add3A_237 : i32
    %dma_wait3A_239 = arith.constant 1 : i32
    %dma_wait3A_240 = arith.constant 0 : i32
    %dma_wait3A_241 = arith.constant 0 : i32
    %dma_wait3A_242 = tpu.memref_slice %arg8[%dma_wait3A_239, %dma_wait3A_240, %dma_wait3A_241] : memref<2x128x128xf32, #tpu.memory_space<vmem>> -> memref<1x128x128xf32, #tpu.memory_space<vmem>>
    %dma_wait3A_243 = tpu.memref_squeeze %dma_wait3A_242 : memref<1x128x128xf32, #tpu.memory_space<vmem>> -> memref<128x128xf32, #tpu.memory_space<vmem>>
    %dma_wait3A_244 = arith.constant 0 : i32
    %dma_wait3A_245 = tpu.memref_slice %arg9[%add3A_238, %dma_wait3A_244] : memref<10240x128xf32, #tpu.memory_space<vmem_shared>> -> memref<128x128xf32, #tpu.memory_space<vmem_shared>>
    %dma_wait3A_246 = arith.constant 0 : i32
    %dma_wait3A_247 = tpu.memref_slice %arg9[%add3A_238, %dma_wait3A_246] : memref<10240x128xf32, #tpu.memory_space<vmem_shared>> -> memref<128x128xf32, #tpu.memory_space<vmem_shared>>
    %dma_wait3A_248 = arith.constant 0 : i32
    %dma_wait3A_249 = arith.constant 0 : i32
    %dma_wait3A_250 = tpu.memref_slice %arg8[%dma_wait3A_239, %dma_wait3A_248, %dma_wait3A_249] : memref<2x128x128xf32, #tpu.memory_space<vmem>> -> memref<1x128x128xf32, #tpu.memory_space<vmem>>
    %dma_wait3A_251 = tpu.memref_squeeze %dma_wait3A_250 : memref<1x128x128xf32, #tpu.memory_space<vmem>> -> memref<128x128xf32, #tpu.memory_space<vmem>>
    tpu.wait_dma2 semaphore(%arg12 : memref<!tpu.dma_semaphore, #tpu.memory_space<semaphore_mem>>) src(%dma_wait3A_251 : memref<128x128xf32, #tpu.memory_space<vmem>>) dst(%dma_wait3A_247 : memref<128x128xf32, #tpu.memory_space<vmem_shared>>)
    %mul3A_252 = arith.constant 640 : i32
    %mul3A_253 = arith.muli %arg1, %mul3A_252 : i32
    %add3A_254 = arith.constant 256 : i32
    %add3A_255 = arith.addi %mul3A_253, %add3A_254 : i32
    %dma_wait3A_256 = arith.constant 1 : i32
    %dma_wait3A_257 = arith.constant 0 : i32
    %dma_wait3A_258 = arith.constant 0 : i32
    %dma_wait3A_259 = tpu.memref_slice %arg8[%dma_wait3A_256, %dma_wait3A_257, %dma_wait3A_258] : memref<2x128x128xf32, #tpu.memory_space<vmem>> -> memref<1x128x128xf32, #tpu.memory_space<vmem>>
    %dma_wait3A_260 = tpu.memref_squeeze %dma_wait3A_259 : memref<1x128x128xf32, #tpu.memory_space<vmem>> -> memref<128x128xf32, #tpu.memory_space<vmem>>
    %dma_wait3A_261 = arith.constant 0 : i32
    %dma_wait3A_262 = tpu.memref_slice %arg9[%add3A_255, %dma_wait3A_261] : memref<10240x128xf32, #tpu.memory_space<vmem_shared>> -> memref<128x128xf32, #tpu.memory_space<vmem_shared>>
    %dma_wait3A_263 = arith.constant 0 : i32
    %dma_wait3A_264 = tpu.memref_slice %arg9[%add3A_255, %dma_wait3A_263] : memref<10240x128xf32, #tpu.memory_space<vmem_shared>> -> memref<128x128xf32, #tpu.memory_space<vmem_shared>>
    %dma_wait3A_265 = arith.constant 0 : i32
    %dma_wait3A_266 = arith.constant 0 : i32
    %dma_wait3A_267 = tpu.memref_slice %arg8[%dma_wait3A_256, %dma_wait3A_265, %dma_wait3A_266] : memref<2x128x128xf32, #tpu.memory_space<vmem>> -> memref<1x128x128xf32, #tpu.memory_space<vmem>>
    %dma_wait3A_268 = tpu.memref_squeeze %dma_wait3A_267 : memref<1x128x128xf32, #tpu.memory_space<vmem>> -> memref<128x128xf32, #tpu.memory_space<vmem>>
    tpu.wait_dma2 semaphore(%arg12 : memref<!tpu.dma_semaphore, #tpu.memory_space<semaphore_mem>>) src(%dma_wait3A_268 : memref<128x128xf32, #tpu.memory_space<vmem>>) dst(%dma_wait3A_264 : memref<128x128xf32, #tpu.memory_space<vmem_shared>>)
    %mul3A_269 = arith.constant 640 : i32
    %mul3A_270 = arith.muli %arg1, %mul3A_269 : i32
    %add3A_271 = arith.constant 384 : i32
    %add3A_272 = arith.addi %mul3A_270, %add3A_271 : i32
    %dma_wait3A_273 = arith.constant 1 : i32
    %dma_wait3A_274 = arith.constant 0 : i32
    %dma_wait3A_275 = arith.constant 0 : i32
    %dma_wait3A_276 = tpu.memref_slice %arg8[%dma_wait3A_273, %dma_wait3A_274, %dma_wait3A_275] : memref<2x128x128xf32, #tpu.memory_space<vmem>> -> memref<1x128x128xf32, #tpu.memory_space<vmem>>
    %dma_wait3A_277 = tpu.memref_squeeze %dma_wait3A_276 : memref<1x128x128xf32, #tpu.memory_space<vmem>> -> memref<128x128xf32, #tpu.memory_space<vmem>>
    %dma_wait3A_278 = arith.constant 0 : i32
    %dma_wait3A_279 = tpu.memref_slice %arg9[%add3A_272, %dma_wait3A_278] : memref<10240x128xf32, #tpu.memory_space<vmem_shared>> -> memref<128x128xf32, #tpu.memory_space<vmem_shared>>
    %dma_wait3A_280 = arith.constant 0 : i32
    %dma_wait3A_281 = tpu.memref_slice %arg9[%add3A_272, %dma_wait3A_280] : memref<10240x128xf32, #tpu.memory_space<vmem_shared>> -> memref<128x128xf32, #tpu.memory_space<vmem_shared>>
    %dma_wait3A_282 = arith.constant 0 : i32
    %dma_wait3A_283 = arith.constant 0 : i32
    %dma_wait3A_284 = tpu.memref_slice %arg8[%dma_wait3A_273, %dma_wait3A_282, %dma_wait3A_283] : memref<2x128x128xf32, #tpu.memory_space<vmem>> -> memref<1x128x128xf32, #tpu.memory_space<vmem>>
    %dma_wait3A_285 = tpu.memref_squeeze %dma_wait3A_284 : memref<1x128x128xf32, #tpu.memory_space<vmem>> -> memref<128x128xf32, #tpu.memory_space<vmem>>
    tpu.wait_dma2 semaphore(%arg12 : memref<!tpu.dma_semaphore, #tpu.memory_space<semaphore_mem>>) src(%dma_wait3A_285 : memref<128x128xf32, #tpu.memory_space<vmem>>) dst(%dma_wait3A_281 : memref<128x128xf32, #tpu.memory_space<vmem_shared>>)
    %mul3A_286 = arith.constant 640 : i32
    %mul3A_287 = arith.muli %arg1, %mul3A_286 : i32
    %add3A_288 = arith.constant 512 : i32
    %add3A_289 = arith.addi %mul3A_287, %add3A_288 : i32
    %dma_wait3A_290 = arith.constant 1 : i32
    %dma_wait3A_291 = arith.constant 0 : i32
    %dma_wait3A_292 = arith.constant 0 : i32
    %dma_wait3A_293 = tpu.memref_slice %arg8[%dma_wait3A_290, %dma_wait3A_291, %dma_wait3A_292] : memref<2x128x128xf32, #tpu.memory_space<vmem>> -> memref<1x128x128xf32, #tpu.memory_space<vmem>>
    %dma_wait3A_294 = tpu.memref_squeeze %dma_wait3A_293 : memref<1x128x128xf32, #tpu.memory_space<vmem>> -> memref<128x128xf32, #tpu.memory_space<vmem>>
    %dma_wait3A_295 = arith.constant 0 : i32
    %dma_wait3A_296 = tpu.memref_slice %arg9[%add3A_289, %dma_wait3A_295] : memref<10240x128xf32, #tpu.memory_space<vmem_shared>> -> memref<128x128xf32, #tpu.memory_space<vmem_shared>>
    %dma_wait3A_297 = arith.constant 0 : i32
    %dma_wait3A_298 = tpu.memref_slice %arg9[%add3A_289, %dma_wait3A_297] : memref<10240x128xf32, #tpu.memory_space<vmem_shared>> -> memref<128x128xf32, #tpu.memory_space<vmem_shared>>
    %dma_wait3A_299 = arith.constant 0 : i32
    %dma_wait3A_300 = arith.constant 0 : i32
    %dma_wait3A_301 = tpu.memref_slice %arg8[%dma_wait3A_290, %dma_wait3A_299, %dma_wait3A_300] : memref<2x128x128xf32, #tpu.memory_space<vmem>> -> memref<1x128x128xf32, #tpu.memory_space<vmem>>
    %dma_wait3A_302 = tpu.memref_squeeze %dma_wait3A_301 : memref<1x128x128xf32, #tpu.memory_space<vmem>> -> memref<128x128xf32, #tpu.memory_space<vmem>>
    tpu.wait_dma2 semaphore(%arg12 : memref<!tpu.dma_semaphore, #tpu.memory_space<semaphore_mem>>) src(%dma_wait3A_302 : memref<128x128xf32, #tpu.memory_space<vmem>>) dst(%dma_wait3A_298 : memref<128x128xf32, #tpu.memory_space<vmem_shared>>)
    %barrier3A = arith.constant 0 : index
    tpu.barrier barrier_id(%barrier3A)
    %while3A = arith.constant 0 : i32
    %while3A_303 = arith.constant 0 : i32
    %while3A_304 = arith.subi %add3A_4, %while3A_303 : i32
    %while3A_305 = arith.addi %while3A_303, %while3A_304 : i32
    %while3A_306 = arith.constant 1 : i32
    %while3A_307 = arith.divsi %while3A_304, %while3A_306 : i32
    %while3A_308 = arith.muli %while3A_307, %while3A_306 : i32
    %while3A_309 = arith.addi %while3A_303, %while3A_308 : i32
    %while3A_310 = arith.constant 1 : i32
    scf.for %while3A_335 = %while3A_303 to %while3A_309 step %while3A_310  : i32 {
      %rem3A_336 = arith.constant 2 : i32
      %rem3A_337 = arith.remsi %while3A_335, %rem3A_336 : i32
      %gt3A = arith.constant 0 : i32
      %gt3A_338 = arith.cmpi sgt, %while3A_335, %gt3A : i32
      %convert_element_type3A = arith.extui %gt3A_338 : i1 to i32
      %cond3A = arith.constant 0 : i32
      %cond3A_339 = arith.cmpi ne, %convert_element_type3A, %cond3A : i32
      scf.if %cond3A_339 {
        %sub3A_376 = arith.constant 1 : i32
        %sub3A_377 = arith.subi %while3A_335, %sub3A_376 : i32
        %sub3A_378 = arith.constant 1 : i32
        %sub3A_379 = arith.subi %sub3A_378, %rem3A_337 : i32
        %rem3A_380 = arith.constant 3 : i32
        %rem3A_381 = arith.remsi %sub3A_377, %rem3A_380 : i32
        %dma_wait3A_382 = arith.constant 0 : i32
        %dma_wait3A_383 = arith.constant 0 : i32
        %dma_wait3A_384 = tpu.memref_slice %arg8[%sub3A_379, %dma_wait3A_382, %dma_wait3A_383] : memref<2x128x128xf32, #tpu.memory_space<vmem>> -> memref<1x128x128xf32, #tpu.memory_space<vmem>>
        %dma_wait3A_385 = tpu.memref_squeeze %dma_wait3A_384 : memref<1x128x128xf32, #tpu.memory_space<vmem>> -> memref<128x128xf32, #tpu.memory_space<vmem>>
        %dma_wait3A_386 = arith.constant 0 : i32
        %dma_wait3A_387 = tpu.memref_slice %arg7[%rem3A_381, %dma_wait3A_386] : memref<3x128xi32, #tpu.memory_space<vmem>> -> memref<1x128xi32, #tpu.memory_space<vmem>>
        %dma_wait3A_388 = tpu.memref_squeeze %dma_wait3A_387 : memref<1x128xi32, #tpu.memory_space<vmem>> -> memref<128xi32, #tpu.memory_space<vmem>>
        %dma_wait3A_389 = arith.constant 0 : i32
        %dma_wait3A_390 = arith.constant 0 : i32
        %dma_wait3A_391 = tpu.memref_slice %arg9[%dma_wait3A_389, %dma_wait3A_390] : memref<10240x128xf32, #tpu.memory_space<vmem_shared>> -> memref<10240x128xf32, #tpu.memory_space<vmem_shared>>
        tpu.wait_indirect_dma semaphore(%arg12 : memref<!tpu.dma_semaphore, #tpu.memory_space<semaphore_mem>>) src(%dma_wait3A_385 : memref<128x128xf32, #tpu.memory_space<vmem>>) dst(%dma_wait3A_391 : memref<10240x128xf32, #tpu.memory_space<vmem_shared>>)
      } else {
      }
      %add3A_340 = arith.constant 1 : i32
      %add3A_341 = arith.addi %while3A_335, %add3A_340 : i32
      %lt3A_342 = arith.cmpi slt, %add3A_341, %add3A_4 : i32
      %convert_element_type3A_343 = arith.extui %lt3A_342 : i1 to i32
      %cond3A_344 = arith.constant 0 : i32
      %cond3A_345 = arith.cmpi ne, %convert_element_type3A_343, %cond3A_344 : i32
      scf.if %cond3A_345 {
        %add3A_376 = arith.constant 1 : i32
        %add3A_377 = arith.addi %while3A_335, %add3A_376 : i32
        %mul3A_378 = arith.constant 128 : i32
        %mul3A_379 = arith.muli %add3A_377, %mul3A_378 : i32
        %add3A_380 = arith.addi %mul3A_10, %mul3A_379 : i32
        %multiple_of3A_381 = tpu.assume_multiple %add3A_380, 8 : i32
        %rem3A_382 = arith.constant 2 : i32
        %rem3A_383 = arith.remsi %add3A_377, %rem3A_382 : i32
        %rem3A_384 = arith.constant 2 : i32
        %rem3A_385 = arith.remsi %add3A_377, %rem3A_384 : i32
        %dma_wait3A_386 = arith.constant 0 : i32
        %dma_wait3A_387 = tpu.memref_slice %arg6[%rem3A_383, %dma_wait3A_386] : memref<2x128xi32, #tpu.memory_space<vmem>> -> memref<1x128xi32, #tpu.memory_space<vmem>>
        %dma_wait3A_388 = tpu.memref_squeeze %dma_wait3A_387 : memref<1x128xi32, #tpu.memory_space<vmem>> -> memref<128xi32, #tpu.memory_space<vmem>>
        %dma_wait3A_389 = tpu.memref_slice %arg3[%multiple_of3A_381] : memref<320000xi32, #tpu.memory_space<hbm>> -> memref<128xi32, #tpu.memory_space<hbm>>
        %dma_wait3A_390 = tpu.memref_slice %arg10[%rem3A_385] : memref<2x!tpu.dma_semaphore, #tpu.memory_space<semaphore_mem>> -> memref<1x!tpu.dma_semaphore, #tpu.memory_space<semaphore_mem>>
        %dma_wait3A_391 = tpu.memref_squeeze %dma_wait3A_390 : memref<1x!tpu.dma_semaphore, #tpu.memory_space<semaphore_mem>> -> memref<!tpu.dma_semaphore, #tpu.memory_space<semaphore_mem>>
        %dma_wait3A_392 = arith.constant 0 : i32
        %dma_wait3A_393 = tpu.memref_slice %arg6[%rem3A_383, %dma_wait3A_392] : memref<2x128xi32, #tpu.memory_space<vmem>> -> memref<1x128xi32, #tpu.memory_space<vmem>>
        %dma_wait3A_394 = tpu.memref_squeeze %dma_wait3A_393 : memref<1x128xi32, #tpu.memory_space<vmem>> -> memref<128xi32, #tpu.memory_space<vmem>>
        %dma_wait3A_395 = tpu.memref_slice %arg3[%multiple_of3A_381] : memref<320000xi32, #tpu.memory_space<hbm>> -> memref<128xi32, #tpu.memory_space<hbm>>
        tpu.wait_dma2 semaphore(%dma_wait3A_391 : memref<!tpu.dma_semaphore, #tpu.memory_space<semaphore_mem>>) src(%dma_wait3A_395 : memref<128xi32, #tpu.memory_space<hbm>>) dst(%dma_wait3A_394 : memref<128xi32, #tpu.memory_space<vmem>>)
        %rem3A_396 = arith.constant 3 : i32
        %rem3A_397 = arith.remsi %add3A_377, %rem3A_396 : i32
        %rem3A_398 = arith.constant 2 : i32
        %rem3A_399 = arith.remsi %add3A_377, %rem3A_398 : i32
        %dma_wait3A_400 = arith.constant 0 : i32
        %dma_wait3A_401 = tpu.memref_slice %arg7[%rem3A_397, %dma_wait3A_400] : memref<3x128xi32, #tpu.memory_space<vmem>> -> memref<1x128xi32, #tpu.memory_space<vmem>>
        %dma_wait3A_402 = tpu.memref_squeeze %dma_wait3A_401 : memref<1x128xi32, #tpu.memory_space<vmem>> -> memref<128xi32, #tpu.memory_space<vmem>>
        %dma_wait3A_403 = tpu.memref_slice %arg4[%multiple_of3A_381] : memref<320000xi32, #tpu.memory_space<hbm>> -> memref<128xi32, #tpu.memory_space<hbm>>
        %dma_wait3A_404 = tpu.memref_slice %arg10[%rem3A_399] : memref<2x!tpu.dma_semaphore, #tpu.memory_space<semaphore_mem>> -> memref<1x!tpu.dma_semaphore, #tpu.memory_space<semaphore_mem>>
        %dma_wait3A_405 = tpu.memref_squeeze %dma_wait3A_404 : memref<1x!tpu.dma_semaphore, #tpu.memory_space<semaphore_mem>> -> memref<!tpu.dma_semaphore, #tpu.memory_space<semaphore_mem>>
        %dma_wait3A_406 = arith.constant 0 : i32
        %dma_wait3A_407 = tpu.memref_slice %arg7[%rem3A_397, %dma_wait3A_406] : memref<3x128xi32, #tpu.memory_space<vmem>> -> memref<1x128xi32, #tpu.memory_space<vmem>>
        %dma_wait3A_408 = tpu.memref_squeeze %dma_wait3A_407 : memref<1x128xi32, #tpu.memory_space<vmem>> -> memref<128xi32, #tpu.memory_space<vmem>>
        %dma_wait3A_409 = tpu.memref_slice %arg4[%multiple_of3A_381] : memref<320000xi32, #tpu.memory_space<hbm>> -> memref<128xi32, #tpu.memory_space<hbm>>
        tpu.wait_dma2 semaphore(%dma_wait3A_405 : memref<!tpu.dma_semaphore, #tpu.memory_space<semaphore_mem>>) src(%dma_wait3A_409 : memref<128xi32, #tpu.memory_space<hbm>>) dst(%dma_wait3A_408 : memref<128xi32, #tpu.memory_space<vmem>>)
        %add3A_410 = arith.constant 1 : i32
        %add3A_411 = arith.addi %while3A_335, %add3A_410 : i32
        %sub3A_412 = arith.constant 1 : i32
        %sub3A_413 = arith.subi %sub3A_412, %rem3A_337 : i32
        %dma_start3A_414 = arith.constant 0 : i32
        %dma_start3A_415 = arith.constant 0 : i32
        %dma_start3A_416 = tpu.memref_slice %arg8[%sub3A_413, %dma_start3A_414, %dma_start3A_415] : memref<2x128x128xf32, #tpu.memory_space<vmem>> -> memref<1x128x128xf32, #tpu.memory_space<vmem>>
        %dma_start3A_417 = tpu.memref_squeeze %dma_start3A_416 : memref<1x128x128xf32, #tpu.memory_space<vmem>> -> memref<128x128xf32, #tpu.memory_space<vmem>>
        %dma_start3A_418 = arith.constant 0 : i32
        %dma_start3A_419 = tpu.memref_slice %arg6[%sub3A_413, %dma_start3A_418] : memref<2x128xi32, #tpu.memory_space<vmem>> -> memref<1x128xi32, #tpu.memory_space<vmem>>
        %dma_start3A_420 = tpu.memref_squeeze %dma_start3A_419 : memref<1x128xi32, #tpu.memory_space<vmem>> -> memref<128xi32, #tpu.memory_space<vmem>>
        %dma_start3A_421 = arith.constant 0 : i32
        %dma_start3A_422 = arith.constant 0 : i32
        %dma_start3A_423 = tpu.memref_slice %arg2[%dma_start3A_421, %dma_start3A_422] : memref<10000x128xf32, #tpu.memory_space<hbm>> -> memref<10000x128xf32, #tpu.memory_space<hbm>>
        %dma_start3A_424 = tpu.memref_slice %arg11[%sub3A_413] : memref<2x!tpu.dma_semaphore, #tpu.memory_space<semaphore_mem>> -> memref<1x!tpu.dma_semaphore, #tpu.memory_space<semaphore_mem>>
        %dma_start3A_425 = tpu.memref_squeeze %dma_start3A_424 : memref<1x!tpu.dma_semaphore, #tpu.memory_space<semaphore_mem>> -> memref<!tpu.dma_semaphore, #tpu.memory_space<semaphore_mem>>
        tpu.enqueue_indirect_dma source(%dma_start3A_423 : memref<10000x128xf32, #tpu.memory_space<hbm>>) target(%dma_start3A_417 : memref<128x128xf32, #tpu.memory_space<vmem>>) offsets(%dma_start3A_420 : memref<128xi32, #tpu.memory_space<vmem>>) semaphore(%dma_start3A_425 : memref<!tpu.dma_semaphore, #tpu.memory_space<semaphore_mem>>)
      } else {
      }
      %dma_wait3A_346 = arith.constant 0 : i32
      %dma_wait3A_347 = arith.constant 0 : i32
      %dma_wait3A_348 = tpu.memref_slice %arg8[%rem3A_337, %dma_wait3A_346, %dma_wait3A_347] : memref<2x128x128xf32, #tpu.memory_space<vmem>> -> memref<1x128x128xf32, #tpu.memory_space<vmem>>
      %dma_wait3A_349 = tpu.memref_squeeze %dma_wait3A_348 : memref<1x128x128xf32, #tpu.memory_space<vmem>> -> memref<128x128xf32, #tpu.memory_space<vmem>>
      %dma_wait3A_350 = arith.constant 0 : i32
      %dma_wait3A_351 = tpu.memref_slice %arg6[%rem3A_337, %dma_wait3A_350] : memref<2x128xi32, #tpu.memory_space<vmem>> -> memref<1x128xi32, #tpu.memory_space<vmem>>
      %dma_wait3A_352 = tpu.memref_squeeze %dma_wait3A_351 : memref<1x128xi32, #tpu.memory_space<vmem>> -> memref<128xi32, #tpu.memory_space<vmem>>
      %dma_wait3A_353 = arith.constant 0 : i32
      %dma_wait3A_354 = arith.constant 0 : i32
      %dma_wait3A_355 = tpu.memref_slice %arg2[%dma_wait3A_353, %dma_wait3A_354] : memref<10000x128xf32, #tpu.memory_space<hbm>> -> memref<10000x128xf32, #tpu.memory_space<hbm>>
      %dma_wait3A_356 = tpu.memref_slice %arg11[%rem3A_337] : memref<2x!tpu.dma_semaphore, #tpu.memory_space<semaphore_mem>> -> memref<1x!tpu.dma_semaphore, #tpu.memory_space<semaphore_mem>>
      %dma_wait3A_357 = tpu.memref_squeeze %dma_wait3A_356 : memref<1x!tpu.dma_semaphore, #tpu.memory_space<semaphore_mem>> -> memref<!tpu.dma_semaphore, #tpu.memory_space<semaphore_mem>>
      tpu.wait_indirect_dma semaphore(%dma_wait3A_357 : memref<!tpu.dma_semaphore, #tpu.memory_space<semaphore_mem>>) src(%dma_wait3A_355 : memref<10000x128xf32, #tpu.memory_space<hbm>>) dst(%dma_wait3A_349 : memref<128x128xf32, #tpu.memory_space<vmem>>)
      %rem3A_358 = arith.constant 3 : i32
      %rem3A_359 = arith.remsi %while3A_335, %rem3A_358 : i32
      %dma_start3A_360 = arith.constant 0 : i32
      %dma_start3A_361 = arith.constant 0 : i32
      %dma_start3A_362 = tpu.memref_slice %arg8[%rem3A_337, %dma_start3A_360, %dma_start3A_361] : memref<2x128x128xf32, #tpu.memory_space<vmem>> -> memref<1x128x128xf32, #tpu.memory_space<vmem>>
      %dma_start3A_363 = tpu.memref_squeeze %dma_start3A_362 : memref<1x128x128xf32, #tpu.memory_space<vmem>> -> memref<128x128xf32, #tpu.memory_space<vmem>>
      %dma_start3A_364 = arith.constant 0 : i32
      %dma_start3A_365 = tpu.memref_slice %arg7[%rem3A_359, %dma_start3A_364] : memref<3x128xi32, #tpu.memory_space<vmem>> -> memref<1x128xi32, #tpu.memory_space<vmem>>
      %dma_start3A_366 = tpu.memref_squeeze %dma_start3A_365 : memref<1x128xi32, #tpu.memory_space<vmem>> -> memref<128xi32, #tpu.memory_space<vmem>>
      %dma_start3A_367 = arith.constant 0 : i32
      %dma_start3A_368 = arith.constant 0 : i32
      %dma_start3A_369 = tpu.memref_slice %arg9[%dma_start3A_367, %dma_start3A_368] : memref<10240x128xf32, #tpu.memory_space<vmem_shared>> -> memref<10240x128xf32, #tpu.memory_space<vmem_shared>>
      tpu.enqueue_indirect_dma source(%dma_start3A_363 : memref<128x128xf32, #tpu.memory_space<vmem>>) target(%dma_start3A_369 : memref<10240x128xf32, #tpu.memory_space<vmem_shared>>) offsets(%dma_start3A_366 : memref<128xi32, #tpu.memory_space<vmem>>) semaphore(%arg12 : memref<!tpu.dma_semaphore, #tpu.memory_space<semaphore_mem>>) {add = true}
      %add3A_370 = arith.constant 2 : i32
      %add3A_371 = arith.addi %while3A_335, %add3A_370 : i32
      %lt3A_372 = arith.cmpi slt, %add3A_371, %add3A_4 : i32
      %convert_element_type3A_373 = arith.extui %lt3A_372 : i1 to i32
      %cond3A_374 = arith.constant 0 : i32
      %cond3A_375 = arith.cmpi ne, %convert_element_type3A_373, %cond3A_374 : i32
      scf.if %cond3A_375 {
        %add3A_376 = arith.constant 2 : i32
        %add3A_377 = arith.addi %while3A_335, %add3A_376 : i32
        %mul3A_378 = arith.constant 128 : i32
        %mul3A_379 = arith.muli %add3A_377, %mul3A_378 : i32
        %add3A_380 = arith.addi %mul3A_10, %mul3A_379 : i32
        %multiple_of3A_381 = tpu.assume_multiple %add3A_380, 8 : i32
        %rem3A_382 = arith.constant 2 : i32
        %rem3A_383 = arith.remsi %add3A_377, %rem3A_382 : i32
        %rem3A_384 = arith.constant 2 : i32
        %rem3A_385 = arith.remsi %add3A_377, %rem3A_384 : i32
        %dma_start3A_386 = arith.constant 0 : i32
        %dma_start3A_387 = tpu.memref_slice %arg6[%rem3A_383, %dma_start3A_386] : memref<2x128xi32, #tpu.memory_space<vmem>> -> memref<1x128xi32, #tpu.memory_space<vmem>>
        %dma_start3A_388 = tpu.memref_squeeze %dma_start3A_387 : memref<1x128xi32, #tpu.memory_space<vmem>> -> memref<128xi32, #tpu.memory_space<vmem>>
        %dma_start3A_389 = tpu.memref_slice %arg3[%multiple_of3A_381] : memref<320000xi32, #tpu.memory_space<hbm>> -> memref<128xi32, #tpu.memory_space<hbm>>
        %dma_start3A_390 = tpu.memref_slice %arg10[%rem3A_385] : memref<2x!tpu.dma_semaphore, #tpu.memory_space<semaphore_mem>> -> memref<1x!tpu.dma_semaphore, #tpu.memory_space<semaphore_mem>>
        %dma_start3A_391 = tpu.memref_squeeze %dma_start3A_390 : memref<1x!tpu.dma_semaphore, #tpu.memory_space<semaphore_mem>> -> memref<!tpu.dma_semaphore, #tpu.memory_space<semaphore_mem>>
        %dma_start3A_392 = arith.constant 0 : i32
        %dma_start3A_393 = tpu.memref_slice %arg6[%rem3A_383, %dma_start3A_392] : memref<2x128xi32, #tpu.memory_space<vmem>> -> memref<1x128xi32, #tpu.memory_space<vmem>>
        %dma_start3A_394 = tpu.memref_squeeze %dma_start3A_393 : memref<1x128xi32, #tpu.memory_space<vmem>> -> memref<128xi32, #tpu.memory_space<vmem>>
        %dma_start3A_395 = tpu.memref_slice %arg3[%multiple_of3A_381] : memref<320000xi32, #tpu.memory_space<hbm>> -> memref<128xi32, #tpu.memory_space<hbm>>
        tpu.enqueue_dma source(%dma_start3A_395 : memref<128xi32, #tpu.memory_space<hbm>>) target(%dma_start3A_394 : memref<128xi32, #tpu.memory_space<vmem>>) target_semaphore(%dma_start3A_391 : memref<!tpu.dma_semaphore, #tpu.memory_space<semaphore_mem>>)
        %rem3A_396 = arith.constant 3 : i32
        %rem3A_397 = arith.remsi %add3A_377, %rem3A_396 : i32
        %rem3A_398 = arith.constant 2 : i32
        %rem3A_399 = arith.remsi %add3A_377, %rem3A_398 : i32
        %dma_start3A_400 = arith.constant 0 : i32
        %dma_start3A_401 = tpu.memref_slice %arg7[%rem3A_397, %dma_start3A_400] : memref<3x128xi32, #tpu.memory_space<vmem>> -> memref<1x128xi32, #tpu.memory_space<vmem>>
        %dma_start3A_402 = tpu.memref_squeeze %dma_start3A_401 : memref<1x128xi32, #tpu.memory_space<vmem>> -> memref<128xi32, #tpu.memory_space<vmem>>
        %dma_start3A_403 = tpu.memref_slice %arg4[%multiple_of3A_381] : memref<320000xi32, #tpu.memory_space<hbm>> -> memref<128xi32, #tpu.memory_space<hbm>>
        %dma_start3A_404 = tpu.memref_slice %arg10[%rem3A_399] : memref<2x!tpu.dma_semaphore, #tpu.memory_space<semaphore_mem>> -> memref<1x!tpu.dma_semaphore, #tpu.memory_space<semaphore_mem>>
        %dma_start3A_405 = tpu.memref_squeeze %dma_start3A_404 : memref<1x!tpu.dma_semaphore, #tpu.memory_space<semaphore_mem>> -> memref<!tpu.dma_semaphore, #tpu.memory_space<semaphore_mem>>
        %dma_start3A_406 = arith.constant 0 : i32
        %dma_start3A_407 = tpu.memref_slice %arg7[%rem3A_397, %dma_start3A_406] : memref<3x128xi32, #tpu.memory_space<vmem>> -> memref<1x128xi32, #tpu.memory_space<vmem>>
        %dma_start3A_408 = tpu.memref_squeeze %dma_start3A_407 : memref<1x128xi32, #tpu.memory_space<vmem>> -> memref<128xi32, #tpu.memory_space<vmem>>
        %dma_start3A_409 = tpu.memref_slice %arg4[%multiple_of3A_381] : memref<320000xi32, #tpu.memory_space<hbm>> -> memref<128xi32, #tpu.memory_space<hbm>>
        tpu.enqueue_dma source(%dma_start3A_409 : memref<128xi32, #tpu.memory_space<hbm>>) target(%dma_start3A_408 : memref<128xi32, #tpu.memory_space<vmem>>) target_semaphore(%dma_start3A_405 : memref<!tpu.dma_semaphore, #tpu.memory_space<semaphore_mem>>)
      } else {
      }
    }
    %while3A_311 = arith.constant 1 : i32
    scf.for %while3A_335 = %while3A_309 to %while3A_305 step %while3A_311  : i32 {
      %rem3A_336 = arith.constant 2 : i32
      %rem3A_337 = arith.remsi %while3A_335, %rem3A_336 : i32
      %gt3A = arith.constant 0 : i32
      %gt3A_338 = arith.cmpi sgt, %while3A_335, %gt3A : i32
      %convert_element_type3A = arith.extui %gt3A_338 : i1 to i32
      %cond3A = arith.constant 0 : i32
      %cond3A_339 = arith.cmpi ne, %convert_element_type3A, %cond3A : i32
      scf.if %cond3A_339 {
        %sub3A_376 = arith.constant 1 : i32
        %sub3A_377 = arith.subi %while3A_335, %sub3A_376 : i32
        %sub3A_378 = arith.constant 1 : i32
        %sub3A_379 = arith.subi %sub3A_378, %rem3A_337 : i32
        %rem3A_380 = arith.constant 3 : i32
        %rem3A_381 = arith.remsi %sub3A_377, %rem3A_380 : i32
        %dma_wait3A_382 = arith.constant 0 : i32
        %dma_wait3A_383 = arith.constant 0 : i32
        %dma_wait3A_384 = tpu.memref_slice %arg8[%sub3A_379, %dma_wait3A_382, %dma_wait3A_383] : memref<2x128x128xf32, #tpu.memory_space<vmem>> -> memref<1x128x128xf32, #tpu.memory_space<vmem>>
        %dma_wait3A_385 = tpu.memref_squeeze %dma_wait3A_384 : memref<1x128x128xf32, #tpu.memory_space<vmem>> -> memref<128x128xf32, #tpu.memory_space<vmem>>
        %dma_wait3A_386 = arith.constant 0 : i32
        %dma_wait3A_387 = tpu.memref_slice %arg7[%rem3A_381, %dma_wait3A_386] : memref<3x128xi32, #tpu.memory_space<vmem>> -> memref<1x128xi32, #tpu.memory_space<vmem>>
        %dma_wait3A_388 = tpu.memref_squeeze %dma_wait3A_387 : memref<1x128xi32, #tpu.memory_space<vmem>> -> memref<128xi32, #tpu.memory_space<vmem>>
        %dma_wait3A_389 = arith.constant 0 : i32
        %dma_wait3A_390 = arith.constant 0 : i32
        %dma_wait3A_391 = tpu.memref_slice %arg9[%dma_wait3A_389, %dma_wait3A_390] : memref<10240x128xf32, #tpu.memory_space<vmem_shared>> -> memref<10240x128xf32, #tpu.memory_space<vmem_shared>>
        tpu.wait_indirect_dma semaphore(%arg12 : memref<!tpu.dma_semaphore, #tpu.memory_space<semaphore_mem>>) src(%dma_wait3A_385 : memref<128x128xf32, #tpu.memory_space<vmem>>) dst(%dma_wait3A_391 : memref<10240x128xf32, #tpu.memory_space<vmem_shared>>)
      } else {
      }
      %add3A_340 = arith.constant 1 : i32
      %add3A_341 = arith.addi %while3A_335, %add3A_340 : i32
      %lt3A_342 = arith.cmpi slt, %add3A_341, %add3A_4 : i32
      %convert_element_type3A_343 = arith.extui %lt3A_342 : i1 to i32
      %cond3A_344 = arith.constant 0 : i32
      %cond3A_345 = arith.cmpi ne, %convert_element_type3A_343, %cond3A_344 : i32
      scf.if %cond3A_345 {
        %add3A_376 = arith.constant 1 : i32
        %add3A_377 = arith.addi %while3A_335, %add3A_376 : i32
        %mul3A_378 = arith.constant 128 : i32
        %mul3A_379 = arith.muli %add3A_377, %mul3A_378 : i32
        %add3A_380 = arith.addi %mul3A_10, %mul3A_379 : i32
        %multiple_of3A_381 = tpu.assume_multiple %add3A_380, 8 : i32
        %rem3A_382 = arith.constant 2 : i32
        %rem3A_383 = arith.remsi %add3A_377, %rem3A_382 : i32
        %rem3A_384 = arith.constant 2 : i32
        %rem3A_385 = arith.remsi %add3A_377, %rem3A_384 : i32
        %dma_wait3A_386 = arith.constant 0 : i32
        %dma_wait3A_387 = tpu.memref_slice %arg6[%rem3A_383, %dma_wait3A_386] : memref<2x128xi32, #tpu.memory_space<vmem>> -> memref<1x128xi32, #tpu.memory_space<vmem>>
        %dma_wait3A_388 = tpu.memref_squeeze %dma_wait3A_387 : memref<1x128xi32, #tpu.memory_space<vmem>> -> memref<128xi32, #tpu.memory_space<vmem>>
        %dma_wait3A_389 = tpu.memref_slice %arg3[%multiple_of3A_381] : memref<320000xi32, #tpu.memory_space<hbm>> -> memref<128xi32, #tpu.memory_space<hbm>>
        %dma_wait3A_390 = tpu.memref_slice %arg10[%rem3A_385] : memref<2x!tpu.dma_semaphore, #tpu.memory_space<semaphore_mem>> -> memref<1x!tpu.dma_semaphore, #tpu.memory_space<semaphore_mem>>
        %dma_wait3A_391 = tpu.memref_squeeze %dma_wait3A_390 : memref<1x!tpu.dma_semaphore, #tpu.memory_space<semaphore_mem>> -> memref<!tpu.dma_semaphore, #tpu.memory_space<semaphore_mem>>
        %dma_wait3A_392 = arith.constant 0 : i32
        %dma_wait3A_393 = tpu.memref_slice %arg6[%rem3A_383, %dma_wait3A_392] : memref<2x128xi32, #tpu.memory_space<vmem>> -> memref<1x128xi32, #tpu.memory_space<vmem>>
        %dma_wait3A_394 = tpu.memref_squeeze %dma_wait3A_393 : memref<1x128xi32, #tpu.memory_space<vmem>> -> memref<128xi32, #tpu.memory_space<vmem>>
        %dma_wait3A_395 = tpu.memref_slice %arg3[%multiple_of3A_381] : memref<320000xi32, #tpu.memory_space<hbm>> -> memref<128xi32, #tpu.memory_space<hbm>>
        tpu.wait_dma2 semaphore(%dma_wait3A_391 : memref<!tpu.dma_semaphore, #tpu.memory_space<semaphore_mem>>) src(%dma_wait3A_395 : memref<128xi32, #tpu.memory_space<hbm>>) dst(%dma_wait3A_394 : memref<128xi32, #tpu.memory_space<vmem>>)
        %rem3A_396 = arith.constant 3 : i32
        %rem3A_397 = arith.remsi %add3A_377, %rem3A_396 : i32
        %rem3A_398 = arith.constant 2 : i32
        %rem3A_399 = arith.remsi %add3A_377, %rem3A_398 : i32
        %dma_wait3A_400 = arith.constant 0 : i32
        %dma_wait3A_401 = tpu.memref_slice %arg7[%rem3A_397, %dma_wait3A_400] : memref<3x128xi32, #tpu.memory_space<vmem>> -> memref<1x128xi32, #tpu.memory_space<vmem>>
        %dma_wait3A_402 = tpu.memref_squeeze %dma_wait3A_401 : memref<1x128xi32, #tpu.memory_space<vmem>> -> memref<128xi32, #tpu.memory_space<vmem>>
        %dma_wait3A_403 = tpu.memref_slice %arg4[%multiple_of3A_381] : memref<320000xi32, #tpu.memory_space<hbm>> -> memref<128xi32, #tpu.memory_space<hbm>>
        %dma_wait3A_404 = tpu.memref_slice %arg10[%rem3A_399] : memref<2x!tpu.dma_semaphore, #tpu.memory_space<semaphore_mem>> -> memref<1x!tpu.dma_semaphore, #tpu.memory_space<semaphore_mem>>
        %dma_wait3A_405 = tpu.memref_squeeze %dma_wait3A_404 : memref<1x!tpu.dma_semaphore, #tpu.memory_space<semaphore_mem>> -> memref<!tpu.dma_semaphore, #tpu.memory_space<semaphore_mem>>
        %dma_wait3A_406 = arith.constant 0 : i32
        %dma_wait3A_407 = tpu.memref_slice %arg7[%rem3A_397, %dma_wait3A_406] : memref<3x128xi32, #tpu.memory_space<vmem>> -> memref<1x128xi32, #tpu.memory_space<vmem>>
        %dma_wait3A_408 = tpu.memref_squeeze %dma_wait3A_407 : memref<1x128xi32, #tpu.memory_space<vmem>> -> memref<128xi32, #tpu.memory_space<vmem>>
        %dma_wait3A_409 = tpu.memref_slice %arg4[%multiple_of3A_381] : memref<320000xi32, #tpu.memory_space<hbm>> -> memref<128xi32, #tpu.memory_space<hbm>>
        tpu.wait_dma2 semaphore(%dma_wait3A_405 : memref<!tpu.dma_semaphore, #tpu.memory_space<semaphore_mem>>) src(%dma_wait3A_409 : memref<128xi32, #tpu.memory_space<hbm>>) dst(%dma_wait3A_408 : memref<128xi32, #tpu.memory_space<vmem>>)
        %add3A_410 = arith.constant 1 : i32
        %add3A_411 = arith.addi %while3A_335, %add3A_410 : i32
        %sub3A_412 = arith.constant 1 : i32
        %sub3A_413 = arith.subi %sub3A_412, %rem3A_337 : i32
        %dma_start3A_414 = arith.constant 0 : i32
        %dma_start3A_415 = arith.constant 0 : i32
        %dma_start3A_416 = tpu.memref_slice %arg8[%sub3A_413, %dma_start3A_414, %dma_start3A_415] : memref<2x128x128xf32, #tpu.memory_space<vmem>> -> memref<1x128x128xf32, #tpu.memory_space<vmem>>
        %dma_start3A_417 = tpu.memref_squeeze %dma_start3A_416 : memref<1x128x128xf32, #tpu.memory_space<vmem>> -> memref<128x128xf32, #tpu.memory_space<vmem>>
        %dma_start3A_418 = arith.constant 0 : i32
        %dma_start3A_419 = tpu.memref_slice %arg6[%sub3A_413, %dma_start3A_418] : memref<2x128xi32, #tpu.memory_space<vmem>> -> memref<1x128xi32, #tpu.memory_space<vmem>>
        %dma_start3A_420 = tpu.memref_squeeze %dma_start3A_419 : memref<1x128xi32, #tpu.memory_space<vmem>> -> memref<128xi32, #tpu.memory_space<vmem>>
        %dma_start3A_421 = arith.constant 0 : i32
        %dma_start3A_422 = arith.constant 0 : i32
        %dma_start3A_423 = tpu.memref_slice %arg2[%dma_start3A_421, %dma_start3A_422] : memref<10000x128xf32, #tpu.memory_space<hbm>> -> memref<10000x128xf32, #tpu.memory_space<hbm>>
        %dma_start3A_424 = tpu.memref_slice %arg11[%sub3A_413] : memref<2x!tpu.dma_semaphore, #tpu.memory_space<semaphore_mem>> -> memref<1x!tpu.dma_semaphore, #tpu.memory_space<semaphore_mem>>
        %dma_start3A_425 = tpu.memref_squeeze %dma_start3A_424 : memref<1x!tpu.dma_semaphore, #tpu.memory_space<semaphore_mem>> -> memref<!tpu.dma_semaphore, #tpu.memory_space<semaphore_mem>>
        tpu.enqueue_indirect_dma source(%dma_start3A_423 : memref<10000x128xf32, #tpu.memory_space<hbm>>) target(%dma_start3A_417 : memref<128x128xf32, #tpu.memory_space<vmem>>) offsets(%dma_start3A_420 : memref<128xi32, #tpu.memory_space<vmem>>) semaphore(%dma_start3A_425 : memref<!tpu.dma_semaphore, #tpu.memory_space<semaphore_mem>>)
      } else {
      }
      %dma_wait3A_346 = arith.constant 0 : i32
      %dma_wait3A_347 = arith.constant 0 : i32
      %dma_wait3A_348 = tpu.memref_slice %arg8[%rem3A_337, %dma_wait3A_346, %dma_wait3A_347] : memref<2x128x128xf32, #tpu.memory_space<vmem>> -> memref<1x128x128xf32, #tpu.memory_space<vmem>>
      %dma_wait3A_349 = tpu.memref_squeeze %dma_wait3A_348 : memref<1x128x128xf32, #tpu.memory_space<vmem>> -> memref<128x128xf32, #tpu.memory_space<vmem>>
      %dma_wait3A_350 = arith.constant 0 : i32
      %dma_wait3A_351 = tpu.memref_slice %arg6[%rem3A_337, %dma_wait3A_350] : memref<2x128xi32, #tpu.memory_space<vmem>> -> memref<1x128xi32, #tpu.memory_space<vmem>>
      %dma_wait3A_352 = tpu.memref_squeeze %dma_wait3A_351 : memref<1x128xi32, #tpu.memory_space<vmem>> -> memref<128xi32, #tpu.memory_space<vmem>>
      %dma_wait3A_353 = arith.constant 0 : i32
      %dma_wait3A_354 = arith.constant 0 : i32
      %dma_wait3A_355 = tpu.memref_slice %arg2[%dma_wait3A_353, %dma_wait3A_354] : memref<10000x128xf32, #tpu.memory_space<hbm>> -> memref<10000x128xf32, #tpu.memory_space<hbm>>
      %dma_wait3A_356 = tpu.memref_slice %arg11[%rem3A_337] : memref<2x!tpu.dma_semaphore, #tpu.memory_space<semaphore_mem>> -> memref<1x!tpu.dma_semaphore, #tpu.memory_space<semaphore_mem>>
      %dma_wait3A_357 = tpu.memref_squeeze %dma_wait3A_356 : memref<1x!tpu.dma_semaphore, #tpu.memory_space<semaphore_mem>> -> memref<!tpu.dma_semaphore, #tpu.memory_space<semaphore_mem>>
      tpu.wait_indirect_dma semaphore(%dma_wait3A_357 : memref<!tpu.dma_semaphore, #tpu.memory_space<semaphore_mem>>) src(%dma_wait3A_355 : memref<10000x128xf32, #tpu.memory_space<hbm>>) dst(%dma_wait3A_349 : memref<128x128xf32, #tpu.memory_space<vmem>>)
      %rem3A_358 = arith.constant 3 : i32
      %rem3A_359 = arith.remsi %while3A_335, %rem3A_358 : i32
      %dma_start3A_360 = arith.constant 0 : i32
      %dma_start3A_361 = arith.constant 0 : i32
      %dma_start3A_362 = tpu.memref_slice %arg8[%rem3A_337, %dma_start3A_360, %dma_start3A_361] : memref<2x128x128xf32, #tpu.memory_space<vmem>> -> memref<1x128x128xf32, #tpu.memory_space<vmem>>
      %dma_start3A_363 = tpu.memref_squeeze %dma_start3A_362 : memref<1x128x128xf32, #tpu.memory_space<vmem>> -> memref<128x128xf32, #tpu.memory_space<vmem>>
      %dma_start3A_364 = arith.constant 0 : i32
      %dma_start3A_365 = tpu.memref_slice %arg7[%rem3A_359, %dma_start3A_364] : memref<3x128xi32, #tpu.memory_space<vmem>> -> memref<1x128xi32, #tpu.memory_space<vmem>>
      %dma_start3A_366 = tpu.memref_squeeze %dma_start3A_365 : memref<1x128xi32, #tpu.memory_space<vmem>> -> memref<128xi32, #tpu.memory_space<vmem>>
      %dma_start3A_367 = arith.constant 0 : i32
      %dma_start3A_368 = arith.constant 0 : i32
      %dma_start3A_369 = tpu.memref_slice %arg9[%dma_start3A_367, %dma_start3A_368] : memref<10240x128xf32, #tpu.memory_space<vmem_shared>> -> memref<10240x128xf32, #tpu.memory_space<vmem_shared>>
      tpu.enqueue_indirect_dma source(%dma_start3A_363 : memref<128x128xf32, #tpu.memory_space<vmem>>) target(%dma_start3A_369 : memref<10240x128xf32, #tpu.memory_space<vmem_shared>>) offsets(%dma_start3A_366 : memref<128xi32, #tpu.memory_space<vmem>>) semaphore(%arg12 : memref<!tpu.dma_semaphore, #tpu.memory_space<semaphore_mem>>) {add = true}
      %add3A_370 = arith.constant 2 : i32
      %add3A_371 = arith.addi %while3A_335, %add3A_370 : i32
      %lt3A_372 = arith.cmpi slt, %add3A_371, %add3A_4 : i32
      %convert_element_type3A_373 = arith.extui %lt3A_372 : i1 to i32
      %cond3A_374 = arith.constant 0 : i32
      %cond3A_375 = arith.cmpi ne, %convert_element_type3A_373, %cond3A_374 : i32
      scf.if %cond3A_375 {
        %add3A_376 = arith.constant 2 : i32
        %add3A_377 = arith.addi %while3A_335, %add3A_376 : i32
        %mul3A_378 = arith.constant 128 : i32
        %mul3A_379 = arith.muli %add3A_377, %mul3A_378 : i32
        %add3A_380 = arith.addi %mul3A_10, %mul3A_379 : i32
        %multiple_of3A_381 = tpu.assume_multiple %add3A_380, 8 : i32
        %rem3A_382 = arith.constant 2 : i32
        %rem3A_383 = arith.remsi %add3A_377, %rem3A_382 : i32
        %rem3A_384 = arith.constant 2 : i32
        %rem3A_385 = arith.remsi %add3A_377, %rem3A_384 : i32
        %dma_start3A_386 = arith.constant 0 : i32
        %dma_start3A_387 = tpu.memref_slice %arg6[%rem3A_383, %dma_start3A_386] : memref<2x128xi32, #tpu.memory_space<vmem>> -> memref<1x128xi32, #tpu.memory_space<vmem>>
        %dma_start3A_388 = tpu.memref_squeeze %dma_start3A_387 : memref<1x128xi32, #tpu.memory_space<vmem>> -> memref<128xi32, #tpu.memory_space<vmem>>
        %dma_start3A_389 = tpu.memref_slice %arg3[%multiple_of3A_381] : memref<320000xi32, #tpu.memory_space<hbm>> -> memref<128xi32, #tpu.memory_space<hbm>>
        %dma_start3A_390 = tpu.memref_slice %arg10[%rem3A_385] : memref<2x!tpu.dma_semaphore, #tpu.memory_space<semaphore_mem>> -> memref<1x!tpu.dma_semaphore, #tpu.memory_space<semaphore_mem>>
        %dma_start3A_391 = tpu.memref_squeeze %dma_start3A_390 : memref<1x!tpu.dma_semaphore, #tpu.memory_space<semaphore_mem>> -> memref<!tpu.dma_semaphore, #tpu.memory_space<semaphore_mem>>
        %dma_start3A_392 = arith.constant 0 : i32
        %dma_start3A_393 = tpu.memref_slice %arg6[%rem3A_383, %dma_start3A_392] : memref<2x128xi32, #tpu.memory_space<vmem>> -> memref<1x128xi32, #tpu.memory_space<vmem>>
        %dma_start3A_394 = tpu.memref_squeeze %dma_start3A_393 : memref<1x128xi32, #tpu.memory_space<vmem>> -> memref<128xi32, #tpu.memory_space<vmem>>
        %dma_start3A_395 = tpu.memref_slice %arg3[%multiple_of3A_381] : memref<320000xi32, #tpu.memory_space<hbm>> -> memref<128xi32, #tpu.memory_space<hbm>>
        tpu.enqueue_dma source(%dma_start3A_395 : memref<128xi32, #tpu.memory_space<hbm>>) target(%dma_start3A_394 : memref<128xi32, #tpu.memory_space<vmem>>) target_semaphore(%dma_start3A_391 : memref<!tpu.dma_semaphore, #tpu.memory_space<semaphore_mem>>)
        %rem3A_396 = arith.constant 3 : i32
        %rem3A_397 = arith.remsi %add3A_377, %rem3A_396 : i32
        %rem3A_398 = arith.constant 2 : i32
        %rem3A_399 = arith.remsi %add3A_377, %rem3A_398 : i32
        %dma_start3A_400 = arith.constant 0 : i32
        %dma_start3A_401 = tpu.memref_slice %arg7[%rem3A_397, %dma_start3A_400] : memref<3x128xi32, #tpu.memory_space<vmem>> -> memref<1x128xi32, #tpu.memory_space<vmem>>
        %dma_start3A_402 = tpu.memref_squeeze %dma_start3A_401 : memref<1x128xi32, #tpu.memory_space<vmem>> -> memref<128xi32, #tpu.memory_space<vmem>>
        %dma_start3A_403 = tpu.memref_slice %arg4[%multiple_of3A_381] : memref<320000xi32, #tpu.memory_space<hbm>> -> memref<128xi32, #tpu.memory_space<hbm>>
        %dma_start3A_404 = tpu.memref_slice %arg10[%rem3A_399] : memref<2x!tpu.dma_semaphore, #tpu.memory_space<semaphore_mem>> -> memref<1x!tpu.dma_semaphore, #tpu.memory_space<semaphore_mem>>
        %dma_start3A_405 = tpu.memref_squeeze %dma_start3A_404 : memref<1x!tpu.dma_semaphore, #tpu.memory_space<semaphore_mem>> -> memref<!tpu.dma_semaphore, #tpu.memory_space<semaphore_mem>>
        %dma_start3A_406 = arith.constant 0 : i32
        %dma_start3A_407 = tpu.memref_slice %arg7[%rem3A_397, %dma_start3A_406] : memref<3x128xi32, #tpu.memory_space<vmem>> -> memref<1x128xi32, #tpu.memory_space<vmem>>
        %dma_start3A_408 = tpu.memref_squeeze %dma_start3A_407 : memref<1x128xi32, #tpu.memory_space<vmem>> -> memref<128xi32, #tpu.memory_space<vmem>>
        %dma_start3A_409 = tpu.memref_slice %arg4[%multiple_of3A_381] : memref<320000xi32, #tpu.memory_space<hbm>> -> memref<128xi32, #tpu.memory_space<hbm>>
        tpu.enqueue_dma source(%dma_start3A_409 : memref<128xi32, #tpu.memory_space<hbm>>) target(%dma_start3A_408 : memref<128xi32, #tpu.memory_space<vmem>>) target_semaphore(%dma_start3A_405 : memref<!tpu.dma_semaphore, #tpu.memory_space<semaphore_mem>>)
      } else {
      }
    }
    %sub3A = arith.constant 1 : i32
    %sub3A_312 = arith.subi %add3A_4, %sub3A : i32
    %sub3A_313 = arith.constant 1 : i32
    %sub3A_314 = arith.subi %add3A_4, %sub3A_313 : i32
    %rem3A_315 = arith.constant 2 : i32
    %rem3A_316 = arith.remsi %sub3A_314, %rem3A_315 : i32
    %rem3A_317 = arith.constant 3 : i32
    %rem3A_318 = arith.remsi %sub3A_312, %rem3A_317 : i32
    %dma_wait3A_319 = arith.constant 0 : i32
    %dma_wait3A_320 = arith.constant 0 : i32
    %dma_wait3A_321 = tpu.memref_slice %arg8[%rem3A_316, %dma_wait3A_319, %dma_wait3A_320] : memref<2x128x128xf32, #tpu.memory_space<vmem>> -> memref<1x128x128xf32, #tpu.memory_space<vmem>>
    %dma_wait3A_322 = tpu.memref_squeeze %dma_wait3A_321 : memref<1x128x128xf32, #tpu.memory_space<vmem>> -> memref<128x128xf32, #tpu.memory_space<vmem>>
    %dma_wait3A_323 = arith.constant 0 : i32
    %dma_wait3A_324 = tpu.memref_slice %arg7[%rem3A_318, %dma_wait3A_323] : memref<3x128xi32, #tpu.memory_space<vmem>> -> memref<1x128xi32, #tpu.memory_space<vmem>>
    %dma_wait3A_325 = tpu.memref_squeeze %dma_wait3A_324 : memref<1x128xi32, #tpu.memory_space<vmem>> -> memref<128xi32, #tpu.memory_space<vmem>>
    %dma_wait3A_326 = arith.constant 0 : i32
    %dma_wait3A_327 = arith.constant 0 : i32
    %dma_wait3A_328 = tpu.memref_slice %arg9[%dma_wait3A_326, %dma_wait3A_327] : memref<10240x128xf32, #tpu.memory_space<vmem_shared>> -> memref<10240x128xf32, #tpu.memory_space<vmem_shared>>
    tpu.wait_indirect_dma semaphore(%arg12 : memref<!tpu.dma_semaphore, #tpu.memory_space<semaphore_mem>>) src(%dma_wait3A_322 : memref<128x128xf32, #tpu.memory_space<vmem>>) dst(%dma_wait3A_328 : memref<10240x128xf32, #tpu.memory_space<vmem_shared>>)
    %barrier3A_329 = arith.constant 0 : index
    tpu.barrier barrier_id(%barrier3A_329)
    %mul3A_330 = arith.constant 640 : i32
    %mul3A_331 = arith.muli %arg1, %mul3A_330 : i32
    %mul3A_332 = arith.constant 10240 : i32
    %mul3A_333 = arith.muli %arg0, %mul3A_332 : i32
    %add3A_334 = arith.addi %mul3A_333, %mul3A_331 : i32
    "tpu.region"() ({
      %run_scoped3A = tpu.sem_alloc : memref<!tpu.dma_semaphore, #tpu.memory_space<semaphore_mem>>
      %dma_start3A_335 = arith.constant 0 : i32
      %dma_start3A_336 = tpu.memref_slice %arg5[%add3A_334, %dma_start3A_335] : memref<20480x128xf32, #tpu.memory_space<hbm>> -> memref<640x128xf32, #tpu.memory_space<hbm>>
      %dma_start3A_337 = arith.constant 0 : i32
      %dma_start3A_338 = tpu.memref_slice %arg9[%mul3A_331, %dma_start3A_337] : memref<10240x128xf32, #tpu.memory_space<vmem_shared>> -> memref<640x128xf32, #tpu.memory_space<vmem_shared>>
      tpu.enqueue_dma source(%dma_start3A_338 : memref<640x128xf32, #tpu.memory_space<vmem_shared>>) target(%dma_start3A_336 : memref<640x128xf32, #tpu.memory_space<hbm>>) target_semaphore(%run_scoped3A : memref<!tpu.dma_semaphore, #tpu.memory_space<semaphore_mem>>)
      %dma_wait3A_339 = arith.constant 0 : i32
      %dma_wait3A_340 = tpu.memref_slice %arg5[%add3A_334, %dma_wait3A_339] : memref<20480x128xf32, #tpu.memory_space<hbm>> -> memref<640x128xf32, #tpu.memory_space<hbm>>
      %dma_wait3A_341 = arith.constant 0 : i32
      %dma_wait3A_342 = tpu.memref_slice %arg9[%mul3A_331, %dma_wait3A_341] : memref<10240x128xf32, #tpu.memory_space<vmem_shared>> -> memref<640x128xf32, #tpu.memory_space<vmem_shared>>
      tpu.wait_dma2 semaphore(%run_scoped3A : memref<!tpu.dma_semaphore, #tpu.memory_space<semaphore_mem>>) src(%dma_wait3A_342 : memref<640x128xf32, #tpu.memory_space<vmem_shared>>) dst(%dma_wait3A_340 : memref<640x128xf32, #tpu.memory_space<hbm>>)
      tpu.yield
    }) : () -> ()
    return
  }
}

#map = affine_map<(d0, d1) -> (0, 0)>
#map1 = affine_map<(d0, d1) -> (0)>
module attributes {stable_mosaic.version = 14 : i64} {
  func.func @_agg_body(%arg0: i32, %arg1: i32, %arg2: memref<10000x128xf32, #tpu.memory_space<hbm>>, %arg3: memref<320000xi32, #tpu.memory_space<hbm>>, %arg4: memref<320000xi32, #tpu.memory_space<hbm>>, %arg5: memref<20480x128xf32, #tpu.memory_space<hbm>>, %arg6: memref<2x128xi32, #tpu.memory_space<vmem>>, %arg7: memref<3x128xi32, #tpu.memory_space<vmem>>, %arg8: memref<2x128x128xf32, #tpu.memory_space<vmem>>, %arg9: memref<10240x128xf32, #tpu.memory_space<vmem_shared>>, %arg10: memref<2x!tpu.dma_semaphore, #tpu.memory_space<semaphore_mem>>, %arg11: memref<2x!tpu.dma_semaphore, #tpu.memory_space<semaphore_mem>>, %arg12: memref<!tpu.dma_semaphore, #tpu.memory_space<semaphore_mem>>) attributes {dimension_semantics = [#tpu.dimension_semantics<core_parallel>, #tpu.dimension_semantics<subcore_parallel>], iteration_bounds = array<i64: 2, 16>, scalar_prefetch = 0 : i64, scratch_operands = 7 : i64, tpu.core_type = #tpu.core_type<sc_vector_subcore>, window_params = [{transform_indices = #map}, {transform_indices = #map1}, {transform_indices = #map1}, {transform_indices = #map}]} {
    %mul3A = arith.constant 2 : i32
    %mul3A_0 = arith.muli %arg1, %mul3A : i32
    %add3A = arith.addi %mul3A_0, %arg0 : i32
    %lt3A = arith.constant 4 : i32
    %lt3A_1 = arith.cmpi slt, %add3A, %lt3A : i32
    %jit3A = arith.constant 1 : i32
    %jit3A_2 = arith.constant 0 : i32
    %select_n3A = arith.select %lt3A_1, %jit3A, %jit3A_2 : i32
    %add3A_3 = arith.constant 78 : i32
    %add3A_4 = arith.addi %add3A_3, %select_n3A : i32
    %mul3A_5 = arith.constant 78 : i32
    %mul3A_6 = arith.muli %add3A, %mul3A_5 : i32
    %min3A = arith.constant 4 : i32
    %min3A_7 = arith.minsi %add3A, %min3A : i32
    %add3A_8 = arith.addi %mul3A_6, %min3A_7 : i32
    %mul3A_9 = arith.constant 128 : i32
    %mul3A_10 = arith.muli %add3A_8, %mul3A_9 : i32
    %add3A_11 = arith.constant 0 : i32
    %add3A_12 = arith.addi %mul3A_10, %add3A_11 : i32
    %multiple_of3A = tpu.assume_multiple %add3A_12, 8 : i32
    %rem3A = arith.constant 0 : i32
    %rem3A_13 = arith.constant 2 : i32
    %rem3A_14 = arith.remsi %rem3A, %rem3A_13 : i32
    %rem3A_15 = arith.constant 0 : i32
    %rem3A_16 = arith.constant 2 : i32
    %rem3A_17 = arith.remsi %rem3A_15, %rem3A_16 : i32
    %dma_start3A = arith.constant 0 : i32
    %dma_start3A_18 = tpu.memref_slice %arg6[%rem3A_14, %dma_start3A] : memref<2x128xi32, #tpu.memory_space<vmem>> -> memref<1x128xi32, #tpu.memory_space<vmem>>
    %dma_start3A_19 = tpu.memref_squeeze %dma_start3A_18 : memref<1x128xi32, #tpu.memory_space<vmem>> -> memref<128xi32, #tpu.memory_space<vmem>>
    %dma_start3A_20 = tpu.memref_slice %arg3[%multiple_of3A] : memref<320000xi32, #tpu.memory_space<hbm>> -> memref<128xi32, #tpu.memory_space<hbm>>
    %dma_start3A_21 = tpu.memref_slice %arg10[%rem3A_17] : memref<2x!tpu.dma_semaphore, #tpu.memory_space<semaphore_mem>> -> memref<1x!tpu.dma_semaphore, #tpu.memory_space<semaphore_mem>>
    %dma_start3A_22 = tpu.memref_squeeze %dma_start3A_21 : memref<1x!tpu.dma_semaphore, #tpu.memory_space<semaphore_mem>> -> memref<!tpu.dma_semaphore, #tpu.memory_space<semaphore_mem>>
    %dma_start3A_23 = arith.constant 0 : i32
    %dma_start3A_24 = tpu.memref_slice %arg6[%rem3A_14, %dma_start3A_23] : memref<2x128xi32, #tpu.memory_space<vmem>> -> memref<1x128xi32, #tpu.memory_space<vmem>>
    %dma_start3A_25 = tpu.memref_squeeze %dma_start3A_24 : memref<1x128xi32, #tpu.memory_space<vmem>> -> memref<128xi32, #tpu.memory_space<vmem>>
    %dma_start3A_26 = tpu.memref_slice %arg3[%multiple_of3A] : memref<320000xi32, #tpu.memory_space<hbm>> -> memref<128xi32, #tpu.memory_space<hbm>>
    tpu.enqueue_dma source(%dma_start3A_26 : memref<128xi32, #tpu.memory_space<hbm>>) target(%dma_start3A_25 : memref<128xi32, #tpu.memory_space<vmem>>) target_semaphore(%dma_start3A_22 : memref<!tpu.dma_semaphore, #tpu.memory_space<semaphore_mem>>)
    %rem3A_27 = arith.constant 0 : i32
    %rem3A_28 = arith.constant 3 : i32
    %rem3A_29 = arith.remsi %rem3A_27, %rem3A_28 : i32
    %rem3A_30 = arith.constant 0 : i32
    %rem3A_31 = arith.constant 2 : i32
    %rem3A_32 = arith.remsi %rem3A_30, %rem3A_31 : i32
    %dma_start3A_33 = arith.constant 0 : i32
    %dma_start3A_34 = tpu.memref_slice %arg7[%rem3A_29, %dma_start3A_33] : memref<3x128xi32, #tpu.memory_space<vmem>> -> memref<1x128xi32, #tpu.memory_space<vmem>>
    %dma_start3A_35 = tpu.memref_squeeze %dma_start3A_34 : memref<1x128xi32, #tpu.memory_space<vmem>> -> memref<128xi32, #tpu.memory_space<vmem>>
    %dma_start3A_36 = tpu.memref_slice %arg4[%multiple_of3A] : memref<320000xi32, #tpu.memory_space<hbm>> -> memref<128xi32, #tpu.memory_space<hbm>>
    %dma_start3A_37 = tpu.memref_slice %arg10[%rem3A_32] : memref<2x!tpu.dma_semaphore, #tpu.memory_space<semaphore_mem>> -> memref<1x!tpu.dma_semaphore, #tpu.memory_space<semaphore_mem>>
    %dma_start3A_38 = tpu.memref_squeeze %dma_start3A_37 : memref<1x!tpu.dma_semaphore, #tpu.memory_space<semaphore_mem>> -> memref<!tpu.dma_semaphore, #tpu.memory_space<semaphore_mem>>
    %dma_start3A_39 = arith.constant 0 : i32
    %dma_start3A_40 = tpu.memref_slice %arg7[%rem3A_29, %dma_start3A_39] : memref<3x128xi32, #tpu.memory_space<vmem>> -> memref<1x128xi32, #tpu.memory_space<vmem>>
    %dma_start3A_41 = tpu.memref_squeeze %dma_start3A_40 : memref<1x128xi32, #tpu.memory_space<vmem>> -> memref<128xi32, #tpu.memory_space<vmem>>
    %dma_start3A_42 = tpu.memref_slice %arg4[%multiple_of3A] : memref<320000xi32, #tpu.memory_space<hbm>> -> memref<128xi32, #tpu.memory_space<hbm>>
    tpu.enqueue_dma source(%dma_start3A_42 : memref<128xi32, #tpu.memory_space<hbm>>) target(%dma_start3A_41 : memref<128xi32, #tpu.memory_space<vmem>>) target_semaphore(%dma_start3A_38 : memref<!tpu.dma_semaphore, #tpu.memory_space<semaphore_mem>>)
    %add3A_43 = arith.constant 128 : i32
    %add3A_44 = arith.addi %mul3A_10, %add3A_43 : i32
    %multiple_of3A_45 = tpu.assume_multiple %add3A_44, 8 : i32
    %rem3A_46 = arith.constant 1 : i32
    %rem3A_47 = arith.constant 2 : i32
    %rem3A_48 = arith.remsi %rem3A_46, %rem3A_47 : i32
    %rem3A_49 = arith.constant 1 : i32
    %rem3A_50 = arith.constant 2 : i32
    %rem3A_51 = arith.remsi %rem3A_49, %rem3A_50 : i32
    %dma_start3A_52 = arith.constant 0 : i32
    %dma_start3A_53 = tpu.memref_slice %arg6[%rem3A_48, %dma_start3A_52] : memref<2x128xi32, #tpu.memory_space<vmem>> -> memref<1x128xi32, #tpu.memory_space<vmem>>
    %dma_start3A_54 = tpu.memref_squeeze %dma_start3A_53 : memref<1x128xi32, #tpu.memory_space<vmem>> -> memref<128xi32, #tpu.memory_space<vmem>>
    %dma_start3A_55 = tpu.memref_slice %arg3[%multiple_of3A_45] : memref<320000xi32, #tpu.memory_space<hbm>> -> memref<128xi32, #tpu.memory_space<hbm>>
    %dma_start3A_56 = tpu.memref_slice %arg10[%rem3A_51] : memref<2x!tpu.dma_semaphore, #tpu.memory_space<semaphore_mem>> -> memref<1x!tpu.dma_semaphore, #tpu.memory_space<semaphore_mem>>
    %dma_start3A_57 = tpu.memref_squeeze %dma_start3A_56 : memref<1x!tpu.dma_semaphore, #tpu.memory_space<semaphore_mem>> -> memref<!tpu.dma_semaphore, #tpu.memory_space<semaphore_mem>>
    %dma_start3A_58 = arith.constant 0 : i32
    %dma_start3A_59 = tpu.memref_slice %arg6[%rem3A_48, %dma_start3A_58] : memref<2x128xi32, #tpu.memory_space<vmem>> -> memref<1x128xi32, #tpu.memory_space<vmem>>
    %dma_start3A_60 = tpu.memref_squeeze %dma_start3A_59 : memref<1x128xi32, #tpu.memory_space<vmem>> -> memref<128xi32, #tpu.memory_space<vmem>>
    %dma_start3A_61 = tpu.memref_slice %arg3[%multiple_of3A_45] : memref<320000xi32, #tpu.memory_space<hbm>> -> memref<128xi32, #tpu.memory_space<hbm>>
    tpu.enqueue_dma source(%dma_start3A_61 : memref<128xi32, #tpu.memory_space<hbm>>) target(%dma_start3A_60 : memref<128xi32, #tpu.memory_space<vmem>>) target_semaphore(%dma_start3A_57 : memref<!tpu.dma_semaphore, #tpu.memory_space<semaphore_mem>>)
    %rem3A_62 = arith.constant 1 : i32
    %rem3A_63 = arith.constant 3 : i32
    %rem3A_64 = arith.remsi %rem3A_62, %rem3A_63 : i32
    %rem3A_65 = arith.constant 1 : i32
    %rem3A_66 = arith.constant 2 : i32
    %rem3A_67 = arith.remsi %rem3A_65, %rem3A_66 : i32
    %dma_start3A_68 = arith.constant 0 : i32
    %dma_start3A_69 = tpu.memref_slice %arg7[%rem3A_64, %dma_start3A_68] : memref<3x128xi32, #tpu.memory_space<vmem>> -> memref<1x128xi32, #tpu.memory_space<vmem>>
    %dma_start3A_70 = tpu.memref_squeeze %dma_start3A_69 : memref<1x128xi32, #tpu.memory_space<vmem>> -> memref<128xi32, #tpu.memory_space<vmem>>
    %dma_start3A_71 = tpu.memref_slice %arg4[%multiple_of3A_45] : memref<320000xi32, #tpu.memory_space<hbm>> -> memref<128xi32, #tpu.memory_space<hbm>>
    %dma_start3A_72 = tpu.memref_slice %arg10[%rem3A_67] : memref<2x!tpu.dma_semaphore, #tpu.memory_space<semaphore_mem>> -> memref<1x!tpu.dma_semaphore, #tpu.memory_space<semaphore_mem>>
    %dma_start3A_73 = tpu.memref_squeeze %dma_start3A_72 : memref<1x!tpu.dma_semaphore, #tpu.memory_space<semaphore_mem>> -> memref<!tpu.dma_semaphore, #tpu.memory_space<semaphore_mem>>
    %dma_start3A_74 = arith.constant 0 : i32
    %dma_start3A_75 = tpu.memref_slice %arg7[%rem3A_64, %dma_start3A_74] : memref<3x128xi32, #tpu.memory_space<vmem>> -> memref<1x128xi32, #tpu.memory_space<vmem>>
    %dma_start3A_76 = tpu.memref_squeeze %dma_start3A_75 : memref<1x128xi32, #tpu.memory_space<vmem>> -> memref<128xi32, #tpu.memory_space<vmem>>
    %dma_start3A_77 = tpu.memref_slice %arg4[%multiple_of3A_45] : memref<320000xi32, #tpu.memory_space<hbm>> -> memref<128xi32, #tpu.memory_space<hbm>>
    tpu.enqueue_dma source(%dma_start3A_77 : memref<128xi32, #tpu.memory_space<hbm>>) target(%dma_start3A_76 : memref<128xi32, #tpu.memory_space<vmem>>) target_semaphore(%dma_start3A_73 : memref<!tpu.dma_semaphore, #tpu.memory_space<semaphore_mem>>)
    %scan3A = arith.constant 0 : i32
    %scan3A_78 = arith.constant 1 : i32
    %scan3A_79 = arith.constant 0 : i32
    %scan3A_80 = arith.constant 128 : i32
    %scan3A_81 = arith.addi %scan3A_79, %scan3A_80 : i32
    %scan3A_82 = arith.constant 1 : i32
    scf.for %scan3A_335 = %scan3A_79 to %scan3A_81 step %scan3A_82  : i32 {
      %scan3A_336 = arith.constant 0 : i32
      %scan3A_337 = arith.constant 8 : i32
      %scan3A_338 = arith.addi %scan3A_336, %scan3A_337 : i32
      %scan3A_339 = arith.constant 1 : i32
      scf.for %scan3A_341 = %scan3A_336 to %scan3A_338 step %scan3A_339  : i32 {
        %broadcast_in_dim3A = arith.constant 0.000000e+00 : f32
        %broadcast_in_dim3A_342 = vector.broadcast %broadcast_in_dim3A : f32 to vector<16xf32>
        %mul3A_343 = arith.constant 16 : i32
        %mul3A_344 = arith.muli %scan3A_341, %mul3A_343 : i32
        %swap3A = arith.constant 0 : i32
        %swap3A_345 = arith.constant 0 : i32
        %swap3A_346 = tpu.memref_slice %arg8[%scan3A_78, %swap3A, %swap3A_345] : memref<2x128x128xf32, #tpu.memory_space<vmem>> -> memref<1x128x128xf32, #tpu.memory_space<vmem>>
        %swap3A_347 = tpu.memref_squeeze %swap3A_346 : memref<1x128x128xf32, #tpu.memory_space<vmem>> -> memref<128x128xf32, #tpu.memory_space<vmem>>
        %swap3A_348 = arith.index_cast %scan3A_335 : i32 to index
        %swap3A_349 = arith.index_cast %mul3A_344 : i32 to index
        %swap3A_350 = tpu.vector_load %swap3A_347[%swap3A_348, %swap3A_349] {strides = array<i32>} : memref<128x128xf32, #tpu.memory_space<vmem>>, vector<1x16xf32>,
        %swap3A_351 = vector.shape_cast %swap3A_350 : vector<1x16xf32> to vector<16xf32>
        %swap3A_352 = vector.shape_cast %broadcast_in_dim3A_342 : vector<16xf32> to vector<1x16xf32>
        tpu.vector_store %swap3A_347[%swap3A_348, %swap3A_349], %swap3A_352 {strides = array<i32>} : memref<128x128xf32, #tpu.memory_space<vmem>>, vector<1x16xf32>,
      }
      %scan3A_340 = arith.constant 8 : i32
    }
    %scan3A_83 = arith.constant 128 : i32
    %mul3A_84 = arith.constant 640 : i32
    %mul3A_85 = arith.muli %arg1, %mul3A_84 : i32
    %add3A_86 = arith.constant 0 : i32
    %add3A_87 = arith.addi %mul3A_85, %add3A_86 : i32
    %dma_start3A_88 = arith.constant 1 : i32
    %dma_start3A_89 = arith.constant 0 : i32
    %dma_start3A_90 = arith.constant 0 : i32
    %dma_start3A_91 = tpu.memref_slice %arg8[%dma_start3A_88, %dma_start3A_89, %dma_start3A_90] : memref<2x128x128xf32, #tpu.memory_space<vmem>> -> memref<1x128x128xf32, #tpu.memory_space<vmem>>
    %dma_start3A_92 = tpu.memref_squeeze %dma_start3A_91 : memref<1x128x128xf32, #tpu.memory_space<vmem>> -> memref<128x128xf32, #tpu.memory_space<vmem>>
    %dma_start3A_93 = arith.constant 0 : i32
    %dma_start3A_94 = tpu.memref_slice %arg9[%add3A_87, %dma_start3A_93] : memref<10240x128xf32, #tpu.memory_space<vmem_shared>> -> memref<128x128xf32, #tpu.memory_space<vmem_shared>>
    %dma_start3A_95 = arith.constant 0 : i32
    %dma_start3A_96 = tpu.memref_slice %arg9[%add3A_87, %dma_start3A_95] : memref<10240x128xf32, #tpu.memory_space<vmem_shared>> -> memref<128x128xf32, #tpu.memory_space<vmem_shared>>
    %dma_start3A_97 = arith.constant 0 : i32
    %dma_start3A_98 = arith.constant 0 : i32
    %dma_start3A_99 = tpu.memref_slice %arg8[%dma_start3A_88, %dma_start3A_97, %dma_start3A_98] : memref<2x128x128xf32, #tpu.memory_space<vmem>> -> memref<1x128x128xf32, #tpu.memory_space<vmem>>
    %dma_start3A_100 = tpu.memref_squeeze %dma_start3A_99 : memref<1x128x128xf32, #tpu.memory_space<vmem>> -> memref<128x128xf32, #tpu.memory_space<vmem>>
    tpu.enqueue_dma source(%dma_start3A_100 : memref<128x128xf32, #tpu.memory_space<vmem>>) target(%dma_start3A_96 : memref<128x128xf32, #tpu.memory_space<vmem_shared>>) target_semaphore(%arg12 : memref<!tpu.dma_semaphore, #tpu.memory_space<semaphore_mem>>)
    %mul3A_101 = arith.constant 640 : i32
    %mul3A_102 = arith.muli %arg1, %mul3A_101 : i32
    %add3A_103 = arith.constant 128 : i32
    %add3A_104 = arith.addi %mul3A_102, %add3A_103 : i32
    %dma_start3A_105 = arith.constant 1 : i32
    %dma_start3A_106 = arith.constant 0 : i32
    %dma_start3A_107 = arith.constant 0 : i32
    %dma_start3A_108 = tpu.memref_slice %arg8[%dma_start3A_105, %dma_start3A_106, %dma_start3A_107] : memref<2x128x128xf32, #tpu.memory_space<vmem>> -> memref<1x128x128xf32, #tpu.memory_space<vmem>>
    %dma_start3A_109 = tpu.memref_squeeze %dma_start3A_108 : memref<1x128x128xf32, #tpu.memory_space<vmem>> -> memref<128x128xf32, #tpu.memory_space<vmem>>
    %dma_start3A_110 = arith.constant 0 : i32
    %dma_start3A_111 = tpu.memref_slice %arg9[%add3A_104, %dma_start3A_110] : memref<10240x128xf32, #tpu.memory_space<vmem_shared>> -> memref<128x128xf32, #tpu.memory_space<vmem_shared>>
    %dma_start3A_112 = arith.constant 0 : i32
    %dma_start3A_113 = tpu.memref_slice %arg9[%add3A_104, %dma_start3A_112] : memref<10240x128xf32, #tpu.memory_space<vmem_shared>> -> memref<128x128xf32, #tpu.memory_space<vmem_shared>>
    %dma_start3A_114 = arith.constant 0 : i32
    %dma_start3A_115 = arith.constant 0 : i32
    %dma_start3A_116 = tpu.memref_slice %arg8[%dma_start3A_105, %dma_start3A_114, %dma_start3A_115] : memref<2x128x128xf32, #tpu.memory_space<vmem>> -> memref<1x128x128xf32, #tpu.memory_space<vmem>>
    %dma_start3A_117 = tpu.memref_squeeze %dma_start3A_116 : memref<1x128x128xf32, #tpu.memory_space<vmem>> -> memref<128x128xf32, #tpu.memory_space<vmem>>
    tpu.enqueue_dma source(%dma_start3A_117 : memref<128x128xf32, #tpu.memory_space<vmem>>) target(%dma_start3A_113 : memref<128x128xf32, #tpu.memory_space<vmem_shared>>) target_semaphore(%arg12 : memref<!tpu.dma_semaphore, #tpu.memory_space<semaphore_mem>>)
    %mul3A_118 = arith.constant 640 : i32
    %mul3A_119 = arith.muli %arg1, %mul3A_118 : i32
    %add3A_120 = arith.constant 256 : i32
    %add3A_121 = arith.addi %mul3A_119, %add3A_120 : i32
    %dma_start3A_122 = arith.constant 1 : i32
    %dma_start3A_123 = arith.constant 0 : i32
    %dma_start3A_124 = arith.constant 0 : i32
    %dma_start3A_125 = tpu.memref_slice %arg8[%dma_start3A_122, %dma_start3A_123, %dma_start3A_124] : memref<2x128x128xf32, #tpu.memory_space<vmem>> -> memref<1x128x128xf32, #tpu.memory_space<vmem>>
    %dma_start3A_126 = tpu.memref_squeeze %dma_start3A_125 : memref<1x128x128xf32, #tpu.memory_space<vmem>> -> memref<128x128xf32, #tpu.memory_space<vmem>>
    %dma_start3A_127 = arith.constant 0 : i32
    %dma_start3A_128 = tpu.memref_slice %arg9[%add3A_121, %dma_start3A_127] : memref<10240x128xf32, #tpu.memory_space<vmem_shared>> -> memref<128x128xf32, #tpu.memory_space<vmem_shared>>
    %dma_start3A_129 = arith.constant 0 : i32
    %dma_start3A_130 = tpu.memref_slice %arg9[%add3A_121, %dma_start3A_129] : memref<10240x128xf32, #tpu.memory_space<vmem_shared>> -> memref<128x128xf32, #tpu.memory_space<vmem_shared>>
    %dma_start3A_131 = arith.constant 0 : i32
    %dma_start3A_132 = arith.constant 0 : i32
    %dma_start3A_133 = tpu.memref_slice %arg8[%dma_start3A_122, %dma_start3A_131, %dma_start3A_132] : memref<2x128x128xf32, #tpu.memory_space<vmem>> -> memref<1x128x128xf32, #tpu.memory_space<vmem>>
    %dma_start3A_134 = tpu.memref_squeeze %dma_start3A_133 : memref<1x128x128xf32, #tpu.memory_space<vmem>> -> memref<128x128xf32, #tpu.memory_space<vmem>>
    tpu.enqueue_dma source(%dma_start3A_134 : memref<128x128xf32, #tpu.memory_space<vmem>>) target(%dma_start3A_130 : memref<128x128xf32, #tpu.memory_space<vmem_shared>>) target_semaphore(%arg12 : memref<!tpu.dma_semaphore, #tpu.memory_space<semaphore_mem>>)
    %mul3A_135 = arith.constant 640 : i32
    %mul3A_136 = arith.muli %arg1, %mul3A_135 : i32
    %add3A_137 = arith.constant 384 : i32
    %add3A_138 = arith.addi %mul3A_136, %add3A_137 : i32
    %dma_start3A_139 = arith.constant 1 : i32
    %dma_start3A_140 = arith.constant 0 : i32
    %dma_start3A_141 = arith.constant 0 : i32
    %dma_start3A_142 = tpu.memref_slice %arg8[%dma_start3A_139, %dma_start3A_140, %dma_start3A_141] : memref<2x128x128xf32, #tpu.memory_space<vmem>> -> memref<1x128x128xf32, #tpu.memory_space<vmem>>
    %dma_start3A_143 = tpu.memref_squeeze %dma_start3A_142 : memref<1x128x128xf32, #tpu.memory_space<vmem>> -> memref<128x128xf32, #tpu.memory_space<vmem>>
    %dma_start3A_144 = arith.constant 0 : i32
    %dma_start3A_145 = tpu.memref_slice %arg9[%add3A_138, %dma_start3A_144] : memref<10240x128xf32, #tpu.memory_space<vmem_shared>> -> memref<128x128xf32, #tpu.memory_space<vmem_shared>>
    %dma_start3A_146 = arith.constant 0 : i32
    %dma_start3A_147 = tpu.memref_slice %arg9[%add3A_138, %dma_start3A_146] : memref<10240x128xf32, #tpu.memory_space<vmem_shared>> -> memref<128x128xf32, #tpu.memory_space<vmem_shared>>
    %dma_start3A_148 = arith.constant 0 : i32
    %dma_start3A_149 = arith.constant 0 : i32
    %dma_start3A_150 = tpu.memref_slice %arg8[%dma_start3A_139, %dma_start3A_148, %dma_start3A_149] : memref<2x128x128xf32, #tpu.memory_space<vmem>> -> memref<1x128x128xf32, #tpu.memory_space<vmem>>
    %dma_start3A_151 = tpu.memref_squeeze %dma_start3A_150 : memref<1x128x128xf32, #tpu.memory_space<vmem>> -> memref<128x128xf32, #tpu.memory_space<vmem>>
    tpu.enqueue_dma source(%dma_start3A_151 : memref<128x128xf32, #tpu.memory_space<vmem>>) target(%dma_start3A_147 : memref<128x128xf32, #tpu.memory_space<vmem_shared>>) target_semaphore(%arg12 : memref<!tpu.dma_semaphore, #tpu.memory_space<semaphore_mem>>)
    %mul3A_152 = arith.constant 640 : i32
    %mul3A_153 = arith.muli %arg1, %mul3A_152 : i32
    %add3A_154 = arith.constant 512 : i32
    %add3A_155 = arith.addi %mul3A_153, %add3A_154 : i32
    %dma_start3A_156 = arith.constant 1 : i32
    %dma_start3A_157 = arith.constant 0 : i32
    %dma_start3A_158 = arith.constant 0 : i32
    %dma_start3A_159 = tpu.memref_slice %arg8[%dma_start3A_156, %dma_start3A_157, %dma_start3A_158] : memref<2x128x128xf32, #tpu.memory_space<vmem>> -> memref<1x128x128xf32, #tpu.memory_space<vmem>>
    %dma_start3A_160 = tpu.memref_squeeze %dma_start3A_159 : memref<1x128x128xf32, #tpu.memory_space<vmem>> -> memref<128x128xf32, #tpu.memory_space<vmem>>
    %dma_start3A_161 = arith.constant 0 : i32
    %dma_start3A_162 = tpu.memref_slice %arg9[%add3A_155, %dma_start3A_161] : memref<10240x128xf32, #tpu.memory_space<vmem_shared>> -> memref<128x128xf32, #tpu.memory_space<vmem_shared>>
    %dma_start3A_163 = arith.constant 0 : i32
    %dma_start3A_164 = tpu.memref_slice %arg9[%add3A_155, %dma_start3A_163] : memref<10240x128xf32, #tpu.memory_space<vmem_shared>> -> memref<128x128xf32, #tpu.memory_space<vmem_shared>>
    %dma_start3A_165 = arith.constant 0 : i32
    %dma_start3A_166 = arith.constant 0 : i32
    %dma_start3A_167 = tpu.memref_slice %arg8[%dma_start3A_156, %dma_start3A_165, %dma_start3A_166] : memref<2x128x128xf32, #tpu.memory_space<vmem>> -> memref<1x128x128xf32, #tpu.memory_space<vmem>>
    %dma_start3A_168 = tpu.memref_squeeze %dma_start3A_167 : memref<1x128x128xf32, #tpu.memory_space<vmem>> -> memref<128x128xf32, #tpu.memory_space<vmem>>
    tpu.enqueue_dma source(%dma_start3A_168 : memref<128x128xf32, #tpu.memory_space<vmem>>) target(%dma_start3A_164 : memref<128x128xf32, #tpu.memory_space<vmem_shared>>) target_semaphore(%arg12 : memref<!tpu.dma_semaphore, #tpu.memory_space<semaphore_mem>>)
    %add3A_169 = arith.constant 0 : i32
    %add3A_170 = arith.addi %mul3A_10, %add3A_169 : i32
    %multiple_of3A_171 = tpu.assume_multiple %add3A_170, 8 : i32
    %rem3A_172 = arith.constant 0 : i32
    %rem3A_173 = arith.constant 2 : i32
    %rem3A_174 = arith.remsi %rem3A_172, %rem3A_173 : i32
    %rem3A_175 = arith.constant 0 : i32
    %rem3A_176 = arith.constant 2 : i32
    %rem3A_177 = arith.remsi %rem3A_175, %rem3A_176 : i32
    %dma_wait3A = arith.constant 0 : i32
    %dma_wait3A_178 = tpu.memref_slice %arg6[%rem3A_174, %dma_wait3A] : memref<2x128xi32, #tpu.memory_space<vmem>> -> memref<1x128xi32, #tpu.memory_space<vmem>>
    %dma_wait3A_179 = tpu.memref_squeeze %dma_wait3A_178 : memref<1x128xi32, #tpu.memory_space<vmem>> -> memref<128xi32, #tpu.memory_space<vmem>>
    %dma_wait3A_180 = tpu.memref_slice %arg3[%multiple_of3A_171] : memref<320000xi32, #tpu.memory_space<hbm>> -> memref<128xi32, #tpu.memory_space<hbm>>
    %dma_wait3A_181 = tpu.memref_slice %arg10[%rem3A_177] : memref<2x!tpu.dma_semaphore, #tpu.memory_space<semaphore_mem>> -> memref<1x!tpu.dma_semaphore, #tpu.memory_space<semaphore_mem>>
    %dma_wait3A_182 = tpu.memref_squeeze %dma_wait3A_181 : memref<1x!tpu.dma_semaphore, #tpu.memory_space<semaphore_mem>> -> memref<!tpu.dma_semaphore, #tpu.memory_space<semaphore_mem>>
    %dma_wait3A_183 = arith.constant 0 : i32
    %dma_wait3A_184 = tpu.memref_slice %arg6[%rem3A_174, %dma_wait3A_183] : memref<2x128xi32, #tpu.memory_space<vmem>> -> memref<1x128xi32, #tpu.memory_space<vmem>>
    %dma_wait3A_185 = tpu.memref_squeeze %dma_wait3A_184 : memref<1x128xi32, #tpu.memory_space<vmem>> -> memref<128xi32, #tpu.memory_space<vmem>>
    %dma_wait3A_186 = tpu.memref_slice %arg3[%multiple_of3A_171] : memref<320000xi32, #tpu.memory_space<hbm>> -> memref<128xi32, #tpu.memory_space<hbm>>
    tpu.wait_dma2 semaphore(%dma_wait3A_182 : memref<!tpu.dma_semaphore, #tpu.memory_space<semaphore_mem>>) src(%dma_wait3A_186 : memref<128xi32, #tpu.memory_space<hbm>>) dst(%dma_wait3A_185 : memref<128xi32, #tpu.memory_space<vmem>>)
    %rem3A_187 = arith.constant 0 : i32
    %rem3A_188 = arith.constant 3 : i32
    %rem3A_189 = arith.remsi %rem3A_187, %rem3A_188 : i32
    %rem3A_190 = arith.constant 0 : i32
    %rem3A_191 = arith.constant 2 : i32
    %rem3A_192 = arith.remsi %rem3A_190, %rem3A_191 : i32
    %dma_wait3A_193 = arith.constant 0 : i32
    %dma_wait3A_194 = tpu.memref_slice %arg7[%rem3A_189, %dma_wait3A_193] : memref<3x128xi32, #tpu.memory_space<vmem>> -> memref<1x128xi32, #tpu.memory_space<vmem>>
    %dma_wait3A_195 = tpu.memref_squeeze %dma_wait3A_194 : memref<1x128xi32, #tpu.memory_space<vmem>> -> memref<128xi32, #tpu.memory_space<vmem>>
    %dma_wait3A_196 = tpu.memref_slice %arg4[%multiple_of3A_171] : memref<320000xi32, #tpu.memory_space<hbm>> -> memref<128xi32, #tpu.memory_space<hbm>>
    %dma_wait3A_197 = tpu.memref_slice %arg10[%rem3A_192] : memref<2x!tpu.dma_semaphore, #tpu.memory_space<semaphore_mem>> -> memref<1x!tpu.dma_semaphore, #tpu.memory_space<semaphore_mem>>
    %dma_wait3A_198 = tpu.memref_squeeze %dma_wait3A_197 : memref<1x!tpu.dma_semaphore, #tpu.memory_space<semaphore_mem>> -> memref<!tpu.dma_semaphore, #tpu.memory_space<semaphore_mem>>
    %dma_wait3A_199 = arith.constant 0 : i32
    %dma_wait3A_200 = tpu.memref_slice %arg7[%rem3A_189, %dma_wait3A_199] : memref<3x128xi32, #tpu.memory_space<vmem>> -> memref<1x128xi32, #tpu.memory_space<vmem>>
    %dma_wait3A_201 = tpu.memref_squeeze %dma_wait3A_200 : memref<1x128xi32, #tpu.memory_space<vmem>> -> memref<128xi32, #tpu.memory_space<vmem>>
    %dma_wait3A_202 = tpu.memref_slice %arg4[%multiple_of3A_171] : memref<320000xi32, #tpu.memory_space<hbm>> -> memref<128xi32, #tpu.memory_space<hbm>>
    tpu.wait_dma2 semaphore(%dma_wait3A_198 : memref<!tpu.dma_semaphore, #tpu.memory_space<semaphore_mem>>) src(%dma_wait3A_202 : memref<128xi32, #tpu.memory_space<hbm>>) dst(%dma_wait3A_201 : memref<128xi32, #tpu.memory_space<vmem>>)
    %dma_start3A_203 = arith.constant 0 : i32
    %dma_start3A_204 = arith.constant 0 : i32
    %dma_start3A_205 = arith.constant 0 : i32
    %dma_start3A_206 = arith.constant 0 : i32
    %dma_start3A_207 = arith.constant 0 : i32
    %dma_start3A_208 = tpu.memref_slice %arg8[%dma_start3A_204, %dma_start3A_206, %dma_start3A_207] : memref<2x128x128xf32, #tpu.memory_space<vmem>> -> memref<1x128x128xf32, #tpu.memory_space<vmem>>
    %dma_start3A_209 = tpu.memref_squeeze %dma_start3A_208 : memref<1x128x128xf32, #tpu.memory_space<vmem>> -> memref<128x128xf32, #tpu.memory_space<vmem>>
    %dma_start3A_210 = arith.constant 0 : i32
    %dma_start3A_211 = tpu.memref_slice %arg6[%dma_start3A_203, %dma_start3A_210] : memref<2x128xi32, #tpu.memory_space<vmem>> -> memref<1x128xi32, #tpu.memory_space<vmem>>
    %dma_start3A_212 = tpu.memref_squeeze %dma_start3A_211 : memref<1x128xi32, #tpu.memory_space<vmem>> -> memref<128xi32, #tpu.memory_space<vmem>>
    %dma_start3A_213 = arith.constant 0 : i32
    %dma_start3A_214 = arith.constant 0 : i32
    %dma_start3A_215 = tpu.memref_slice %arg2[%dma_start3A_213, %dma_start3A_214] : memref<10000x128xf32, #tpu.memory_space<hbm>> -> memref<10000x128xf32, #tpu.memory_space<hbm>>
    %dma_start3A_216 = tpu.memref_slice %arg11[%dma_start3A_205] : memref<2x!tpu.dma_semaphore, #tpu.memory_space<semaphore_mem>> -> memref<1x!tpu.dma_semaphore, #tpu.memory_space<semaphore_mem>>
    %dma_start3A_217 = tpu.memref_squeeze %dma_start3A_216 : memref<1x!tpu.dma_semaphore, #tpu.memory_space<semaphore_mem>> -> memref<!tpu.dma_semaphore, #tpu.memory_space<semaphore_mem>>
    tpu.enqueue_indirect_dma source(%dma_start3A_215 : memref<10000x128xf32, #tpu.memory_space<hbm>>) target(%dma_start3A_209 : memref<128x128xf32, #tpu.memory_space<vmem>>) offsets(%dma_start3A_212 : memref<128xi32, #tpu.memory_space<vmem>>) semaphore(%dma_start3A_217 : memref<!tpu.dma_semaphore, #tpu.memory_space<semaphore_mem>>)
    %mul3A_218 = arith.constant 640 : i32
    %mul3A_219 = arith.muli %arg1, %mul3A_218 : i32
    %add3A_220 = arith.constant 0 : i32
    %add3A_221 = arith.addi %mul3A_219, %add3A_220 : i32
    %dma_wait3A_222 = arith.constant 1 : i32
    %dma_wait3A_223 = arith.constant 0 : i32
    %dma_wait3A_224 = arith.constant 0 : i32
    %dma_wait3A_225 = tpu.memref_slice %arg8[%dma_wait3A_222, %dma_wait3A_223, %dma_wait3A_224] : memref<2x128x128xf32, #tpu.memory_space<vmem>> -> memref<1x128x128xf32, #tpu.memory_space<vmem>>
    %dma_wait3A_226 = tpu.memref_squeeze %dma_wait3A_225 : memref<1x128x128xf32, #tpu.memory_space<vmem>> -> memref<128x128xf32, #tpu.memory_space<vmem>>
    %dma_wait3A_227 = arith.constant 0 : i32
    %dma_wait3A_228 = tpu.memref_slice %arg9[%add3A_221, %dma_wait3A_227] : memref<10240x128xf32, #tpu.memory_space<vmem_shared>> -> memref<128x128xf32, #tpu.memory_space<vmem_shared>>
    %dma_wait3A_229 = arith.constant 0 : i32
    %dma_wait3A_230 = tpu.memref_slice %arg9[%add3A_221, %dma_wait3A_229] : memref<10240x128xf32, #tpu.memory_space<vmem_shared>> -> memref<128x128xf32, #tpu.memory_space<vmem_shared>>
    %dma_wait3A_231 = arith.constant 0 : i32
    %dma_wait3A_232 = arith.constant 0 : i32
    %dma_wait3A_233 = tpu.memref_slice %arg8[%dma_wait3A_222, %dma_wait3A_231, %dma_wait3A_232] : memref<2x128x128xf32, #tpu.memory_space<vmem>> -> memref<1x128x128xf32, #tpu.memory_space<vmem>>
    %dma_wait3A_234 = tpu.memref_squeeze %dma_wait3A_233 : memref<1x128x128xf32, #tpu.memory_space<vmem>> -> memref<128x128xf32, #tpu.memory_space<vmem>>
    tpu.wait_dma2 semaphore(%arg12 : memref<!tpu.dma_semaphore, #tpu.memory_space<semaphore_mem>>) src(%dma_wait3A_234 : memref<128x128xf32, #tpu.memory_space<vmem>>) dst(%dma_wait3A_230 : memref<128x128xf32, #tpu.memory_space<vmem_shared>>)
    %mul3A_235 = arith.constant 640 : i32
    %mul3A_236 = arith.muli %arg1, %mul3A_235 : i32
    %add3A_237 = arith.constant 128 : i32
    %add3A_238 = arith.addi %mul3A_236, %add3A_237 : i32
    %dma_wait3A_239 = arith.constant 1 : i32
    %dma_wait3A_240 = arith.constant 0 : i32
    %dma_wait3A_241 = arith.constant 0 : i32
    %dma_wait3A_242 = tpu.memref_slice %arg8[%dma_wait3A_239, %dma_wait3A_240, %dma_wait3A_241] : memref<2x128x128xf32, #tpu.memory_space<vmem>> -> memref<1x128x128xf32, #tpu.memory_space<vmem>>
    %dma_wait3A_243 = tpu.memref_squeeze %dma_wait3A_242 : memref<1x128x128xf32, #tpu.memory_space<vmem>> -> memref<128x128xf32, #tpu.memory_space<vmem>>
    %dma_wait3A_244 = arith.constant 0 : i32
    %dma_wait3A_245 = tpu.memref_slice %arg9[%add3A_238, %dma_wait3A_244] : memref<10240x128xf32, #tpu.memory_space<vmem_shared>> -> memref<128x128xf32, #tpu.memory_space<vmem_shared>>
    %dma_wait3A_246 = arith.constant 0 : i32
    %dma_wait3A_247 = tpu.memref_slice %arg9[%add3A_238, %dma_wait3A_246] : memref<10240x128xf32, #tpu.memory_space<vmem_shared>> -> memref<128x128xf32, #tpu.memory_space<vmem_shared>>
    %dma_wait3A_248 = arith.constant 0 : i32
    %dma_wait3A_249 = arith.constant 0 : i32
    %dma_wait3A_250 = tpu.memref_slice %arg8[%dma_wait3A_239, %dma_wait3A_248, %dma_wait3A_249] : memref<2x128x128xf32, #tpu.memory_space<vmem>> -> memref<1x128x128xf32, #tpu.memory_space<vmem>>
    %dma_wait3A_251 = tpu.memref_squeeze %dma_wait3A_250 : memref<1x128x128xf32, #tpu.memory_space<vmem>> -> memref<128x128xf32, #tpu.memory_space<vmem>>
    tpu.wait_dma2 semaphore(%arg12 : memref<!tpu.dma_semaphore, #tpu.memory_space<semaphore_mem>>) src(%dma_wait3A_251 : memref<128x128xf32, #tpu.memory_space<vmem>>) dst(%dma_wait3A_247 : memref<128x128xf32, #tpu.memory_space<vmem_shared>>)
    %mul3A_252 = arith.constant 640 : i32
    %mul3A_253 = arith.muli %arg1, %mul3A_252 : i32
    %add3A_254 = arith.constant 256 : i32
    %add3A_255 = arith.addi %mul3A_253, %add3A_254 : i32
    %dma_wait3A_256 = arith.constant 1 : i32
    %dma_wait3A_257 = arith.constant 0 : i32
    %dma_wait3A_258 = arith.constant 0 : i32
    %dma_wait3A_259 = tpu.memref_slice %arg8[%dma_wait3A_256, %dma_wait3A_257, %dma_wait3A_258] : memref<2x128x128xf32, #tpu.memory_space<vmem>> -> memref<1x128x128xf32, #tpu.memory_space<vmem>>
    %dma_wait3A_260 = tpu.memref_squeeze %dma_wait3A_259 : memref<1x128x128xf32, #tpu.memory_space<vmem>> -> memref<128x128xf32, #tpu.memory_space<vmem>>
    %dma_wait3A_261 = arith.constant 0 : i32
    %dma_wait3A_262 = tpu.memref_slice %arg9[%add3A_255, %dma_wait3A_261] : memref<10240x128xf32, #tpu.memory_space<vmem_shared>> -> memref<128x128xf32, #tpu.memory_space<vmem_shared>>
    %dma_wait3A_263 = arith.constant 0 : i32
    %dma_wait3A_264 = tpu.memref_slice %arg9[%add3A_255, %dma_wait3A_263] : memref<10240x128xf32, #tpu.memory_space<vmem_shared>> -> memref<128x128xf32, #tpu.memory_space<vmem_shared>>
    %dma_wait3A_265 = arith.constant 0 : i32
    %dma_wait3A_266 = arith.constant 0 : i32
    %dma_wait3A_267 = tpu.memref_slice %arg8[%dma_wait3A_256, %dma_wait3A_265, %dma_wait3A_266] : memref<2x128x128xf32, #tpu.memory_space<vmem>> -> memref<1x128x128xf32, #tpu.memory_space<vmem>>
    %dma_wait3A_268 = tpu.memref_squeeze %dma_wait3A_267 : memref<1x128x128xf32, #tpu.memory_space<vmem>> -> memref<128x128xf32, #tpu.memory_space<vmem>>
    tpu.wait_dma2 semaphore(%arg12 : memref<!tpu.dma_semaphore, #tpu.memory_space<semaphore_mem>>) src(%dma_wait3A_268 : memref<128x128xf32, #tpu.memory_space<vmem>>) dst(%dma_wait3A_264 : memref<128x128xf32, #tpu.memory_space<vmem_shared>>)
    %mul3A_269 = arith.constant 640 : i32
    %mul3A_270 = arith.muli %arg1, %mul3A_269 : i32
    %add3A_271 = arith.constant 384 : i32
    %add3A_272 = arith.addi %mul3A_270, %add3A_271 : i32
    %dma_wait3A_273 = arith.constant 1 : i32
    %dma_wait3A_274 = arith.constant 0 : i32
    %dma_wait3A_275 = arith.constant 0 : i32
    %dma_wait3A_276 = tpu.memref_slice %arg8[%dma_wait3A_273, %dma_wait3A_274, %dma_wait3A_275] : memref<2x128x128xf32, #tpu.memory_space<vmem>> -> memref<1x128x128xf32, #tpu.memory_space<vmem>>
    %dma_wait3A_277 = tpu.memref_squeeze %dma_wait3A_276 : memref<1x128x128xf32, #tpu.memory_space<vmem>> -> memref<128x128xf32, #tpu.memory_space<vmem>>
    %dma_wait3A_278 = arith.constant 0 : i32
    %dma_wait3A_279 = tpu.memref_slice %arg9[%add3A_272, %dma_wait3A_278] : memref<10240x128xf32, #tpu.memory_space<vmem_shared>> -> memref<128x128xf32, #tpu.memory_space<vmem_shared>>
    %dma_wait3A_280 = arith.constant 0 : i32
    %dma_wait3A_281 = tpu.memref_slice %arg9[%add3A_272, %dma_wait3A_280] : memref<10240x128xf32, #tpu.memory_space<vmem_shared>> -> memref<128x128xf32, #tpu.memory_space<vmem_shared>>
    %dma_wait3A_282 = arith.constant 0 : i32
    %dma_wait3A_283 = arith.constant 0 : i32
    %dma_wait3A_284 = tpu.memref_slice %arg8[%dma_wait3A_273, %dma_wait3A_282, %dma_wait3A_283] : memref<2x128x128xf32, #tpu.memory_space<vmem>> -> memref<1x128x128xf32, #tpu.memory_space<vmem>>
    %dma_wait3A_285 = tpu.memref_squeeze %dma_wait3A_284 : memref<1x128x128xf32, #tpu.memory_space<vmem>> -> memref<128x128xf32, #tpu.memory_space<vmem>>
    tpu.wait_dma2 semaphore(%arg12 : memref<!tpu.dma_semaphore, #tpu.memory_space<semaphore_mem>>) src(%dma_wait3A_285 : memref<128x128xf32, #tpu.memory_space<vmem>>) dst(%dma_wait3A_281 : memref<128x128xf32, #tpu.memory_space<vmem_shared>>)
    %mul3A_286 = arith.constant 640 : i32
    %mul3A_287 = arith.muli %arg1, %mul3A_286 : i32
    %add3A_288 = arith.constant 512 : i32
    %add3A_289 = arith.addi %mul3A_287, %add3A_288 : i32
    %dma_wait3A_290 = arith.constant 1 : i32
    %dma_wait3A_291 = arith.constant 0 : i32
    %dma_wait3A_292 = arith.constant 0 : i32
    %dma_wait3A_293 = tpu.memref_slice %arg8[%dma_wait3A_290, %dma_wait3A_291, %dma_wait3A_292] : memref<2x128x128xf32, #tpu.memory_space<vmem>> -> memref<1x128x128xf32, #tpu.memory_space<vmem>>
    %dma_wait3A_294 = tpu.memref_squeeze %dma_wait3A_293 : memref<1x128x128xf32, #tpu.memory_space<vmem>> -> memref<128x128xf32, #tpu.memory_space<vmem>>
    %dma_wait3A_295 = arith.constant 0 : i32
    %dma_wait3A_296 = tpu.memref_slice %arg9[%add3A_289, %dma_wait3A_295] : memref<10240x128xf32, #tpu.memory_space<vmem_shared>> -> memref<128x128xf32, #tpu.memory_space<vmem_shared>>
    %dma_wait3A_297 = arith.constant 0 : i32
    %dma_wait3A_298 = tpu.memref_slice %arg9[%add3A_289, %dma_wait3A_297] : memref<10240x128xf32, #tpu.memory_space<vmem_shared>> -> memref<128x128xf32, #tpu.memory_space<vmem_shared>>
    %dma_wait3A_299 = arith.constant 0 : i32
    %dma_wait3A_300 = arith.constant 0 : i32
    %dma_wait3A_301 = tpu.memref_slice %arg8[%dma_wait3A_290, %dma_wait3A_299, %dma_wait3A_300] : memref<2x128x128xf32, #tpu.memory_space<vmem>> -> memref<1x128x128xf32, #tpu.memory_space<vmem>>
    %dma_wait3A_302 = tpu.memref_squeeze %dma_wait3A_301 : memref<1x128x128xf32, #tpu.memory_space<vmem>> -> memref<128x128xf32, #tpu.memory_space<vmem>>
    tpu.wait_dma2 semaphore(%arg12 : memref<!tpu.dma_semaphore, #tpu.memory_space<semaphore_mem>>) src(%dma_wait3A_302 : memref<128x128xf32, #tpu.memory_space<vmem>>) dst(%dma_wait3A_298 : memref<128x128xf32, #tpu.memory_space<vmem_shared>>)
    %barrier3A = arith.constant 0 : index
    tpu.barrier barrier_id(%barrier3A)
    %while3A = arith.constant 0 : i32
    %while3A_303 = arith.constant 0 : i32
    %while3A_304 = arith.subi %add3A_4, %while3A_303 : i32
    %while3A_305 = arith.addi %while3A_303, %while3A_304 : i32
    %while3A_306 = arith.constant 1 : i32
    %while3A_307 = arith.divsi %while3A_304, %while3A_306 : i32
    %while3A_308 = arith.muli %while3A_307, %while3A_306 : i32
    %while3A_309 = arith.addi %while3A_303, %while3A_308 : i32
    %while3A_310 = arith.constant 1 : i32
    scf.for %while3A_335 = %while3A_303 to %while3A_309 step %while3A_310  : i32 {
      %rem3A_336 = arith.constant 2 : i32
      %rem3A_337 = arith.remsi %while3A_335, %rem3A_336 : i32
      %gt3A = arith.constant 0 : i32
      %gt3A_338 = arith.cmpi sgt, %while3A_335, %gt3A : i32
      %convert_element_type3A = arith.extui %gt3A_338 : i1 to i32
      %cond3A = arith.constant 0 : i32
      %cond3A_339 = arith.cmpi ne, %convert_element_type3A, %cond3A : i32
      scf.if %cond3A_339 {
        %sub3A_376 = arith.constant 1 : i32
        %sub3A_377 = arith.subi %while3A_335, %sub3A_376 : i32
        %sub3A_378 = arith.constant 1 : i32
        %sub3A_379 = arith.subi %sub3A_378, %rem3A_337 : i32
        %rem3A_380 = arith.constant 3 : i32
        %rem3A_381 = arith.remsi %sub3A_377, %rem3A_380 : i32
        %dma_wait3A_382 = arith.constant 0 : i32
        %dma_wait3A_383 = arith.constant 0 : i32
        %dma_wait3A_384 = tpu.memref_slice %arg8[%sub3A_379, %dma_wait3A_382, %dma_wait3A_383] : memref<2x128x128xf32, #tpu.memory_space<vmem>> -> memref<1x128x128xf32, #tpu.memory_space<vmem>>
        %dma_wait3A_385 = tpu.memref_squeeze %dma_wait3A_384 : memref<1x128x128xf32, #tpu.memory_space<vmem>> -> memref<128x128xf32, #tpu.memory_space<vmem>>
        %dma_wait3A_386 = arith.constant 0 : i32
        %dma_wait3A_387 = tpu.memref_slice %arg7[%rem3A_381, %dma_wait3A_386] : memref<3x128xi32, #tpu.memory_space<vmem>> -> memref<1x128xi32, #tpu.memory_space<vmem>>
        %dma_wait3A_388 = tpu.memref_squeeze %dma_wait3A_387 : memref<1x128xi32, #tpu.memory_space<vmem>> -> memref<128xi32, #tpu.memory_space<vmem>>
        %dma_wait3A_389 = arith.constant 0 : i32
        %dma_wait3A_390 = arith.constant 0 : i32
        %dma_wait3A_391 = tpu.memref_slice %arg9[%dma_wait3A_389, %dma_wait3A_390] : memref<10240x128xf32, #tpu.memory_space<vmem_shared>> -> memref<10240x128xf32, #tpu.memory_space<vmem_shared>>
        tpu.wait_indirect_dma semaphore(%arg12 : memref<!tpu.dma_semaphore, #tpu.memory_space<semaphore_mem>>) src(%dma_wait3A_385 : memref<128x128xf32, #tpu.memory_space<vmem>>) dst(%dma_wait3A_391 : memref<10240x128xf32, #tpu.memory_space<vmem_shared>>)
      } else {
      }
      %add3A_340 = arith.constant 1 : i32
      %add3A_341 = arith.addi %while3A_335, %add3A_340 : i32
      %lt3A_342 = arith.cmpi slt, %add3A_341, %add3A_4 : i32
      %convert_element_type3A_343 = arith.extui %lt3A_342 : i1 to i32
      %cond3A_344 = arith.constant 0 : i32
      %cond3A_345 = arith.cmpi ne, %convert_element_type3A_343, %cond3A_344 : i32
      scf.if %cond3A_345 {
        %add3A_376 = arith.constant 1 : i32
        %add3A_377 = arith.addi %while3A_335, %add3A_376 : i32
        %mul3A_378 = arith.constant 128 : i32
        %mul3A_379 = arith.muli %add3A_377, %mul3A_378 : i32
        %add3A_380 = arith.addi %mul3A_10, %mul3A_379 : i32
        %multiple_of3A_381 = tpu.assume_multiple %add3A_380, 8 : i32
        %rem3A_382 = arith.constant 2 : i32
        %rem3A_383 = arith.remsi %add3A_377, %rem3A_382 : i32
        %rem3A_384 = arith.constant 2 : i32
        %rem3A_385 = arith.remsi %add3A_377, %rem3A_384 : i32
        %dma_wait3A_386 = arith.constant 0 : i32
        %dma_wait3A_387 = tpu.memref_slice %arg6[%rem3A_383, %dma_wait3A_386] : memref<2x128xi32, #tpu.memory_space<vmem>> -> memref<1x128xi32, #tpu.memory_space<vmem>>
        %dma_wait3A_388 = tpu.memref_squeeze %dma_wait3A_387 : memref<1x128xi32, #tpu.memory_space<vmem>> -> memref<128xi32, #tpu.memory_space<vmem>>
        %dma_wait3A_389 = tpu.memref_slice %arg3[%multiple_of3A_381] : memref<320000xi32, #tpu.memory_space<hbm>> -> memref<128xi32, #tpu.memory_space<hbm>>
        %dma_wait3A_390 = tpu.memref_slice %arg10[%rem3A_385] : memref<2x!tpu.dma_semaphore, #tpu.memory_space<semaphore_mem>> -> memref<1x!tpu.dma_semaphore, #tpu.memory_space<semaphore_mem>>
        %dma_wait3A_391 = tpu.memref_squeeze %dma_wait3A_390 : memref<1x!tpu.dma_semaphore, #tpu.memory_space<semaphore_mem>> -> memref<!tpu.dma_semaphore, #tpu.memory_space<semaphore_mem>>
        %dma_wait3A_392 = arith.constant 0 : i32
        %dma_wait3A_393 = tpu.memref_slice %arg6[%rem3A_383, %dma_wait3A_392] : memref<2x128xi32, #tpu.memory_space<vmem>> -> memref<1x128xi32, #tpu.memory_space<vmem>>
        %dma_wait3A_394 = tpu.memref_squeeze %dma_wait3A_393 : memref<1x128xi32, #tpu.memory_space<vmem>> -> memref<128xi32, #tpu.memory_space<vmem>>
        %dma_wait3A_395 = tpu.memref_slice %arg3[%multiple_of3A_381] : memref<320000xi32, #tpu.memory_space<hbm>> -> memref<128xi32, #tpu.memory_space<hbm>>
        tpu.wait_dma2 semaphore(%dma_wait3A_391 : memref<!tpu.dma_semaphore, #tpu.memory_space<semaphore_mem>>) src(%dma_wait3A_395 : memref<128xi32, #tpu.memory_space<hbm>>) dst(%dma_wait3A_394 : memref<128xi32, #tpu.memory_space<vmem>>)
        %rem3A_396 = arith.constant 3 : i32
        %rem3A_397 = arith.remsi %add3A_377, %rem3A_396 : i32
        %rem3A_398 = arith.constant 2 : i32
        %rem3A_399 = arith.remsi %add3A_377, %rem3A_398 : i32
        %dma_wait3A_400 = arith.constant 0 : i32
        %dma_wait3A_401 = tpu.memref_slice %arg7[%rem3A_397, %dma_wait3A_400] : memref<3x128xi32, #tpu.memory_space<vmem>> -> memref<1x128xi32, #tpu.memory_space<vmem>>
        %dma_wait3A_402 = tpu.memref_squeeze %dma_wait3A_401 : memref<1x128xi32, #tpu.memory_space<vmem>> -> memref<128xi32, #tpu.memory_space<vmem>>
        %dma_wait3A_403 = tpu.memref_slice %arg4[%multiple_of3A_381] : memref<320000xi32, #tpu.memory_space<hbm>> -> memref<128xi32, #tpu.memory_space<hbm>>
        %dma_wait3A_404 = tpu.memref_slice %arg10[%rem3A_399] : memref<2x!tpu.dma_semaphore, #tpu.memory_space<semaphore_mem>> -> memref<1x!tpu.dma_semaphore, #tpu.memory_space<semaphore_mem>>
        %dma_wait3A_405 = tpu.memref_squeeze %dma_wait3A_404 : memref<1x!tpu.dma_semaphore, #tpu.memory_space<semaphore_mem>> -> memref<!tpu.dma_semaphore, #tpu.memory_space<semaphore_mem>>
        %dma_wait3A_406 = arith.constant 0 : i32
        %dma_wait3A_407 = tpu.memref_slice %arg7[%rem3A_397, %dma_wait3A_406] : memref<3x128xi32, #tpu.memory_space<vmem>> -> memref<1x128xi32, #tpu.memory_space<vmem>>
        %dma_wait3A_408 = tpu.memref_squeeze %dma_wait3A_407 : memref<1x128xi32, #tpu.memory_space<vmem>> -> memref<128xi32, #tpu.memory_space<vmem>>
        %dma_wait3A_409 = tpu.memref_slice %arg4[%multiple_of3A_381] : memref<320000xi32, #tpu.memory_space<hbm>> -> memref<128xi32, #tpu.memory_space<hbm>>
        tpu.wait_dma2 semaphore(%dma_wait3A_405 : memref<!tpu.dma_semaphore, #tpu.memory_space<semaphore_mem>>) src(%dma_wait3A_409 : memref<128xi32, #tpu.memory_space<hbm>>) dst(%dma_wait3A_408 : memref<128xi32, #tpu.memory_space<vmem>>)
        %add3A_410 = arith.constant 1 : i32
        %add3A_411 = arith.addi %while3A_335, %add3A_410 : i32
        %sub3A_412 = arith.constant 1 : i32
        %sub3A_413 = arith.subi %sub3A_412, %rem3A_337 : i32
        %dma_start3A_414 = arith.constant 0 : i32
        %dma_start3A_415 = arith.constant 0 : i32
        %dma_start3A_416 = tpu.memref_slice %arg8[%sub3A_413, %dma_start3A_414, %dma_start3A_415] : memref<2x128x128xf32, #tpu.memory_space<vmem>> -> memref<1x128x128xf32, #tpu.memory_space<vmem>>
        %dma_start3A_417 = tpu.memref_squeeze %dma_start3A_416 : memref<1x128x128xf32, #tpu.memory_space<vmem>> -> memref<128x128xf32, #tpu.memory_space<vmem>>
        %dma_start3A_418 = arith.constant 0 : i32
        %dma_start3A_419 = tpu.memref_slice %arg6[%sub3A_413, %dma_start3A_418] : memref<2x128xi32, #tpu.memory_space<vmem>> -> memref<1x128xi32, #tpu.memory_space<vmem>>
        %dma_start3A_420 = tpu.memref_squeeze %dma_start3A_419 : memref<1x128xi32, #tpu.memory_space<vmem>> -> memref<128xi32, #tpu.memory_space<vmem>>
        %dma_start3A_421 = arith.constant 0 : i32
        %dma_start3A_422 = arith.constant 0 : i32
        %dma_start3A_423 = tpu.memref_slice %arg2[%dma_start3A_421, %dma_start3A_422] : memref<10000x128xf32, #tpu.memory_space<hbm>> -> memref<10000x128xf32, #tpu.memory_space<hbm>>
        %dma_start3A_424 = tpu.memref_slice %arg11[%sub3A_413] : memref<2x!tpu.dma_semaphore, #tpu.memory_space<semaphore_mem>> -> memref<1x!tpu.dma_semaphore, #tpu.memory_space<semaphore_mem>>
        %dma_start3A_425 = tpu.memref_squeeze %dma_start3A_424 : memref<1x!tpu.dma_semaphore, #tpu.memory_space<semaphore_mem>> -> memref<!tpu.dma_semaphore, #tpu.memory_space<semaphore_mem>>
        tpu.enqueue_indirect_dma source(%dma_start3A_423 : memref<10000x128xf32, #tpu.memory_space<hbm>>) target(%dma_start3A_417 : memref<128x128xf32, #tpu.memory_space<vmem>>) offsets(%dma_start3A_420 : memref<128xi32, #tpu.memory_space<vmem>>) semaphore(%dma_start3A_425 : memref<!tpu.dma_semaphore, #tpu.memory_space<semaphore_mem>>)
      } else {
      }
      %dma_wait3A_346 = arith.constant 0 : i32
      %dma_wait3A_347 = arith.constant 0 : i32
      %dma_wait3A_348 = tpu.memref_slice %arg8[%rem3A_337, %dma_wait3A_346, %dma_wait3A_347] : memref<2x128x128xf32, #tpu.memory_space<vmem>> -> memref<1x128x128xf32, #tpu.memory_space<vmem>>
      %dma_wait3A_349 = tpu.memref_squeeze %dma_wait3A_348 : memref<1x128x128xf32, #tpu.memory_space<vmem>> -> memref<128x128xf32, #tpu.memory_space<vmem>>
      %dma_wait3A_350 = arith.constant 0 : i32
      %dma_wait3A_351 = tpu.memref_slice %arg6[%rem3A_337, %dma_wait3A_350] : memref<2x128xi32, #tpu.memory_space<vmem>> -> memref<1x128xi32, #tpu.memory_space<vmem>>
      %dma_wait3A_352 = tpu.memref_squeeze %dma_wait3A_351 : memref<1x128xi32, #tpu.memory_space<vmem>> -> memref<128xi32, #tpu.memory_space<vmem>>
      %dma_wait3A_353 = arith.constant 0 : i32
      %dma_wait3A_354 = arith.constant 0 : i32
      %dma_wait3A_355 = tpu.memref_slice %arg2[%dma_wait3A_353, %dma_wait3A_354] : memref<10000x128xf32, #tpu.memory_space<hbm>> -> memref<10000x128xf32, #tpu.memory_space<hbm>>
      %dma_wait3A_356 = tpu.memref_slice %arg11[%rem3A_337] : memref<2x!tpu.dma_semaphore, #tpu.memory_space<semaphore_mem>> -> memref<1x!tpu.dma_semaphore, #tpu.memory_space<semaphore_mem>>
      %dma_wait3A_357 = tpu.memref_squeeze %dma_wait3A_356 : memref<1x!tpu.dma_semaphore, #tpu.memory_space<semaphore_mem>> -> memref<!tpu.dma_semaphore, #tpu.memory_space<semaphore_mem>>
      tpu.wait_indirect_dma semaphore(%dma_wait3A_357 : memref<!tpu.dma_semaphore, #tpu.memory_space<semaphore_mem>>) src(%dma_wait3A_355 : memref<10000x128xf32, #tpu.memory_space<hbm>>) dst(%dma_wait3A_349 : memref<128x128xf32, #tpu.memory_space<vmem>>)
      %rem3A_358 = arith.constant 3 : i32
      %rem3A_359 = arith.remsi %while3A_335, %rem3A_358 : i32
      %dma_start3A_360 = arith.constant 0 : i32
      %dma_start3A_361 = arith.constant 0 : i32
      %dma_start3A_362 = tpu.memref_slice %arg8[%rem3A_337, %dma_start3A_360, %dma_start3A_361] : memref<2x128x128xf32, #tpu.memory_space<vmem>> -> memref<1x128x128xf32, #tpu.memory_space<vmem>>
      %dma_start3A_363 = tpu.memref_squeeze %dma_start3A_362 : memref<1x128x128xf32, #tpu.memory_space<vmem>> -> memref<128x128xf32, #tpu.memory_space<vmem>>
      %dma_start3A_364 = arith.constant 0 : i32
      %dma_start3A_365 = tpu.memref_slice %arg7[%rem3A_359, %dma_start3A_364] : memref<3x128xi32, #tpu.memory_space<vmem>> -> memref<1x128xi32, #tpu.memory_space<vmem>>
      %dma_start3A_366 = tpu.memref_squeeze %dma_start3A_365 : memref<1x128xi32, #tpu.memory_space<vmem>> -> memref<128xi32, #tpu.memory_space<vmem>>
      %dma_start3A_367 = arith.constant 0 : i32
      %dma_start3A_368 = arith.constant 0 : i32
      %dma_start3A_369 = tpu.memref_slice %arg9[%dma_start3A_367, %dma_start3A_368] : memref<10240x128xf32, #tpu.memory_space<vmem_shared>> -> memref<10240x128xf32, #tpu.memory_space<vmem_shared>>
      tpu.enqueue_indirect_dma source(%dma_start3A_363 : memref<128x128xf32, #tpu.memory_space<vmem>>) target(%dma_start3A_369 : memref<10240x128xf32, #tpu.memory_space<vmem_shared>>) offsets(%dma_start3A_366 : memref<128xi32, #tpu.memory_space<vmem>>) semaphore(%arg12 : memref<!tpu.dma_semaphore, #tpu.memory_space<semaphore_mem>>) {add = true}
      %add3A_370 = arith.constant 2 : i32
      %add3A_371 = arith.addi %while3A_335, %add3A_370 : i32
      %lt3A_372 = arith.cmpi slt, %add3A_371, %add3A_4 : i32
      %convert_element_type3A_373 = arith.extui %lt3A_372 : i1 to i32
      %cond3A_374 = arith.constant 0 : i32
      %cond3A_375 = arith.cmpi ne, %convert_element_type3A_373, %cond3A_374 : i32
      scf.if %cond3A_375 {
        %add3A_376 = arith.constant 2 : i32
        %add3A_377 = arith.addi %while3A_335, %add3A_376 : i32
        %mul3A_378 = arith.constant 128 : i32
        %mul3A_379 = arith.muli %add3A_377, %mul3A_378 : i32
        %add3A_380 = arith.addi %mul3A_10, %mul3A_379 : i32
        %multiple_of3A_381 = tpu.assume_multiple %add3A_380, 8 : i32
        %rem3A_382 = arith.constant 2 : i32
        %rem3A_383 = arith.remsi %add3A_377, %rem3A_382 : i32
        %rem3A_384 = arith.constant 2 : i32
        %rem3A_385 = arith.remsi %add3A_377, %rem3A_384 : i32
        %dma_start3A_386 = arith.constant 0 : i32
        %dma_start3A_387 = tpu.memref_slice %arg6[%rem3A_383, %dma_start3A_386] : memref<2x128xi32, #tpu.memory_space<vmem>> -> memref<1x128xi32, #tpu.memory_space<vmem>>
        %dma_start3A_388 = tpu.memref_squeeze %dma_start3A_387 : memref<1x128xi32, #tpu.memory_space<vmem>> -> memref<128xi32, #tpu.memory_space<vmem>>
        %dma_start3A_389 = tpu.memref_slice %arg3[%multiple_of3A_381] : memref<320000xi32, #tpu.memory_space<hbm>> -> memref<128xi32, #tpu.memory_space<hbm>>
        %dma_start3A_390 = tpu.memref_slice %arg10[%rem3A_385] : memref<2x!tpu.dma_semaphore, #tpu.memory_space<semaphore_mem>> -> memref<1x!tpu.dma_semaphore, #tpu.memory_space<semaphore_mem>>
        %dma_start3A_391 = tpu.memref_squeeze %dma_start3A_390 : memref<1x!tpu.dma_semaphore, #tpu.memory_space<semaphore_mem>> -> memref<!tpu.dma_semaphore, #tpu.memory_space<semaphore_mem>>
        %dma_start3A_392 = arith.constant 0 : i32
        %dma_start3A_393 = tpu.memref_slice %arg6[%rem3A_383, %dma_start3A_392] : memref<2x128xi32, #tpu.memory_space<vmem>> -> memref<1x128xi32, #tpu.memory_space<vmem>>
        %dma_start3A_394 = tpu.memref_squeeze %dma_start3A_393 : memref<1x128xi32, #tpu.memory_space<vmem>> -> memref<128xi32, #tpu.memory_space<vmem>>
        %dma_start3A_395 = tpu.memref_slice %arg3[%multiple_of3A_381] : memref<320000xi32, #tpu.memory_space<hbm>> -> memref<128xi32, #tpu.memory_space<hbm>>
        tpu.enqueue_dma source(%dma_start3A_395 : memref<128xi32, #tpu.memory_space<hbm>>) target(%dma_start3A_394 : memref<128xi32, #tpu.memory_space<vmem>>) target_semaphore(%dma_start3A_391 : memref<!tpu.dma_semaphore, #tpu.memory_space<semaphore_mem>>)
        %rem3A_396 = arith.constant 3 : i32
        %rem3A_397 = arith.remsi %add3A_377, %rem3A_396 : i32
        %rem3A_398 = arith.constant 2 : i32
        %rem3A_399 = arith.remsi %add3A_377, %rem3A_398 : i32
        %dma_start3A_400 = arith.constant 0 : i32
        %dma_start3A_401 = tpu.memref_slice %arg7[%rem3A_397, %dma_start3A_400] : memref<3x128xi32, #tpu.memory_space<vmem>> -> memref<1x128xi32, #tpu.memory_space<vmem>>
        %dma_start3A_402 = tpu.memref_squeeze %dma_start3A_401 : memref<1x128xi32, #tpu.memory_space<vmem>> -> memref<128xi32, #tpu.memory_space<vmem>>
        %dma_start3A_403 = tpu.memref_slice %arg4[%multiple_of3A_381] : memref<320000xi32, #tpu.memory_space<hbm>> -> memref<128xi32, #tpu.memory_space<hbm>>
        %dma_start3A_404 = tpu.memref_slice %arg10[%rem3A_399] : memref<2x!tpu.dma_semaphore, #tpu.memory_space<semaphore_mem>> -> memref<1x!tpu.dma_semaphore, #tpu.memory_space<semaphore_mem>>
        %dma_start3A_405 = tpu.memref_squeeze %dma_start3A_404 : memref<1x!tpu.dma_semaphore, #tpu.memory_space<semaphore_mem>> -> memref<!tpu.dma_semaphore, #tpu.memory_space<semaphore_mem>>
        %dma_start3A_406 = arith.constant 0 : i32
        %dma_start3A_407 = tpu.memref_slice %arg7[%rem3A_397, %dma_start3A_406] : memref<3x128xi32, #tpu.memory_space<vmem>> -> memref<1x128xi32, #tpu.memory_space<vmem>>
        %dma_start3A_408 = tpu.memref_squeeze %dma_start3A_407 : memref<1x128xi32, #tpu.memory_space<vmem>> -> memref<128xi32, #tpu.memory_space<vmem>>
        %dma_start3A_409 = tpu.memref_slice %arg4[%multiple_of3A_381] : memref<320000xi32, #tpu.memory_space<hbm>> -> memref<128xi32, #tpu.memory_space<hbm>>
        tpu.enqueue_dma source(%dma_start3A_409 : memref<128xi32, #tpu.memory_space<hbm>>) target(%dma_start3A_408 : memref<128xi32, #tpu.memory_space<vmem>>) target_semaphore(%dma_start3A_405 : memref<!tpu.dma_semaphore, #tpu.memory_space<semaphore_mem>>)
      } else {
      }
    }
    %while3A_311 = arith.constant 1 : i32
    scf.for %while3A_335 = %while3A_309 to %while3A_305 step %while3A_311  : i32 {
      %rem3A_336 = arith.constant 2 : i32
      %rem3A_337 = arith.remsi %while3A_335, %rem3A_336 : i32
      %gt3A = arith.constant 0 : i32
      %gt3A_338 = arith.cmpi sgt, %while3A_335, %gt3A : i32
      %convert_element_type3A = arith.extui %gt3A_338 : i1 to i32
      %cond3A = arith.constant 0 : i32
      %cond3A_339 = arith.cmpi ne, %convert_element_type3A, %cond3A : i32
      scf.if %cond3A_339 {
        %sub3A_376 = arith.constant 1 : i32
        %sub3A_377 = arith.subi %while3A_335, %sub3A_376 : i32
        %sub3A_378 = arith.constant 1 : i32
        %sub3A_379 = arith.subi %sub3A_378, %rem3A_337 : i32
        %rem3A_380 = arith.constant 3 : i32
        %rem3A_381 = arith.remsi %sub3A_377, %rem3A_380 : i32
        %dma_wait3A_382 = arith.constant 0 : i32
        %dma_wait3A_383 = arith.constant 0 : i32
        %dma_wait3A_384 = tpu.memref_slice %arg8[%sub3A_379, %dma_wait3A_382, %dma_wait3A_383] : memref<2x128x128xf32, #tpu.memory_space<vmem>> -> memref<1x128x128xf32, #tpu.memory_space<vmem>>
        %dma_wait3A_385 = tpu.memref_squeeze %dma_wait3A_384 : memref<1x128x128xf32, #tpu.memory_space<vmem>> -> memref<128x128xf32, #tpu.memory_space<vmem>>
        %dma_wait3A_386 = arith.constant 0 : i32
        %dma_wait3A_387 = tpu.memref_slice %arg7[%rem3A_381, %dma_wait3A_386] : memref<3x128xi32, #tpu.memory_space<vmem>> -> memref<1x128xi32, #tpu.memory_space<vmem>>
        %dma_wait3A_388 = tpu.memref_squeeze %dma_wait3A_387 : memref<1x128xi32, #tpu.memory_space<vmem>> -> memref<128xi32, #tpu.memory_space<vmem>>
        %dma_wait3A_389 = arith.constant 0 : i32
        %dma_wait3A_390 = arith.constant 0 : i32
        %dma_wait3A_391 = tpu.memref_slice %arg9[%dma_wait3A_389, %dma_wait3A_390] : memref<10240x128xf32, #tpu.memory_space<vmem_shared>> -> memref<10240x128xf32, #tpu.memory_space<vmem_shared>>
        tpu.wait_indirect_dma semaphore(%arg12 : memref<!tpu.dma_semaphore, #tpu.memory_space<semaphore_mem>>) src(%dma_wait3A_385 : memref<128x128xf32, #tpu.memory_space<vmem>>) dst(%dma_wait3A_391 : memref<10240x128xf32, #tpu.memory_space<vmem_shared>>)
      } else {
      }
      %add3A_340 = arith.constant 1 : i32
      %add3A_341 = arith.addi %while3A_335, %add3A_340 : i32
      %lt3A_342 = arith.cmpi slt, %add3A_341, %add3A_4 : i32
      %convert_element_type3A_343 = arith.extui %lt3A_342 : i1 to i32
      %cond3A_344 = arith.constant 0 : i32
      %cond3A_345 = arith.cmpi ne, %convert_element_type3A_343, %cond3A_344 : i32
      scf.if %cond3A_345 {
        %add3A_376 = arith.constant 1 : i32
        %add3A_377 = arith.addi %while3A_335, %add3A_376 : i32
        %mul3A_378 = arith.constant 128 : i32
        %mul3A_379 = arith.muli %add3A_377, %mul3A_378 : i32
        %add3A_380 = arith.addi %mul3A_10, %mul3A_379 : i32
        %multiple_of3A_381 = tpu.assume_multiple %add3A_380, 8 : i32
        %rem3A_382 = arith.constant 2 : i32
        %rem3A_383 = arith.remsi %add3A_377, %rem3A_382 : i32
        %rem3A_384 = arith.constant 2 : i32
        %rem3A_385 = arith.remsi %add3A_377, %rem3A_384 : i32
        %dma_wait3A_386 = arith.constant 0 : i32
        %dma_wait3A_387 = tpu.memref_slice %arg6[%rem3A_383, %dma_wait3A_386] : memref<2x128xi32, #tpu.memory_space<vmem>> -> memref<1x128xi32, #tpu.memory_space<vmem>>
        %dma_wait3A_388 = tpu.memref_squeeze %dma_wait3A_387 : memref<1x128xi32, #tpu.memory_space<vmem>> -> memref<128xi32, #tpu.memory_space<vmem>>
        %dma_wait3A_389 = tpu.memref_slice %arg3[%multiple_of3A_381] : memref<320000xi32, #tpu.memory_space<hbm>> -> memref<128xi32, #tpu.memory_space<hbm>>
        %dma_wait3A_390 = tpu.memref_slice %arg10[%rem3A_385] : memref<2x!tpu.dma_semaphore, #tpu.memory_space<semaphore_mem>> -> memref<1x!tpu.dma_semaphore, #tpu.memory_space<semaphore_mem>>
        %dma_wait3A_391 = tpu.memref_squeeze %dma_wait3A_390 : memref<1x!tpu.dma_semaphore, #tpu.memory_space<semaphore_mem>> -> memref<!tpu.dma_semaphore, #tpu.memory_space<semaphore_mem>>
        %dma_wait3A_392 = arith.constant 0 : i32
        %dma_wait3A_393 = tpu.memref_slice %arg6[%rem3A_383, %dma_wait3A_392] : memref<2x128xi32, #tpu.memory_space<vmem>> -> memref<1x128xi32, #tpu.memory_space<vmem>>
        %dma_wait3A_394 = tpu.memref_squeeze %dma_wait3A_393 : memref<1x128xi32, #tpu.memory_space<vmem>> -> memref<128xi32, #tpu.memory_space<vmem>>
        %dma_wait3A_395 = tpu.memref_slice %arg3[%multiple_of3A_381] : memref<320000xi32, #tpu.memory_space<hbm>> -> memref<128xi32, #tpu.memory_space<hbm>>
        tpu.wait_dma2 semaphore(%dma_wait3A_391 : memref<!tpu.dma_semaphore, #tpu.memory_space<semaphore_mem>>) src(%dma_wait3A_395 : memref<128xi32, #tpu.memory_space<hbm>>) dst(%dma_wait3A_394 : memref<128xi32, #tpu.memory_space<vmem>>)
        %rem3A_396 = arith.constant 3 : i32
        %rem3A_397 = arith.remsi %add3A_377, %rem3A_396 : i32
        %rem3A_398 = arith.constant 2 : i32
        %rem3A_399 = arith.remsi %add3A_377, %rem3A_398 : i32
        %dma_wait3A_400 = arith.constant 0 : i32
        %dma_wait3A_401 = tpu.memref_slice %arg7[%rem3A_397, %dma_wait3A_400] : memref<3x128xi32, #tpu.memory_space<vmem>> -> memref<1x128xi32, #tpu.memory_space<vmem>>
        %dma_wait3A_402 = tpu.memref_squeeze %dma_wait3A_401 : memref<1x128xi32, #tpu.memory_space<vmem>> -> memref<128xi32, #tpu.memory_space<vmem>>
        %dma_wait3A_403 = tpu.memref_slice %arg4[%multiple_of3A_381] : memref<320000xi32, #tpu.memory_space<hbm>> -> memref<128xi32, #tpu.memory_space<hbm>>
        %dma_wait3A_404 = tpu.memref_slice %arg10[%rem3A_399] : memref<2x!tpu.dma_semaphore, #tpu.memory_space<semaphore_mem>> -> memref<1x!tpu.dma_semaphore, #tpu.memory_space<semaphore_mem>>
        %dma_wait3A_405 = tpu.memref_squeeze %dma_wait3A_404 : memref<1x!tpu.dma_semaphore, #tpu.memory_space<semaphore_mem>> -> memref<!tpu.dma_semaphore, #tpu.memory_space<semaphore_mem>>
        %dma_wait3A_406 = arith.constant 0 : i32
        %dma_wait3A_407 = tpu.memref_slice %arg7[%rem3A_397, %dma_wait3A_406] : memref<3x128xi32, #tpu.memory_space<vmem>> -> memref<1x128xi32, #tpu.memory_space<vmem>>
        %dma_wait3A_408 = tpu.memref_squeeze %dma_wait3A_407 : memref<1x128xi32, #tpu.memory_space<vmem>> -> memref<128xi32, #tpu.memory_space<vmem>>
        %dma_wait3A_409 = tpu.memref_slice %arg4[%multiple_of3A_381] : memref<320000xi32, #tpu.memory_space<hbm>> -> memref<128xi32, #tpu.memory_space<hbm>>
        tpu.wait_dma2 semaphore(%dma_wait3A_405 : memref<!tpu.dma_semaphore, #tpu.memory_space<semaphore_mem>>) src(%dma_wait3A_409 : memref<128xi32, #tpu.memory_space<hbm>>) dst(%dma_wait3A_408 : memref<128xi32, #tpu.memory_space<vmem>>)
        %add3A_410 = arith.constant 1 : i32
        %add3A_411 = arith.addi %while3A_335, %add3A_410 : i32
        %sub3A_412 = arith.constant 1 : i32
        %sub3A_413 = arith.subi %sub3A_412, %rem3A_337 : i32
        %dma_start3A_414 = arith.constant 0 : i32
        %dma_start3A_415 = arith.constant 0 : i32
        %dma_start3A_416 = tpu.memref_slice %arg8[%sub3A_413, %dma_start3A_414, %dma_start3A_415] : memref<2x128x128xf32, #tpu.memory_space<vmem>> -> memref<1x128x128xf32, #tpu.memory_space<vmem>>
        %dma_start3A_417 = tpu.memref_squeeze %dma_start3A_416 : memref<1x128x128xf32, #tpu.memory_space<vmem>> -> memref<128x128xf32, #tpu.memory_space<vmem>>
        %dma_start3A_418 = arith.constant 0 : i32
        %dma_start3A_419 = tpu.memref_slice %arg6[%sub3A_413, %dma_start3A_418] : memref<2x128xi32, #tpu.memory_space<vmem>> -> memref<1x128xi32, #tpu.memory_space<vmem>>
        %dma_start3A_420 = tpu.memref_squeeze %dma_start3A_419 : memref<1x128xi32, #tpu.memory_space<vmem>> -> memref<128xi32, #tpu.memory_space<vmem>>
        %dma_start3A_421 = arith.constant 0 : i32
        %dma_start3A_422 = arith.constant 0 : i32
        %dma_start3A_423 = tpu.memref_slice %arg2[%dma_start3A_421, %dma_start3A_422] : memref<10000x128xf32, #tpu.memory_space<hbm>> -> memref<10000x128xf32, #tpu.memory_space<hbm>>
        %dma_start3A_424 = tpu.memref_slice %arg11[%sub3A_413] : memref<2x!tpu.dma_semaphore, #tpu.memory_space<semaphore_mem>> -> memref<1x!tpu.dma_semaphore, #tpu.memory_space<semaphore_mem>>
        %dma_start3A_425 = tpu.memref_squeeze %dma_start3A_424 : memref<1x!tpu.dma_semaphore, #tpu.memory_space<semaphore_mem>> -> memref<!tpu.dma_semaphore, #tpu.memory_space<semaphore_mem>>
        tpu.enqueue_indirect_dma source(%dma_start3A_423 : memref<10000x128xf32, #tpu.memory_space<hbm>>) target(%dma_start3A_417 : memref<128x128xf32, #tpu.memory_space<vmem>>) offsets(%dma_start3A_420 : memref<128xi32, #tpu.memory_space<vmem>>) semaphore(%dma_start3A_425 : memref<!tpu.dma_semaphore, #tpu.memory_space<semaphore_mem>>)
      } else {
      }
      %dma_wait3A_346 = arith.constant 0 : i32
      %dma_wait3A_347 = arith.constant 0 : i32
      %dma_wait3A_348 = tpu.memref_slice %arg8[%rem3A_337, %dma_wait3A_346, %dma_wait3A_347] : memref<2x128x128xf32, #tpu.memory_space<vmem>> -> memref<1x128x128xf32, #tpu.memory_space<vmem>>
      %dma_wait3A_349 = tpu.memref_squeeze %dma_wait3A_348 : memref<1x128x128xf32, #tpu.memory_space<vmem>> -> memref<128x128xf32, #tpu.memory_space<vmem>>
      %dma_wait3A_350 = arith.constant 0 : i32
      %dma_wait3A_351 = tpu.memref_slice %arg6[%rem3A_337, %dma_wait3A_350] : memref<2x128xi32, #tpu.memory_space<vmem>> -> memref<1x128xi32, #tpu.memory_space<vmem>>
      %dma_wait3A_352 = tpu.memref_squeeze %dma_wait3A_351 : memref<1x128xi32, #tpu.memory_space<vmem>> -> memref<128xi32, #tpu.memory_space<vmem>>
      %dma_wait3A_353 = arith.constant 0 : i32
      %dma_wait3A_354 = arith.constant 0 : i32
      %dma_wait3A_355 = tpu.memref_slice %arg2[%dma_wait3A_353, %dma_wait3A_354] : memref<10000x128xf32, #tpu.memory_space<hbm>> -> memref<10000x128xf32, #tpu.memory_space<hbm>>
      %dma_wait3A_356 = tpu.memref_slice %arg11[%rem3A_337] : memref<2x!tpu.dma_semaphore, #tpu.memory_space<semaphore_mem>> -> memref<1x!tpu.dma_semaphore, #tpu.memory_space<semaphore_mem>>
      %dma_wait3A_357 = tpu.memref_squeeze %dma_wait3A_356 : memref<1x!tpu.dma_semaphore, #tpu.memory_space<semaphore_mem>> -> memref<!tpu.dma_semaphore, #tpu.memory_space<semaphore_mem>>
      tpu.wait_indirect_dma semaphore(%dma_wait3A_357 : memref<!tpu.dma_semaphore, #tpu.memory_space<semaphore_mem>>) src(%dma_wait3A_355 : memref<10000x128xf32, #tpu.memory_space<hbm>>) dst(%dma_wait3A_349 : memref<128x128xf32, #tpu.memory_space<vmem>>)
      %rem3A_358 = arith.constant 3 : i32
      %rem3A_359 = arith.remsi %while3A_335, %rem3A_358 : i32
      %dma_start3A_360 = arith.constant 0 : i32
      %dma_start3A_361 = arith.constant 0 : i32
      %dma_start3A_362 = tpu.memref_slice %arg8[%rem3A_337, %dma_start3A_360, %dma_start3A_361] : memref<2x128x128xf32, #tpu.memory_space<vmem>> -> memref<1x128x128xf32, #tpu.memory_space<vmem>>
      %dma_start3A_363 = tpu.memref_squeeze %dma_start3A_362 : memref<1x128x128xf32, #tpu.memory_space<vmem>> -> memref<128x128xf32, #tpu.memory_space<vmem>>
      %dma_start3A_364 = arith.constant 0 : i32
      %dma_start3A_365 = tpu.memref_slice %arg7[%rem3A_359, %dma_start3A_364] : memref<3x128xi32, #tpu.memory_space<vmem>> -> memref<1x128xi32, #tpu.memory_space<vmem>>
      %dma_start3A_366 = tpu.memref_squeeze %dma_start3A_365 : memref<1x128xi32, #tpu.memory_space<vmem>> -> memref<128xi32, #tpu.memory_space<vmem>>
      %dma_start3A_367 = arith.constant 0 : i32
      %dma_start3A_368 = arith.constant 0 : i32
      %dma_start3A_369 = tpu.memref_slice %arg9[%dma_start3A_367, %dma_start3A_368] : memref<10240x128xf32, #tpu.memory_space<vmem_shared>> -> memref<10240x128xf32, #tpu.memory_space<vmem_shared>>
      tpu.enqueue_indirect_dma source(%dma_start3A_363 : memref<128x128xf32, #tpu.memory_space<vmem>>) target(%dma_start3A_369 : memref<10240x128xf32, #tpu.memory_space<vmem_shared>>) offsets(%dma_start3A_366 : memref<128xi32, #tpu.memory_space<vmem>>) semaphore(%arg12 : memref<!tpu.dma_semaphore, #tpu.memory_space<semaphore_mem>>) {add = true}
      %add3A_370 = arith.constant 2 : i32
      %add3A_371 = arith.addi %while3A_335, %add3A_370 : i32
      %lt3A_372 = arith.cmpi slt, %add3A_371, %add3A_4 : i32
      %convert_element_type3A_373 = arith.extui %lt3A_372 : i1 to i32
      %cond3A_374 = arith.constant 0 : i32
      %cond3A_375 = arith.cmpi ne, %convert_element_type3A_373, %cond3A_374 : i32
      scf.if %cond3A_375 {
        %add3A_376 = arith.constant 2 : i32
        %add3A_377 = arith.addi %while3A_335, %add3A_376 : i32
        %mul3A_378 = arith.constant 128 : i32
        %mul3A_379 = arith.muli %add3A_377, %mul3A_378 : i32
        %add3A_380 = arith.addi %mul3A_10, %mul3A_379 : i32
        %multiple_of3A_381 = tpu.assume_multiple %add3A_380, 8 : i32
        %rem3A_382 = arith.constant 2 : i32
        %rem3A_383 = arith.remsi %add3A_377, %rem3A_382 : i32
        %rem3A_384 = arith.constant 2 : i32
        %rem3A_385 = arith.remsi %add3A_377, %rem3A_384 : i32
        %dma_start3A_386 = arith.constant 0 : i32
        %dma_start3A_387 = tpu.memref_slice %arg6[%rem3A_383, %dma_start3A_386] : memref<2x128xi32, #tpu.memory_space<vmem>> -> memref<1x128xi32, #tpu.memory_space<vmem>>
        %dma_start3A_388 = tpu.memref_squeeze %dma_start3A_387 : memref<1x128xi32, #tpu.memory_space<vmem>> -> memref<128xi32, #tpu.memory_space<vmem>>
        %dma_start3A_389 = tpu.memref_slice %arg3[%multiple_of3A_381] : memref<320000xi32, #tpu.memory_space<hbm>> -> memref<128xi32, #tpu.memory_space<hbm>>
        %dma_start3A_390 = tpu.memref_slice %arg10[%rem3A_385] : memref<2x!tpu.dma_semaphore, #tpu.memory_space<semaphore_mem>> -> memref<1x!tpu.dma_semaphore, #tpu.memory_space<semaphore_mem>>
        %dma_start3A_391 = tpu.memref_squeeze %dma_start3A_390 : memref<1x!tpu.dma_semaphore, #tpu.memory_space<semaphore_mem>> -> memref<!tpu.dma_semaphore, #tpu.memory_space<semaphore_mem>>
        %dma_start3A_392 = arith.constant 0 : i32
        %dma_start3A_393 = tpu.memref_slice %arg6[%rem3A_383, %dma_start3A_392] : memref<2x128xi32, #tpu.memory_space<vmem>> -> memref<1x128xi32, #tpu.memory_space<vmem>>
        %dma_start3A_394 = tpu.memref_squeeze %dma_start3A_393 : memref<1x128xi32, #tpu.memory_space<vmem>> -> memref<128xi32, #tpu.memory_space<vmem>>
        %dma_start3A_395 = tpu.memref_slice %arg3[%multiple_of3A_381] : memref<320000xi32, #tpu.memory_space<hbm>> -> memref<128xi32, #tpu.memory_space<hbm>>
        tpu.enqueue_dma source(%dma_start3A_395 : memref<128xi32, #tpu.memory_space<hbm>>) target(%dma_start3A_394 : memref<128xi32, #tpu.memory_space<vmem>>) target_semaphore(%dma_start3A_391 : memref<!tpu.dma_semaphore, #tpu.memory_space<semaphore_mem>>)
        %rem3A_396 = arith.constant 3 : i32
        %rem3A_397 = arith.remsi %add3A_377, %rem3A_396 : i32
        %rem3A_398 = arith.constant 2 : i32
        %rem3A_399 = arith.remsi %add3A_377, %rem3A_398 : i32
        %dma_start3A_400 = arith.constant 0 : i32
        %dma_start3A_401 = tpu.memref_slice %arg7[%rem3A_397, %dma_start3A_400] : memref<3x128xi32, #tpu.memory_space<vmem>> -> memref<1x128xi32, #tpu.memory_space<vmem>>
        %dma_start3A_402 = tpu.memref_squeeze %dma_start3A_401 : memref<1x128xi32, #tpu.memory_space<vmem>> -> memref<128xi32, #tpu.memory_space<vmem>>
        %dma_start3A_403 = tpu.memref_slice %arg4[%multiple_of3A_381] : memref<320000xi32, #tpu.memory_space<hbm>> -> memref<128xi32, #tpu.memory_space<hbm>>
        %dma_start3A_404 = tpu.memref_slice %arg10[%rem3A_399] : memref<2x!tpu.dma_semaphore, #tpu.memory_space<semaphore_mem>> -> memref<1x!tpu.dma_semaphore, #tpu.memory_space<semaphore_mem>>
        %dma_start3A_405 = tpu.memref_squeeze %dma_start3A_404 : memref<1x!tpu.dma_semaphore, #tpu.memory_space<semaphore_mem>> -> memref<!tpu.dma_semaphore, #tpu.memory_space<semaphore_mem>>
        %dma_start3A_406 = arith.constant 0 : i32
        %dma_start3A_407 = tpu.memref_slice %arg7[%rem3A_397, %dma_start3A_406] : memref<3x128xi32, #tpu.memory_space<vmem>> -> memref<1x128xi32, #tpu.memory_space<vmem>>
        %dma_start3A_408 = tpu.memref_squeeze %dma_start3A_407 : memref<1x128xi32, #tpu.memory_space<vmem>> -> memref<128xi32, #tpu.memory_space<vmem>>
        %dma_start3A_409 = tpu.memref_slice %arg4[%multiple_of3A_381] : memref<320000xi32, #tpu.memory_space<hbm>> -> memref<128xi32, #tpu.memory_space<hbm>>
        tpu.enqueue_dma source(%dma_start3A_409 : memref<128xi32, #tpu.memory_space<hbm>>) target(%dma_start3A_408 : memref<128xi32, #tpu.memory_space<vmem>>) target_semaphore(%dma_start3A_405 : memref<!tpu.dma_semaphore, #tpu.memory_space<semaphore_mem>>)
      } else {
      }
    }
    %sub3A = arith.constant 1 : i32
    %sub3A_312 = arith.subi %add3A_4, %sub3A : i32
    %sub3A_313 = arith.constant 1 : i32
    %sub3A_314 = arith.subi %add3A_4, %sub3A_313 : i32
    %rem3A_315 = arith.constant 2 : i32
    %rem3A_316 = arith.remsi %sub3A_314, %rem3A_315 : i32
    %rem3A_317 = arith.constant 3 : i32
    %rem3A_318 = arith.remsi %sub3A_312, %rem3A_317 : i32
    %dma_wait3A_319 = arith.constant 0 : i32
    %dma_wait3A_320 = arith.constant 0 : i32
    %dma_wait3A_321 = tpu.memref_slice %arg8[%rem3A_316, %dma_wait3A_319, %dma_wait3A_320] : memref<2x128x128xf32, #tpu.memory_space<vmem>> -> memref<1x128x128xf32, #tpu.memory_space<vmem>>
    %dma_wait3A_322 = tpu.memref_squeeze %dma_wait3A_321 : memref<1x128x128xf32, #tpu.memory_space<vmem>> -> memref<128x128xf32, #tpu.memory_space<vmem>>
    %dma_wait3A_323 = arith.constant 0 : i32
    %dma_wait3A_324 = tpu.memref_slice %arg7[%rem3A_318, %dma_wait3A_323] : memref<3x128xi32, #tpu.memory_space<vmem>> -> memref<1x128xi32, #tpu.memory_space<vmem>>
    %dma_wait3A_325 = tpu.memref_squeeze %dma_wait3A_324 : memref<1x128xi32, #tpu.memory_space<vmem>> -> memref<128xi32, #tpu.memory_space<vmem>>
    %dma_wait3A_326 = arith.constant 0 : i32
    %dma_wait3A_327 = arith.constant 0 : i32
    %dma_wait3A_328 = tpu.memref_slice %arg9[%dma_wait3A_326, %dma_wait3A_327] : memref<10240x128xf32, #tpu.memory_space<vmem_shared>> -> memref<10240x128xf32, #tpu.memory_space<vmem_shared>>
    tpu.wait_indirect_dma semaphore(%arg12 : memref<!tpu.dma_semaphore, #tpu.memory_space<semaphore_mem>>) src(%dma_wait3A_322 : memref<128x128xf32, #tpu.memory_space<vmem>>) dst(%dma_wait3A_328 : memref<10240x128xf32, #tpu.memory_space<vmem_shared>>)
    %barrier3A_329 = arith.constant 0 : index
    tpu.barrier barrier_id(%barrier3A_329)
    %mul3A_330 = arith.constant 640 : i32
    %mul3A_331 = arith.muli %arg1, %mul3A_330 : i32
    %mul3A_332 = arith.constant 10240 : i32
    %mul3A_333 = arith.muli %arg0, %mul3A_332 : i32
    %add3A_334 = arith.addi %mul3A_333, %mul3A_331 : i32
    "tpu.region"() ({
      %run_scoped3A = tpu.sem_alloc : memref<!tpu.dma_semaphore, #tpu.memory_space<semaphore_mem>>
      %dma_start3A_335 = arith.constant 0 : i32
      %dma_start3A_336 = tpu.memref_slice %arg5[%add3A_334, %dma_start3A_335] : memref<20480x128xf32, #tpu.memory_space<hbm>> -> memref<640x128xf32, #tpu.memory_space<hbm>>
      %dma_start3A_337 = arith.constant 0 : i32
      %dma_start3A_338 = tpu.memref_slice %arg9[%mul3A_331, %dma_start3A_337] : memref<10240x128xf32, #tpu.memory_space<vmem_shared>> -> memref<640x128xf32, #tpu.memory_space<vmem_shared>>
      tpu.enqueue_dma source(%dma_start3A_338 : memref<640x128xf32, #tpu.memory_space<vmem_shared>>) target(%dma_start3A_336 : memref<640x128xf32, #tpu.memory_space<hbm>>) target_semaphore(%run_scoped3A : memref<!tpu.dma_semaphore, #tpu.memory_space<semaphore_mem>>)
      %dma_wait3A_339 = arith.constant 0 : i32
      %dma_wait3A_340 = tpu.memref_slice %arg5[%add3A_334, %dma_wait3A_339] : memref<20480x128xf32, #tpu.memory_space<hbm>> -> memref<640x128xf32, #tpu.memory_space<hbm>>
      %dma_wait3A_341 = arith.constant 0 : i32
      %dma_wait3A_342 = tpu.memref_slice %arg9[%mul3A_331, %dma_wait3A_341] : memref<10240x128xf32, #tpu.memory_space<vmem_shared>> -> memref<640x128xf32, #tpu.memory_space<vmem_shared>>
      tpu.wait_dma2 semaphore(%run_scoped3A : memref<!tpu.dma_semaphore, #tpu.memory_space<semaphore_mem>>) src(%dma_wait3A_342 : memref<640x128xf32, #tpu.memory_space<vmem_shared>>) dst(%dma_wait3A_340 : memref<640x128xf32, #tpu.memory_space<hbm>>)
      tpu.yield
    }) : () -> ()
    return
  }
}

module attributes {stable_mosaic.version = 14 : i64} {
  func.func @_ec_body(%arg0: i32, %arg1: memref<1x1000x128xf32, #tpu.memory_space<vmem>>, %arg2: memref<1x1000x128xf32, #tpu.memory_space<vmem>>, %arg3: memref<1x1000x1xf32, #tpu.memory_space<vmem>>, %arg4: memref<1x1000x1xf32, #tpu.memory_space<vmem>>, %arg5: memref<1000x128xf32, #tpu.memory_space<vmem>>) attributes {dimension_semantics = [#tpu.dimension_semantics<arbitrary>], iteration_bounds = array<i64: 10>, scalar_prefetch = 0 : i64, scratch_operands = 0 : i64, tpu.core_type = #tpu.core_type<tc>, window_params = [{transform_indices = @transform_0, window_bounds = array<i64: 1, 1000, 128>}, {transform_indices = @transform_1, window_bounds = array<i64: 1, 1000, 128>}, {transform_indices = @transform_2, window_bounds = array<i64: 1, 1000, 1>}, {transform_indices = @transform_3, window_bounds = array<i64: 1, 1000, 1>}, {transform_indices = @transform_4, window_bounds = array<i64: 1000, 128>}]} {
    %get3A = arith.constant 0 : index
    %get3A_0 = arith.constant 0 : index
    %get3A_1 = arith.constant 0 : index
    %get3A_2 = vector.load %arg3[%get3A, %get3A_0, %get3A_1] : memref<1x1000x1xf32, #tpu.memory_space<vmem>>, vector<1x1000x1xf32>
    %get3A_3 = vector.shape_cast %get3A_2 : vector<1x1000x1xf32> to vector<1000x1xf32>
    %get3A_4 = arith.constant 0 : index
    %get3A_5 = arith.constant 0 : index
    %get3A_6 = arith.constant 0 : index
    %get3A_7 = vector.load %arg4[%get3A_4, %get3A_5, %get3A_6] : memref<1x1000x1xf32, #tpu.memory_space<vmem>>, vector<1x1000x1xf32>
    %get3A_8 = vector.shape_cast %get3A_7 : vector<1x1000x1xf32> to vector<1000x1xf32>
    %add3A = arith.addf %get3A_3, %get3A_8 : vector<1000x1xf32>
    %max3A = arith.constant 1.000000e+00 : f32
    %max3A_9 = vector.broadcast %max3A : f32 to vector<1000x1xf32>
    %max3A_10 = arith.maximumf %add3A, %max3A_9 : vector<1000x1xf32>
    %div3A = arith.constant 1.000000e+00 : f32
    %div3A_11 = vector.broadcast %div3A : f32 to vector<1000x1xf32>
    %div3A_12 = arith.divf %div3A_11, %max3A_10 : vector<1000x1xf32>
    %get3A_13 = arith.constant 0 : index
    %get3A_14 = arith.constant 0 : index
    %get3A_15 = arith.constant 0 : index
    %get3A_16 = vector.load %arg1[%get3A_13, %get3A_14, %get3A_15] : memref<1x1000x128xf32, #tpu.memory_space<vmem>>, vector<1x1000x128xf32>
    %get3A_17 = vector.shape_cast %get3A_16 : vector<1x1000x128xf32> to vector<1000x128xf32>
    %get3A_18 = arith.constant 0 : index
    %get3A_19 = arith.constant 0 : index
    %get3A_20 = arith.constant 0 : index
    %get3A_21 = vector.load %arg2[%get3A_18, %get3A_19, %get3A_20] : memref<1x1000x128xf32, #tpu.memory_space<vmem>>, vector<1x1000x128xf32>
    %get3A_22 = vector.shape_cast %get3A_21 : vector<1x1000x128xf32> to vector<1000x128xf32>
    %add3A_23 = arith.addf %get3A_17, %get3A_22 : vector<1000x128xf32>
    %mul3A = vector.broadcast %div3A_12 : vector<1000x1xf32> to vector<1000x128xf32>
    %mul3A_24 = arith.mulf %add3A_23, %mul3A : vector<1000x128xf32>
    %swap3A = arith.constant 0 : index
    %swap3A_25 = arith.constant 0 : index
    %swap3A_26 = vector.load %arg5[%swap3A, %swap3A_25] : memref<1000x128xf32, #tpu.memory_space<vmem>>, vector<1000x128xf32>
    tpu.vector_store %arg5[%swap3A, %swap3A_25], %mul3A_24 {strides = array<i32>} : memref<1000x128xf32, #tpu.memory_space<vmem>>, vector<1000x128xf32>,
    return
  }
  func.func @transform_0(%arg0: i32) -> (i32, i32, i32) {
    %c0_i32 = arith.constant 0 : i32
    %c0_i32_0 = arith.constant 0 : i32
    %c0_i32_1 = arith.constant 0 : i32
    return %c0_i32, %arg0, %c0_i32_0 : i32, i32, i32
  }
  func.func @transform_1(%arg0: i32) -> (i32, i32, i32) {
    %c1_i32 = arith.constant 1 : i32
    %c0_i32 = arith.constant 0 : i32
    %c0_i32_0 = arith.constant 0 : i32
    return %c1_i32, %arg0, %c0_i32 : i32, i32, i32
  }
  func.func @transform_2(%arg0: i32) -> (i32, i32, i32) {
    %c0_i32 = arith.constant 0 : i32
    %c0_i32_0 = arith.constant 0 : i32
    %c0_i32_1 = arith.constant 0 : i32
    return %c0_i32, %arg0, %c0_i32_0 : i32, i32, i32
  }
  func.func @transform_3(%arg0: i32) -> (i32, i32, i32) {
    %c1_i32 = arith.constant 1 : i32
    %c0_i32 = arith.constant 0 : i32
    %c0_i32_0 = arith.constant 0 : i32
    return %c1_i32, %arg0, %c0_i32 : i32, i32, i32
  }
  func.func @transform_4(%arg0: i32) -> (i32, i32) {
    %c0_i32 = arith.constant 0 : i32
    %c0_i32_0 = arith.constant 0 : i32
    return %arg0, %c0_i32 : i32, i32
  }
}

module attributes {stable_mosaic.version = 14 : i64} {
  func.func @_mm_body(%arg0: i32, %arg1: memref<1000x128xf32, #tpu.memory_space<vmem>>, %arg2: memref<128x128xf32, #tpu.memory_space<vmem>>, %arg3: memref<1000x128xf32, #tpu.memory_space<vmem>>) attributes {dimension_semantics = [#tpu.dimension_semantics<arbitrary>], iteration_bounds = array<i64: 10>, scalar_prefetch = 0 : i64, scratch_operands = 0 : i64, tpu.core_type = #tpu.core_type<tc>, window_params = [{transform_indices = @transform_0, window_bounds = array<i64: 1000, 128>}, {pipeline_mode = #tpu.pipeline_mode<synchronous>, transform_indices = @transform_1, window_bounds = array<i64: 128, 128>}, {transform_indices = @transform_2, window_bounds = array<i64: 1000, 128>}]} {
    %get3A = arith.constant 0 : index
    %get3A_0 = arith.constant 0 : index
    %get3A_1 = vector.load %arg1[%get3A, %get3A_0] : memref<1000x128xf32, #tpu.memory_space<vmem>>, vector<1000x128xf32>
    %get3A_2 = arith.constant 0 : index
    %get3A_3 = arith.constant 0 : index
    %get3A_4 = vector.load %arg2[%get3A_2, %get3A_3] : memref<128x128xf32, #tpu.memory_space<vmem>>, vector<128x128xf32>
    %dot_general3A = arith.constant dense<0.000000e+00> : vector<1000x128xf32>
    %dot_general3A_5 = tpu.matmul %get3A_1, %get3A_4, %dot_general3A {dimension_numbers = #tpu.dot_dimension_numbers<[1], [1], [0], [0], [0, 0, 1, 0], [], []>, transpose_lhs_hint = false} : vector<1000x128xf32>, vector<128x128xf32>, vector<1000x128xf32> -> vector<1000x128xf32>
    %swap3A = arith.constant 0 : index
    %swap3A_6 = arith.constant 0 : index
    %swap3A_7 = vector.load %arg3[%swap3A, %swap3A_6] : memref<1000x128xf32, #tpu.memory_space<vmem>>, vector<1000x128xf32>
    tpu.vector_store %arg3[%swap3A, %swap3A_6], %dot_general3A_5 {strides = array<i32>} : memref<1000x128xf32, #tpu.memory_space<vmem>>, vector<1000x128xf32>,
    return
  }
  func.func @transform_0(%arg0: i32) -> (i32, i32) {
    %c0_i32 = arith.constant 0 : i32
    %c0_i32_0 = arith.constant 0 : i32
    return %arg0, %c0_i32 : i32, i32
  }
  func.func @transform_1(%arg0: i32) -> (i32, i32) {
    %c0_i32 = arith.constant 0 : i32
    %c0_i32_0 = arith.constant 0 : i32
    %c0_i32_1 = arith.constant 0 : i32
    return %c0_i32, %c0_i32_0 : i32, i32
  }
  func.func @transform_2(%arg0: i32) -> (i32, i32) {
    %c0_i32 = arith.constant 0 : i32
    %c0_i32_0 = arith.constant 0 : i32
    return %arg0, %c0_i32 : i32, i32
  }
}

module attributes {stable_mosaic.version = 14 : i64} {
  func.func @_vc1_body(%arg0: i32, %arg1: memref<1xf32, #tpu.memory_space<smem>>, %arg2: memref<1000x128xf32, #tpu.memory_space<vmem>>, %arg3: memref<1x1000x128xf32, #tpu.memory_space<vmem>>, %arg4: memref<1x1000x128xf32, #tpu.memory_space<vmem>>, %arg5: memref<128x128xf32, #tpu.memory_space<vmem>>, %arg6: memref<1000x128xf32, #tpu.memory_space<vmem>>) attributes {dimension_semantics = [#tpu.dimension_semantics<arbitrary>], iteration_bounds = array<i64: 10>, scalar_prefetch = 0 : i64, scratch_operands = 0 : i64, tpu.core_type = #tpu.core_type<tc>, window_params = [{transform_indices = @transform_0, window_bounds = array<i64: 1>}, {transform_indices = @transform_1, window_bounds = array<i64: 1000, 128>}, {transform_indices = @transform_2, window_bounds = array<i64: 1, 1000, 128>}, {transform_indices = @transform_3, window_bounds = array<i64: 1, 1000, 128>}, {pipeline_mode = #tpu.pipeline_mode<synchronous>, transform_indices = @transform_4, window_bounds = array<i64: 128, 128>}, {transform_indices = @transform_5, window_bounds = array<i64: 1000, 128>}]} {
    %get3A = arith.constant 0 : index
    %get3A_0 = memref.load %arg1[%get3A] : memref<1xf32, #tpu.memory_space<smem>>
    %add3A = arith.constant 1.000000e+00 : f32
    %add3A_1 = arith.addf %add3A, %get3A_0 : f32
    %get3A_2 = arith.constant 0 : index
    %get3A_3 = arith.constant 0 : index
    %get3A_4 = vector.load %arg2[%get3A_2, %get3A_3] : memref<1000x128xf32, #tpu.memory_space<vmem>>, vector<1000x128xf32>
    %mul3A = vector.broadcast %add3A_1 : f32 to vector<1000x128xf32>
    %mul3A_5 = arith.mulf %mul3A, %get3A_4 : vector<1000x128xf32>
    %get3A_6 = arith.constant 0 : index
    %get3A_7 = arith.constant 0 : index
    %get3A_8 = arith.constant 0 : index
    %get3A_9 = vector.load %arg3[%get3A_6, %get3A_7, %get3A_8] : memref<1x1000x128xf32, #tpu.memory_space<vmem>>, vector<1x1000x128xf32>
    %get3A_10 = vector.shape_cast %get3A_9 : vector<1x1000x128xf32> to vector<1000x128xf32>
    %add3A_11 = arith.addf %mul3A_5, %get3A_10 : vector<1000x128xf32>
    %get3A_12 = arith.constant 0 : index
    %get3A_13 = arith.constant 0 : index
    %get3A_14 = arith.constant 0 : index
    %get3A_15 = vector.load %arg4[%get3A_12, %get3A_13, %get3A_14] : memref<1x1000x128xf32, #tpu.memory_space<vmem>>, vector<1x1000x128xf32>
    %get3A_16 = vector.shape_cast %get3A_15 : vector<1x1000x128xf32> to vector<1000x128xf32>
    %add3A_17 = arith.addf %add3A_11, %get3A_16 : vector<1000x128xf32>
    %max3A = arith.constant 0.000000e+00 : f32
    %max3A_18 = vector.broadcast %max3A : f32 to vector<1000x128xf32>
    %max3A_19 = arith.maximumf %add3A_17, %max3A_18 : vector<1000x128xf32>
    %get3A_20 = arith.constant 0 : index
    %get3A_21 = arith.constant 0 : index
    %get3A_22 = vector.load %arg5[%get3A_20, %get3A_21] : memref<128x128xf32, #tpu.memory_space<vmem>>, vector<128x128xf32>
    %dot_general3A = arith.constant dense<0.000000e+00> : vector<1000x128xf32>
    %dot_general3A_23 = tpu.matmul %max3A_19, %get3A_22, %dot_general3A {dimension_numbers = #tpu.dot_dimension_numbers<[1], [1], [0], [0], [0, 0, 1, 0], [], []>, transpose_lhs_hint = false} : vector<1000x128xf32>, vector<128x128xf32>, vector<1000x128xf32> -> vector<1000x128xf32>
    %swap3A = arith.constant 0 : index
    %swap3A_24 = arith.constant 0 : index
    %swap3A_25 = vector.load %arg6[%swap3A, %swap3A_24] : memref<1000x128xf32, #tpu.memory_space<vmem>>, vector<1000x128xf32>
    tpu.vector_store %arg6[%swap3A, %swap3A_24], %dot_general3A_23 {strides = array<i32>} : memref<1000x128xf32, #tpu.memory_space<vmem>>, vector<1000x128xf32>,
    return
  }
  func.func @transform_0(%arg0: i32) -> i32 {
    %c0_i32 = arith.constant 0 : i32
    %c0_i32_0 = arith.constant 0 : i32
    return %c0_i32 : i32
  }
  func.func @transform_1(%arg0: i32) -> (i32, i32) {
    %c0_i32 = arith.constant 0 : i32
    %c0_i32_0 = arith.constant 0 : i32
    return %arg0, %c0_i32 : i32, i32
  }
  func.func @transform_2(%arg0: i32) -> (i32, i32, i32) {
    %c0_i32 = arith.constant 0 : i32
    %c0_i32_0 = arith.constant 0 : i32
    %c0_i32_1 = arith.constant 0 : i32
    return %c0_i32, %arg0, %c0_i32_0 : i32, i32, i32
  }
  func.func @transform_3(%arg0: i32) -> (i32, i32, i32) {
    %c1_i32 = arith.constant 1 : i32
    %c0_i32 = arith.constant 0 : i32
    %c0_i32_0 = arith.constant 0 : i32
    return %c1_i32, %arg0, %c0_i32 : i32, i32, i32
  }
  func.func @transform_4(%arg0: i32) -> (i32, i32) {
    %c0_i32 = arith.constant 0 : i32
    %c0_i32_0 = arith.constant 0 : i32
    %c0_i32_1 = arith.constant 0 : i32
    return %c0_i32, %c0_i32_0 : i32, i32
  }
  func.func @transform_5(%arg0: i32) -> (i32, i32) {
    %c0_i32 = arith.constant 0 : i32
    %c0_i32_0 = arith.constant 0 : i32
    return %arg0, %c0_i32 : i32, i32
  }
}

module attributes {stable_mosaic.version = 14 : i64} {
  func.func @_ec_body(%arg0: i32, %arg1: memref<1x1000x128xf32, #tpu.memory_space<vmem>>, %arg2: memref<1x1000x128xf32, #tpu.memory_space<vmem>>, %arg3: memref<1x1000x1xf32, #tpu.memory_space<vmem>>, %arg4: memref<1x1000x1xf32, #tpu.memory_space<vmem>>, %arg5: memref<1000x128xf32, #tpu.memory_space<vmem>>) attributes {dimension_semantics = [#tpu.dimension_semantics<arbitrary>], iteration_bounds = array<i64: 10>, scalar_prefetch = 0 : i64, scratch_operands = 0 : i64, tpu.core_type = #tpu.core_type<tc>, window_params = [{transform_indices = @transform_0, window_bounds = array<i64: 1, 1000, 128>}, {transform_indices = @transform_1, window_bounds = array<i64: 1, 1000, 128>}, {transform_indices = @transform_2, window_bounds = array<i64: 1, 1000, 1>}, {transform_indices = @transform_3, window_bounds = array<i64: 1, 1000, 1>}, {transform_indices = @transform_4, window_bounds = array<i64: 1000, 128>}]} {
    %get3A = arith.constant 0 : index
    %get3A_0 = arith.constant 0 : index
    %get3A_1 = arith.constant 0 : index
    %get3A_2 = vector.load %arg3[%get3A, %get3A_0, %get3A_1] : memref<1x1000x1xf32, #tpu.memory_space<vmem>>, vector<1x1000x1xf32>
    %get3A_3 = vector.shape_cast %get3A_2 : vector<1x1000x1xf32> to vector<1000x1xf32>
    %get3A_4 = arith.constant 0 : index
    %get3A_5 = arith.constant 0 : index
    %get3A_6 = arith.constant 0 : index
    %get3A_7 = vector.load %arg4[%get3A_4, %get3A_5, %get3A_6] : memref<1x1000x1xf32, #tpu.memory_space<vmem>>, vector<1x1000x1xf32>
    %get3A_8 = vector.shape_cast %get3A_7 : vector<1x1000x1xf32> to vector<1000x1xf32>
    %add3A = arith.addf %get3A_3, %get3A_8 : vector<1000x1xf32>
    %max3A = arith.constant 1.000000e+00 : f32
    %max3A_9 = vector.broadcast %max3A : f32 to vector<1000x1xf32>
    %max3A_10 = arith.maximumf %add3A, %max3A_9 : vector<1000x1xf32>
    %div3A = arith.constant 1.000000e+00 : f32
    %div3A_11 = vector.broadcast %div3A : f32 to vector<1000x1xf32>
    %div3A_12 = arith.divf %div3A_11, %max3A_10 : vector<1000x1xf32>
    %get3A_13 = arith.constant 0 : index
    %get3A_14 = arith.constant 0 : index
    %get3A_15 = arith.constant 0 : index
    %get3A_16 = vector.load %arg1[%get3A_13, %get3A_14, %get3A_15] : memref<1x1000x128xf32, #tpu.memory_space<vmem>>, vector<1x1000x128xf32>
    %get3A_17 = vector.shape_cast %get3A_16 : vector<1x1000x128xf32> to vector<1000x128xf32>
    %get3A_18 = arith.constant 0 : index
    %get3A_19 = arith.constant 0 : index
    %get3A_20 = arith.constant 0 : index
    %get3A_21 = vector.load %arg2[%get3A_18, %get3A_19, %get3A_20] : memref<1x1000x128xf32, #tpu.memory_space<vmem>>, vector<1x1000x128xf32>
    %get3A_22 = vector.shape_cast %get3A_21 : vector<1x1000x128xf32> to vector<1000x128xf32>
    %add3A_23 = arith.addf %get3A_17, %get3A_22 : vector<1000x128xf32>
    %mul3A = vector.broadcast %div3A_12 : vector<1000x1xf32> to vector<1000x128xf32>
    %mul3A_24 = arith.mulf %add3A_23, %mul3A : vector<1000x128xf32>
    %swap3A = arith.constant 0 : index
    %swap3A_25 = arith.constant 0 : index
    %swap3A_26 = vector.load %arg5[%swap3A, %swap3A_25] : memref<1000x128xf32, #tpu.memory_space<vmem>>, vector<1000x128xf32>
    tpu.vector_store %arg5[%swap3A, %swap3A_25], %mul3A_24 {strides = array<i32>} : memref<1000x128xf32, #tpu.memory_space<vmem>>, vector<1000x128xf32>,
    return
  }
  func.func @transform_0(%arg0: i32) -> (i32, i32, i32) {
    %c0_i32 = arith.constant 0 : i32
    %c0_i32_0 = arith.constant 0 : i32
    %c0_i32_1 = arith.constant 0 : i32
    return %c0_i32, %arg0, %c0_i32_0 : i32, i32, i32
  }
  func.func @transform_1(%arg0: i32) -> (i32, i32, i32) {
    %c1_i32 = arith.constant 1 : i32
    %c0_i32 = arith.constant 0 : i32
    %c0_i32_0 = arith.constant 0 : i32
    return %c1_i32, %arg0, %c0_i32 : i32, i32, i32
  }
  func.func @transform_2(%arg0: i32) -> (i32, i32, i32) {
    %c0_i32 = arith.constant 0 : i32
    %c0_i32_0 = arith.constant 0 : i32
    %c0_i32_1 = arith.constant 0 : i32
    return %c0_i32, %arg0, %c0_i32_0 : i32, i32, i32
  }
  func.func @transform_3(%arg0: i32) -> (i32, i32, i32) {
    %c1_i32 = arith.constant 1 : i32
    %c0_i32 = arith.constant 0 : i32
    %c0_i32_0 = arith.constant 0 : i32
    return %c1_i32, %arg0, %c0_i32 : i32, i32, i32
  }
  func.func @transform_4(%arg0: i32) -> (i32, i32) {
    %c0_i32 = arith.constant 0 : i32
    %c0_i32_0 = arith.constant 0 : i32
    return %arg0, %c0_i32 : i32, i32
  }
}

module attributes {stable_mosaic.version = 14 : i64} {
  func.func @_vc2_body(%arg0: i32, %arg1: memref<1xf32, #tpu.memory_space<smem>>, %arg2: memref<1000x128xf32, #tpu.memory_space<vmem>>, %arg3: memref<1x1000x128xf32, #tpu.memory_space<vmem>>, %arg4: memref<1x1000x128xf32, #tpu.memory_space<vmem>>, %arg5: memref<1000x128xf32, #tpu.memory_space<vmem>>) attributes {dimension_semantics = [#tpu.dimension_semantics<arbitrary>], iteration_bounds = array<i64: 10>, scalar_prefetch = 0 : i64, scratch_operands = 0 : i64, tpu.core_type = #tpu.core_type<tc>, window_params = [{transform_indices = @transform_0, window_bounds = array<i64: 1>}, {transform_indices = @transform_1, window_bounds = array<i64: 1000, 128>}, {transform_indices = @transform_2, window_bounds = array<i64: 1, 1000, 128>}, {transform_indices = @transform_3, window_bounds = array<i64: 1, 1000, 128>}, {transform_indices = @transform_4, window_bounds = array<i64: 1000, 128>}]} {
    %get3A = arith.constant 0 : index
    %get3A_0 = memref.load %arg1[%get3A] : memref<1xf32, #tpu.memory_space<smem>>
    %add3A = arith.constant 1.000000e+00 : f32
    %add3A_1 = arith.addf %add3A, %get3A_0 : f32
    %get3A_2 = arith.constant 0 : index
    %get3A_3 = arith.constant 0 : index
    %get3A_4 = vector.load %arg2[%get3A_2, %get3A_3] : memref<1000x128xf32, #tpu.memory_space<vmem>>, vector<1000x128xf32>
    %mul3A = vector.broadcast %add3A_1 : f32 to vector<1000x128xf32>
    %mul3A_5 = arith.mulf %mul3A, %get3A_4 : vector<1000x128xf32>
    %get3A_6 = arith.constant 0 : index
    %get3A_7 = arith.constant 0 : index
    %get3A_8 = arith.constant 0 : index
    %get3A_9 = vector.load %arg3[%get3A_6, %get3A_7, %get3A_8] : memref<1x1000x128xf32, #tpu.memory_space<vmem>>, vector<1x1000x128xf32>
    %get3A_10 = vector.shape_cast %get3A_9 : vector<1x1000x128xf32> to vector<1000x128xf32>
    %add3A_11 = arith.addf %mul3A_5, %get3A_10 : vector<1000x128xf32>
    %get3A_12 = arith.constant 0 : index
    %get3A_13 = arith.constant 0 : index
    %get3A_14 = arith.constant 0 : index
    %get3A_15 = vector.load %arg4[%get3A_12, %get3A_13, %get3A_14] : memref<1x1000x128xf32, #tpu.memory_space<vmem>>, vector<1x1000x128xf32>
    %get3A_16 = vector.shape_cast %get3A_15 : vector<1x1000x128xf32> to vector<1000x128xf32>
    %add3A_17 = arith.addf %add3A_11, %get3A_16 : vector<1000x128xf32>
    %swap3A = arith.constant 0 : index
    %swap3A_18 = arith.constant 0 : index
    %swap3A_19 = vector.load %arg5[%swap3A, %swap3A_18] : memref<1000x128xf32, #tpu.memory_space<vmem>>, vector<1000x128xf32>
    tpu.vector_store %arg5[%swap3A, %swap3A_18], %add3A_17 {strides = array<i32>} : memref<1000x128xf32, #tpu.memory_space<vmem>>, vector<1000x128xf32>,
    return
  }
  func.func @transform_0(%arg0: i32) -> i32 {
    %c0_i32 = arith.constant 0 : i32
    %c0_i32_0 = arith.constant 0 : i32
    return %c0_i32 : i32
  }
  func.func @transform_1(%arg0: i32) -> (i32, i32) {
    %c0_i32 = arith.constant 0 : i32
    %c0_i32_0 = arith.constant 0 : i32
    return %arg0, %c0_i32 : i32, i32
  }
  func.func @transform_2(%arg0: i32) -> (i32, i32, i32) {
    %c0_i32 = arith.constant 0 : i32
    %c0_i32_0 = arith.constant 0 : i32
    %c0_i32_1 = arith.constant 0 : i32
    return %c0_i32, %arg0, %c0_i32_0 : i32, i32, i32
  }
  func.func @transform_3(%arg0: i32) -> (i32, i32, i32) {
    %c1_i32 = arith.constant 1 : i32
    %c0_i32 = arith.constant 0 : i32
    %c0_i32_0 = arith.constant 0 : i32
    return %c1_i32, %arg0, %c0_i32 : i32, i32, i32
  }
  func.func @transform_4(%arg0: i32) -> (i32, i32) {
    %c0_i32 = arith.constant 0 : i32
    %c0_i32_0 = arith.constant 0 : i32
    return %arg0, %c0_i32 : i32, i32
  }
}

</mosaic_0001>

<sc_bundles>
// kernel: kernel.11.cloned.1.call-start
scs
__scs_entry_jumppad:
0x0: {  	(pc) =	sbr.rel $0x88, $3  }
0x1: {  	(tag) =	ssettag $0x0;
	lr =	simm.s32 $0x1  }
0x2: {  	[smem:$0x3F9B] =	sst lr;
	_ =	strace $0xD0000000  }
0x3: {  	_ = 	snop  }
0x4: {  	_ = 	snop  }
0x5: {  	_ = 	snop  }
0x6: {  	_ = 	snop  }
0x7: {  	_ = 	snop  }
__scs_overlays_trampoline_lowered:
0x8: {  	[smem:$0x3FAA] =	sst s0  }
0x9: {  	[smem:$0x3FAB] =	sst s1  }
0xa: {  	[smem:$0x3FAC] =	sst s2  }
0xb: {  	[smem:$0x3FAD] =	sst s3  }
0xc: {  	[smem:$0x3FAE] =	sst s4  }
0xd: {  	[smem:$0x3FAF] =	sst s5  }
0xe: {  	[smem:$0x3FB0] =	sst s6  }
0xf: {  	[smem:$0x3FB1] =	sst s7  }
0x10: {  	[smem:$0x3FB2] =	sst s8  }
0x11: {  	[smem:$0x3FB3] =	sst s9;
	s0 =	simm.s32 @!p0 $0x0  }
0x12: {  	s1 =	sld [smem:$0x3F99];
	s0 =	simm.s32 @p0 $0x1  }
0x13: {  	[smem:$0x3FB4] =	sst s0;
	s0 =	simm.s32 @!p1 $0x0  }
0x14: {  	s2 =	sld [smem:$0x3F98];
	s0 =	simm.s32 @p1 $0x1  }
0x15: {  	[smem:$0x3FB5] =	sst s0;
	s0 =	simm.s32 @!p2 $0x0  }
0x16: {  	s3 =	sld [smem:$0x3FDB];
	s0 =	simm.s32 @p2 $0x1  }
0x17: {  	s4 =	simm.s32 $0x1BF5;
	[smem:$0x3FB7] =	sst s0  }
0x18: {  	s0 =	sld [smem:$0x3F9A];
	_ =	swait.ge [sflag:s4], $0x0  }
0x19: {  	s7 =	sld [smem:$0x3F9B]  }
0x1a: {  	s8 =	sadd.s32 $0xFFFFE003, lr  }
0x1b: {  	s9 =	sadd.s32 $0xFFFFFEF7, lr;
	s5 =	simm.s32 $0xFFFFFFFF;
	p2 =	slt.u32 s8, $0xFFFFF086  }
0x1c: {  	p1 =	slt.u32 s9, $0xF7A;
	s5 =	simm.s32 @!p2 $0x0  }
0x1d: {  	s5 =	simm.s32 @p1 $0x1;
	p0 =	seq.s32 s7, s2  }
0x1e: {  	s7 =	smul.u32 @!p0 $0xF7A, s2;
	p2 =	seq.s32 @!p0 s5, $0x0  }
0x1f: {  	s9 =	smul.u32 $0xF7A, s1;
	s8 =	simm.s32 @!p0 $0x1BF5;
	p2 =	por !p2, p0  }
0x20: {  	[sflag:s8] =	ssyncset.s32 @!p0 $0xFFFFF086;
	s6 =	sadd.s32 @!p0 s3, s7;
	s7 =	simm.s32 @!p0 $0x108  }
0x21: {  	s3 =	sadd.s32 s3, s9;
	s6 =	sadd.s32 @!p0 $0x88, s6;
	s7 =	simm.s32 @p2 $0x1082  }
0x22: {  	[simem:s7], [sflag:s8] =	dma.local @!p0 [hbm:s6], $0xF7A  }
0x23: {  	s9 =	sor.u32 $0xD0000000, s2;
	s6 =	simm.s32 $0x108;
	_ =	swait.ge @!p0 [sflag:s8], $0x0  }
0x24: {  	s3 =	sadd.s32 $0x88, s3;
	s6 =	simm.s32 @!p1 $0x1082;
	[sflag:s4] =	ssyncset.s32 $0xFFFFF086  }
0x25: {  	[simem:s6], [sflag:s4] =	dma.local [hbm:s3], $0xF7A  }
0x26: {  	[smem:$0x3F9B] =	sst s1;
	(tag) =	ssettag s2;
	_ =	strace s9  }
0x27: {  	s1 =	sld [smem:$0x3FAB]  }
0x28: {  	s2 =	sld [smem:$0x3FAC]  }
0x29: {  	s4 =	sld [smem:$0x3FAE]  }
0x2a: {  	p0 =	seq.s32 s5, $0x0;
	s5 =	sld [smem:$0x3FAF]  }
0x2b: {  	s6 =	sld [smem:$0x3FB0]  }
0x2c: {  	s7 =	sld [smem:$0x3FB1]  }
0x2d: {  	s3 =	simm.s32 $0x108;
	s8 =	sld [smem:$0x3FB2]  }
0x2e: {  	s3 =	simm.s32 @!p0 $0x1082;
	s9 =	sld [smem:$0x3FB3]  }
0x2f: {  	lr =	sadd.s32 s0, s3;
	s0 =	sld [smem:$0x3FAA]  }
0x30: {  	s3 =	sld [smem:$0x3FAD]  }
0x31: {  	[smem:$0x3FB6] =	sst s10  }
0x32: {  	s10 =	sld [smem:$0x3FB4];
	_ =	sdelay $0x3  }
0x33: {  	p0 =	seq.s32 s10, $0x1;
	s10 =	sld [smem:$0x3FB6];
	_ =	sdelay $0x3  }
0x34: {  	[smem:$0x3FB6] =	sst s10  }
0x35: {  	s10 =	sld [smem:$0x3FB5];
	_ =	sdelay $0x3  }
0x36: {  	p1 =	seq.s32 s10, $0x1;
	s10 =	sld [smem:$0x3FB6];
	_ =	sdelay $0x3  }
0x37: {  	[smem:$0x3FB6] =	sst s10  }
0x38: {  	s10 =	sld [smem:$0x3FB7]  }
0x39: {  	_ = 	snop;
	(pc) =	sbr.ind lr, $3  }
0x3a: {  	_ = 	snop  }
0x3b: {  	_ = 	snop  }
0x3c: {  	p2 =	seq.s32 s10, $0x1;
	s10 =	sld [smem:$0x3FB6]  }
0x3d: {  	_ =	shalt  }
0x3e: {  	_ =	shalt  }
0x3f: {  	_ =	shalt  }
0x40: {  	_ =	shalt  }
0x41: {  	_ =	shalt  }
0x42: {  	_ =	shalt  }
0x43: {  	_ =	shalt  }
0x44: {  	_ =	shalt  }
0x45: {  	_ =	shalt  }
0x46: {  	_ =	shalt  }
0x47: {  	_ =	shalt  }
0x48: {  	_ =	shalt  }
0x49: {  	_ =	shalt  }
0x4a: {  	_ =	shalt  }
0x4b: {  	_ =	shalt  }
0x4c: {  	_ =	shalt  }
0x4d: {  	_ =	shalt  }
0x4e: {  	_ =	shalt  }
0x4f: {  	_ =	shalt  }
0x50: {  	_ =	shalt  }
0x51: {  	_ =	shalt  }
0x52: {  	_ =	shalt  }
0x53: {  	_ =	shalt  }
0x54: {  	_ =	shalt  }
0x55: {  	_ =	shalt  }
0x56: {  	_ =	shalt  }
0x57: {  	_ =	shalt  }
0x58: {  	_ =	shalt  }
0x59: {  	_ =	shalt  }
0x5a: {  	_ =	shalt  }
0x5b: {  	_ =	shalt  }
0x5c: {  	_ =	shalt  }
0x5d: {  	_ =	shalt  }
0x5e: {  	_ =	shalt  }
0x5f: {  	_ =	shalt  }
0x60: {  	_ =	shalt  }
0x61: {  	_ =	shalt  }
0x62: {  	_ =	shalt  }
0x63: {  	_ =	shalt  }
0x64: {  	_ =	shalt  }
0x65: {  	_ =	shalt  }
0x66: {  	_ =	shalt  }
0x67: {  	_ =	shalt  }
0x68: {  	_ =	shalt  }
0x69: {  	_ =	shalt  }
0x6a: {  	_ =	shalt  }
0x6b: {  	_ =	shalt  }
0x6c: {  	_ =	shalt  }
0x6d: {  	_ =	shalt  }
0x6e: {  	_ =	shalt  }
0x6f: {  	_ =	shalt  }
0x70: {  	_ =	shalt  }
0x71: {  	_ =	shalt  }
0x72: {  	_ =	shalt  }
0x73: {  	_ =	shalt  }
0x74: {  	_ =	shalt  }
0x75: {  	_ =	shalt  }
0x76: {  	_ =	shalt  }
0x77: {  	_ =	shalt  }
0x78: {  	_ =	shalt  }
0x79: {  	_ =	shalt  }
0x7a: {  	_ =	shalt  }
0x7b: {  	_ =	shalt  }
0x7c: {  	_ =	shalt  }
0x7d: {  	_ =	shalt  }
0x7e: {  	_ =	shalt  }
0x7f: {  	_ =	shalt  }
0x80: {  	_ =	shalt  }
0x81: {  	_ =	shalt  }
0x82: {  	_ =	shalt  }
0x83: {  	_ =	shalt  }
0x84: {  	_ =	shalt  }
0x85: {  	_ =	shalt  }
0x86: {  	_ =	shalt  }
0x87: {  	_ =	shalt  }
.Lfunc_end0:
.L_simem_size_0:
called_computation_lowered:
.L_overlay_start_0:
0x88: {  	s2 =	sld [smem:$0x3FD9]  }
0x89: {  	s3 =	sld [smem:$0x3FFE];
	_ =	sdelay $0x1  }
0x8a: {  	s1 =	srdreg.scid  }
0x8b: {  	s0 =	sand.u32 $0x1, s1  }
0x8c: {  	s14 =	sshll.u32 s0, $0xA;
	s2 =	sadd.s32 s3, s2  }
0x8d: {  	s2 =	sadd.s32 s2, s14  }
0x8e: {  	[smem:$0x3FC2] =	sst s2  }
0x8f: {  	_ = 	snop  }
0x90: {  	s2 =	sld [smem:$0x3FD0];
	_ =	sdelay $0x2  }
0x91: {  	s15 =	simm.s32 $0xA;
	s4 =	simm.s32 $0x10  }
0x92: {  	[smem:s4], [sflag:s15] =	dma.local [hbm:s2], $0x1  }
0x93: {  	_ =	swait.eq [sflag:s15], $0x1  }
0x94: {  	[sflag:s15] =	ssyncset.done $0x0  }
0x95: {  	s16 =	sld [smem:$0x10];
	[sflag:s15] =	ssyncadd.s32 $0xFFFFFFFF  }
0x96: {  	s17 =	sld [smem:$0x11];
	(tm) =	ssettm $0x1  }
0x97: {  	s18 =	sld [smem:$0x3FFB];
	_ =	sdelay $0x3  }
0x98: {  	_ =	strace s18  }
0x99: {  	s4 =	sld [smem:$0x3FFC];
	_ =	sdelay $0x3  }
0x9a: {  	_ =	strace s4  }
0x9b: {  	s4 =	sld [smem:$0x3FFD];
	_ =	sdelay $0x3  }
0x9c: {  	_ =	strace s4  }
0x9d: {  	_ =	strace $0x8FFFFFFF  }
0x9e: {  	s19 =	sld [smem:$0x3FDB];
	_ =	sdelay $0x1  }
0x9f: {  	s5 =	simm.s32 $_scs_section_size  }
0xa0: {  	s6 =	simm.s32 $_size__tile_overlayer_lowered;
	s7 =	simm.s32 $_tile_overlayer_lowered  }
0xa1: {  	s22 =	simm.s32 $0x1BFF;
	s21 =	sshll.u32 s7, $0x1;
	s4 =	sadd.s32 s5, s19  }
0xa2: {  	s8 =	simm.s32 $0x0;
	s20 =	sshll.u32 s6, $0x1;
	s6 =	sadd.s32 s21, s4  }
0xa3: {  	[timem:s8], [sflag:s22] =	dma.local [hbm:s6], s20  }
0xa4: {  	_ =	swait.ge [sflag:s22], s20  }
0xa5: {  	s5 =	ssub.s32 $0x0, s20;
	[sflag:s22] =	ssyncset.done $0x0  }
0xa6: {  	[sflag:s22] =	ssyncadd.s32 s5;
	_ =	sdelay $0x1  }
0xa7: {  	s23 =	simm.s32 $0x1B8B  }
0xa8: {  	_ =	swait.ge [sflag:s23], $0x1  }
0xa9: {  	[sflag:s23] =	ssyncset.done $0x0  }
0xaa: {  	s25 =	simm.s32 $0x1B8E;
	s24 =	sld [smem:$0x3FFE];
	[sflag:s23] =	ssyncadd.s32 $0xFFFFFFFF  }
0xab: {  	s26 =	simm.s32 $execute0_lowered;
	[smem:$0x3FD2] =	sst s25  }
0xac: {  	s6 =	sshll.u32 s26, $0x1;
	_ =	strace $0x80000046;
	[dreg:$0x1] =	wrdreg $0xFFFFFFFF  }
0xad: {  	s28 =	simm.s32 $_size_execute0_lowered;
	s4 =	sadd.s32 s4, s6;
	[dreg:$0x0] =	wrdreg $0x0  }
0xae: {  	s6 =	sshll.u32 s28, $0x1;
	[dreg:$0x2] =	wrdreg s4  }
0xaf: {  	[dreg:$0x3] =	wrdreg s6  }
0xb0: {  	[dreg:$0x4] =	wrdreg $0xC0  }
0xb1: {  	_ =	task [dreg:s8], $0x5FFFF  }
0xb2: {  	[dreg:$0x1] =	wrdreg $0xFFFFFFFF  }
0xb3: {  	[dreg:$0x0] =	wrdreg $0x60  }
0xb4: {  	[dreg:$0x2] =	wrdreg s16  }
0xb5: {  	[dreg:$0x3] =	wrdreg s24  }
0xb6: {  	[dreg:$0x4] =	wrdreg s17  }
0xb7: {  	[dreg:$0x5] =	wrdreg $0x86000  }
0xb8: {  	[dreg:$0x6] =	wrdreg $0x1C6000  }
0xb9: {  	[dreg:$0x7] =	wrdreg $0x9  }
0xba: {  	_ =	task.clear_ibuf [dreg:s8], $0x8FFFF;
	_ =	strace $0x90000046  }
0xbb: {  	s29 =	simm.s32 $0x9;
	_ =	strace $0x80000048  }
0xbc: {  	_ =	swait.ge [sflag:s29], $0x1  }
0xbd: {  	[sflag:s29] =	ssyncadd.s32 $0xFFFFFFFF  }
0xbe: {  	_ =	strace $0x90000048  }
0xbf: {  	_ =	sfence  }
0xc0: {  	s30 =	sld [smem:$0x0];
	_ =	sdelay $0x2  }
0xc1: {  	s31 =	sshll.u32 s1, $0xD;
	s1 =	sshrl.u32 s1, $0x2  }
0xc2: {  	s3 =	sand.u32 $0x4000, s31;
	s1 =	sadd.s32 s1, s30  }
0xc3: {  	s0 =	sor.u32 s3, s0;
	s1 =	sshll.u32 s1, $0x11  }
0xc4: {  	s0 =	sor.u32 s1, s0  }
0xc5: {  	s0 =	sadd.s32 $0x8F2B, s0  }
0xc6: {  	[sflag:s0] =	ssyncadd.remote.s32 $0x1  }
0xc7: {  	_ =	sfence.sel $0xFFFF  }
0xc8: {  	[dreg:$0x0] =	wrdreg $0xFFFFFFFF;
	(pc) =	sbr.abs _section_cstart, $3  }
0xc9: {  	[dreg:$0x1] =	wrdreg $0xFFFFFFFF  }
0xca: {  	_ =	task.clear_ibuf [dreg:s8], $0x2FFFF;
	_ =	strace $0x9FFFFFFF  }
0xcb: {  	(tm) =	ssettm $0x7FFFFFFF  }
tec
execute0_lowered:
.L_overlay_start_1:
0x0: {  	(tag) =	ssettag $0x1  }
0x1: {  	s1 =	rddreg [dreg:$0x0]  }
0x2: {  	s0 =	rddreg [dreg:$0x1]  }
0x3: {  	s2 =	rddreg [dreg:$0x2]  }
0x4: {  	s3 =	rddreg [dreg:$0x3]  }
0x5: {  	s4 =	rddreg [dreg:$0x4]  }
0x6: {  	s6 =	srdreg.scid;
	s5 =	stileid.u32;
	s9 =	simm.s32 $0x0  }
0x7: {  	s28 =	simm.s32 $0x6;
	s29 =	simm.s32 $0x1;
	s8 =	smul.u32 $0x280, s5  }
0x8: {  	s31 =	simm.s32 $0x5;
	s7 =	sand.u32 $0x1, s6;
	s16 =	smul.u32 $0x50000, s5  }
0x9: {  	[smem:$0x7FF] =	sst s9;
	s20 =	sshll.u32 s5, $0x1;
	s30 =	smul.u32 $0x9C, s5  }
0xa: {  	s10 =	sadd.s32 $0xDA00, s0;
	s12 =	sadd.s32 $0x3C00, s0;
	s6 =	smul.u32 $0x2800, s7  }
0xb: {  	s21 =	sor.u32 s7, s20;
	s23 =	ssub.s32 $0x2, s7;
	s7 =	smul.u32 $0x4E, s7  }
0xc: {  	p0 =	slt.u32 s5, $0x2;
	_ =	strace $0x80000047;
	s13 =	smul.u32 $0x4E, s21  }
0xd: {  	s14 =	smin.u32 s21, $0x4;
	s15 =	sshrl.u32 s23, $0x1;
	s26 =	sshrl.u32 s16, $0x2  }
0xe: {  	s11 =	sadd.s32 s8, s6;
	s7 =	sadd.s32 s7, s30;
	s30 =	simm.s32 $0x8300  }
0xf: {  	s6 =	simm.s32 $0x4F;
	s9 =	sadd.s32 s26, s3;
	[dreg:$0x6] =	wrdreg s30  }
0x10: {  	s22 =	sshll.u32 s11, $0x4;
	s19 =	sadd.s32 $0x4000, s9;
	[dreg:$0x9] =	wrdreg s9  }
0x11: {  	s13 =	sadd.s32 s14, s13;
	s20 =	sadd.s32 $0x8000, s9;
	[dreg:$0xc] =	wrdreg s19  }
0x12: {  	s21 =	sadd.s32 $0xC000, s9;
	s0 =	sadd.s32 s22, s0;
	[dreg:$0xd] =	wrdreg s20  }
0x13: {  	s13 =	sshll.u32 s13, $0x4;
	[dreg:$0xe] =	wrdreg s21;
	s22 =	sadd.s32 $0x10000, s9  }
0x14: {  	s15 =	ssub.s32 s23, s15;
	s24 =	sadd.s32 s10, s13;
	[dreg:$0xf] =	wrdreg s22  }
0x15: {  	s8 =	sadd.s32 s8, s4;
	s25 =	sadd.s32 s12, s13;
	[dreg:$0x7] =	wrdreg s24  }
0x16: {  	s13 =	sadd.s32 $0x10, s13;
	s0 =	sadd.s32 $0x17800, s0;
	[dreg:$0x8] =	wrdreg s25  }
0x17: {  	s7 =	sadd.s32 s14, s7;
	s17 =	sadd.s32 s10, s13;
	[dreg:$0x10] =	wrdreg s0  }
0x18: {  	s23 =	sshrl.u32 s11, $0x3;
	s18 =	sadd.s32 s12, s13;
	[dreg:$0xa] =	wrdreg s17  }
0x19: {  	s7 =	sshll.u32 s7, $0x4;
	s0 =	sadd.s32 s2, s23;
	[dreg:$0xb] =	wrdreg s18  }
0x1a: {  	s24 =	smax.u32 s15, $0x1;
	s25 =	sadd.s32 $0x20, s7;
	[dreg:$0x11] =	wrdreg s0  }
0x1b: {  	s6 =	simm.s32 @!p0 $0x4E;
	[dreg:$0x12] =	wrdreg s24;
	s26 =	sadd.s32 s25, s10  }
0x1c: {  	s22 =	simm.s32 $0x0;
	s0 =	sadd.s32 s25, s12;
	[dreg:$0x13] =	wrdreg s26  }
0x1d: {  	v0 =	vimm.f32 $0.0e+00;
	v1 =	vimm.f32 $1.000000000e+00;
	s23 =	simm.s32 $0x80;
	[dreg:$0x14] =	wrdreg s0;
	s0 =	simm.s32 $0x7  }
.LBB2_1:
0x1e: {  	s2 =	simm.s32 $0x0;
	s5 =	rddreg [dreg:$0x7]  }
0x1f: {  	[tilespmem:s2], [sflag:$0x1] =	stream.linear.gather [hbm4b:s5+s2], $0x80, $0x38;
	[tilespmem:$0x1C880] =	vst v63  }
0x20: {  	s24 =	rddreg [dreg:$0x8];
	s7 =	simm.s32 $0x100  }
0x21: {  	[tilespmem:s7], [sflag:$0x1] =	stream.linear.gather [hbm4b:s24+s2], $0x80, $0x38;
	[tilespmem:$0x1C880] =	vst v63  }
0x22: {  	s25 =	rddreg [dreg:$0xa]  }
0x23: {  	[tilespmem:s23], [sflag:$0x2] =	stream.linear.gather [hbm4b:s25+s2], $0x80, $0x38;
	[tilespmem:$0x1C880] =	vst v63  }
0x24: {  	s26 =	rddreg [dreg:$0xb];
	s30 =	simm.s32 $0x180  }
0x25: {  	[tilespmem:s30], [sflag:$0x2] =	stream.linear.gather [hbm4b:s26+s2], $0x80, $0x38;
	[tilespmem:$0x1C880] =	vst v63  }
0x26: {  	s7 =	simm.s32 $0x200;
	s2 =	simm.s32 $0x0  }
.LBB2_2:
0x27: {  	p0 =	sne.s32 s7, $0xFE00;
	[tilespmem:s2+$0x4370] =	vst v0  }
0x28: {  	[tilespmem:s2+$0x4300] =	vst v0  }
0x29: {  	[tilespmem:s2+$0x4310] =	vst v0  }
.Ltmp0:
0x2a: {  	[tilespmem:s2+$0x4320] =	vst v0;
	(pc) =	sbr.rel @p0 .LBB2_2-.Ltmp0, $4  }
0x2b: {  	[tilespmem:s2+$0x4330] =	vst v0  }
0x2c: {  	[tilespmem:s2+$0x4340] =	vst v0  }
0x2d: {  	[tilespmem:s2+$0x4350] =	vst v0  }
0x2e: {  	[tilespmem:s2+$0x4360] =	vst v0;
	s2 =	sshra.s32 s7, $0x2;
	s7 =	sadd.s32 $0x200, s7  }
0x2f: {  	[tilespmem:s2+$0x4370] =	vst v0  }
0x30: {  	[tilespmem:s2+$0x4300] =	vst v0  }
0x31: {  	[tilespmem:s2+$0x4310] =	vst v0  }
0x32: {  	[tilespmem:s2+$0x4320] =	vst v0  }
0x33: {  	[tilespmem:s2+$0x4330] =	vst v0  }
0x34: {  	[tilespmem:s2+$0x4340] =	vst v0  }
0x35: {  	[tilespmem:s2+$0x4350] =	vst v0  }
0x36: {  	[tilespmem:s2+$0x4360] =	vst v0;
	s5 =	simm.s32 $0x4300  }
0x37: {  	[spmem:s9] =	stream.linear.scatter [tilespmem:s5], [sflag:$0x5], $0x4000, $0x38;
	[tilespmem:$0x1C880] =	vst v63  }
0x38: {  	s10 =	rddreg [dreg:$0xc]  }
0x39: {  	[spmem:s10] =	stream.linear.scatter [tilespmem:s5], [sflag:$0x5], $0x4000, $0x38;
	[tilespmem:$0x1C880] =	vst v63  }
0x3a: {  	s11 =	rddreg [dreg:$0xd]  }
0x3b: {  	[spmem:s11] =	stream.linear.scatter [tilespmem:s5], [sflag:$0x5], $0x4000, $0x38;
	[tilespmem:$0x1C880] =	vst v63  }
0x3c: {  	s12 =	rddreg [dreg:$0xe]  }
0x3d: {  	[spmem:s12] =	stream.linear.scatter [tilespmem:s5], [sflag:$0x5], $0x4000, $0x38;
	[tilespmem:$0x1C880] =	vst v63  }
0x3e: {  	s13 =	rddreg [dreg:$0xf]  }
0x3f: {  	[spmem:s13] =	stream.linear.scatter [tilespmem:s5], [sflag:$0x5], $0x4000, $0x38;
	[tilespmem:$0x1C880] =	vst v63  }
0x40: {  	[tilespmem:$0x8300] =	vst v1  }
0x41: {  	[tilespmem:$0x8310] =	vst v1  }
0x42: {  	[tilespmem:$0x8320] =	vst v1  }
0x43: {  	[tilespmem:$0x8330] =	vst v1  }
0x44: {  	[tilespmem:$0x8340] =	vst v1  }
0x45: {  	[tilespmem:$0x8350] =	vst v1  }
0x46: {  	[tilespmem:$0x8360] =	vst v1  }
0x47: {  	[tilespmem:$0x8370] =	vst v1  }
0x48: {  	[tilespmem:$0x8380] =	vst v0  }
0x49: {  	[tilespmem:$0x8390] =	vst v0  }
0x4a: {  	[tilespmem:$0x83A0] =	vst v0  }
0x4b: {  	[tilespmem:$0x83B0] =	vst v0  }
0x4c: {  	[tilespmem:$0x83C0] =	vst v0  }
0x4d: {  	[tilespmem:$0x83D0] =	vst v0  }
0x4e: {  	[tilespmem:$0x83E0] =	vst v0  }
0x4f: {  	[tilespmem:$0x83F0] =	vst v0  }
0x50: {  	[tilespmem:$0x8400] =	vst v0  }
0x51: {  	[tilespmem:$0x8410] =	vst v0  }
0x52: {  	[tilespmem:$0x8420] =	vst v0  }
0x53: {  	[tilespmem:$0x8430] =	vst v0  }
0x54: {  	[tilespmem:$0x8440] =	vst v0  }
0x55: {  	[tilespmem:$0x8450] =	vst v0  }
0x56: {  	[tilespmem:$0x8460] =	vst v0  }
0x57: {  	[tilespmem:$0x8470] =	vst v0  }
0x58: {  	[tilespmem:$0x8480] =	vst v0  }
0x59: {  	[tilespmem:$0x8490] =	vst v0  }
0x5a: {  	[tilespmem:$0x84A0] =	vst v0  }
0x5b: {  	[tilespmem:$0x84B0] =	vst v0  }
0x5c: {  	[tilespmem:$0x84C0] =	vst v0  }
0x5d: {  	[tilespmem:$0x84D0] =	vst v0  }
0x5e: {  	[tilespmem:$0x84E0] =	vst v0  }
0x5f: {  	[tilespmem:$0x84F0] =	vst v0  }
0x60: {  	[tilespmem:$0x8500] =	vst v0  }
0x61: {  	[tilespmem:$0x8510] =	vst v0  }
0x62: {  	[tilespmem:$0x8520] =	vst v0  }
0x63: {  	[tilespmem:$0x8530] =	vst v0  }
0x64: {  	[tilespmem:$0x8540] =	vst v0  }
0x65: {  	[tilespmem:$0x8550] =	vst v0  }
0x66: {  	[tilespmem:$0x8560] =	vst v0  }
0x67: {  	[tilespmem:$0x8570] =	vst v0  }
0x68: {  	[tilespmem:$0x8580] =	vst v0  }
0x69: {  	[tilespmem:$0x8590] =	vst v0  }
0x6a: {  	[tilespmem:$0x85A0] =	vst v0  }
0x6b: {  	[tilespmem:$0x85B0] =	vst v0  }
0x6c: {  	[tilespmem:$0x85C0] =	vst v0  }
0x6d: {  	[tilespmem:$0x85D0] =	vst v0  }
0x6e: {  	[tilespmem:$0x85E0] =	vst v0  }
0x6f: {  	s14 =	simm.s32 $0x8380;
	[tilespmem:$0x85F0] =	vst v0  }
0x70: {  	[spmem:s8] =	stream.linear.scatter [tilespmem:s14], [sflag:$0x6], $0x280, $0x38;
	[tilespmem:$0x1C880] =	vst v63  }
0x71: {  	_ =	swait.ge [sflag:s28], $0x280  }
0x72: {  	[sflag:s28] =	ssyncset.done $0x0  }
0x73: {  	[sflag:s28] =	ssyncadd.s32 $0xFFFFFD80  }
0x74: {  	_ =	swait.ge [sflag:s29], $0x80  }
0x75: {  	[sflag:s29] =	ssyncset.done $0x0  }
0x76: {  	[sflag:s29] =	ssyncadd.s32 $0xFFFFFF80  }
0x77: {  	_ =	swait.ge [sflag:s29], $0x80  }
0x78: {  	[sflag:s29] =	ssyncset.done $0x0  }
0x79: {  	s15 =	simm.s32 $0x0;
	s16 =	simm.s32 $0x300;
	[sflag:s29] =	ssyncadd.s32 $0xFFFFFF80  }
0x7a: {  	[tilespmem:s16], [sflag:$0x3] =	stream.indirect.gather [hbm4b:s1+s23], $0x80, s15, s23, $0xb8;
	[tilespmem:$0x1C880] =	vst v63  }
0x7b: {  	_ =	swait.ge [sflag:s31], $0x4000  }
0x7c: {  	[sflag:s31] =	ssyncset.done $0x0  }
0x7d: {  	[sflag:s31] =	ssyncadd.s32 $0xFFFFC000  }
0x7e: {  	_ =	swait.ge [sflag:s31], $0x4000  }
0x7f: {  	[sflag:s31] =	ssyncset.done $0x0  }
0x80: {  	[sflag:s31] =	ssyncadd.s32 $0xFFFFC000  }
0x81: {  	_ =	swait.ge [sflag:s31], $0x4000  }
0x82: {  	[sflag:s31] =	ssyncset.done $0x0  }
0x83: {  	[sflag:s31] =	ssyncadd.s32 $0xFFFFC000  }
0x84: {  	_ =	swait.ge [sflag:s31], $0x4000  }
0x85: {  	[sflag:s31] =	ssyncset.done $0x0  }
0x86: {  	[sflag:s31] =	ssyncadd.s32 $0xFFFFC000  }
0x87: {  	_ =	swait.ge [sflag:s31], $0x4000  }
0x88: {  	[sflag:s31] =	ssyncset.done $0x0  }
0x89: {  	p1 =	por $0x1, $0x1;
	[sflag:s31] =	ssyncadd.s32 $0xFFFFC000  }
0x8a: {  	s7 =	simm.s32 @!p1 $0x5;
	[bflag:$0x0] =	sbarrier.arrive $0xFFFF  }
0x8b: {  	s25 =	smov.u32 s8;
	_ =	swait.ge @!p1 [sflag:s7], $0x4000  }
0x8c: {  	s24 =	simm.s32 $0x1;
	p0 =	sle.u32 s6, $0x1;
	[sflag:s7] =	ssyncset.done @!p1 $0x0  }
0x8d: {  	s2 =	smulhi.u32 $0xAAAAAAAB, s15;
	[sflag:s7] =	ssyncadd.s32 @!p1 $0xFFFFC000;
	s7 =	simm.s32 @!p1 $0x6  }
0x8e: {  	s26 =	simm.s32 $0x200;
	s17 =	simm.s32 $0x2;
	_ =	swait.ge @!p1 [sflag:s7], $0x80  }
0x8f: {  	s2 =	sshrl.u32 s2, $0x1;
	s8 =	sand.u32 @!p0 $0x1, s24;
	[sflag:s7] =	ssyncset.done @!p1 $0x0  }
0x90: {  	s2 =	smul.u32 $0xFFFFFA00, s2;
	[sflag:s7] =	ssyncadd.s32 @!p1 $0xFFFFFF80;
	s7 =	sadd.s32 @!p0 $0x1, s8  }
0x91: {  	s30 =	simm.s32 $0x3;
	s10 =	sand.u32 $0x1, s15;
	_ =	swait.ge @!p0 [sflag:s7], $0x80  }
0x92: {  	s18 =	sshll.u32 s10, $0xE;
	s2 =	sshra.s32 s2, $0x2;
	[sflag:s7] =	ssyncset.done @!p0 $0x0  }
0x93: {  	s2 =	sadd.s32 $0x100, s2;
	s8 =	sxor.u32 @!p0 $0x1, s10;
	[sflag:s7] =	ssyncadd.s32 @!p0 $0xFFFFFF80  }
0x94: {  	p1 =	sle.u32 s6, $0x2;
	s12 =	sshll.u32 @!p0 s8, $0xE;
	_ =	swait.ge @!p0 [sflag:s7], $0x80  }
0x95: {  	s13 =	sshll.u32 @!p0 s8, $0x7;
	s8 =	sadd.s32 @!p0 $0x3, s8;
	[sflag:s7] =	ssyncset.done @!p0 $0x0  }
0x96: {  	s12 =	sor.u32 @!p0 $0x300, s12;
	[sflag:s7] =	ssyncadd.s32 @!p0 $0xFFFFFF80;
	s7 =	simm.s32 @!p0 $0x80  }
0x97: {  	[tilespmem:s12], [sflag:s8] =	stream.indirect.gather @!p0 [hbm4b:s1+s7], $0x80, s13, s7, $0xb8;
	[tilespmem:$0x1C880] =	vst v63  }
0x98: {  	s14 =	sadd.s32 $0x3, s10;
	s15 =	simm.s32 @!p1 $0x0;
	s7 =	smulhi.u32 $0xAAAAAAAB, s17  }
0x99: {  	s8 =	sor.u32 $0x300, s18;
	p0 =	sne.s32 s6, $0x1;
	_ =	swait.ge [sflag:s14], $0x4000  }
0x9a: {  	[sflag:s14] =	ssyncset.done $0x0;
	s19 =	rddreg [dreg:$0x6];
	s7 =	sshrl.u32 s7, $0x1  }
0x9b: {  	s5 =	rddreg [dreg:$0x13];
	[sflag:s14] =	ssyncadd.s32 $0xFFFFC000;
	s20 =	smul.u32 $0xFFFFFA00, s7  }
0x9c: {  	[spmem:s3] =	stream.indirect.scatter.add.f32 [tilespmem:s8], [sflag:$0x5], $0x80, s2, s23, $0xb8;
	[tilespmem:$0x1C880] =	vst v63  }
.Ltmp1:
0x9d: {  	s21 =	rddreg [dreg:$0x14];
	s14 =	sadd.s32 @!p1 $0x1, s10;
	(pc) =	sbr.rel @!p0 .LBB2_5-.Ltmp1, $4  }
0x9e: {  	[spmem:s4] =	stream.indirect.scatter.add.f32 [tilespmem:s19], [sflag:$0x6], $0x1, s2, s23, $0xb8;
	[tilespmem:$0x1C880] =	vst v63  }
0x9f: {  	s7 =	simm.s32 $0x280;
	s8 =	sadd.s32 $0x10, s21;
	s2 =	sshll.u32 @!p1 s10, $0x7  }
0xa0: {  	[tilespmem:s2], [sflag:s14] =	stream.linear.gather @!p1 [hbm4b:s5+s15], $0x80, $0x38;
	[tilespmem:$0x1C880] =	vst v63  }
0xa1: {  	s13 =	sshra.s32 s20, $0x2;
	s10 =	sadd.s32 $0x10, s5;
	s2 =	simm.s32 $0x180  }
.LBB2_4:
0xa2: {  	p2 =	seq.s32 s24, $0x0;
	s12 =	sadd.s32 s13, s26  }
0xa3: {  	[tilespmem:s12], [sflag:s14] =	stream.linear.gather @!p1 [hbm4b:s21+s15], $0x80, $0x38;
	[tilespmem:$0x1C880] =	vst v63  }
0xa4: {  	s17 =	smov.u32 s24;
	s15 =	simm.s32 @!p2 $0x5  }
0xa5: {  	s24 =	sadd.s32 $0x1, s24;
	s13 =	smov.u32 s2;
	_ =	swait.ge @!p2 [sflag:s15], $0x4000  }
0xa6: {  	s18 =	smov.u32 s30;
	s26 =	smov.u32 s7;
	[sflag:s15] =	ssyncset.done @!p2 $0x0  }
0xa7: {  	s2 =	sadd.s32 $0x80, s2;
	[sflag:s15] =	ssyncadd.s32 @!p2 $0xFFFFC000;
	s15 =	simm.s32 @!p2 $0x6  }
0xa8: {  	s30 =	sadd.s32 $0x1, s30;
	p1 =	sge.u32 s24, s6;
	_ =	swait.ge @!p2 [sflag:s15], $0x80  }
0xa9: {  	s7 =	sadd.s32 $0x80, s7;
	s5 =	sand.u32 @!p1 $0x1, s24;
	[sflag:s15] =	ssyncset.done @!p2 $0x0  }
0xaa: {  	s14 =	sadd.s32 $0x1, s24;
	s5 =	sadd.s32 @!p1 $0x1, s5;
	[sflag:s15] =	ssyncadd.s32 @!p2 $0xFFFFFF80  }
0xab: {  	p0 =	sne.s32 s24, s6;
	s21 =	smov.u32 s8;
	_ =	swait.ge @!p1 [sflag:s5], $0x80  }
0xac: {  	s19 =	sand.u32 $0x1, s17;
	s17 =	smulhi.u32 $0xAAAAAAAB, s17;
	[sflag:s5] =	ssyncset.done @!p1 $0x0  }
0xad: {  	s12 =	smov.u32 s10;
	s16 =	sxor.u32 @!p1 $0x1, s19;
	[sflag:s5] =	ssyncadd.s32 @!p1 $0xFFFFFF80  }
0xae: {  	s20 =	sshll.u32 @!p1 s16, $0x7;
	s17 =	sshrl.u32 s17, $0x1;
	_ =	swait.ge @!p1 [sflag:s5], $0x80  }
0xaf: {  	s15 =	sshll.u32 @!p1 s16, $0xE;
	s16 =	sadd.s32 @!p1 $0x3, s16;
	[sflag:s5] =	ssyncset.done @!p1 $0x0  }
0xb0: {  	s15 =	sor.u32 @!p1 $0x300, s15;
	[sflag:s5] =	ssyncadd.s32 @!p1 $0xFFFFFF80;
	s5 =	simm.s32 @!p1 $0x80  }
0xb1: {  	[tilespmem:s15], [sflag:s16] =	stream.indirect.gather @!p1 [hbm4b:s1+s5], $0x80, s20, s5, $0xb8;
	[tilespmem:$0x1C880] =	vst v63  }
0xb2: {  	s8 =	sadd.s32 $0x10, s8;
	s11 =	sadd.s32 $0x3, s19;
	s15 =	smul.u32 $0xFFFFFA00, s17  }
0xb3: {  	s10 =	sadd.s32 $0x10, s10;
	s9 =	sshll.u32 s19, $0xE;
	_ =	swait.ge [sflag:s11], $0x4000  }
0xb4: {  	s9 =	sor.u32 $0x300, s9;
	[sflag:s11] =	ssyncset.done $0x0;
	s5 =	sshra.s32 s15, $0x2  }
0xb5: {  	s16 =	smulhi.u32 $0xAAAAAAAB, s18;
	[sflag:s11] =	ssyncadd.s32 $0xFFFFC000;
	s5 =	sadd.s32 s5, s13  }
0xb6: {  	[spmem:s3] =	stream.indirect.scatter.add.f32 [tilespmem:s9], [sflag:$0x5], $0x80, s5, s23, $0xb8;
	[tilespmem:$0x1C880] =	vst v63  }
.Ltmp2:
0xb7: {  	p1 =	sge.u32 s14, s6;
	s18 =	sshrl.u32 s16, $0x1;
	(pc) =	sbr.rel @p0 .LBB2_4-.Ltmp2, $4  }
0xb8: {  	s14 =	sadd.s32 @!p1 $0x1, s19;
	s17 =	rddreg [dreg:$0x6];
	s20 =	smul.u32 $0xFFFFFA00, s18  }
0xb9: {  	[spmem:s4] =	stream.indirect.scatter.add.f32 [tilespmem:s17], [sflag:$0x6], $0x1, s5, s23, $0xb8;
	[tilespmem:$0x1C880] =	vst v63  }
0xba: {  	s15 =	simm.s32 @!p1 $0x0;
	s11 =	sshll.u32 @!p1 s19, $0x7;
	s13 =	sshra.s32 s20, $0x2  }
0xbb: {  	[tilespmem:s11], [sflag:s14] =	stream.linear.gather @!p1 [hbm4b:s12+s15], $0x80, $0x38;
	[tilespmem:$0x1C880] =	vst v63  }
.LBB2_5:
0xbc: {  	s2 =	sadd.s32 s13, s26  }
0xbd: {  	[tilespmem:s2], [sflag:s14] =	stream.linear.gather @!p1 [hbm4b:s21+s15], $0x80, $0x38;
	[tilespmem:$0x1C880] =	vst v63  }
0xbe: {  	_ =	swait.ge [sflag:s31], $0x4000  }
0xbf: {  	[sflag:s31] =	ssyncset.done $0x0  }
0xc0: {  	[sflag:s31] =	ssyncadd.s32 $0xFFFFC000  }
0xc1: {  	_ =	swait.ge [sflag:s28], $0x80  }
0xc2: {  	[sflag:s28] =	ssyncset.done $0x0  }
0xc3: {  	[sflag:s28] =	ssyncadd.s32 $0xFFFFFF80  }
0xc4: {  	s24 =	stileid.u32;
	[bflag:$0x0] =	sbarrier.arrive $0xFFFF  }
0xc5: {  	s2 =	sshll.u32 s24, $0x6;
	s9 =	rddreg [dreg:$0x9]  }
0xc6: {  	s2 =	sor.u32 $0x1C07, s2;
	s7 =	rddreg [dreg:$0x10];
	s5 =	sshrl.u32 s9, $0x3  }
0xc7: {  	[hbm:s7], [sflag:s2] =	dma.local [spmem:s5], $0x2800  }
0xc8: {  	_ =	swait.ge [sflag:s0], $0x2800  }
0xc9: {  	s8 =	smov.u32 s25;
	[sflag:s0] =	ssyncset.done $0x0  }
0xca: {  	s25 =	sshrl.u32 s25, $0x3;
	s26 =	rddreg [dreg:$0x11];
	[sflag:s0] =	ssyncadd.s32 $0xFFFFD800  }
0xcb: {  	[hbm:s26], [sflag:s2] =	dma.local [spmem:s25], $0x50  }
0xcc: {  	_ =	swait.ge [sflag:s0], $0x50  }
0xcd: {  	s22 =	sadd.s32 $0x1, s22;
	s30 =	rddreg [dreg:$0x12]  }
0xce: {  	p0 =	sne.s32 s22, s30  }
.Ltmp3:
0xcf: {  	_ = 	snop;
	(pc) =	sbr.rel @p0 .LBB2_1-.Ltmp3, $3  }
0xd0: {  	_ =	sdelay $0x1  }
0xd1: {  	[sflag:s0] =	ssyncset.done $0x0  }
0xd2: {  	[sflag:s0] =	ssyncadd.s32 $0xFFFFFFB0  }
0xd3: {  	_ =	sfence.sel $0x180000  }
0xd4: {  	[bflag:$0x0] =	sbarrier.arrive $0xFFFF  }
0xd5: {  	_ =	strace $0x90000047  }
0xd6: {  	s0 =	stileid.u32;
	[bflag:$0x2] =	sbarrier.arrive $0xFFFF  }
0xd7: {  	p0 =	sne.s32 s0, $0x0;
	s0 =	rddreg [dreg:$0x5]  }
0xd8: {  	s0 =	sadd.s32 @!p0 $0x100000, s0  }
0xd9: {  	[sflag:s0] =	ssyncadd.tile.s32 @!p0 $0x1;
	_ =	shalt  }
.Lfunc_end2:
_tile_overlayer_lowered:
.L_overlay_start_2:
0xda: {  	(tag) =	ssettag $0x2  }
0xdb: {  	s0 =	rddreg [dreg:$0x0];
	s2 =	stileid.u32  }
0xdc: {  	s1 =	rddreg [dreg:$0x1];
	p0 =	sne.s32 s2, $0x0  }
0xdd: {  	s3 =	rddreg [dreg:$0x2];
	[bflag:$0x3] =	sbarrier.arrive $0xFFFF;
	s2 =	simm.s32 @!p0 $0x1C07  }
0xde: {  	[timem:s3], [sflag:s2] =	dma.local @!p0 [hbm:s0], s1  }
0xdf: {  	s0 =	simm.s32 @!p0 $0x7  }
0xe0: {  	_ =	swait.ge @!p0 [sflag:s0], s1  }
0xe1: {  	s1 =	ssub.s32 @!p0 $0x0, s1;
	[sflag:s0] =	ssyncset.done @!p0 $0x0  }
0xe2: {  	[sflag:s0] =	ssyncadd.s32 @!p0 s1  }
0xe3: {  	[bflag:$0x3] =	sbarrier.arrive $0xFFFF  }
0xe4: {  	_ =	shalt  }

// kernel: kernel.14.cloned.1.call-start
scs
__scs_entry_jumppad:
0x0: {  	(pc) =	sbr.rel $0x88, $3  }
0x1: {  	(tag) =	ssettag $0x0;
	lr =	simm.s32 $0x1  }
0x2: {  	[smem:$0x3F9B] =	sst lr;
	_ =	strace $0xD0000000  }
0x3: {  	_ = 	snop  }
0x4: {  	_ = 	snop  }
0x5: {  	_ = 	snop  }
0x6: {  	_ = 	snop  }
0x7: {  	_ = 	snop  }
__scs_overlays_trampoline_lowered:
0x8: {  	[smem:$0x3FAA] =	sst s0  }
0x9: {  	[smem:$0x3FAB] =	sst s1  }
0xa: {  	[smem:$0x3FAC] =	sst s2  }
0xb: {  	[smem:$0x3FAD] =	sst s3  }
0xc: {  	[smem:$0x3FAE] =	sst s4  }
0xd: {  	[smem:$0x3FAF] =	sst s5  }
0xe: {  	[smem:$0x3FB0] =	sst s6  }
0xf: {  	[smem:$0x3FB1] =	sst s7  }
0x10: {  	[smem:$0x3FB2] =	sst s8  }
0x11: {  	[smem:$0x3FB3] =	sst s9;
	s0 =	simm.s32 @!p0 $0x0  }
0x12: {  	s1 =	sld [smem:$0x3F99];
	s0 =	simm.s32 @p0 $0x1  }
0x13: {  	[smem:$0x3FB4] =	sst s0;
	s0 =	simm.s32 @!p1 $0x0  }
0x14: {  	s2 =	sld [smem:$0x3F98];
	s0 =	simm.s32 @p1 $0x1  }
0x15: {  	[smem:$0x3FB5] =	sst s0;
	s0 =	simm.s32 @!p2 $0x0  }
0x16: {  	s3 =	sld [smem:$0x3FDB];
	s0 =	simm.s32 @p2 $0x1  }
0x17: {  	s4 =	simm.s32 $0x1BF5;
	[smem:$0x3FB7] =	sst s0  }
0x18: {  	s0 =	sld [smem:$0x3F9A];
	_ =	swait.ge [sflag:s4], $0x0  }
0x19: {  	s7 =	sld [smem:$0x3F9B]  }
0x1a: {  	s8 =	sadd.s32 $0xFFFFE003, lr  }
0x1b: {  	s9 =	sadd.s32 $0xFFFFFEF7, lr;
	s5 =	simm.s32 $0xFFFFFFFF;
	p2 =	slt.u32 s8, $0xFFFFF086  }
0x1c: {  	p1 =	slt.u32 s9, $0xF7A;
	s5 =	simm.s32 @!p2 $0x0  }
0x1d: {  	s5 =	simm.s32 @p1 $0x1;
	p0 =	seq.s32 s7, s2  }
0x1e: {  	s7 =	smul.u32 @!p0 $0xF7A, s2;
	p2 =	seq.s32 @!p0 s5, $0x0  }
0x1f: {  	s9 =	smul.u32 $0xF7A, s1;
	s8 =	simm.s32 @!p0 $0x1BF5;
	p2 =	por !p2, p0  }
0x20: {  	[sflag:s8] =	ssyncset.s32 @!p0 $0xFFFFF086;
	s6 =	sadd.s32 @!p0 s3, s7;
	s7 =	simm.s32 @!p0 $0x108  }
0x21: {  	s3 =	sadd.s32 s3, s9;
	s6 =	sadd.s32 @!p0 $0x88, s6;
	s7 =	simm.s32 @p2 $0x1082  }
0x22: {  	[simem:s7], [sflag:s8] =	dma.local @!p0 [hbm:s6], $0xF7A  }
0x23: {  	s9 =	sor.u32 $0xD0000000, s2;
	s6 =	simm.s32 $0x108;
	_ =	swait.ge @!p0 [sflag:s8], $0x0  }
0x24: {  	s3 =	sadd.s32 $0x88, s3;
	s6 =	simm.s32 @!p1 $0x1082;
	[sflag:s4] =	ssyncset.s32 $0xFFFFF086  }
0x25: {  	[simem:s6], [sflag:s4] =	dma.local [hbm:s3], $0xF7A  }
0x26: {  	[smem:$0x3F9B] =	sst s1;
	(tag) =	ssettag s2;
	_ =	strace s9  }
0x27: {  	s1 =	sld [smem:$0x3FAB]  }
0x28: {  	s2 =	sld [smem:$0x3FAC]  }
0x29: {  	s4 =	sld [smem:$0x3FAE]  }
0x2a: {  	p0 =	seq.s32 s5, $0x0;
	s5 =	sld [smem:$0x3FAF]  }
0x2b: {  	s6 =	sld [smem:$0x3FB0]  }
0x2c: {  	s7 =	sld [smem:$0x3FB1]  }
0x2d: {  	s3 =	simm.s32 $0x108;
	s8 =	sld [smem:$0x3FB2]  }
0x2e: {  	s3 =	simm.s32 @!p0 $0x1082;
	s9 =	sld [smem:$0x3FB3]  }
0x2f: {  	lr =	sadd.s32 s0, s3;
	s0 =	sld [smem:$0x3FAA]  }
0x30: {  	s3 =	sld [smem:$0x3FAD]  }
0x31: {  	[smem:$0x3FB6] =	sst s10  }
0x32: {  	s10 =	sld [smem:$0x3FB4];
	_ =	sdelay $0x3  }
0x33: {  	p0 =	seq.s32 s10, $0x1;
	s10 =	sld [smem:$0x3FB6];
	_ =	sdelay $0x3  }
0x34: {  	[smem:$0x3FB6] =	sst s10  }
0x35: {  	s10 =	sld [smem:$0x3FB5];
	_ =	sdelay $0x3  }
0x36: {  	p1 =	seq.s32 s10, $0x1;
	s10 =	sld [smem:$0x3FB6];
	_ =	sdelay $0x3  }
0x37: {  	[smem:$0x3FB6] =	sst s10  }
0x38: {  	s10 =	sld [smem:$0x3FB7]  }
0x39: {  	_ = 	snop;
	(pc) =	sbr.ind lr, $3  }
0x3a: {  	_ = 	snop  }
0x3b: {  	_ = 	snop  }
0x3c: {  	p2 =	seq.s32 s10, $0x1;
	s10 =	sld [smem:$0x3FB6]  }
0x3d: {  	_ =	shalt  }
0x3e: {  	_ =	shalt  }
0x3f: {  	_ =	shalt  }
0x40: {  	_ =	shalt  }
0x41: {  	_ =	shalt  }
0x42: {  	_ =	shalt  }
0x43: {  	_ =	shalt  }
0x44: {  	_ =	shalt  }
0x45: {  	_ =	shalt  }
0x46: {  	_ =	shalt  }
0x47: {  	_ =	shalt  }
0x48: {  	_ =	shalt  }
0x49: {  	_ =	shalt  }
0x4a: {  	_ =	shalt  }
0x4b: {  	_ =	shalt  }
0x4c: {  	_ =	shalt  }
0x4d: {  	_ =	shalt  }
0x4e: {  	_ =	shalt  }
0x4f: {  	_ =	shalt  }
0x50: {  	_ =	shalt  }
0x51: {  	_ =	shalt  }
0x52: {  	_ =	shalt  }
0x53: {  	_ =	shalt  }
0x54: {  	_ =	shalt  }
0x55: {  	_ =	shalt  }
0x56: {  	_ =	shalt  }
0x57: {  	_ =	shalt  }
0x58: {  	_ =	shalt  }
0x59: {  	_ =	shalt  }
0x5a: {  	_ =	shalt  }
0x5b: {  	_ =	shalt  }
0x5c: {  	_ =	shalt  }
0x5d: {  	_ =	shalt  }
0x5e: {  	_ =	shalt  }
0x5f: {  	_ =	shalt  }
0x60: {  	_ =	shalt  }
0x61: {  	_ =	shalt  }
0x62: {  	_ =	shalt  }
0x63: {  	_ =	shalt  }
0x64: {  	_ =	shalt  }
0x65: {  	_ =	shalt  }
0x66: {  	_ =	shalt  }
0x67: {  	_ =	shalt  }
0x68: {  	_ =	shalt  }
0x69: {  	_ =	shalt  }
0x6a: {  	_ =	shalt  }
0x6b: {  	_ =	shalt  }
0x6c: {  	_ =	shalt  }
0x6d: {  	_ =	shalt  }
0x6e: {  	_ =	shalt  }
0x6f: {  	_ =	shalt  }
0x70: {  	_ =	shalt  }
0x71: {  	_ =	shalt  }
0x72: {  	_ =	shalt  }
0x73: {  	_ =	shalt  }
0x74: {  	_ =	shalt  }
0x75: {  	_ =	shalt  }
0x76: {  	_ =	shalt  }
0x77: {  	_ =	shalt  }
0x78: {  	_ =	shalt  }
0x79: {  	_ =	shalt  }
0x7a: {  	_ =	shalt  }
0x7b: {  	_ =	shalt  }
0x7c: {  	_ =	shalt  }
0x7d: {  	_ =	shalt  }
0x7e: {  	_ =	shalt  }
0x7f: {  	_ =	shalt  }
0x80: {  	_ =	shalt  }
0x81: {  	_ =	shalt  }
0x82: {  	_ =	shalt  }
0x83: {  	_ =	shalt  }
0x84: {  	_ =	shalt  }
0x85: {  	_ =	shalt  }
0x86: {  	_ =	shalt  }
0x87: {  	_ =	shalt  }
.Lfunc_end0:
.L_simem_size_0:
called_computation.1_lowered:
.L_overlay_start_0:
0x88: {  	s2 =	sld [smem:$0x3FD9]  }
0x89: {  	s3 =	sld [smem:$0x3FFE];
	_ =	sdelay $0x1  }
0x8a: {  	s1 =	srdreg.scid  }
0x8b: {  	s0 =	sand.u32 $0x1, s1  }
0x8c: {  	s14 =	sshll.u32 s0, $0xA;
	s2 =	sadd.s32 s3, s2  }
0x8d: {  	s2 =	sadd.s32 s2, s14  }
0x8e: {  	[smem:$0x3FC2] =	sst s2  }
0x8f: {  	_ = 	snop  }
0x90: {  	s2 =	sld [smem:$0x3FD0];
	_ =	sdelay $0x2  }
0x91: {  	s15 =	simm.s32 $0xA;
	s4 =	simm.s32 $0x10  }
0x92: {  	[smem:s4], [sflag:s15] =	dma.local [hbm:s2], $0x1  }
0x93: {  	_ =	swait.eq [sflag:s15], $0x1  }
0x94: {  	[sflag:s15] =	ssyncset.done $0x0  }
0x95: {  	[sflag:s15] =	ssyncadd.s32 $0xFFFFFFFF  }
0x96: {  	s16 =	sld [smem:$0x11];
	(tm) =	ssettm $0x1  }
0x97: {  	s17 =	sld [smem:$0x3FFB];
	_ =	sdelay $0x3  }
0x98: {  	_ =	strace s17  }
0x99: {  	s3 =	sld [smem:$0x3FFC];
	_ =	sdelay $0x3  }
0x9a: {  	_ =	strace s3  }
0x9b: {  	s3 =	sld [smem:$0x3FFD];
	_ =	sdelay $0x3  }
0x9c: {  	_ =	strace s3  }
0x9d: {  	_ =	strace $0x8FFFFFFF  }
0x9e: {  	s18 =	sld [smem:$0x3FDB];
	_ =	sdelay $0x1  }
0x9f: {  	s19 =	simm.s32 $_scs_section_size  }
0xa0: {  	s5 =	simm.s32 $_size__tile_overlayer_lowered;
	s6 =	simm.s32 $_tile_overlayer_lowered  }
0xa1: {  	s22 =	simm.s32 $0x1BFF;
	s21 =	sshll.u32 s6, $0x1;
	s3 =	sadd.s32 s19, s18  }
0xa2: {  	s7 =	simm.s32 $0x0;
	s20 =	sshll.u32 s5, $0x1;
	s5 =	sadd.s32 s21, s3  }
0xa3: {  	[timem:s7], [sflag:s22] =	dma.local [hbm:s5], s20  }
0xa4: {  	_ =	swait.ge [sflag:s22], s20  }
0xa5: {  	s4 =	ssub.s32 $0x0, s20;
	[sflag:s22] =	ssyncset.done $0x0  }
0xa6: {  	[sflag:s22] =	ssyncadd.s32 s4;
	_ =	sdelay $0x1  }
0xa7: {  	s23 =	simm.s32 $0x1B8B  }
0xa8: {  	_ =	swait.ge [sflag:s23], $0x1  }
0xa9: {  	[sflag:s23] =	ssyncset.done $0x0  }
0xaa: {  	s25 =	simm.s32 $0x1B8E;
	s24 =	sld [smem:$0x3FFE];
	[sflag:s23] =	ssyncadd.s32 $0xFFFFFFFF  }
0xab: {  	s26 =	simm.s32 $execute0_lowered;
	[smem:$0x3FD2] =	sst s25  }
0xac: {  	s5 =	sshll.u32 s26, $0x1;
	_ =	strace $0x80000049;
	[dreg:$0x1] =	wrdreg $0xFFFFFFFF  }
0xad: {  	s28 =	simm.s32 $_size_execute0_lowered;
	s3 =	sadd.s32 s3, s5;
	[dreg:$0x0] =	wrdreg $0x0  }
0xae: {  	s5 =	sshll.u32 s28, $0x1;
	[dreg:$0x2] =	wrdreg s3  }
0xaf: {  	[dreg:$0x3] =	wrdreg s5  }
0xb0: {  	[dreg:$0x4] =	wrdreg $0xC0  }
0xb1: {  	_ =	task [dreg:s7], $0x5FFFF  }
0xb2: {  	[dreg:$0x1] =	wrdreg $0xFFFFFFFF  }
0xb3: {  	[dreg:$0x0] =	wrdreg $0x60  }
0xb4: {  	[dreg:$0x2] =	wrdreg s16  }
0xb5: {  	[dreg:$0x3] =	wrdreg s24  }
0xb6: {  	[dreg:$0x4] =	wrdreg $0x83000  }
0xb7: {  	[dreg:$0x5] =	wrdreg $0x9  }
0xb8: {  	_ =	task.clear_ibuf [dreg:s7], $0x6FFFF;
	_ =	strace $0x90000049  }
0xb9: {  	s29 =	simm.s32 $0x9;
	_ =	strace $0x8000004B  }
0xba: {  	_ =	swait.ge [sflag:s29], $0x1  }
0xbb: {  	[sflag:s29] =	ssyncadd.s32 $0xFFFFFFFF  }
0xbc: {  	_ =	strace $0x9000004B  }
0xbd: {  	_ =	sfence  }
0xbe: {  	s30 =	sld [smem:$0x0];
	_ =	sdelay $0x2  }
0xbf: {  	s31 =	sshll.u32 s1, $0xD;
	s1 =	sshrl.u32 s1, $0x2  }
0xc0: {  	s3 =	sand.u32 $0x4000, s31;
	s1 =	sadd.s32 s1, s30  }
0xc1: {  	s0 =	sor.u32 s3, s0;
	s1 =	sshll.u32 s1, $0x11  }
0xc2: {  	s0 =	sor.u32 s1, s0  }
0xc3: {  	s0 =	sadd.s32 $0x8F2B, s0  }
0xc4: {  	[sflag:s0] =	ssyncadd.remote.s32 $0x1  }
0xc5: {  	_ =	sfence.sel $0xFFFF  }
0xc6: {  	[dreg:$0x0] =	wrdreg $0xFFFFFFFF;
	(pc) =	sbr.abs _section_cstart, $3  }
0xc7: {  	[dreg:$0x1] =	wrdreg $0xFFFFFFFF  }
0xc8: {  	_ =	task.clear_ibuf [dreg:s7], $0x2FFFF;
	_ =	strace $0x9FFFFFFF  }
0xc9: {  	(tm) =	ssettm $0x7FFFFFFF  }
tec
execute0_lowered:
.L_overlay_start_1:
0x0: {  	(tag) =	ssettag $0x1  }
0x1: {  	s1 =	rddreg [dreg:$0x0]  }
0x2: {  	s0 =	rddreg [dreg:$0x1]  }
0x3: {  	s2 =	rddreg [dreg:$0x2];
	s4 =	simm.s32 $0x0;
	s11 =	stileid.u32  }
0x4: {  	s3 =	srdreg.scid;
	s28 =	simm.s32 $0x0;
	s5 =	smul.u32 $0x2800, s11  }
0x5: {  	[smem:$0x7FF] =	sst s4;
	s3 =	sand.u32 $0x1, s3;
	s18 =	smul.u32 $0x50000, s11  }
0x6: {  	s8 =	sshll.u32 s11, $0x1;
	p0 =	slt.u32 s11, $0x2;
	s11 =	smul.u32 $0x9C, s11  }
0x7: {  	s6 =	sadd.s32 $0x3C00, s0;
	s17 =	sadd.s32 $0xDA00, s0;
	s7 =	smul.u32 $0x28000, s3  }
0x8: {  	s9 =	ssub.s32 $0x2, s3;
	s8 =	sor.u32 s3, s8;
	s3 =	smul.u32 $0x4E, s3  }
0x9: {  	_ =	strace $0x8000004A;
	s15 =	sshrl.u32 s9, $0x1;
	s10 =	smul.u32 $0x4E, s8  }
0xa: {  	s8 =	smin.u32 s8, $0x4;
	s21 =	sshrl.u32 s18, $0x2;
	s5 =	sadd.s32 s5, s7  }
0xb: {  	s7 =	ssub.s32 s9, s15;
	s3 =	sadd.s32 s3, s11;
	s0 =	sadd.s32 s5, s0  }
0xc: {  	s16 =	sadd.s32 s8, s10;
	s5 =	simm.s32 $0x4F;
	s31 =	smax.u32 s7, $0x1  }
0xd: {  	s9 =	sshll.u32 s16, $0x4;
	s0 =	sadd.s32 $0x17800, s0;
	[dreg:$0xd] =	wrdreg s31  }
0xe: {  	s3 =	sadd.s32 s8, s3;
	s12 =	sadd.s32 s6, s9;
	[dreg:$0xc] =	wrdreg s0  }
0xf: {  	s19 =	sadd.s32 s17, s9;
	s20 =	sadd.s32 $0x10, s9;
	[dreg:$0x4] =	wrdreg s12  }
0x10: {  	s5 =	simm.s32 @!p0 $0x4E;
	[dreg:$0x5] =	wrdreg s19;
	s22 =	sadd.s32 s6, s20  }
0x11: {  	s9 =	sadd.s32 s21, s2;
	s23 =	sadd.s32 s17, s20;
	[dreg:$0x6] =	wrdreg s22  }
0x12: {  	s3 =	sshll.u32 s3, $0x4;
	s24 =	sadd.s32 $0x4000, s9;
	[dreg:$0x7] =	wrdreg s23  }
0x13: {  	s30 =	sadd.s32 $0x20, s3;
	s25 =	sadd.s32 $0x8000, s9;
	[dreg:$0x8] =	wrdreg s24  }
0x14: {  	s26 =	sadd.s32 $0xC000, s9;
	s29 =	sadd.s32 $0x10000, s9;
	[dreg:$0x9] =	wrdreg s25  }
0x15: {  	s21 =	sadd.s32 s30, s6;
	s20 =	simm.s32 $0x80;
	[dreg:$0xa] =	wrdreg s26  }
0x16: {  	[dreg:$0xb] =	wrdreg s29;
	s24 =	sadd.s32 s30, s17;
	s22 =	simm.s32 $0x4300  }
0x17: {  	v0 =	vimm.f32 $0.0e+00;
	s23 =	simm.s32 $0x1;
	s25 =	simm.s32 $0x5;
	s26 =	simm.s32 $0x6  }
.LBB2_1:
0x18: {  	s0 =	rddreg [dreg:$0x4]  }
0x19: {  	s19 =	rddreg [dreg:$0x5]  }
0x1a: {  	[tilespmem:s4], [sflag:$0x1] =	stream.linear.gather [hbm4b:s0+s4], $0x80, $0x38;
	[tilespmem:$0x1C300] =	vst v63  }
0x1b: {  	s3 =	simm.s32 $0x100;
	s29 =	rddreg [dreg:$0x6]  }
0x1c: {  	[tilespmem:s3], [sflag:$0x1] =	stream.linear.gather [hbm4b:s19+s4], $0x80, $0x38;
	[tilespmem:$0x1C300] =	vst v63  }
0x1d: {  	s30 =	rddreg [dreg:$0x7]  }
0x1e: {  	[tilespmem:s20], [sflag:$0x2] =	stream.linear.gather [hbm4b:s29+s4], $0x80, $0x38;
	[tilespmem:$0x1C300] =	vst v63  }
0x1f: {  	s31 =	simm.s32 $0x180;
	s0 =	simm.s32 $0x0;
	s3 =	simm.s32 $0x200  }
0x20: {  	[tilespmem:s31], [sflag:$0x2] =	stream.linear.gather [hbm4b:s30+s4], $0x80, $0x38;
	[tilespmem:$0x1C300] =	vst v63  }
.LBB2_2:
0x21: {  	p0 =	sne.s32 s3, $0xFE00;
	[tilespmem:s0+$0x4370] =	vst v0  }
0x22: {  	[tilespmem:s0+$0x4300] =	vst v0  }
0x23: {  	[tilespmem:s0+$0x4310] =	vst v0  }
.Ltmp0:
0x24: {  	[tilespmem:s0+$0x4320] =	vst v0;
	(pc) =	sbr.rel @p0 .LBB2_2-.Ltmp0, $4  }
0x25: {  	[tilespmem:s0+$0x4330] =	vst v0  }
0x26: {  	[tilespmem:s0+$0x4340] =	vst v0  }
0x27: {  	[tilespmem:s0+$0x4350] =	vst v0  }
0x28: {  	[tilespmem:s0+$0x4360] =	vst v0;
	s0 =	sshra.s32 s3, $0x2;
	s3 =	sadd.s32 $0x200, s3  }
0x29: {  	[tilespmem:s0+$0x4370] =	vst v0  }
0x2a: {  	[tilespmem:s0+$0x4300] =	vst v0  }
0x2b: {  	[tilespmem:s0+$0x4310] =	vst v0  }
0x2c: {  	[tilespmem:s0+$0x4320] =	vst v0  }
0x2d: {  	[tilespmem:s0+$0x4330] =	vst v0  }
0x2e: {  	[tilespmem:s0+$0x4340] =	vst v0  }
0x2f: {  	[tilespmem:s0+$0x4350] =	vst v0  }
0x30: {  	[tilespmem:s0+$0x4360] =	vst v0  }
0x31: {  	[spmem:s9] =	stream.linear.scatter [tilespmem:s22], [sflag:$0x5], $0x4000, $0x38;
	[tilespmem:$0x1C300] =	vst v63  }
0x32: {  	s11 =	rddreg [dreg:$0x8]  }
0x33: {  	[spmem:s11] =	stream.linear.scatter [tilespmem:s22], [sflag:$0x5], $0x4000, $0x38;
	[tilespmem:$0x1C300] =	vst v63  }
0x34: {  	s12 =	rddreg [dreg:$0x9]  }
0x35: {  	[spmem:s12] =	stream.linear.scatter [tilespmem:s22], [sflag:$0x5], $0x4000, $0x38;
	[tilespmem:$0x1C300] =	vst v63  }
0x36: {  	s13 =	rddreg [dreg:$0xa]  }
0x37: {  	[spmem:s13] =	stream.linear.scatter [tilespmem:s22], [sflag:$0x5], $0x4000, $0x38;
	[tilespmem:$0x1C300] =	vst v63  }
0x38: {  	s14 =	rddreg [dreg:$0xb]  }
0x39: {  	[spmem:s14] =	stream.linear.scatter [tilespmem:s22], [sflag:$0x5], $0x4000, $0x38;
	[tilespmem:$0x1C300] =	vst v63  }
0x3a: {  	_ =	swait.ge [sflag:s23], $0x80  }
0x3b: {  	[sflag:s23] =	ssyncset.done $0x0  }
0x3c: {  	[sflag:s23] =	ssyncadd.s32 $0xFFFFFF80  }
0x3d: {  	_ =	swait.ge [sflag:s23], $0x80  }
0x3e: {  	[sflag:s23] =	ssyncset.done $0x0  }
0x3f: {  	s15 =	simm.s32 $0x0;
	s3 =	simm.s32 $0x300;
	[sflag:s23] =	ssyncadd.s32 $0xFFFFFF80  }
0x40: {  	[tilespmem:s3], [sflag:$0x3] =	stream.indirect.gather [hbm4b:s1+s20], $0x80, s15, s20, $0xb8;
	[tilespmem:$0x1C300] =	vst v63  }
0x41: {  	_ =	swait.ge [sflag:s25], $0x4000  }
0x42: {  	[sflag:s25] =	ssyncset.done $0x0  }
0x43: {  	[sflag:s25] =	ssyncadd.s32 $0xFFFFC000  }
0x44: {  	_ =	swait.ge [sflag:s25], $0x4000  }
0x45: {  	[sflag:s25] =	ssyncset.done $0x0  }
0x46: {  	[sflag:s25] =	ssyncadd.s32 $0xFFFFC000  }
0x47: {  	_ =	swait.ge [sflag:s25], $0x4000  }
0x48: {  	[sflag:s25] =	ssyncset.done $0x0  }
0x49: {  	[sflag:s25] =	ssyncadd.s32 $0xFFFFC000  }
0x4a: {  	_ =	swait.ge [sflag:s25], $0x4000  }
0x4b: {  	[sflag:s25] =	ssyncset.done $0x0  }
0x4c: {  	[sflag:s25] =	ssyncadd.s32 $0xFFFFC000  }
0x4d: {  	_ =	swait.ge [sflag:s25], $0x4000  }
0x4e: {  	p1 =	por $0x1, $0x1;
	s29 =	simm.s32 $0x1;
	[sflag:s25] =	ssyncset.done $0x0  }
0x4f: {  	p0 =	sle.u32 s5, $0x1;
	s30 =	simm.s32 $0x200;
	[sflag:s25] =	ssyncadd.s32 $0xFFFFC000  }
0x50: {  	s17 =	simm.s32 $0x2;
	s3 =	simm.s32 @!p1 $0x5;
	[bflag:$0x0] =	sbarrier.arrive $0xFFFF  }
0x51: {  	s31 =	simm.s32 $0x180;
	s6 =	sand.u32 @!p0 $0x1, s29;
	_ =	swait.ge @!p1 [sflag:s3], $0x4000  }
0x52: {  	s8 =	sand.u32 $0x1, s15;
	s0 =	smulhi.u32 $0xAAAAAAAB, s15;
	[sflag:s3] =	ssyncset.done @!p1 $0x0  }
0x53: {  	s17 =	smulhi.u32 $0xAAAAAAAB, s17;
	[sflag:s3] =	ssyncadd.s32 @!p1 $0xFFFFC000;
	s3 =	sadd.s32 @!p0 $0x1, s6  }
0x54: {  	s16 =	sshll.u32 s8, $0xE;
	s0 =	sshrl.u32 s0, $0x1;
	_ =	swait.ge @!p0 [sflag:s3], $0x80  }
0x55: {  	s19 =	sshrl.u32 s17, $0x1;
	s0 =	smul.u32 $0xFFFFFA00, s0;
	[sflag:s3] =	ssyncset.done @!p0 $0x0  }
0x56: {  	s17 =	smul.u32 $0xFFFFFA00, s19;
	s6 =	sxor.u32 @!p0 $0x1, s8;
	[sflag:s3] =	ssyncadd.s32 @!p0 $0xFFFFFF80  }
0x57: {  	s0 =	sshra.s32 s0, $0x2;
	s7 =	sshll.u32 @!p0 s6, $0xE;
	_ =	swait.ge @!p0 [sflag:s3], $0x80  }
0x58: {  	s18 =	sshll.u32 @!p0 s6, $0x7;
	s6 =	sadd.s32 @!p0 $0x3, s6;
	[sflag:s3] =	ssyncset.done @!p0 $0x0  }
0x59: {  	s7 =	sor.u32 @!p0 $0x300, s7;
	[sflag:s3] =	ssyncadd.s32 @!p0 $0xFFFFFF80;
	s3 =	simm.s32 @!p0 $0x80  }
0x5a: {  	[tilespmem:s7], [sflag:s6] =	stream.indirect.gather @!p0 [hbm4b:s1+s3], $0x80, s18, s3, $0xb8;
	[tilespmem:$0x1C300] =	vst v63  }
0x5b: {  	s19 =	sadd.s32 $0x10, s24;
	s0 =	sadd.s32 $0x100, s0;
	s18 =	sadd.s32 $0x3, s8  }
0x5c: {  	p1 =	sne.s32 s5, $0x1;
	p0 =	sle.u32 s5, $0x2;
	_ =	swait.ge [sflag:s18], $0x4000  }
0x5d: {  	s3 =	sor.u32 $0x300, s16;
	s6 =	sshra.s32 s17, $0x2;
	[sflag:s18] =	ssyncset.done $0x0  }
.Ltmp1:
0x5e: {  	s17 =	smov.u32 s21;
	[sflag:s18] =	ssyncadd.s32 $0xFFFFC000;
	(pc) =	sbr.rel @!p1 .LBB2_5-.Ltmp1, $4  }
0x5f: {  	[spmem:s2] =	stream.indirect.scatter.add.f32 [tilespmem:s3], [sflag:$0x5], $0x80, s0, s20, $0xb8;
	[tilespmem:$0x1C300] =	vst v63  }
0x60: {  	s7 =	sadd.s32 @!p0 $0x1, s8;
	s0 =	sshll.u32 @!p0 s8, $0x7;
	s8 =	simm.s32 @!p0 $0x0  }
0x61: {  	[tilespmem:s0], [sflag:s7] =	stream.linear.gather @!p0 [hbm4b:s21+s8], $0x80, $0x38;
	[tilespmem:$0x1C300] =	vst v63  }
0x62: {  	s18 =	smov.u32 s24;
	s3 =	simm.s32 $0x3;
	s0 =	simm.s32 $0x280  }
.LBB2_4:
0x63: {  	s10 =	sadd.s32 s6, s30;
	s17 =	sadd.s32 $0x10, s17;
	s11 =	smov.u32 s29  }
0x64: {  	s29 =	sadd.s32 $0x1, s29;
	s6 =	smov.u32 s31;
	s30 =	smov.u32 s0  }
0x65: {  	[tilespmem:s10], [sflag:s7] =	stream.linear.gather @!p0 [hbm4b:s18+s8], $0x80, $0x38;
	[tilespmem:$0x1C300] =	vst v63  }
0x66: {  	s7 =	sadd.s32 $0x1, s29;
	p1 =	sne.s32 s29, s5;
	s8 =	smov.u32 s3  }
0x67: {  	p0 =	seq.s32 s11, $0x0;
	s18 =	smov.u32 s19  }
0x68: {  	s31 =	sadd.s32 $0x80, s31;
	s10 =	simm.s32 @!p0 $0x5  }
0x69: {  	s12 =	sand.u32 $0x1, s11;
	p2 =	sge.u32 s29, s5;
	_ =	swait.ge @!p0 [sflag:s10], $0x4000  }
0x6a: {  	s13 =	sand.u32 @!p2 $0x1, s29;
	s14 =	sxor.u32 @!p2 $0x1, s12;
	[sflag:s10] =	ssyncset.done @!p0 $0x0  }
0x6b: {  	[sflag:s10] =	ssyncadd.s32 @!p0 $0xFFFFC000;
	s10 =	sadd.s32 @!p2 $0x1, s13;
	s13 =	sshll.u32 @!p2 s14, $0xE  }
0x6c: {  	s15 =	sshll.u32 @!p2 s14, $0x7;
	_ =	swait.ge @!p2 [sflag:s10], $0x80;
	s13 =	sor.u32 @!p2 $0x300, s13  }
0x6d: {  	s16 =	sshll.u32 s12, $0xE;
	s14 =	sadd.s32 @!p2 $0x3, s14;
	[sflag:s10] =	ssyncset.done @!p2 $0x0  }
0x6e: {  	s0 =	sadd.s32 $0x80, s0;
	s3 =	sadd.s32 $0x1, s3;
	[sflag:s10] =	ssyncadd.s32 @!p2 $0xFFFFFF80  }
0x6f: {  	s11 =	smulhi.u32 $0xAAAAAAAB, s11;
	p0 =	sge.u32 s7, s5;
	_ =	swait.ge @!p2 [sflag:s10], $0x80  }
0x70: {  	s7 =	smulhi.u32 $0xAAAAAAAB, s8;
	s8 =	sadd.s32 $0x3, s12;
	[sflag:s10] =	ssyncset.done @!p2 $0x0  }
0x71: {  	s11 =	sshrl.u32 s11, $0x1;
	[sflag:s10] =	ssyncadd.s32 @!p2 $0xFFFFFF80;
	s10 =	simm.s32 @!p2 $0x80  }
0x72: {  	[tilespmem:s13], [sflag:s14] =	stream.indirect.gather @!p2 [hbm4b:s1+s10], $0x80, s15, s10, $0xb8;
	[tilespmem:$0x1C300] =	vst v63  }
0x73: {  	s7 =	sshrl.u32 s7, $0x1;
	s10 =	smul.u32 $0xFFFFFA00, s11;
	_ =	swait.ge [sflag:s8], $0x4000  }
0x74: {  	s11 =	smul.u32 $0xFFFFFA00, s7;
	s13 =	sor.u32 $0x300, s16;
	[sflag:s8] =	ssyncset.done $0x0  }
.Ltmp2:
0x75: {  	s7 =	sshra.s32 s10, $0x2;
	[sflag:s8] =	ssyncadd.s32 $0xFFFFC000;
	(pc) =	sbr.rel @p1 .LBB2_4-.Ltmp2, $4  }
0x76: {  	s10 =	sshll.u32 @!p0 s12, $0x7;
	s6 =	sadd.s32 s7, s6;
	s7 =	sadd.s32 @!p0 $0x1, s12  }
0x77: {  	[spmem:s2] =	stream.indirect.scatter.add.f32 [tilespmem:s13], [sflag:$0x5], $0x80, s6, s20, $0xb8;
	[tilespmem:$0x1C300] =	vst v63  }
0x78: {  	s19 =	sadd.s32 $0x10, s19;
	s8 =	simm.s32 @!p0 $0x0;
	s6 =	sshra.s32 s11, $0x2  }
0x79: {  	[tilespmem:s10], [sflag:s7] =	stream.linear.gather @!p0 [hbm4b:s17+s8], $0x80, $0x38;
	[tilespmem:$0x1C300] =	vst v63  }
.LBB2_5:
0x7a: {  	s0 =	sadd.s32 s6, s30  }
0x7b: {  	[tilespmem:s0], [sflag:s7] =	stream.linear.gather @!p0 [hbm4b:s18+s8], $0x80, $0x38;
	[tilespmem:$0x1C300] =	vst v63  }
0x7c: {  	_ =	swait.ge [sflag:s25], $0x4000  }
0x7d: {  	[sflag:s25] =	ssyncset.done $0x0  }
0x7e: {  	s29 =	stileid.u32;
	[sflag:s25] =	ssyncadd.s32 $0xFFFFC000  }
0x7f: {  	s0 =	sshll.u32 s29, $0x6;
	[bflag:$0x0] =	sbarrier.arrive $0xFFFF  }
0x80: {  	s3 =	sshrl.u32 s9, $0x3;
	s0 =	sor.u32 $0x1C06, s0;
	s30 =	rddreg [dreg:$0xc]  }
0x81: {  	[hbm:s30], [sflag:s0] =	dma.local [spmem:s3], $0x2800  }
0x82: {  	_ =	swait.ge [sflag:s26], $0x2800  }
0x83: {  	s28 =	sadd.s32 $0x1, s28;
	s31 =	rddreg [dreg:$0xd]  }
0x84: {  	p0 =	sne.s32 s28, s31  }
.Ltmp3:
0x85: {  	_ = 	snop;
	(pc) =	sbr.rel @p0 .LBB2_1-.Ltmp3, $3  }
0x86: {  	_ =	sdelay $0x1  }
0x87: {  	[sflag:s26] =	ssyncset.done $0x0  }
0x88: {  	[sflag:s26] =	ssyncadd.s32 $0xFFFFD800  }
0x89: {  	_ =	sfence.sel $0x180000  }
0x8a: {  	[bflag:$0x0] =	sbarrier.arrive $0xFFFF  }
0x8b: {  	_ =	strace $0x9000004A  }
0x8c: {  	s0 =	stileid.u32;
	[bflag:$0x2] =	sbarrier.arrive $0xFFFF  }
0x8d: {  	p0 =	sne.s32 s0, $0x0;
	s0 =	rddreg [dreg:$0x3]  }
0x8e: {  	s0 =	sadd.s32 @!p0 $0x100000, s0  }
0x8f: {  	[sflag:s0] =	ssyncadd.tile.s32 @!p0 $0x1;
	_ =	shalt  }
.Lfunc_end2:
_tile_overlayer_lowered:
.L_overlay_start_2:
0x90: {  	(tag) =	ssettag $0x2  }
0x91: {  	s0 =	rddreg [dreg:$0x0];
	s2 =	stileid.u32  }
0x92: {  	s1 =	rddreg [dreg:$0x1];
	p0 =	sne.s32 s2, $0x0  }
0x93: {  	s3 =	rddreg [dreg:$0x2];
	[bflag:$0x3] =	sbarrier.arrive $0xFFFF;
	s2 =	simm.s32 @!p0 $0x1C06  }
0x94: {  	[timem:s3], [sflag:s2] =	dma.local @!p0 [hbm:s0], s1  }
0x95: {  	s0 =	simm.s32 @!p0 $0x6  }
0x96: {  	_ =	swait.ge @!p0 [sflag:s0], s1  }
0x97: {  	s1 =	ssub.s32 @!p0 $0x0, s1;
	[sflag:s0] =	ssyncset.done @!p0 $0x0  }
0x98: {  	[sflag:s0] =	ssyncadd.s32 @!p0 s1  }
0x99: {  	[bflag:$0x3] =	sbarrier.arrive $0xFFFF  }
0x9a: {  	_ =	shalt  }

// kernel: kernel.17.cloned.1.call-start
scs
__scs_entry_jumppad:
0x0: {  	(pc) =	sbr.rel $0x88, $3  }
0x1: {  	(tag) =	ssettag $0x0;
	lr =	simm.s32 $0x1  }
0x2: {  	[smem:$0x3F9B] =	sst lr;
	_ =	strace $0xD0000000  }
0x3: {  	_ = 	snop  }
0x4: {  	_ = 	snop  }
0x5: {  	_ = 	snop  }
0x6: {  	_ = 	snop  }
0x7: {  	_ = 	snop  }
__scs_overlays_trampoline_lowered:
0x8: {  	[smem:$0x3FAA] =	sst s0  }
0x9: {  	[smem:$0x3FAB] =	sst s1  }
0xa: {  	[smem:$0x3FAC] =	sst s2  }
0xb: {  	[smem:$0x3FAD] =	sst s3  }
0xc: {  	[smem:$0x3FAE] =	sst s4  }
0xd: {  	[smem:$0x3FAF] =	sst s5  }
0xe: {  	[smem:$0x3FB0] =	sst s6  }
0xf: {  	[smem:$0x3FB1] =	sst s7  }
0x10: {  	[smem:$0x3FB2] =	sst s8  }
0x11: {  	[smem:$0x3FB3] =	sst s9;
	s0 =	simm.s32 @!p0 $0x0  }
0x12: {  	s1 =	sld [smem:$0x3F99];
	s0 =	simm.s32 @p0 $0x1  }
0x13: {  	[smem:$0x3FB4] =	sst s0;
	s0 =	simm.s32 @!p1 $0x0  }
0x14: {  	s2 =	sld [smem:$0x3F98];
	s0 =	simm.s32 @p1 $0x1  }
0x15: {  	[smem:$0x3FB5] =	sst s0;
	s0 =	simm.s32 @!p2 $0x0  }
0x16: {  	s3 =	sld [smem:$0x3FDB];
	s0 =	simm.s32 @p2 $0x1  }
0x17: {  	s4 =	simm.s32 $0x1BF5;
	[smem:$0x3FB7] =	sst s0  }
0x18: {  	s0 =	sld [smem:$0x3F9A];
	_ =	swait.ge [sflag:s4], $0x0  }
0x19: {  	s7 =	sld [smem:$0x3F9B]  }
0x1a: {  	s8 =	sadd.s32 $0xFFFFE003, lr  }
0x1b: {  	s9 =	sadd.s32 $0xFFFFFEF7, lr;
	s5 =	simm.s32 $0xFFFFFFFF;
	p2 =	slt.u32 s8, $0xFFFFF086  }
0x1c: {  	p1 =	slt.u32 s9, $0xF7A;
	s5 =	simm.s32 @!p2 $0x0  }
0x1d: {  	s5 =	simm.s32 @p1 $0x1;
	p0 =	seq.s32 s7, s2  }
0x1e: {  	s7 =	smul.u32 @!p0 $0xF7A, s2;
	p2 =	seq.s32 @!p0 s5, $0x0  }
0x1f: {  	s9 =	smul.u32 $0xF7A, s1;
	s8 =	simm.s32 @!p0 $0x1BF5;
	p2 =	por !p2, p0  }
0x20: {  	[sflag:s8] =	ssyncset.s32 @!p0 $0xFFFFF086;
	s6 =	sadd.s32 @!p0 s3, s7;
	s7 =	simm.s32 @!p0 $0x108  }
0x21: {  	s3 =	sadd.s32 s3, s9;
	s6 =	sadd.s32 @!p0 $0x88, s6;
	s7 =	simm.s32 @p2 $0x1082  }
0x22: {  	[simem:s7], [sflag:s8] =	dma.local @!p0 [hbm:s6], $0xF7A  }
0x23: {  	s9 =	sor.u32 $0xD0000000, s2;
	s6 =	simm.s32 $0x108;
	_ =	swait.ge @!p0 [sflag:s8], $0x0  }
0x24: {  	s3 =	sadd.s32 $0x88, s3;
	s6 =	simm.s32 @!p1 $0x1082;
	[sflag:s4] =	ssyncset.s32 $0xFFFFF086  }
0x25: {  	[simem:s6], [sflag:s4] =	dma.local [hbm:s3], $0xF7A  }
0x26: {  	[smem:$0x3F9B] =	sst s1;
	(tag) =	ssettag s2;
	_ =	strace s9  }
0x27: {  	s1 =	sld [smem:$0x3FAB]  }
0x28: {  	s2 =	sld [smem:$0x3FAC]  }
0x29: {  	s4 =	sld [smem:$0x3FAE]  }
0x2a: {  	p0 =	seq.s32 s5, $0x0;
	s5 =	sld [smem:$0x3FAF]  }
0x2b: {  	s6 =	sld [smem:$0x3FB0]  }
0x2c: {  	s7 =	sld [smem:$0x3FB1]  }
0x2d: {  	s3 =	simm.s32 $0x108;
	s8 =	sld [smem:$0x3FB2]  }
0x2e: {  	s3 =	simm.s32 @!p0 $0x1082;
	s9 =	sld [smem:$0x3FB3]  }
0x2f: {  	lr =	sadd.s32 s0, s3;
	s0 =	sld [smem:$0x3FAA]  }
0x30: {  	s3 =	sld [smem:$0x3FAD]  }
0x31: {  	[smem:$0x3FB6] =	sst s10  }
0x32: {  	s10 =	sld [smem:$0x3FB4];
	_ =	sdelay $0x3  }
0x33: {  	p0 =	seq.s32 s10, $0x1;
	s10 =	sld [smem:$0x3FB6];
	_ =	sdelay $0x3  }
0x34: {  	[smem:$0x3FB6] =	sst s10  }
0x35: {  	s10 =	sld [smem:$0x3FB5];
	_ =	sdelay $0x3  }
0x36: {  	p1 =	seq.s32 s10, $0x1;
	s10 =	sld [smem:$0x3FB6];
	_ =	sdelay $0x3  }
0x37: {  	[smem:$0x3FB6] =	sst s10  }
0x38: {  	s10 =	sld [smem:$0x3FB7]  }
0x39: {  	_ = 	snop;
	(pc) =	sbr.ind lr, $3  }
0x3a: {  	_ = 	snop  }
0x3b: {  	_ = 	snop  }
0x3c: {  	p2 =	seq.s32 s10, $0x1;
	s10 =	sld [smem:$0x3FB6]  }
0x3d: {  	_ =	shalt  }
0x3e: {  	_ =	shalt  }
0x3f: {  	_ =	shalt  }
0x40: {  	_ =	shalt  }
0x41: {  	_ =	shalt  }
0x42: {  	_ =	shalt  }
0x43: {  	_ =	shalt  }
0x44: {  	_ =	shalt  }
0x45: {  	_ =	shalt  }
0x46: {  	_ =	shalt  }
0x47: {  	_ =	shalt  }
0x48: {  	_ =	shalt  }
0x49: {  	_ =	shalt  }
0x4a: {  	_ =	shalt  }
0x4b: {  	_ =	shalt  }
0x4c: {  	_ =	shalt  }
0x4d: {  	_ =	shalt  }
0x4e: {  	_ =	shalt  }
0x4f: {  	_ =	shalt  }
0x50: {  	_ =	shalt  }
0x51: {  	_ =	shalt  }
0x52: {  	_ =	shalt  }
0x53: {  	_ =	shalt  }
0x54: {  	_ =	shalt  }
0x55: {  	_ =	shalt  }
0x56: {  	_ =	shalt  }
0x57: {  	_ =	shalt  }
0x58: {  	_ =	shalt  }
0x59: {  	_ =	shalt  }
0x5a: {  	_ =	shalt  }
0x5b: {  	_ =	shalt  }
0x5c: {  	_ =	shalt  }
0x5d: {  	_ =	shalt  }
0x5e: {  	_ =	shalt  }
0x5f: {  	_ =	shalt  }
0x60: {  	_ =	shalt  }
0x61: {  	_ =	shalt  }
0x62: {  	_ =	shalt  }
0x63: {  	_ =	shalt  }
0x64: {  	_ =	shalt  }
0x65: {  	_ =	shalt  }
0x66: {  	_ =	shalt  }
0x67: {  	_ =	shalt  }
0x68: {  	_ =	shalt  }
0x69: {  	_ =	shalt  }
0x6a: {  	_ =	shalt  }
0x6b: {  	_ =	shalt  }
0x6c: {  	_ =	shalt  }
0x6d: {  	_ =	shalt  }
0x6e: {  	_ =	shalt  }
0x6f: {  	_ =	shalt  }
0x70: {  	_ =	shalt  }
0x71: {  	_ =	shalt  }
0x72: {  	_ =	shalt  }
0x73: {  	_ =	shalt  }
0x74: {  	_ =	shalt  }
0x75: {  	_ =	shalt  }
0x76: {  	_ =	shalt  }
0x77: {  	_ =	shalt  }
0x78: {  	_ =	shalt  }
0x79: {  	_ =	shalt  }
0x7a: {  	_ =	shalt  }
0x7b: {  	_ =	shalt  }
0x7c: {  	_ =	shalt  }
0x7d: {  	_ =	shalt  }
0x7e: {  	_ =	shalt  }
0x7f: {  	_ =	shalt  }
0x80: {  	_ =	shalt  }
0x81: {  	_ =	shalt  }
0x82: {  	_ =	shalt  }
0x83: {  	_ =	shalt  }
0x84: {  	_ =	shalt  }
0x85: {  	_ =	shalt  }
0x86: {  	_ =	shalt  }
0x87: {  	_ =	shalt  }
.Lfunc_end0:
.L_simem_size_0:
called_computation.2_lowered:
.L_overlay_start_0:
0x88: {  	s2 =	sld [smem:$0x3FD9]  }
0x89: {  	s3 =	sld [smem:$0x3FFE];
	_ =	sdelay $0x1  }
0x8a: {  	s1 =	srdreg.scid  }
0x8b: {  	s0 =	sand.u32 $0x1, s1  }
0x8c: {  	s14 =	sshll.u32 s0, $0xA;
	s2 =	sadd.s32 s3, s2  }
0x8d: {  	s2 =	sadd.s32 s2, s14  }
0x8e: {  	[smem:$0x3FC2] =	sst s2  }
0x8f: {  	_ = 	snop  }
0x90: {  	s2 =	sld [smem:$0x3FD0];
	_ =	sdelay $0x2  }
0x91: {  	s15 =	simm.s32 $0xA;
	s4 =	simm.s32 $0x10  }
0x92: {  	[smem:s4], [sflag:s15] =	dma.local [hbm:s2], $0x1  }
0x93: {  	_ =	swait.eq [sflag:s15], $0x1  }
0x94: {  	[sflag:s15] =	ssyncset.done $0x0  }
0x95: {  	[sflag:s15] =	ssyncadd.s32 $0xFFFFFFFF  }
0x96: {  	s16 =	sld [smem:$0x10];
	(tm) =	ssettm $0x1  }
0x97: {  	s17 =	sld [smem:$0x3FFB];
	_ =	sdelay $0x3  }
0x98: {  	_ =	strace s17  }
0x99: {  	s3 =	sld [smem:$0x3FFC];
	_ =	sdelay $0x3  }
0x9a: {  	_ =	strace s3  }
0x9b: {  	s3 =	sld [smem:$0x3FFD];
	_ =	sdelay $0x3  }
0x9c: {  	_ =	strace s3  }
0x9d: {  	_ =	strace $0x8FFFFFFF  }
0x9e: {  	s18 =	sld [smem:$0x3FDB];
	_ =	sdelay $0x1  }
0x9f: {  	s19 =	simm.s32 $_scs_section_size  }
0xa0: {  	s5 =	simm.s32 $_size__tile_overlayer_lowered;
	s6 =	simm.s32 $_tile_overlayer_lowered  }
0xa1: {  	s22 =	simm.s32 $0x1BFF;
	s21 =	sshll.u32 s6, $0x1;
	s3 =	sadd.s32 s19, s18  }
0xa2: {  	s7 =	simm.s32 $0x0;
	s20 =	sshll.u32 s5, $0x1;
	s5 =	sadd.s32 s21, s3  }
0xa3: {  	[timem:s7], [sflag:s22] =	dma.local [hbm:s5], s20  }
0xa4: {  	_ =	swait.ge [sflag:s22], s20  }
0xa5: {  	s4 =	ssub.s32 $0x0, s20;
	[sflag:s22] =	ssyncset.done $0x0  }
0xa6: {  	[sflag:s22] =	ssyncadd.s32 s4;
	_ =	sdelay $0x1  }
0xa7: {  	s23 =	simm.s32 $0x1B8B  }
0xa8: {  	_ =	swait.ge [sflag:s23], $0x1  }
0xa9: {  	[sflag:s23] =	ssyncset.done $0x0  }
0xaa: {  	s25 =	simm.s32 $0x1B8E;
	s24 =	sld [smem:$0x3FFE];
	[sflag:s23] =	ssyncadd.s32 $0xFFFFFFFF  }
0xab: {  	s26 =	simm.s32 $execute0_lowered;
	[smem:$0x3FD2] =	sst s25  }
0xac: {  	s5 =	sshll.u32 s26, $0x1;
	_ =	strace $0x8000004C;
	[dreg:$0x1] =	wrdreg $0xFFFFFFFF  }
0xad: {  	s28 =	simm.s32 $_size_execute0_lowered;
	s3 =	sadd.s32 s3, s5;
	[dreg:$0x0] =	wrdreg $0x0  }
0xae: {  	s5 =	sshll.u32 s28, $0x1;
	[dreg:$0x2] =	wrdreg s3  }
0xaf: {  	[dreg:$0x3] =	wrdreg s5  }
0xb0: {  	[dreg:$0x4] =	wrdreg $0xC0  }
0xb1: {  	_ =	task [dreg:s7], $0x5FFFF  }
0xb2: {  	[dreg:$0x1] =	wrdreg $0xFFFFFFFF  }
0xb3: {  	[dreg:$0x0] =	wrdreg $0x60  }
0xb4: {  	[dreg:$0x2] =	wrdreg s16  }
0xb5: {  	[dreg:$0x3] =	wrdreg s24  }
0xb6: {  	[dreg:$0x4] =	wrdreg $0x83000  }
0xb7: {  	[dreg:$0x5] =	wrdreg $0x9  }
0xb8: {  	_ =	task.clear_ibuf [dreg:s7], $0x6FFFF;
	_ =	strace $0x9000004C  }
0xb9: {  	s29 =	simm.s32 $0x9;
	_ =	strace $0x8000004E  }
0xba: {  	_ =	swait.ge [sflag:s29], $0x1  }
0xbb: {  	[sflag:s29] =	ssyncadd.s32 $0xFFFFFFFF  }
0xbc: {  	_ =	strace $0x9000004E  }
0xbd: {  	_ =	sfence  }
0xbe: {  	s30 =	sld [smem:$0x0];
	_ =	sdelay $0x2  }
0xbf: {  	s31 =	sshll.u32 s1, $0xD;
	s1 =	sshrl.u32 s1, $0x2  }
0xc0: {  	s3 =	sand.u32 $0x4000, s31;
	s1 =	sadd.s32 s1, s30  }
0xc1: {  	s0 =	sor.u32 s3, s0;
	s1 =	sshll.u32 s1, $0x11  }
0xc2: {  	s0 =	sor.u32 s1, s0  }
0xc3: {  	s0 =	sadd.s32 $0x8F2B, s0  }
0xc4: {  	[sflag:s0] =	ssyncadd.remote.s32 $0x1  }
0xc5: {  	_ =	sfence.sel $0xFFFF  }
0xc6: {  	[dreg:$0x0] =	wrdreg $0xFFFFFFFF;
	(pc) =	sbr.abs _section_cstart, $3  }
0xc7: {  	[dreg:$0x1] =	wrdreg $0xFFFFFFFF  }
0xc8: {  	_ =	task.clear_ibuf [dreg:s7], $0x2FFFF;
	_ =	strace $0x9FFFFFFF  }
0xc9: {  	(tm) =	ssettm $0x7FFFFFFF  }
tec
execute0_lowered:
.L_overlay_start_1:
0x0: {  	(tag) =	ssettag $0x1  }
0x1: {  	s1 =	rddreg [dreg:$0x0]  }
0x2: {  	s0 =	rddreg [dreg:$0x1]  }
0x3: {  	s2 =	rddreg [dreg:$0x2];
	s4 =	simm.s32 $0x0;
	s11 =	stileid.u32  }
0x4: {  	s3 =	srdreg.scid;
	s28 =	simm.s32 $0x0;
	s5 =	smul.u32 $0x2800, s11  }
0x5: {  	[smem:$0x7FF] =	sst s4;
	s3 =	sand.u32 $0x1, s3;
	s18 =	smul.u32 $0x50000, s11  }
0x6: {  	s8 =	sshll.u32 s11, $0x1;
	p0 =	slt.u32 s11, $0x2;
	s11 =	smul.u32 $0x9C, s11  }
0x7: {  	s6 =	sadd.s32 $0xDA00, s0;
	s17 =	sadd.s32 $0x3C00, s0;
	s7 =	smul.u32 $0x28000, s3  }
0x8: {  	s9 =	ssub.s32 $0x2, s3;
	s8 =	sor.u32 s3, s8;
	s3 =	smul.u32 $0x4E, s3  }
0x9: {  	_ =	strace $0x8000004D;
	s15 =	sshrl.u32 s9, $0x1;
	s10 =	smul.u32 $0x4E, s8  }
0xa: {  	s8 =	smin.u32 s8, $0x4;
	s21 =	sshrl.u32 s18, $0x2;
	s5 =	sadd.s32 s5, s7  }
0xb: {  	s7 =	ssub.s32 s9, s15;
	s3 =	sadd.s32 s3, s11;
	s0 =	sadd.s32 s5, s0  }
0xc: {  	s16 =	sadd.s32 s8, s10;
	s5 =	simm.s32 $0x4F;
	s31 =	smax.u32 s7, $0x1  }
0xd: {  	s9 =	sshll.u32 s16, $0x4;
	s0 =	sadd.s32 $0x17800, s0;
	[dreg:$0xd] =	wrdreg s31  }
0xe: {  	s3 =	sadd.s32 s8, s3;
	s12 =	sadd.s32 s6, s9;
	[dreg:$0xc] =	wrdreg s0  }
0xf: {  	s19 =	sadd.s32 s17, s9;
	s20 =	sadd.s32 $0x10, s9;
	[dreg:$0x4] =	wrdreg s12  }
0x10: {  	s5 =	simm.s32 @!p0 $0x4E;
	[dreg:$0x5] =	wrdreg s19;
	s22 =	sadd.s32 s6, s20  }
0x11: {  	s9 =	sadd.s32 s21, s2;
	s23 =	sadd.s32 s17, s20;
	[dreg:$0x6] =	wrdreg s22  }
0x12: {  	s3 =	sshll.u32 s3, $0x4;
	s24 =	sadd.s32 $0x4000, s9;
	[dreg:$0x7] =	wrdreg s23  }
0x13: {  	s30 =	sadd.s32 $0x20, s3;
	s25 =	sadd.s32 $0x8000, s9;
	[dreg:$0x8] =	wrdreg s24  }
0x14: {  	s26 =	sadd.s32 $0xC000, s9;
	s29 =	sadd.s32 $0x10000, s9;
	[dreg:$0x9] =	wrdreg s25  }
0x15: {  	s21 =	sadd.s32 s30, s6;
	s20 =	simm.s32 $0x80;
	[dreg:$0xa] =	wrdreg s26  }
0x16: {  	[dreg:$0xb] =	wrdreg s29;
	s24 =	sadd.s32 s30, s17;
	s22 =	simm.s32 $0x4300  }
0x17: {  	v0 =	vimm.f32 $0.0e+00;
	s23 =	simm.s32 $0x1;
	s25 =	simm.s32 $0x5;
	s26 =	simm.s32 $0x6  }
.LBB2_1:
0x18: {  	s0 =	rddreg [dreg:$0x4]  }
0x19: {  	s19 =	rddreg [dreg:$0x5]  }
0x1a: {  	[tilespmem:s4], [sflag:$0x1] =	stream.linear.gather [hbm4b:s0+s4], $0x80, $0x38;
	[tilespmem:$0x1C300] =	vst v63  }
0x1b: {  	s3 =	simm.s32 $0x100;
	s29 =	rddreg [dreg:$0x6]  }
0x1c: {  	[tilespmem:s3], [sflag:$0x1] =	stream.linear.gather [hbm4b:s19+s4], $0x80, $0x38;
	[tilespmem:$0x1C300] =	vst v63  }
0x1d: {  	s30 =	rddreg [dreg:$0x7]  }
0x1e: {  	[tilespmem:s20], [sflag:$0x2] =	stream.linear.gather [hbm4b:s29+s4], $0x80, $0x38;
	[tilespmem:$0x1C300] =	vst v63  }
0x1f: {  	s31 =	simm.s32 $0x180;
	s0 =	simm.s32 $0x0;
	s3 =	simm.s32 $0x200  }
0x20: {  	[tilespmem:s31], [sflag:$0x2] =	stream.linear.gather [hbm4b:s30+s4], $0x80, $0x38;
	[tilespmem:$0x1C300] =	vst v63  }
.LBB2_2:
0x21: {  	p0 =	sne.s32 s3, $0xFE00;
	[tilespmem:s0+$0x4370] =	vst v0  }
0x22: {  	[tilespmem:s0+$0x4300] =	vst v0  }
0x23: {  	[tilespmem:s0+$0x4310] =	vst v0  }
.Ltmp0:
0x24: {  	[tilespmem:s0+$0x4320] =	vst v0;
	(pc) =	sbr.rel @p0 .LBB2_2-.Ltmp0, $4  }
0x25: {  	[tilespmem:s0+$0x4330] =	vst v0  }
0x26: {  	[tilespmem:s0+$0x4340] =	vst v0  }
0x27: {  	[tilespmem:s0+$0x4350] =	vst v0  }
0x28: {  	[tilespmem:s0+$0x4360] =	vst v0;
	s0 =	sshra.s32 s3, $0x2;
	s3 =	sadd.s32 $0x200, s3  }
0x29: {  	[tilespmem:s0+$0x4370] =	vst v0  }
0x2a: {  	[tilespmem:s0+$0x4300] =	vst v0  }
0x2b: {  	[tilespmem:s0+$0x4310] =	vst v0  }
0x2c: {  	[tilespmem:s0+$0x4320] =	vst v0  }
0x2d: {  	[tilespmem:s0+$0x4330] =	vst v0  }
0x2e: {  	[tilespmem:s0+$0x4340] =	vst v0  }
0x2f: {  	[tilespmem:s0+$0x4350] =	vst v0  }
0x30: {  	[tilespmem:s0+$0x4360] =	vst v0  }
0x31: {  	[spmem:s9] =	stream.linear.scatter [tilespmem:s22], [sflag:$0x5], $0x4000, $0x38;
	[tilespmem:$0x1C300] =	vst v63  }
0x32: {  	s11 =	rddreg [dreg:$0x8]  }
0x33: {  	[spmem:s11] =	stream.linear.scatter [tilespmem:s22], [sflag:$0x5], $0x4000, $0x38;
	[tilespmem:$0x1C300] =	vst v63  }
0x34: {  	s12 =	rddreg [dreg:$0x9]  }
0x35: {  	[spmem:s12] =	stream.linear.scatter [tilespmem:s22], [sflag:$0x5], $0x4000, $0x38;
	[tilespmem:$0x1C300] =	vst v63  }
0x36: {  	s13 =	rddreg [dreg:$0xa]  }
0x37: {  	[spmem:s13] =	stream.linear.scatter [tilespmem:s22], [sflag:$0x5], $0x4000, $0x38;
	[tilespmem:$0x1C300] =	vst v63  }
0x38: {  	s14 =	rddreg [dreg:$0xb]  }
0x39: {  	[spmem:s14] =	stream.linear.scatter [tilespmem:s22], [sflag:$0x5], $0x4000, $0x38;
	[tilespmem:$0x1C300] =	vst v63  }
0x3a: {  	_ =	swait.ge [sflag:s23], $0x80  }
0x3b: {  	[sflag:s23] =	ssyncset.done $0x0  }
0x3c: {  	[sflag:s23] =	ssyncadd.s32 $0xFFFFFF80  }
0x3d: {  	_ =	swait.ge [sflag:s23], $0x80  }
0x3e: {  	[sflag:s23] =	ssyncset.done $0x0  }
0x3f: {  	s15 =	simm.s32 $0x0;
	s3 =	simm.s32 $0x300;
	[sflag:s23] =	ssyncadd.s32 $0xFFFFFF80  }
0x40: {  	[tilespmem:s3], [sflag:$0x3] =	stream.indirect.gather [hbm4b:s1+s20], $0x80, s15, s20, $0xb8;
	[tilespmem:$0x1C300] =	vst v63  }
0x41: {  	_ =	swait.ge [sflag:s25], $0x4000  }
0x42: {  	[sflag:s25] =	ssyncset.done $0x0  }
0x43: {  	[sflag:s25] =	ssyncadd.s32 $0xFFFFC000  }
0x44: {  	_ =	swait.ge [sflag:s25], $0x4000  }
0x45: {  	[sflag:s25] =	ssyncset.done $0x0  }
0x46: {  	[sflag:s25] =	ssyncadd.s32 $0xFFFFC000  }
0x47: {  	_ =	swait.ge [sflag:s25], $0x4000  }
0x48: {  	[sflag:s25] =	ssyncset.done $0x0  }
0x49: {  	[sflag:s25] =	ssyncadd.s32 $0xFFFFC000  }
0x4a: {  	_ =	swait.ge [sflag:s25], $0x4000  }
0x4b: {  	[sflag:s25] =	ssyncset.done $0x0  }
0x4c: {  	[sflag:s25] =	ssyncadd.s32 $0xFFFFC000  }
0x4d: {  	_ =	swait.ge [sflag:s25], $0x4000  }
0x4e: {  	p1 =	por $0x1, $0x1;
	s29 =	simm.s32 $0x1;
	[sflag:s25] =	ssyncset.done $0x0  }
0x4f: {  	p0 =	sle.u32 s5, $0x1;
	s30 =	simm.s32 $0x200;
	[sflag:s25] =	ssyncadd.s32 $0xFFFFC000  }
0x50: {  	s17 =	simm.s32 $0x2;
	s3 =	simm.s32 @!p1 $0x5;
	[bflag:$0x0] =	sbarrier.arrive $0xFFFF  }
0x51: {  	s31 =	simm.s32 $0x180;
	s6 =	sand.u32 @!p0 $0x1, s29;
	_ =	swait.ge @!p1 [sflag:s3], $0x4000  }
0x52: {  	s8 =	sand.u32 $0x1, s15;
	s0 =	smulhi.u32 $0xAAAAAAAB, s15;
	[sflag:s3] =	ssyncset.done @!p1 $0x0  }
0x53: {  	s17 =	smulhi.u32 $0xAAAAAAAB, s17;
	[sflag:s3] =	ssyncadd.s32 @!p1 $0xFFFFC000;
	s3 =	sadd.s32 @!p0 $0x1, s6  }
0x54: {  	s16 =	sshll.u32 s8, $0xE;
	s0 =	sshrl.u32 s0, $0x1;
	_ =	swait.ge @!p0 [sflag:s3], $0x80  }
0x55: {  	s19 =	sshrl.u32 s17, $0x1;
	s0 =	smul.u32 $0xFFFFFA00, s0;
	[sflag:s3] =	ssyncset.done @!p0 $0x0  }
0x56: {  	s17 =	smul.u32 $0xFFFFFA00, s19;
	s6 =	sxor.u32 @!p0 $0x1, s8;
	[sflag:s3] =	ssyncadd.s32 @!p0 $0xFFFFFF80  }
0x57: {  	s0 =	sshra.s32 s0, $0x2;
	s7 =	sshll.u32 @!p0 s6, $0xE;
	_ =	swait.ge @!p0 [sflag:s3], $0x80  }
0x58: {  	s18 =	sshll.u32 @!p0 s6, $0x7;
	s6 =	sadd.s32 @!p0 $0x3, s6;
	[sflag:s3] =	ssyncset.done @!p0 $0x0  }
0x59: {  	s7 =	sor.u32 @!p0 $0x300, s7;
	[sflag:s3] =	ssyncadd.s32 @!p0 $0xFFFFFF80;
	s3 =	simm.s32 @!p0 $0x80  }
0x5a: {  	[tilespmem:s7], [sflag:s6] =	stream.indirect.gather @!p0 [hbm4b:s1+s3], $0x80, s18, s3, $0xb8;
	[tilespmem:$0x1C300] =	vst v63  }
0x5b: {  	s19 =	sadd.s32 $0x10, s24;
	s0 =	sadd.s32 $0x100, s0;
	s18 =	sadd.s32 $0x3, s8  }
0x5c: {  	p1 =	sne.s32 s5, $0x1;
	p0 =	sle.u32 s5, $0x2;
	_ =	swait.ge [sflag:s18], $0x4000  }
0x5d: {  	s3 =	sor.u32 $0x300, s16;
	s6 =	sshra.s32 s17, $0x2;
	[sflag:s18] =	ssyncset.done $0x0  }
.Ltmp1:
0x5e: {  	s17 =	smov.u32 s21;
	[sflag:s18] =	ssyncadd.s32 $0xFFFFC000;
	(pc) =	sbr.rel @!p1 .LBB2_5-.Ltmp1, $4  }
0x5f: {  	[spmem:s2] =	stream.indirect.scatter.add.f32 [tilespmem:s3], [sflag:$0x5], $0x80, s0, s20, $0xb8;
	[tilespmem:$0x1C300] =	vst v63  }
0x60: {  	s7 =	sadd.s32 @!p0 $0x1, s8;
	s0 =	sshll.u32 @!p0 s8, $0x7;
	s8 =	simm.s32 @!p0 $0x0  }
0x61: {  	[tilespmem:s0], [sflag:s7] =	stream.linear.gather @!p0 [hbm4b:s21+s8], $0x80, $0x38;
	[tilespmem:$0x1C300] =	vst v63  }
0x62: {  	s18 =	smov.u32 s24;
	s3 =	simm.s32 $0x3;
	s0 =	simm.s32 $0x280  }
.LBB2_4:
0x63: {  	s10 =	sadd.s32 s6, s30;
	s17 =	sadd.s32 $0x10, s17;
	s11 =	smov.u32 s29  }
0x64: {  	s29 =	sadd.s32 $0x1, s29;
	s6 =	smov.u32 s31;
	s30 =	smov.u32 s0  }
0x65: {  	[tilespmem:s10], [sflag:s7] =	stream.linear.gather @!p0 [hbm4b:s18+s8], $0x80, $0x38;
	[tilespmem:$0x1C300] =	vst v63  }
0x66: {  	s7 =	sadd.s32 $0x1, s29;
	p1 =	sne.s32 s29, s5;
	s8 =	smov.u32 s3  }
0x67: {  	p0 =	seq.s32 s11, $0x0;
	s18 =	smov.u32 s19  }
0x68: {  	s31 =	sadd.s32 $0x80, s31;
	s10 =	simm.s32 @!p0 $0x5  }
0x69: {  	s12 =	sand.u32 $0x1, s11;
	p2 =	sge.u32 s29, s5;
	_ =	swait.ge @!p0 [sflag:s10], $0x4000  }
0x6a: {  	s13 =	sand.u32 @!p2 $0x1, s29;
	s14 =	sxor.u32 @!p2 $0x1, s12;
	[sflag:s10] =	ssyncset.done @!p0 $0x0  }
0x6b: {  	[sflag:s10] =	ssyncadd.s32 @!p0 $0xFFFFC000;
	s10 =	sadd.s32 @!p2 $0x1, s13;
	s13 =	sshll.u32 @!p2 s14, $0xE  }
0x6c: {  	s15 =	sshll.u32 @!p2 s14, $0x7;
	_ =	swait.ge @!p2 [sflag:s10], $0x80;
	s13 =	sor.u32 @!p2 $0x300, s13  }
0x6d: {  	s16 =	sshll.u32 s12, $0xE;
	s14 =	sadd.s32 @!p2 $0x3, s14;
	[sflag:s10] =	ssyncset.done @!p2 $0x0  }
0x6e: {  	s0 =	sadd.s32 $0x80, s0;
	s3 =	sadd.s32 $0x1, s3;
	[sflag:s10] =	ssyncadd.s32 @!p2 $0xFFFFFF80  }
0x6f: {  	s11 =	smulhi.u32 $0xAAAAAAAB, s11;
	p0 =	sge.u32 s7, s5;
	_ =	swait.ge @!p2 [sflag:s10], $0x80  }
0x70: {  	s7 =	smulhi.u32 $0xAAAAAAAB, s8;
	s8 =	sadd.s32 $0x3, s12;
	[sflag:s10] =	ssyncset.done @!p2 $0x0  }
0x71: {  	s11 =	sshrl.u32 s11, $0x1;
	[sflag:s10] =	ssyncadd.s32 @!p2 $0xFFFFFF80;
	s10 =	simm.s32 @!p2 $0x80  }
0x72: {  	[tilespmem:s13], [sflag:s14] =	stream.indirect.gather @!p2 [hbm4b:s1+s10], $0x80, s15, s10, $0xb8;
	[tilespmem:$0x1C300] =	vst v63  }
0x73: {  	s7 =	sshrl.u32 s7, $0x1;
	s10 =	smul.u32 $0xFFFFFA00, s11;
	_ =	swait.ge [sflag:s8], $0x4000  }
0x74: {  	s11 =	smul.u32 $0xFFFFFA00, s7;
	s13 =	sor.u32 $0x300, s16;
	[sflag:s8] =	ssyncset.done $0x0  }
.Ltmp2:
0x75: {  	s7 =	sshra.s32 s10, $0x2;
	[sflag:s8] =	ssyncadd.s32 $0xFFFFC000;
	(pc) =	sbr.rel @p1 .LBB2_4-.Ltmp2, $4  }
0x76: {  	s10 =	sshll.u32 @!p0 s12, $0x7;
	s6 =	sadd.s32 s7, s6;
	s7 =	sadd.s32 @!p0 $0x1, s12  }
0x77: {  	[spmem:s2] =	stream.indirect.scatter.add.f32 [tilespmem:s13], [sflag:$0x5], $0x80, s6, s20, $0xb8;
	[tilespmem:$0x1C300] =	vst v63  }
0x78: {  	s19 =	sadd.s32 $0x10, s19;
	s8 =	simm.s32 @!p0 $0x0;
	s6 =	sshra.s32 s11, $0x2  }
0x79: {  	[tilespmem:s10], [sflag:s7] =	stream.linear.gather @!p0 [hbm4b:s17+s8], $0x80, $0x38;
	[tilespmem:$0x1C300] =	vst v63  }
.LBB2_5:
0x7a: {  	s0 =	sadd.s32 s6, s30  }
0x7b: {  	[tilespmem:s0], [sflag:s7] =	stream.linear.gather @!p0 [hbm4b:s18+s8], $0x80, $0x38;
	[tilespmem:$0x1C300] =	vst v63  }
0x7c: {  	_ =	swait.ge [sflag:s25], $0x4000  }
0x7d: {  	[sflag:s25] =	ssyncset.done $0x0  }
0x7e: {  	s29 =	stileid.u32;
	[sflag:s25] =	ssyncadd.s32 $0xFFFFC000  }
0x7f: {  	s0 =	sshll.u32 s29, $0x6;
	[bflag:$0x0] =	sbarrier.arrive $0xFFFF  }
0x80: {  	s3 =	sshrl.u32 s9, $0x3;
	s0 =	sor.u32 $0x1C06, s0;
	s30 =	rddreg [dreg:$0xc]  }
0x81: {  	[hbm:s30], [sflag:s0] =	dma.local [spmem:s3], $0x2800  }
0x82: {  	_ =	swait.ge [sflag:s26], $0x2800  }
0x83: {  	s28 =	sadd.s32 $0x1, s28;
	s31 =	rddreg [dreg:$0xd]  }
0x84: {  	p0 =	sne.s32 s28, s31  }
.Ltmp3:
0x85: {  	_ = 	snop;
	(pc) =	sbr.rel @p0 .LBB2_1-.Ltmp3, $3  }
0x86: {  	_ =	sdelay $0x1  }
0x87: {  	[sflag:s26] =	ssyncset.done $0x0  }
0x88: {  	[sflag:s26] =	ssyncadd.s32 $0xFFFFD800  }
0x89: {  	_ =	sfence.sel $0x180000  }
0x8a: {  	[bflag:$0x0] =	sbarrier.arrive $0xFFFF  }
0x8b: {  	_ =	strace $0x9000004D  }
0x8c: {  	s0 =	stileid.u32;
	[bflag:$0x2] =	sbarrier.arrive $0xFFFF  }
0x8d: {  	p0 =	sne.s32 s0, $0x0;
	s0 =	rddreg [dreg:$0x3]  }
0x8e: {  	s0 =	sadd.s32 @!p0 $0x100000, s0  }
0x8f: {  	[sflag:s0] =	ssyncadd.tile.s32 @!p0 $0x1;
	_ =	shalt  }
.Lfunc_end2:
_tile_overlayer_lowered:
.L_overlay_start_2:
0x90: {  	(tag) =	ssettag $0x2  }
0x91: {  	s0 =	rddreg [dreg:$0x0];
	s2 =	stileid.u32  }
0x92: {  	s1 =	rddreg [dreg:$0x1];
	p0 =	sne.s32 s2, $0x0  }
0x93: {  	s3 =	rddreg [dreg:$0x2];
	[bflag:$0x3] =	sbarrier.arrive $0xFFFF;
	s2 =	simm.s32 @!p0 $0x1C06  }
0x94: {  	[timem:s3], [sflag:s2] =	dma.local @!p0 [hbm:s0], s1  }
0x95: {  	s0 =	simm.s32 @!p0 $0x6  }
0x96: {  	_ =	swait.ge @!p0 [sflag:s0], s1  }
0x97: {  	s1 =	ssub.s32 @!p0 $0x0, s1;
	[sflag:s0] =	ssyncset.done @!p0 $0x0  }
0x98: {  	[sflag:s0] =	ssyncadd.s32 @!p0 s1  }
0x99: {  	[bflag:$0x3] =	sbarrier.arrive $0xFFFF  }
0x9a: {  	_ =	shalt  }

// kernel: kernel.20.cloned.1.call-start
scs
__scs_entry_jumppad:
0x0: {  	(pc) =	sbr.rel $0x88, $3  }
0x1: {  	(tag) =	ssettag $0x0;
	lr =	simm.s32 $0x1  }
0x2: {  	[smem:$0x3F9B] =	sst lr;
	_ =	strace $0xD0000000  }
0x3: {  	_ = 	snop  }
0x4: {  	_ = 	snop  }
0x5: {  	_ = 	snop  }
0x6: {  	_ = 	snop  }
0x7: {  	_ = 	snop  }
__scs_overlays_trampoline_lowered:
0x8: {  	[smem:$0x3FAA] =	sst s0  }
0x9: {  	[smem:$0x3FAB] =	sst s1  }
0xa: {  	[smem:$0x3FAC] =	sst s2  }
0xb: {  	[smem:$0x3FAD] =	sst s3  }
0xc: {  	[smem:$0x3FAE] =	sst s4  }
0xd: {  	[smem:$0x3FAF] =	sst s5  }
0xe: {  	[smem:$0x3FB0] =	sst s6  }
0xf: {  	[smem:$0x3FB1] =	sst s7  }
0x10: {  	[smem:$0x3FB2] =	sst s8  }
0x11: {  	[smem:$0x3FB3] =	sst s9;
	s0 =	simm.s32 @!p0 $0x0  }
0x12: {  	s1 =	sld [smem:$0x3F99];
	s0 =	simm.s32 @p0 $0x1  }
0x13: {  	[smem:$0x3FB4] =	sst s0;
	s0 =	simm.s32 @!p1 $0x0  }
0x14: {  	s2 =	sld [smem:$0x3F98];
	s0 =	simm.s32 @p1 $0x1  }
0x15: {  	[smem:$0x3FB5] =	sst s0;
	s0 =	simm.s32 @!p2 $0x0  }
0x16: {  	s3 =	sld [smem:$0x3FDB];
	s0 =	simm.s32 @p2 $0x1  }
0x17: {  	s4 =	simm.s32 $0x1BF5;
	[smem:$0x3FB7] =	sst s0  }
0x18: {  	s0 =	sld [smem:$0x3F9A];
	_ =	swait.ge [sflag:s4], $0x0  }
0x19: {  	s7 =	sld [smem:$0x3F9B]  }
0x1a: {  	s8 =	sadd.s32 $0xFFFFE003, lr  }
0x1b: {  	s9 =	sadd.s32 $0xFFFFFEF7, lr;
	s5 =	simm.s32 $0xFFFFFFFF;
	p2 =	slt.u32 s8, $0xFFFFF086  }
0x1c: {  	p1 =	slt.u32 s9, $0xF7A;
	s5 =	simm.s32 @!p2 $0x0  }
0x1d: {  	s5 =	simm.s32 @p1 $0x1;
	p0 =	seq.s32 s7, s2  }
0x1e: {  	s7 =	smul.u32 @!p0 $0xF7A, s2;
	p2 =	seq.s32 @!p0 s5, $0x0  }
0x1f: {  	s9 =	smul.u32 $0xF7A, s1;
	s8 =	simm.s32 @!p0 $0x1BF5;
	p2 =	por !p2, p0  }
0x20: {  	[sflag:s8] =	ssyncset.s32 @!p0 $0xFFFFF086;
	s6 =	sadd.s32 @!p0 s3, s7;
	s7 =	simm.s32 @!p0 $0x108  }
0x21: {  	s3 =	sadd.s32 s3, s9;
	s6 =	sadd.s32 @!p0 $0x88, s6;
	s7 =	simm.s32 @p2 $0x1082  }
0x22: {  	[simem:s7], [sflag:s8] =	dma.local @!p0 [hbm:s6], $0xF7A  }
0x23: {  	s9 =	sor.u32 $0xD0000000, s2;
	s6 =	simm.s32 $0x108;
	_ =	swait.ge @!p0 [sflag:s8], $0x0  }
0x24: {  	s3 =	sadd.s32 $0x88, s3;
	s6 =	simm.s32 @!p1 $0x1082;
	[sflag:s4] =	ssyncset.s32 $0xFFFFF086  }
0x25: {  	[simem:s6], [sflag:s4] =	dma.local [hbm:s3], $0xF7A  }
0x26: {  	[smem:$0x3F9B] =	sst s1;
	(tag) =	ssettag s2;
	_ =	strace s9  }
0x27: {  	s1 =	sld [smem:$0x3FAB]  }
0x28: {  	s2 =	sld [smem:$0x3FAC]  }
0x29: {  	s4 =	sld [smem:$0x3FAE]  }
0x2a: {  	p0 =	seq.s32 s5, $0x0;
	s5 =	sld [smem:$0x3FAF]  }
0x2b: {  	s6 =	sld [smem:$0x3FB0]  }
0x2c: {  	s7 =	sld [smem:$0x3FB1]  }
0x2d: {  	s3 =	simm.s32 $0x108;
	s8 =	sld [smem:$0x3FB2]  }
0x2e: {  	s3 =	simm.s32 @!p0 $0x1082;
	s9 =	sld [smem:$0x3FB3]  }
0x2f: {  	lr =	sadd.s32 s0, s3;
	s0 =	sld [smem:$0x3FAA]  }
0x30: {  	s3 =	sld [smem:$0x3FAD]  }
0x31: {  	[smem:$0x3FB6] =	sst s10  }
0x32: {  	s10 =	sld [smem:$0x3FB4];
	_ =	sdelay $0x3  }
0x33: {  	p0 =	seq.s32 s10, $0x1;
	s10 =	sld [smem:$0x3FB6];
	_ =	sdelay $0x3  }
0x34: {  	[smem:$0x3FB6] =	sst s10  }
0x35: {  	s10 =	sld [smem:$0x3FB5];
	_ =	sdelay $0x3  }
0x36: {  	p1 =	seq.s32 s10, $0x1;
	s10 =	sld [smem:$0x3FB6];
	_ =	sdelay $0x3  }
0x37: {  	[smem:$0x3FB6] =	sst s10  }
0x38: {  	s10 =	sld [smem:$0x3FB7]  }
0x39: {  	_ = 	snop;
	(pc) =	sbr.ind lr, $3  }
0x3a: {  	_ = 	snop  }
0x3b: {  	_ = 	snop  }
0x3c: {  	p2 =	seq.s32 s10, $0x1;
	s10 =	sld [smem:$0x3FB6]  }
0x3d: {  	_ =	shalt  }
0x3e: {  	_ =	shalt  }
0x3f: {  	_ =	shalt  }
0x40: {  	_ =	shalt  }
0x41: {  	_ =	shalt  }
0x42: {  	_ =	shalt  }
0x43: {  	_ =	shalt  }
0x44: {  	_ =	shalt  }
0x45: {  	_ =	shalt  }
0x46: {  	_ =	shalt  }
0x47: {  	_ =	shalt  }
0x48: {  	_ =	shalt  }
0x49: {  	_ =	shalt  }
0x4a: {  	_ =	shalt  }
0x4b: {  	_ =	shalt  }
0x4c: {  	_ =	shalt  }
0x4d: {  	_ =	shalt  }
0x4e: {  	_ =	shalt  }
0x4f: {  	_ =	shalt  }
0x50: {  	_ =	shalt  }
0x51: {  	_ =	shalt  }
0x52: {  	_ =	shalt  }
0x53: {  	_ =	shalt  }
0x54: {  	_ =	shalt  }
0x55: {  	_ =	shalt  }
0x56: {  	_ =	shalt  }
0x57: {  	_ =	shalt  }
0x58: {  	_ =	shalt  }
0x59: {  	_ =	shalt  }
0x5a: {  	_ =	shalt  }
0x5b: {  	_ =	shalt  }
0x5c: {  	_ =	shalt  }
0x5d: {  	_ =	shalt  }
0x5e: {  	_ =	shalt  }
0x5f: {  	_ =	shalt  }
0x60: {  	_ =	shalt  }
0x61: {  	_ =	shalt  }
0x62: {  	_ =	shalt  }
0x63: {  	_ =	shalt  }
0x64: {  	_ =	shalt  }
0x65: {  	_ =	shalt  }
0x66: {  	_ =	shalt  }
0x67: {  	_ =	shalt  }
0x68: {  	_ =	shalt  }
0x69: {  	_ =	shalt  }
0x6a: {  	_ =	shalt  }
0x6b: {  	_ =	shalt  }
0x6c: {  	_ =	shalt  }
0x6d: {  	_ =	shalt  }
0x6e: {  	_ =	shalt  }
0x6f: {  	_ =	shalt  }
0x70: {  	_ =	shalt  }
0x71: {  	_ =	shalt  }
0x72: {  	_ =	shalt  }
0x73: {  	_ =	shalt  }
0x74: {  	_ =	shalt  }
0x75: {  	_ =	shalt  }
0x76: {  	_ =	shalt  }
0x77: {  	_ =	shalt  }
0x78: {  	_ =	shalt  }
0x79: {  	_ =	shalt  }
0x7a: {  	_ =	shalt  }
0x7b: {  	_ =	shalt  }
0x7c: {  	_ =	shalt  }
0x7d: {  	_ =	shalt  }
0x7e: {  	_ =	shalt  }
0x7f: {  	_ =	shalt  }
0x80: {  	_ =	shalt  }
0x81: {  	_ =	shalt  }
0x82: {  	_ =	shalt  }
0x83: {  	_ =	shalt  }
0x84: {  	_ =	shalt  }
0x85: {  	_ =	shalt  }
0x86: {  	_ =	shalt  }
0x87: {  	_ =	shalt  }
.Lfunc_end0:
.L_simem_size_0:
called_computation.3_lowered:
.L_overlay_start_0:
0x88: {  	s2 =	sld [smem:$0x3FD9]  }
0x89: {  	s3 =	sld [smem:$0x3FFE];
	_ =	sdelay $0x1  }
0x8a: {  	s1 =	srdreg.scid  }
0x8b: {  	s0 =	sand.u32 $0x1, s1  }
0x8c: {  	s14 =	sshll.u32 s0, $0xA;
	s2 =	sadd.s32 s3, s2  }
0x8d: {  	s2 =	sadd.s32 s2, s14  }
0x8e: {  	[smem:$0x3FC2] =	sst s2  }
0x8f: {  	_ = 	snop  }
0x90: {  	s2 =	sld [smem:$0x3FD0];
	_ =	sdelay $0x2  }
0x91: {  	s15 =	simm.s32 $0xA;
	s4 =	simm.s32 $0x10  }
0x92: {  	[smem:s4], [sflag:s15] =	dma.local [hbm:s2], $0x1  }
0x93: {  	_ =	swait.eq [sflag:s15], $0x1  }
0x94: {  	[sflag:s15] =	ssyncset.done $0x0  }
0x95: {  	[sflag:s15] =	ssyncadd.s32 $0xFFFFFFFF  }
0x96: {  	s16 =	sld [smem:$0x11];
	(tm) =	ssettm $0x1  }
0x97: {  	s17 =	sld [smem:$0x3FFB];
	_ =	sdelay $0x3  }
0x98: {  	_ =	strace s17  }
0x99: {  	s3 =	sld [smem:$0x3FFC];
	_ =	sdelay $0x3  }
0x9a: {  	_ =	strace s3  }
0x9b: {  	s3 =	sld [smem:$0x3FFD];
	_ =	sdelay $0x3  }
0x9c: {  	_ =	strace s3  }
0x9d: {  	_ =	strace $0x8FFFFFFF  }
0x9e: {  	s18 =	sld [smem:$0x3FDB];
	_ =	sdelay $0x1  }
0x9f: {  	s19 =	simm.s32 $_scs_section_size  }
0xa0: {  	s5 =	simm.s32 $_size__tile_overlayer_lowered;
	s6 =	simm.s32 $_tile_overlayer_lowered  }
0xa1: {  	s22 =	simm.s32 $0x1BFF;
	s21 =	sshll.u32 s6, $0x1;
	s3 =	sadd.s32 s19, s18  }
0xa2: {  	s7 =	simm.s32 $0x0;
	s20 =	sshll.u32 s5, $0x1;
	s5 =	sadd.s32 s21, s3  }
0xa3: {  	[timem:s7], [sflag:s22] =	dma.local [hbm:s5], s20  }
0xa4: {  	_ =	swait.ge [sflag:s22], s20  }
0xa5: {  	s4 =	ssub.s32 $0x0, s20;
	[sflag:s22] =	ssyncset.done $0x0  }
0xa6: {  	[sflag:s22] =	ssyncadd.s32 s4;
	_ =	sdelay $0x1  }
0xa7: {  	s23 =	simm.s32 $0x1B8B  }
0xa8: {  	_ =	swait.ge [sflag:s23], $0x1  }
0xa9: {  	[sflag:s23] =	ssyncset.done $0x0  }
0xaa: {  	s25 =	simm.s32 $0x1B8E;
	s24 =	sld [smem:$0x3FFE];
	[sflag:s23] =	ssyncadd.s32 $0xFFFFFFFF  }
0xab: {  	s26 =	simm.s32 $execute0_lowered;
	[smem:$0x3FD2] =	sst s25  }
0xac: {  	s5 =	sshll.u32 s26, $0x1;
	_ =	strace $0x8000004F;
	[dreg:$0x1] =	wrdreg $0xFFFFFFFF  }
0xad: {  	s28 =	simm.s32 $_size_execute0_lowered;
	s3 =	sadd.s32 s3, s5;
	[dreg:$0x0] =	wrdreg $0x0  }
0xae: {  	s5 =	sshll.u32 s28, $0x1;
	[dreg:$0x2] =	wrdreg s3  }
0xaf: {  	[dreg:$0x3] =	wrdreg s5  }
0xb0: {  	[dreg:$0x4] =	wrdreg $0xC0  }
0xb1: {  	_ =	task [dreg:s7], $0x5FFFF  }
0xb2: {  	[dreg:$0x1] =	wrdreg $0xFFFFFFFF  }
0xb3: {  	[dreg:$0x0] =	wrdreg $0x60  }
0xb4: {  	[dreg:$0x2] =	wrdreg s16  }
0xb5: {  	[dreg:$0x3] =	wrdreg s24  }
0xb6: {  	[dreg:$0x4] =	wrdreg $0x83000  }
0xb7: {  	[dreg:$0x5] =	wrdreg $0x9  }
0xb8: {  	_ =	task.clear_ibuf [dreg:s7], $0x6FFFF;
	_ =	strace $0x9000004F  }
0xb9: {  	s29 =	simm.s32 $0x9;
	_ =	strace $0x80000051  }
0xba: {  	_ =	swait.ge [sflag:s29], $0x1  }
0xbb: {  	[sflag:s29] =	ssyncadd.s32 $0xFFFFFFFF  }
0xbc: {  	_ =	strace $0x90000051  }
0xbd: {  	_ =	sfence  }
0xbe: {  	s30 =	sld [smem:$0x0];
	_ =	sdelay $0x2  }
0xbf: {  	s31 =	sshll.u32 s1, $0xD;
	s1 =	sshrl.u32 s1, $0x2  }
0xc0: {  	s3 =	sand.u32 $0x4000, s31;
	s1 =	sadd.s32 s1, s30  }
0xc1: {  	s0 =	sor.u32 s3, s0;
	s1 =	sshll.u32 s1, $0x11  }
0xc2: {  	s0 =	sor.u32 s1, s0  }
0xc3: {  	s0 =	sadd.s32 $0x8F2B, s0  }
0xc4: {  	[sflag:s0] =	ssyncadd.remote.s32 $0x1  }
0xc5: {  	_ =	sfence.sel $0xFFFF  }
0xc6: {  	[dreg:$0x0] =	wrdreg $0xFFFFFFFF;
	(pc) =	sbr.abs _section_cstart, $3  }
0xc7: {  	[dreg:$0x1] =	wrdreg $0xFFFFFFFF  }
0xc8: {  	_ =	task.clear_ibuf [dreg:s7], $0x2FFFF;
	_ =	strace $0x9FFFFFFF  }
0xc9: {  	(tm) =	ssettm $0x7FFFFFFF  }
tec
execute0_lowered:
.L_overlay_start_1:
0x0: {  	(tag) =	ssettag $0x1  }
0x1: {  	s1 =	rddreg [dreg:$0x0]  }
0x2: {  	s0 =	rddreg [dreg:$0x1]  }
0x3: {  	s2 =	rddreg [dreg:$0x2];
	s4 =	simm.s32 $0x0;
	s11 =	stileid.u32  }
0x4: {  	s3 =	srdreg.scid;
	s28 =	simm.s32 $0x0;
	s5 =	smul.u32 $0x2800, s11  }
0x5: {  	[smem:$0x7FF] =	sst s4;
	s3 =	sand.u32 $0x1, s3;
	s18 =	smul.u32 $0x50000, s11  }
0x6: {  	s8 =	sshll.u32 s11, $0x1;
	p0 =	slt.u32 s11, $0x2;
	s11 =	smul.u32 $0x9C, s11  }
0x7: {  	s6 =	sadd.s32 $0x3C00, s0;
	s17 =	sadd.s32 $0xDA00, s0;
	s7 =	smul.u32 $0x28000, s3  }
0x8: {  	s9 =	ssub.s32 $0x2, s3;
	s8 =	sor.u32 s3, s8;
	s3 =	smul.u32 $0x4E, s3  }
0x9: {  	_ =	strace $0x80000050;
	s15 =	sshrl.u32 s9, $0x1;
	s10 =	smul.u32 $0x4E, s8  }
0xa: {  	s8 =	smin.u32 s8, $0x4;
	s21 =	sshrl.u32 s18, $0x2;
	s5 =	sadd.s32 s5, s7  }
0xb: {  	s7 =	ssub.s32 s9, s15;
	s3 =	sadd.s32 s3, s11;
	s0 =	sadd.s32 s5, s0  }
0xc: {  	s16 =	sadd.s32 s8, s10;
	s5 =	simm.s32 $0x4F;
	s31 =	smax.u32 s7, $0x1  }
0xd: {  	s9 =	sshll.u32 s16, $0x4;
	s0 =	sadd.s32 $0x17800, s0;
	[dreg:$0xd] =	wrdreg s31  }
0xe: {  	s3 =	sadd.s32 s8, s3;
	s12 =	sadd.s32 s6, s9;
	[dreg:$0xc] =	wrdreg s0  }
0xf: {  	s19 =	sadd.s32 s17, s9;
	s20 =	sadd.s32 $0x10, s9;
	[dreg:$0x4] =	wrdreg s12  }
0x10: {  	s5 =	simm.s32 @!p0 $0x4E;
	[dreg:$0x5] =	wrdreg s19;
	s22 =	sadd.s32 s6, s20  }
0x11: {  	s9 =	sadd.s32 s21, s2;
	s23 =	sadd.s32 s17, s20;
	[dreg:$0x6] =	wrdreg s22  }
0x12: {  	s3 =	sshll.u32 s3, $0x4;
	s24 =	sadd.s32 $0x4000, s9;
	[dreg:$0x7] =	wrdreg s23  }
0x13: {  	s30 =	sadd.s32 $0x20, s3;
	s25 =	sadd.s32 $0x8000, s9;
	[dreg:$0x8] =	wrdreg s24  }
0x14: {  	s26 =	sadd.s32 $0xC000, s9;
	s29 =	sadd.s32 $0x10000, s9;
	[dreg:$0x9] =	wrdreg s25  }
0x15: {  	s21 =	sadd.s32 s30, s6;
	s20 =	simm.s32 $0x80;
	[dreg:$0xa] =	wrdreg s26  }
0x16: {  	[dreg:$0xb] =	wrdreg s29;
	s24 =	sadd.s32 s30, s17;
	s22 =	simm.s32 $0x4300  }
0x17: {  	v0 =	vimm.f32 $0.0e+00;
	s23 =	simm.s32 $0x1;
	s25 =	simm.s32 $0x5;
	s26 =	simm.s32 $0x6  }
.LBB2_1:
0x18: {  	s0 =	rddreg [dreg:$0x4]  }
0x19: {  	s19 =	rddreg [dreg:$0x5]  }
0x1a: {  	[tilespmem:s4], [sflag:$0x1] =	stream.linear.gather [hbm4b:s0+s4], $0x80, $0x38;
	[tilespmem:$0x1C300] =	vst v63  }
0x1b: {  	s3 =	simm.s32 $0x100;
	s29 =	rddreg [dreg:$0x6]  }
0x1c: {  	[tilespmem:s3], [sflag:$0x1] =	stream.linear.gather [hbm4b:s19+s4], $0x80, $0x38;
	[tilespmem:$0x1C300] =	vst v63  }
0x1d: {  	s30 =	rddreg [dreg:$0x7]  }
0x1e: {  	[tilespmem:s20], [sflag:$0x2] =	stream.linear.gather [hbm4b:s29+s4], $0x80, $0x38;
	[tilespmem:$0x1C300] =	vst v63  }
0x1f: {  	s31 =	simm.s32 $0x180;
	s0 =	simm.s32 $0x0;
	s3 =	simm.s32 $0x200  }
0x20: {  	[tilespmem:s31], [sflag:$0x2] =	stream.linear.gather [hbm4b:s30+s4], $0x80, $0x38;
	[tilespmem:$0x1C300] =	vst v63  }
.LBB2_2:
0x21: {  	p0 =	sne.s32 s3, $0xFE00;
	[tilespmem:s0+$0x4370] =	vst v0  }
0x22: {  	[tilespmem:s0+$0x4300] =	vst v0  }
0x23: {  	[tilespmem:s0+$0x4310] =	vst v0  }
.Ltmp0:
0x24: {  	[tilespmem:s0+$0x4320] =	vst v0;
	(pc) =	sbr.rel @p0 .LBB2_2-.Ltmp0, $4  }
0x25: {  	[tilespmem:s0+$0x4330] =	vst v0  }
0x26: {  	[tilespmem:s0+$0x4340] =	vst v0  }
0x27: {  	[tilespmem:s0+$0x4350] =	vst v0  }
0x28: {  	[tilespmem:s0+$0x4360] =	vst v0;
	s0 =	sshra.s32 s3, $0x2;
	s3 =	sadd.s32 $0x200, s3  }
0x29: {  	[tilespmem:s0+$0x4370] =	vst v0  }
0x2a: {  	[tilespmem:s0+$0x4300] =	vst v0  }
0x2b: {  	[tilespmem:s0+$0x4310] =	vst v0  }
0x2c: {  	[tilespmem:s0+$0x4320] =	vst v0  }
0x2d: {  	[tilespmem:s0+$0x4330] =	vst v0  }
0x2e: {  	[tilespmem:s0+$0x4340] =	vst v0  }
0x2f: {  	[tilespmem:s0+$0x4350] =	vst v0  }
0x30: {  	[tilespmem:s0+$0x4360] =	vst v0  }
0x31: {  	[spmem:s9] =	stream.linear.scatter [tilespmem:s22], [sflag:$0x5], $0x4000, $0x38;
	[tilespmem:$0x1C300] =	vst v63  }
0x32: {  	s11 =	rddreg [dreg:$0x8]  }
0x33: {  	[spmem:s11] =	stream.linear.scatter [tilespmem:s22], [sflag:$0x5], $0x4000, $0x38;
	[tilespmem:$0x1C300] =	vst v63  }
0x34: {  	s12 =	rddreg [dreg:$0x9]  }
0x35: {  	[spmem:s12] =	stream.linear.scatter [tilespmem:s22], [sflag:$0x5], $0x4000, $0x38;
	[tilespmem:$0x1C300] =	vst v63  }
0x36: {  	s13 =	rddreg [dreg:$0xa]  }
0x37: {  	[spmem:s13] =	stream.linear.scatter [tilespmem:s22], [sflag:$0x5], $0x4000, $0x38;
	[tilespmem:$0x1C300] =	vst v63  }
0x38: {  	s14 =	rddreg [dreg:$0xb]  }
0x39: {  	[spmem:s14] =	stream.linear.scatter [tilespmem:s22], [sflag:$0x5], $0x4000, $0x38;
	[tilespmem:$0x1C300] =	vst v63  }
0x3a: {  	_ =	swait.ge [sflag:s23], $0x80  }
0x3b: {  	[sflag:s23] =	ssyncset.done $0x0  }
0x3c: {  	[sflag:s23] =	ssyncadd.s32 $0xFFFFFF80  }
0x3d: {  	_ =	swait.ge [sflag:s23], $0x80  }
0x3e: {  	[sflag:s23] =	ssyncset.done $0x0  }
0x3f: {  	s15 =	simm.s32 $0x0;
	s3 =	simm.s32 $0x300;
	[sflag:s23] =	ssyncadd.s32 $0xFFFFFF80  }
0x40: {  	[tilespmem:s3], [sflag:$0x3] =	stream.indirect.gather [hbm4b:s1+s20], $0x80, s15, s20, $0xb8;
	[tilespmem:$0x1C300] =	vst v63  }
0x41: {  	_ =	swait.ge [sflag:s25], $0x4000  }
0x42: {  	[sflag:s25] =	ssyncset.done $0x0  }
0x43: {  	[sflag:s25] =	ssyncadd.s32 $0xFFFFC000  }
0x44: {  	_ =	swait.ge [sflag:s25], $0x4000  }
0x45: {  	[sflag:s25] =	ssyncset.done $0x0  }
0x46: {  	[sflag:s25] =	ssyncadd.s32 $0xFFFFC000  }
0x47: {  	_ =	swait.ge [sflag:s25], $0x4000  }
0x48: {  	[sflag:s25] =	ssyncset.done $0x0  }
0x49: {  	[sflag:s25] =	ssyncadd.s32 $0xFFFFC000  }
0x4a: {  	_ =	swait.ge [sflag:s25], $0x4000  }
0x4b: {  	[sflag:s25] =	ssyncset.done $0x0  }
0x4c: {  	[sflag:s25] =	ssyncadd.s32 $0xFFFFC000  }
0x4d: {  	_ =	swait.ge [sflag:s25], $0x4000  }
0x4e: {  	p1 =	por $0x1, $0x1;
	s29 =	simm.s32 $0x1;
	[sflag:s25] =	ssyncset.done $0x0  }
0x4f: {  	p0 =	sle.u32 s5, $0x1;
	s30 =	simm.s32 $0x200;
	[sflag:s25] =	ssyncadd.s32 $0xFFFFC000  }
0x50: {  	s17 =	simm.s32 $0x2;
	s3 =	simm.s32 @!p1 $0x5;
	[bflag:$0x0] =	sbarrier.arrive $0xFFFF  }
0x51: {  	s31 =	simm.s32 $0x180;
	s6 =	sand.u32 @!p0 $0x1, s29;
	_ =	swait.ge @!p1 [sflag:s3], $0x4000  }
0x52: {  	s8 =	sand.u32 $0x1, s15;
	s0 =	smulhi.u32 $0xAAAAAAAB, s15;
	[sflag:s3] =	ssyncset.done @!p1 $0x0  }
0x53: {  	s17 =	smulhi.u32 $0xAAAAAAAB, s17;
	[sflag:s3] =	ssyncadd.s32 @!p1 $0xFFFFC000;
	s3 =	sadd.s32 @!p0 $0x1, s6  }
0x54: {  	s16 =	sshll.u32 s8, $0xE;
	s0 =	sshrl.u32 s0, $0x1;
	_ =	swait.ge @!p0 [sflag:s3], $0x80  }
0x55: {  	s19 =	sshrl.u32 s17, $0x1;
	s0 =	smul.u32 $0xFFFFFA00, s0;
	[sflag:s3] =	ssyncset.done @!p0 $0x0  }
0x56: {  	s17 =	smul.u32 $0xFFFFFA00, s19;
	s6 =	sxor.u32 @!p0 $0x1, s8;
	[sflag:s3] =	ssyncadd.s32 @!p0 $0xFFFFFF80  }
0x57: {  	s0 =	sshra.s32 s0, $0x2;
	s7 =	sshll.u32 @!p0 s6, $0xE;
	_ =	swait.ge @!p0 [sflag:s3], $0x80  }
0x58: {  	s18 =	sshll.u32 @!p0 s6, $0x7;
	s6 =	sadd.s32 @!p0 $0x3, s6;
	[sflag:s3] =	ssyncset.done @!p0 $0x0  }
0x59: {  	s7 =	sor.u32 @!p0 $0x300, s7;
	[sflag:s3] =	ssyncadd.s32 @!p0 $0xFFFFFF80;
	s3 =	simm.s32 @!p0 $0x80  }
0x5a: {  	[tilespmem:s7], [sflag:s6] =	stream.indirect.gather @!p0 [hbm4b:s1+s3], $0x80, s18, s3, $0xb8;
	[tilespmem:$0x1C300] =	vst v63  }
0x5b: {  	s19 =	sadd.s32 $0x10, s24;
	s0 =	sadd.s32 $0x100, s0;
	s18 =	sadd.s32 $0x3, s8  }
0x5c: {  	p1 =	sne.s32 s5, $0x1;
	p0 =	sle.u32 s5, $0x2;
	_ =	swait.ge [sflag:s18], $0x4000  }
0x5d: {  	s3 =	sor.u32 $0x300, s16;
	s6 =	sshra.s32 s17, $0x2;
	[sflag:s18] =	ssyncset.done $0x0  }
.Ltmp1:
0x5e: {  	s17 =	smov.u32 s21;
	[sflag:s18] =	ssyncadd.s32 $0xFFFFC000;
	(pc) =	sbr.rel @!p1 .LBB2_5-.Ltmp1, $4  }
0x5f: {  	[spmem:s2] =	stream.indirect.scatter.add.f32 [tilespmem:s3], [sflag:$0x5], $0x80, s0, s20, $0xb8;
	[tilespmem:$0x1C300] =	vst v63  }
0x60: {  	s7 =	sadd.s32 @!p0 $0x1, s8;
	s0 =	sshll.u32 @!p0 s8, $0x7;
	s8 =	simm.s32 @!p0 $0x0  }
0x61: {  	[tilespmem:s0], [sflag:s7] =	stream.linear.gather @!p0 [hbm4b:s21+s8], $0x80, $0x38;
	[tilespmem:$0x1C300] =	vst v63  }
0x62: {  	s18 =	smov.u32 s24;
	s3 =	simm.s32 $0x3;
	s0 =	simm.s32 $0x280  }
.LBB2_4:
0x63: {  	s10 =	sadd.s32 s6, s30;
	s17 =	sadd.s32 $0x10, s17;
	s11 =	smov.u32 s29  }
0x64: {  	s29 =	sadd.s32 $0x1, s29;
	s6 =	smov.u32 s31;
	s30 =	smov.u32 s0  }
0x65: {  	[tilespmem:s10], [sflag:s7] =	stream.linear.gather @!p0 [hbm4b:s18+s8], $0x80, $0x38;
	[tilespmem:$0x1C300] =	vst v63  }
0x66: {  	s7 =	sadd.s32 $0x1, s29;
	p1 =	sne.s32 s29, s5;
	s8 =	smov.u32 s3  }
0x67: {  	p0 =	seq.s32 s11, $0x0;
	s18 =	smov.u32 s19  }
0x68: {  	s31 =	sadd.s32 $0x80, s31;
	s10 =	simm.s32 @!p0 $0x5  }
0x69: {  	s12 =	sand.u32 $0x1, s11;
	p2 =	sge.u32 s29, s5;
	_ =	swait.ge @!p0 [sflag:s10], $0x4000  }
0x6a: {  	s13 =	sand.u32 @!p2 $0x1, s29;
	s14 =	sxor.u32 @!p2 $0x1, s12;
	[sflag:s10] =	ssyncset.done @!p0 $0x0  }
0x6b: {  	[sflag:s10] =	ssyncadd.s32 @!p0 $0xFFFFC000;
	s10 =	sadd.s32 @!p2 $0x1, s13;
	s13 =	sshll.u32 @!p2 s14, $0xE  }
0x6c: {  	s15 =	sshll.u32 @!p2 s14, $0x7;
	_ =	swait.ge @!p2 [sflag:s10], $0x80;
	s13 =	sor.u32 @!p2 $0x300, s13  }
0x6d: {  	s16 =	sshll.u32 s12, $0xE;
	s14 =	sadd.s32 @!p2 $0x3, s14;
	[sflag:s10] =	ssyncset.done @!p2 $0x0  }
0x6e: {  	s0 =	sadd.s32 $0x80, s0;
	s3 =	sadd.s32 $0x1, s3;
	[sflag:s10] =	ssyncadd.s32 @!p2 $0xFFFFFF80  }
0x6f: {  	s11 =	smulhi.u32 $0xAAAAAAAB, s11;
	p0 =	sge.u32 s7, s5;
	_ =	swait.ge @!p2 [sflag:s10], $0x80  }
0x70: {  	s7 =	smulhi.u32 $0xAAAAAAAB, s8;
	s8 =	sadd.s32 $0x3, s12;
	[sflag:s10] =	ssyncset.done @!p2 $0x0  }
0x71: {  	s11 =	sshrl.u32 s11, $0x1;
	[sflag:s10] =	ssyncadd.s32 @!p2 $0xFFFFFF80;
	s10 =	simm.s32 @!p2 $0x80  }
0x72: {  	[tilespmem:s13], [sflag:s14] =	stream.indirect.gather @!p2 [hbm4b:s1+s10], $0x80, s15, s10, $0xb8;
	[tilespmem:$0x1C300] =	vst v63  }
0x73: {  	s7 =	sshrl.u32 s7, $0x1;
	s10 =	smul.u32 $0xFFFFFA00, s11;
	_ =	swait.ge [sflag:s8], $0x4000  }
0x74: {  	s11 =	smul.u32 $0xFFFFFA00, s7;
	s13 =	sor.u32 $0x300, s16;
	[sflag:s8] =	ssyncset.done $0x0  }
.Ltmp2:
0x75: {  	s7 =	sshra.s32 s10, $0x2;
	[sflag:s8] =	ssyncadd.s32 $0xFFFFC000;
	(pc) =	sbr.rel @p1 .LBB2_4-.Ltmp2, $4  }
0x76: {  	s10 =	sshll.u32 @!p0 s12, $0x7;
	s6 =	sadd.s32 s7, s6;
	s7 =	sadd.s32 @!p0 $0x1, s12  }
0x77: {  	[spmem:s2] =	stream.indirect.scatter.add.f32 [tilespmem:s13], [sflag:$0x5], $0x80, s6, s20, $0xb8;
	[tilespmem:$0x1C300] =	vst v63  }
0x78: {  	s19 =	sadd.s32 $0x10, s19;
	s8 =	simm.s32 @!p0 $0x0;
	s6 =	sshra.s32 s11, $0x2  }
0x79: {  	[tilespmem:s10], [sflag:s7] =	stream.linear.gather @!p0 [hbm4b:s17+s8], $0x80, $0x38;
	[tilespmem:$0x1C300] =	vst v63  }
.LBB2_5:
0x7a: {  	s0 =	sadd.s32 s6, s30  }
0x7b: {  	[tilespmem:s0], [sflag:s7] =	stream.linear.gather @!p0 [hbm4b:s18+s8], $0x80, $0x38;
	[tilespmem:$0x1C300] =	vst v63  }
0x7c: {  	_ =	swait.ge [sflag:s25], $0x4000  }
0x7d: {  	[sflag:s25] =	ssyncset.done $0x0  }
0x7e: {  	s29 =	stileid.u32;
	[sflag:s25] =	ssyncadd.s32 $0xFFFFC000  }
0x7f: {  	s0 =	sshll.u32 s29, $0x6;
	[bflag:$0x0] =	sbarrier.arrive $0xFFFF  }
0x80: {  	s3 =	sshrl.u32 s9, $0x3;
	s0 =	sor.u32 $0x1C06, s0;
	s30 =	rddreg [dreg:$0xc]  }
0x81: {  	[hbm:s30], [sflag:s0] =	dma.local [spmem:s3], $0x2800  }
0x82: {  	_ =	swait.ge [sflag:s26], $0x2800  }
0x83: {  	s28 =	sadd.s32 $0x1, s28;
	s31 =	rddreg [dreg:$0xd]  }
0x84: {  	p0 =	sne.s32 s28, s31  }
.Ltmp3:
0x85: {  	_ = 	snop;
	(pc) =	sbr.rel @p0 .LBB2_1-.Ltmp3, $3  }
0x86: {  	_ =	sdelay $0x1  }
0x87: {  	[sflag:s26] =	ssyncset.done $0x0  }
0x88: {  	[sflag:s26] =	ssyncadd.s32 $0xFFFFD800  }
0x89: {  	_ =	sfence.sel $0x180000  }
0x8a: {  	[bflag:$0x0] =	sbarrier.arrive $0xFFFF  }
0x8b: {  	_ =	strace $0x90000050  }
0x8c: {  	s0 =	stileid.u32;
	[bflag:$0x2] =	sbarrier.arrive $0xFFFF  }
0x8d: {  	p0 =	sne.s32 s0, $0x0;
	s0 =	rddreg [dreg:$0x3]  }
0x8e: {  	s0 =	sadd.s32 @!p0 $0x100000, s0  }
0x8f: {  	[sflag:s0] =	ssyncadd.tile.s32 @!p0 $0x1;
	_ =	shalt  }
.Lfunc_end2:
_tile_overlayer_lowered:
.L_overlay_start_2:
0x90: {  	(tag) =	ssettag $0x2  }
0x91: {  	s0 =	rddreg [dreg:$0x0];
	s2 =	stileid.u32  }
0x92: {  	s1 =	rddreg [dreg:$0x1];
	p0 =	sne.s32 s2, $0x0  }
0x93: {  	s3 =	rddreg [dreg:$0x2];
	[bflag:$0x3] =	sbarrier.arrive $0xFFFF;
	s2 =	simm.s32 @!p0 $0x1C06  }
0x94: {  	[timem:s3], [sflag:s2] =	dma.local @!p0 [hbm:s0], s1  }
0x95: {  	s0 =	simm.s32 @!p0 $0x6  }
0x96: {  	_ =	swait.ge @!p0 [sflag:s0], s1  }
0x97: {  	s1 =	ssub.s32 @!p0 $0x0, s1;
	[sflag:s0] =	ssyncset.done @!p0 $0x0  }
0x98: {  	[sflag:s0] =	ssyncadd.s32 @!p0 s1  }
0x99: {  	[bflag:$0x3] =	sbarrier.arrive $0xFFFF  }
0x9a: {  	_ =	shalt  }

</sc_bundles>
